<compile_context>
chip_gen: v7x
topology: tpu7x:2x2x1
jax: 0.10.2.dev20260603
libtpu: 0.0.44.dev20260713+nightly
codegen_flags: <defaults>
</compile_context>

<pallas_src>
import jax
import jax.numpy as jnp
from jax import lax
from jax.experimental import pallas as pl
from jax.experimental.pallas import tpu as pltpu
from jax.experimental.pallas import tpu_sc as plsc

N = 100000
E = 6400000
H = 32
HH = H // 2

NC = 2
NS = 16

NPAD = 100352
ZROWS = NPAD // NS

EROWS = E // 128
EROWSP = 50176
TROWS = EROWSP // NS
IDXB = 16
BLOCKS = TROWS // IDXB
CR = 4
CPB = IDXB // CR

CROWS = EROWSP // NC
CTROWS = CROWS // NS
CBLOCKS = CTROWS // IDXB

BLK = 3584


def _sc_segsum_body(y2_hbm, src2_hbm, dst_hbm, z_hbm, agg_hbm,
                    s0_v, d0_v, s1_v, d1_v, rows0_v, rows1_v,
                    acc_sh, sem0, sem1, sem2, sem3):
    cid = lax.axis_index("c")
    sid = lax.axis_index("s")

    pltpu.sync_copy(z_hbm, acc_sh.at[pl.ds(sid * ZROWS, ZROWS)])
    plsc.subcore_barrier()

    src_base = (cid * EROWSP + sid * TROWS) * 128
    dst_base = sid * TROWS * 128
    BE = IDXB * 128
    CE = CR * 128

    bufs = (rows0_v, rows1_v)
    gsems = (sem0, sem1)
    ssems = (sem2, sem3)

    def fire(sv, c, p):
        return pltpu.async_copy(y2_hbm.at[sv.at[pl.ds(c * CE, CE)]],
                                bufs[p], gsems[p])

    def scat(dv, c, p):
        return pltpu.async_copy(bufs[p],
                                acc_sh.at[dv.at[pl.ds(c * CE, CE)]],
                                ssems[p], add=True)

    pltpu.sync_copy(src2_hbm.at[pl.ds(src_base, BE)], s0_v)
    pltpu.sync_copy(dst_hbm.at[pl.ds(dst_base, BE)], d0_v)

    def pair(i, carry):
        row_b = (2 * i + 1) * BE
        row_n = lax.min((2 * i + 2) * BE, (TROWS - IDXB) * 128)
        g = fire(s0_v, 0, 0)
        pltpu.sync_copy(src2_hbm.at[pl.ds(src_base + row_b, BE)], s1_v)
        pltpu.sync_copy(dst_hbm.at[pl.ds(dst_base + row_b, BE)], d1_v)
        sc = [None, None]
        for c in range(CPB):
            q = (c + 1) % 2
            if sc[q] is not None:
                sc[q].wait()
                sc[q] = None
            nxt = (fire(s0_v, c + 1, q) if c + 1 < CPB
                   else fire(s1_v, 0, q))
            g.wait()
            sc[c % 2] = scat(d0_v, c, c % 2)
            g = nxt
        sc[1].wait()
        sc[1] = None
        pltpu.sync_copy(src2_hbm.at[pl.ds(src_base + row_n, BE)], s0_v)
        pltpu.sync_copy(dst_hbm.at[pl.ds(dst_base + row_n, BE)], d0_v)
        for c in range(CPB):
            q = (c + 1) % 2
            if sc[q] is not None:
                sc[q].wait()
                sc[q] = None
            nxt = fire(s1_v, c + 1, q) if c + 1 < CPB else None
            g.wait()
            sc[c % 2] = scat(d1_v, c, c % 2)
            g = nxt
        sc[1].wait()
        return carry

    lax.fori_loop(0, BLOCKS // 2, pair, 0)
    plsc.subcore_barrier()

    pltpu.sync_copy(acc_sh.at[pl.ds(sid * ZROWS, ZROWS)],
                    agg_hbm.at[pl.ds(cid * NPAD + sid * ZROWS, ZROWS)])


def _sc_count_body(dst_hbm, ones_hbm, z_hbm, cnt_hbm,
                   dst_v, ones_v, acc_sh):
    cid = lax.axis_index("c")
    sid = lax.axis_index("s")

    pltpu.sync_copy(ones_hbm, ones_v)
    pltpu.sync_copy(z_hbm, acc_sh.at[pl.ds(sid * ZROWS, ZROWS)])
    plsc.subcore_barrier()

    base = cid * CROWS + sid * CTROWS

    def block(b, carry):
        pltpu.sync_copy(dst_hbm.at[pl.ds(base + b * IDXB, IDXB)], dst_v)
        for j in range(IDXB):
            pltpu.sync_copy(ones_v, acc_sh.at[dst_v.at[j]], add=True)
        return carry

    lax.fori_loop(0, CBLOCKS, block, 0)
    plsc.subcore_barrier()

    pltpu.sync_copy(acc_sh.at[pl.ds(sid * ZROWS, ZROWS)],
                    cnt_hbm.at[pl.ds(cid * NPAD + sid * ZROWS, ZROWS)])


def _sc_segsum(y2, src2, dst2d, zeros16, mesh):
    return pl.kernel(
        _sc_segsum_body,
        out_type=jax.ShapeDtypeStruct((NC * NPAD, HH), jnp.float32),
        mesh=mesh,
        compiler_params=pltpu.CompilerParams(use_tc_tiling_on_sc=False),
        scratch_types=[
            pltpu.VMEM((IDXB * 128,), jnp.int32),
            pltpu.VMEM((IDXB * 128,), jnp.int32),
            pltpu.VMEM((IDXB * 128,), jnp.int32),
            pltpu.VMEM((IDXB * 128,), jnp.int32),
            pltpu.VMEM((CR * 128, HH), jnp.float32),
            pltpu.VMEM((CR * 128, HH), jnp.float32),
            pltpu.VMEM_SHARED((NPAD, HH), jnp.float32),
            pltpu.SemaphoreType.DMA,
            pltpu.SemaphoreType.DMA,
            pltpu.SemaphoreType.DMA,
            pltpu.SemaphoreType.DMA,
        ],
    )(y2, src2, dst2d, zeros16)


def _sc_count(dst2d, ones8, zeros8, mesh):
    return pl.kernel(
        _sc_count_body,
        out_type=jax.ShapeDtypeStruct((NC * NPAD, 8), jnp.float32),
        mesh=mesh,
        compiler_params=pltpu.CompilerParams(use_tc_tiling_on_sc=False),
        scratch_types=[
            pltpu.VMEM((IDXB, 128), jnp.int32),
            pltpu.VMEM((128, 8), jnp.float32),
            pltpu.VMEM_SHARED((NPAD, 8), jnp.float32),
        ],
    )(dst2d, ones8, zeros8)


def _tc_pre_body(x_ref, y2_ref):
    y2_ref[0] = x_ref[:, :HH]
    y2_ref[1] = x_ref[:, HH:]


def _tc_mid_body(agg0_ref, agg1_ref, h_ref, cnt0_ref, cnt1_ref, bl_ref,
                 wrt_ref, wlt_ref, hout_ref, y2_ref):
    cnt = cnt0_ref[:, 0:1] + cnt1_ref[:, 0:1]
    recip = 1.0 / jnp.maximum(cnt, 1.0)
    mean = jnp.concatenate([agg0_ref[...], agg1_ref[...]], axis=1) * recip
    hn = (jnp.dot(mean, wlt_ref[...], preferred_element_type=jnp.float32)
          + bl_ref[...] +
          jnp.dot(h_ref[...], wrt_ref[...], preferred_element_type=jnp.float32))
    hn = jnp.maximum(hn, 0.0)
    hout_ref[...] = hn
    y2_ref[0] = hn[:, :HH]
    y2_ref[1] = hn[:, HH:]


def _tc_final_body(agg0_ref, agg1_ref, h_ref, cnt0_ref, cnt1_ref, bl_ref,
                   wrt_ref, wlt_ref, wp1t_ref, bp1_ref, wp2t_ref, bp2_ref,
                   out_ref):
    cnt = cnt0_ref[:, 0:1] + cnt1_ref[:, 0:1]
    recip = 1.0 / jnp.maximum(cnt, 1.0)
    mean = jnp.concatenate([agg0_ref[...], agg1_ref[...]], axis=1) * recip
    hn = (jnp.dot(mean, wlt_ref[...], preferred_element_type=jnp.float32)
          + bl_ref[...] +
          jnp.dot(h_ref[...], wrt_ref[...], preferred_element_type=jnp.float32))
    z = jnp.maximum(
        jnp.dot(hn, wp1t_ref[...], preferred_element_type=jnp.float32)
        + bp1_ref[...], 0.0)
    out_ref[...] = (jnp.dot(z, wp2t_ref[...], preferred_element_type=jnp.float32)
                    + bp2_ref[...])


def _row_spec(width):
    return pl.BlockSpec((BLK, width), lambda i: (i, 0))


def _full_spec(shape):
    return pl.BlockSpec(shape, lambda i: (0,) * len(shape))


def _y2_spec():
    return pl.BlockSpec((2, BLK, HH), lambda i: (0, i, 0))


def _tc_pre(x):
    return pl.pallas_call(
        _tc_pre_body,
        grid=(NPAD // BLK,),
        in_specs=[_row_spec(H)],
        out_specs=_y2_spec(),
        out_shape=jax.ShapeDtypeStruct((2, NPAD, HH), jnp.float32),
    )(x)


def _tc_mid(agg0, agg1, h, cnt0, cnt1, bl, wrt, wlt):
    return pl.pallas_call(
        _tc_mid_body,
        grid=(NPAD // BLK,),
        in_specs=[_row_spec(HH), _row_spec(HH), _row_spec(H),
                  _row_spec(8), _row_spec(8),
                  _full_spec((1, H)), _full_spec((H, H)),
                  _full_spec((H, H))],
        out_specs=(_row_spec(H), _y2_spec()),
        out_shape=(jax.ShapeDtypeStruct((NPAD, H), jnp.float32),
                   jax.ShapeDtypeStruct((2, NPAD, HH), jnp.float32)),
    )(agg0, agg1, h, cnt0, cnt1, bl, wrt, wlt)


def _tc_final(agg0, agg1, h, cnt0, cnt1, bl, wrt, wlt, wp1t, bp1, wp2t, bp2):
    return pl.pallas_call(
        _tc_final_body,
        grid=(NPAD // BLK,),
        in_specs=[_row_spec(HH), _row_spec(HH), _row_spec(H),
                  _row_spec(8), _row_spec(8),
                  _full_spec((1, H)), _full_spec((H, H)),
                  _full_spec((H, H)), _full_spec((H, H)),
                  _full_spec((1, H)), _full_spec((H, 1)), _full_spec((1, 1))],
        out_specs=_row_spec(1),
        out_shape=jax.ShapeDtypeStruct((NPAD, 1), jnp.float32),
    )(agg0, agg1, h, cnt0, cnt1, bl, wrt, wlt, wp1t, bp1, wp2t, bp2)


def kernel(x, edge_index, batch, params):
    del batch
    mesh = plsc.VectorSubcoreMesh(core_axis_name="c", subcore_axis_name="s",
                                  num_cores=NC, num_subcores=NS)

    pad_rows = EROWSP - EROWS
    src2d = jnp.pad(edge_index[0].reshape(EROWS, 128), ((0, pad_rows), (0, 0)))
    dst2d = jnp.pad(edge_index[1].reshape(EROWS, 128), ((0, pad_rows), (0, 0)),
                    constant_values=N)
    src2 = jnp.concatenate([src2d, src2d + NPAD], axis=0).reshape(-1)
    dst_flat = dst2d.reshape(-1)
    xp = jnp.pad(x, ((0, NPAD - N), (0, H - x.shape[1])))
    zeros16 = jnp.zeros((ZROWS, HH), jnp.float32)
    zeros8 = jnp.zeros((ZROWS, 8), jnp.float32)
    ones8 = jnp.ones((128, 8), jnp.float32)

    cnt = _sc_count(dst2d, ones8, zeros8, mesh)
    cnt0 = cnt[:NPAD]
    cnt1 = cnt[NPAD:]

    L = 5
    h = xp
    h2 = _tc_pre(xp)
    out = None
    for i in range(L):
        agg = _sc_segsum(h2.reshape(NC * NPAD, HH), src2, dst_flat,
                         zeros16, mesh)
        agg0 = agg[:NPAD]
        agg1 = agg[NPAD:]
        bl = params[f"bl{i}"].reshape(1, H)
        wlt = params[f"Wl{i}"].T
        wrt = params[f"Wr{i}"].T
        if i == 0:
            wlt = jnp.pad(wlt, ((0, H - wlt.shape[0]), (0, 0)))
            wrt = jnp.pad(wrt, ((0, H - wrt.shape[0]), (0, 0)))
        if i < L - 1:
            h, h2 = _tc_mid(agg0, agg1, h, cnt0, cnt1, bl, wrt, wlt)
        else:
            out = _tc_final(agg0, agg1, h, cnt0, cnt1, bl, wrt, wlt,
                            params["Wp1"].T, params["bp1"].reshape(1, H),
                            params["Wp2"].T, params["bp2"].reshape(1, 1))
    return out[:N]

# --- scband reference (transcript-rebuilt; emitter-appended) ---
"""Pipeline reference for scband-tmp-gnn-10368051052681 (READ-ONLY COPY).

The authoritative reference and input builder live on the scoring server;
editing this copy changes nothing except your own understanding.
"""

import jax, jax.numpy as jnp
import numpy as np

N = 100000
E = 6400000
D_IN = 5
H = 32
L = 5


def _init_params(key):
    params = {}
    dims_in = [D_IN] + [H] * (L - 1)
    k = key
    for i in range(L):
        k, k1, k2, k3 = jax.random.split(k, 4)
        params[f"Wl{i}"] = jax.random.normal(k1, (H, dims_in[i]), dtype=jnp.float32) * (1.0 / np.sqrt(dims_in[i]))
        params[f"bl{i}"] = jnp.zeros((H,), dtype=jnp.float32)
        params[f"Wr{i}"] = jax.random.normal(k2, (H, dims_in[i]), dtype=jnp.float32) * (1.0 / np.sqrt(dims_in[i]))
    k, k1, k2 = jax.random.split(k, 3)
    params["Wp1"] = jax.random.normal(k1, (H, H), dtype=jnp.float32) * (1.0 / np.sqrt(H))
    params["bp1"] = jnp.zeros((H,), dtype=jnp.float32)
    params["Wp2"] = jax.random.normal(k2, (1, H), dtype=jnp.float32) * (1.0 / np.sqrt(H))
    params["bp2"] = jnp.zeros((1,), dtype=jnp.float32)
    return params


def setup_inputs(seed: int = 0) -> dict:
    key = jax.random.key(seed)
    kx, ke, kb, kp = jax.random.split(key, 4)
    x = jax.random.normal(kx, (N, D_IN), dtype=jnp.float32)
    edge_index = jax.random.randint(ke, (2, E), 0, N, dtype=jnp.int32)
    batch = jnp.sort(jax.random.randint(kb, (N,), 0, 64, dtype=jnp.int32))
    params = _init_params(kp)
    return {"x": x, "edge_index": edge_index, "batch": batch, "params": params}


def _sage_layer(h, src, dst, Wl, bl, Wr):
    # PyG SAGEConv (default): mean aggregation of neighbor messages,
    # out = lin_l(mean_j x_j) + lin_r(x_i); lin_l has bias, lin_r does not.
    msg = h[src]
    agg = jax.ops.segment_sum(msg, dst, num_segments=N)
    cnt = jax.ops.segment_sum(jnp.ones((src.shape[0],), jnp.float32), dst, num_segments=N)
    mean = agg / jnp.maximum(cnt, 1.0)[:, None]
    return mean @ Wl.T + bl + h @ Wr.T


def _forward(x, edge_index, params):
    src = edge_index[0]
    dst = edge_index[1]
    h = x
    for i in range(L):
        h = _sage_layer(h, src, dst, params[f"Wl{i}"], params[f"bl{i}"], params[f"Wr{i}"])
        if i < L - 1:
            h = jax.nn.relu(h)
    # predictor: Linear(32,32) -> ReLU -> Linear(32,1)
    h = h @ params["Wp1"].T + params["bp1"]
    h = jax.nn.relu(h)
    h = h @ params["Wp2"].T + params["bp2"]
    return h


def reference(x, edge_index, batch, params):
    # batch is accepted by PyG BasicGNN.forward but unused for node-level output
    return _forward(x, edge_index, params)

if __name__ == "__main__":
    import jax
    _d = setup_inputs()
    print(jax.jit(kernel)(*tuple(_d.values())))

</pallas_src>

<mosaic_0001>
#map = affine_map<(d0, d1) -> (0, 0)>
#map1 = affine_map<(d0, d1) -> (0)>
module attributes {stable_mosaic.version = 14 : i64} {
  func.func @_sc_segsum_body(%arg0: i32, %arg1: i32, %arg2: memref<200704x16xf32, #tpu.memory_space<hbm>>, %arg3: memref<12845056xi32, #tpu.memory_space<hbm>>, %arg4: memref<6422528xi32, #tpu.memory_space<hbm>>, %arg5: memref<6272x16xf32, #tpu.memory_space<hbm>>, %arg6: memref<200704x16xf32, #tpu.memory_space<hbm>>, %arg7: memref<2048xi32, #tpu.memory_space<vmem>>, %arg8: memref<2048xi32, #tpu.memory_space<vmem>>, %arg9: memref<2048xi32, #tpu.memory_space<vmem>>, %arg10: memref<2048xi32, #tpu.memory_space<vmem>>, %arg11: memref<512x16xf32, #tpu.memory_space<vmem>>, %arg12: memref<512x16xf32, #tpu.memory_space<vmem>>, %arg13: memref<100352x16xf32, #tpu.memory_space<vmem_shared>>, %arg14: memref<!tpu.dma_semaphore, #tpu.memory_space<semaphore_mem>>, %arg15: memref<!tpu.dma_semaphore, #tpu.memory_space<semaphore_mem>>, %arg16: memref<!tpu.dma_semaphore, #tpu.memory_space<semaphore_mem>>, %arg17: memref<!tpu.dma_semaphore, #tpu.memory_space<semaphore_mem>>) attributes {dimension_semantics = [#tpu.dimension_semantics<core_parallel>, #tpu.dimension_semantics<subcore_parallel>], iteration_bounds = array<i64: 2, 16>, scalar_prefetch = 0 : i64, scratch_operands = 11 : i64, tpu.core_type = #tpu.core_type<sc_vector_subcore>, window_params = [{transform_indices = #map}, {transform_indices = #map1}, {transform_indices = #map1}, {transform_indices = #map}, {transform_indices = #map}]} {
    %mul3A = arith.constant 6272 : i32
    %mul3A_0 = arith.muli %arg1, %mul3A : i32
    "tpu.region"() ({
      %run_scoped3A = tpu.sem_alloc : memref<!tpu.dma_semaphore, #tpu.memory_space<semaphore_mem>>
      %dma_start3A = arith.constant 0 : i32
      %dma_start3A_24 = tpu.memref_slice %arg13[%mul3A_0, %dma_start3A] : memref<100352x16xf32, #tpu.memory_space<vmem_shared>> -> memref<6272x16xf32, #tpu.memory_space<vmem_shared>>
      tpu.enqueue_dma source(%arg5 : memref<6272x16xf32, #tpu.memory_space<hbm>>) target(%dma_start3A_24 : memref<6272x16xf32, #tpu.memory_space<vmem_shared>>) target_semaphore(%run_scoped3A : memref<!tpu.dma_semaphore, #tpu.memory_space<semaphore_mem>>)
      %dma_wait3A = arith.constant 0 : i32
      %dma_wait3A_25 = tpu.memref_slice %arg13[%mul3A_0, %dma_wait3A] : memref<100352x16xf32, #tpu.memory_space<vmem_shared>> -> memref<6272x16xf32, #tpu.memory_space<vmem_shared>>
      tpu.wait_dma2 semaphore(%run_scoped3A : memref<!tpu.dma_semaphore, #tpu.memory_space<semaphore_mem>>) src(%arg5 : memref<6272x16xf32, #tpu.memory_space<hbm>>) dst(%dma_wait3A_25 : memref<6272x16xf32, #tpu.memory_space<vmem_shared>>)
      tpu.yield
    }) : () -> ()
    %barrier3A = arith.constant 0 : index
    tpu.barrier barrier_id(%barrier3A)
    %mul3A_1 = arith.constant 50176 : i32
    %mul3A_2 = arith.muli %arg0, %mul3A_1 : i32
    %mul3A_3 = arith.constant 3136 : i32
    %mul3A_4 = arith.muli %arg1, %mul3A_3 : i32
    %add3A = arith.addi %mul3A_2, %mul3A_4 : i32
    %mul3A_5 = arith.constant 128 : i32
    %mul3A_6 = arith.muli %add3A, %mul3A_5 : i32
    %mul3A_7 = arith.constant 3136 : i32
    %mul3A_8 = arith.muli %arg1, %mul3A_7 : i32
    %mul3A_9 = arith.constant 128 : i32
    %mul3A_10 = arith.muli %mul3A_8, %mul3A_9 : i32
    "tpu.region"() ({
      %run_scoped3A = tpu.sem_alloc : memref<!tpu.dma_semaphore, #tpu.memory_space<semaphore_mem>>
      %dma_start3A = tpu.memref_slice %arg3[%mul3A_6] : memref<12845056xi32, #tpu.memory_space<hbm>> -> memref<2048xi32, #tpu.memory_space<hbm>>
      %dma_start3A_24 = tpu.memref_slice %arg3[%mul3A_6] : memref<12845056xi32, #tpu.memory_space<hbm>> -> memref<2048xi32, #tpu.memory_space<hbm>>
      tpu.enqueue_dma source(%dma_start3A_24 : memref<2048xi32, #tpu.memory_space<hbm>>) target(%arg7 : memref<2048xi32, #tpu.memory_space<vmem>>) target_semaphore(%run_scoped3A : memref<!tpu.dma_semaphore, #tpu.memory_space<semaphore_mem>>)
      %dma_wait3A = tpu.memref_slice %arg3[%mul3A_6] : memref<12845056xi32, #tpu.memory_space<hbm>> -> memref<2048xi32, #tpu.memory_space<hbm>>
      %dma_wait3A_25 = tpu.memref_slice %arg3[%mul3A_6] : memref<12845056xi32, #tpu.memory_space<hbm>> -> memref<2048xi32, #tpu.memory_space<hbm>>
      tpu.wait_dma2 semaphore(%run_scoped3A : memref<!tpu.dma_semaphore, #tpu.memory_space<semaphore_mem>>) src(%dma_wait3A_25 : memref<2048xi32, #tpu.memory_space<hbm>>) dst(%arg7 : memref<2048xi32, #tpu.memory_space<vmem>>)
      tpu.yield
    }) : () -> ()
    "tpu.region"() ({
      %run_scoped3A = tpu.sem_alloc : memref<!tpu.dma_semaphore, #tpu.memory_space<semaphore_mem>>
      %dma_start3A = tpu.memref_slice %arg4[%mul3A_10] : memref<6422528xi32, #tpu.memory_space<hbm>> -> memref<2048xi32, #tpu.memory_space<hbm>>
      %dma_start3A_24 = tpu.memref_slice %arg4[%mul3A_10] : memref<6422528xi32, #tpu.memory_space<hbm>> -> memref<2048xi32, #tpu.memory_space<hbm>>
      tpu.enqueue_dma source(%dma_start3A_24 : memref<2048xi32, #tpu.memory_space<hbm>>) target(%arg8 : memref<2048xi32, #tpu.memory_space<vmem>>) target_semaphore(%run_scoped3A : memref<!tpu.dma_semaphore, #tpu.memory_space<semaphore_mem>>)
      %dma_wait3A = tpu.memref_slice %arg4[%mul3A_10] : memref<6422528xi32, #tpu.memory_space<hbm>> -> memref<2048xi32, #tpu.memory_space<hbm>>
      %dma_wait3A_25 = tpu.memref_slice %arg4[%mul3A_10] : memref<6422528xi32, #tpu.memory_space<hbm>> -> memref<2048xi32, #tpu.memory_space<hbm>>
      tpu.wait_dma2 semaphore(%run_scoped3A : memref<!tpu.dma_semaphore, #tpu.memory_space<semaphore_mem>>) src(%dma_wait3A_25 : memref<2048xi32, #tpu.memory_space<hbm>>) dst(%arg8 : memref<2048xi32, #tpu.memory_space<vmem>>)
      tpu.yield
    }) : () -> ()
    %scan3A = arith.constant 0 : i32
    %scan3A_11 = arith.constant 0 : i32
    %scan3A_12 = arith.constant 98 : i32
    %scan3A_13 = arith.addi %scan3A_11, %scan3A_12 : i32
    %scan3A_14 = arith.constant 1 : i32
    scf.for %scan3A_24 = %scan3A_11 to %scan3A_13 step %scan3A_14  : i32 {
      %mul3A_25 = arith.constant 2 : i32
      %mul3A_26 = arith.muli %mul3A_25, %scan3A_24 : i32
      %add3A_27 = arith.constant 1 : i32
      %add3A_28 = arith.addi %mul3A_26, %add3A_27 : i32
      %mul3A_29 = arith.constant 2048 : i32
      %mul3A_30 = arith.muli %add3A_28, %mul3A_29 : i32
      %mul3A_31 = arith.constant 2 : i32
      %mul3A_32 = arith.muli %mul3A_31, %scan3A_24 : i32
      %add3A_33 = arith.constant 2 : i32
      %add3A_34 = arith.addi %mul3A_32, %add3A_33 : i32
      %mul3A_35 = arith.constant 2048 : i32
      %mul3A_36 = arith.muli %add3A_34, %mul3A_35 : i32
      %min3A = arith.constant 399360 : i32
      %min3A_37 = arith.minsi %mul3A_36, %min3A : i32
      %dma_start3A = arith.constant 0 : i32
      %dma_start3A_38 = tpu.memref_slice %arg7[%dma_start3A] : memref<2048xi32, #tpu.memory_space<vmem>> -> memref<512xi32, #tpu.memory_space<vmem>>
      %dma_start3A_39 = arith.constant 0 : i32
      %dma_start3A_40 = arith.constant 0 : i32
      %dma_start3A_41 = tpu.memref_slice %arg2[%dma_start3A_39, %dma_start3A_40] : memref<200704x16xf32, #tpu.memory_space<hbm>> -> memref<200704x16xf32, #tpu.memory_space<hbm>>
      tpu.enqueue_indirect_dma source(%dma_start3A_41 : memref<200704x16xf32, #tpu.memory_space<hbm>>) target(%arg11 : memref<512x16xf32, #tpu.memory_space<vmem>>) offsets(%dma_start3A_38 : memref<512xi32, #tpu.memory_space<vmem>>) semaphore(%arg14 : memref<!tpu.dma_semaphore, #tpu.memory_space<semaphore_mem>>)
      %add3A_42 = arith.addi %mul3A_6, %mul3A_30 : i32
      "tpu.region"() ({
        %run_scoped3A = tpu.sem_alloc : memref<!tpu.dma_semaphore, #tpu.memory_space<semaphore_mem>>
        %dma_start3A_200 = tpu.memref_slice %arg3[%add3A_42] : memref<12845056xi32, #tpu.memory_space<hbm>> -> memref<2048xi32, #tpu.memory_space<hbm>>
        %dma_start3A_201 = tpu.memref_slice %arg3[%add3A_42] : memref<12845056xi32, #tpu.memory_space<hbm>> -> memref<2048xi32, #tpu.memory_space<hbm>>
        tpu.enqueue_dma source(%dma_start3A_201 : memref<2048xi32, #tpu.memory_space<hbm>>) target(%arg9 : memref<2048xi32, #tpu.memory_space<vmem>>) target_semaphore(%run_scoped3A : memref<!tpu.dma_semaphore, #tpu.memory_space<semaphore_mem>>)
        %dma_wait3A_202 = tpu.memref_slice %arg3[%add3A_42] : memref<12845056xi32, #tpu.memory_space<hbm>> -> memref<2048xi32, #tpu.memory_space<hbm>>
        %dma_wait3A_203 = tpu.memref_slice %arg3[%add3A_42] : memref<12845056xi32, #tpu.memory_space<hbm>> -> memref<2048xi32, #tpu.memory_space<hbm>>
        tpu.wait_dma2 semaphore(%run_scoped3A : memref<!tpu.dma_semaphore, #tpu.memory_space<semaphore_mem>>) src(%dma_wait3A_203 : memref<2048xi32, #tpu.memory_space<hbm>>) dst(%arg9 : memref<2048xi32, #tpu.memory_space<vmem>>)
        tpu.yield
      }) : () -> ()
      %add3A_43 = arith.addi %mul3A_10, %mul3A_30 : i32
      "tpu.region"() ({
        %run_scoped3A = tpu.sem_alloc : memref<!tpu.dma_semaphore, #tpu.memory_space<semaphore_mem>>
        %dma_start3A_200 = tpu.memref_slice %arg4[%add3A_43] : memref<6422528xi32, #tpu.memory_space<hbm>> -> memref<2048xi32, #tpu.memory_space<hbm>>
        %dma_start3A_201 = tpu.memref_slice %arg4[%add3A_43] : memref<6422528xi32, #tpu.memory_space<hbm>> -> memref<2048xi32, #tpu.memory_space<hbm>>
        tpu.enqueue_dma source(%dma_start3A_201 : memref<2048xi32, #tpu.memory_space<hbm>>) target(%arg10 : memref<2048xi32, #tpu.memory_space<vmem>>) target_semaphore(%run_scoped3A : memref<!tpu.dma_semaphore, #tpu.memory_space<semaphore_mem>>)
        %dma_wait3A_202 = tpu.memref_slice %arg4[%add3A_43] : memref<6422528xi32, #tpu.memory_space<hbm>> -> memref<2048xi32, #tpu.memory_space<hbm>>
        %dma_wait3A_203 = tpu.memref_slice %arg4[%add3A_43] : memref<6422528xi32, #tpu.memory_space<hbm>> -> memref<2048xi32, #tpu.memory_space<hbm>>
        tpu.wait_dma2 semaphore(%run_scoped3A : memref<!tpu.dma_semaphore, #tpu.memory_space<semaphore_mem>>) src(%dma_wait3A_203 : memref<2048xi32, #tpu.memory_space<hbm>>) dst(%arg10 : memref<2048xi32, #tpu.memory_space<vmem>>)
        tpu.yield
      }) : () -> ()
      %dma_start3A_44 = arith.constant 512 : i32
      %dma_start3A_45 = tpu.memref_slice %arg7[%dma_start3A_44] : memref<2048xi32, #tpu.memory_space<vmem>> -> memref<512xi32, #tpu.memory_space<vmem>>
      %dma_start3A_46 = arith.constant 0 : i32
      %dma_start3A_47 = arith.constant 0 : i32
      %dma_start3A_48 = tpu.memref_slice %arg2[%dma_start3A_46, %dma_start3A_47] : memref<200704x16xf32, #tpu.memory_space<hbm>> -> memref<200704x16xf32, #tpu.memory_space<hbm>>
      tpu.enqueue_indirect_dma source(%dma_start3A_48 : memref<200704x16xf32, #tpu.memory_space<hbm>>) target(%arg12 : memref<512x16xf32, #tpu.memory_space<vmem>>) offsets(%dma_start3A_45 : memref<512xi32, #tpu.memory_space<vmem>>) semaphore(%arg15 : memref<!tpu.dma_semaphore, #tpu.memory_space<semaphore_mem>>)
      %dma_wait3A = arith.constant 0 : i32
      %dma_wait3A_49 = tpu.memref_slice %arg7[%dma_wait3A] : memref<2048xi32, #tpu.memory_space<vmem>> -> memref<512xi32, #tpu.memory_space<vmem>>
      %dma_wait3A_50 = arith.constant 0 : i32
      %dma_wait3A_51 = arith.constant 0 : i32
      %dma_wait3A_52 = tpu.memref_slice %arg2[%dma_wait3A_50, %dma_wait3A_51] : memref<200704x16xf32, #tpu.memory_space<hbm>> -> memref<200704x16xf32, #tpu.memory_space<hbm>>
      tpu.wait_indirect_dma semaphore(%arg14 : memref<!tpu.dma_semaphore, #tpu.memory_space<semaphore_mem>>) src(%dma_wait3A_52 : memref<200704x16xf32, #tpu.memory_space<hbm>>) dst(%arg11 : memref<512x16xf32, #tpu.memory_space<vmem>>)
      %dma_start3A_53 = arith.constant 0 : i32
      %dma_start3A_54 = tpu.memref_slice %arg8[%dma_start3A_53] : memref<2048xi32, #tpu.memory_space<vmem>> -> memref<512xi32, #tpu.memory_space<vmem>>
      %dma_start3A_55 = arith.constant 0 : i32
      %dma_start3A_56 = arith.constant 0 : i32
      %dma_start3A_57 = tpu.memref_slice %arg13[%dma_start3A_55, %dma_start3A_56] : memref<100352x16xf32, #tpu.memory_space<vmem_shared>> -> memref<100352x16xf32, #tpu.memory_space<vmem_shared>>
      tpu.enqueue_indirect_dma source(%arg11 : memref<512x16xf32, #tpu.memory_space<vmem>>) target(%dma_start3A_57 : memref<100352x16xf32, #tpu.memory_space<vmem_shared>>) offsets(%dma_start3A_54 : memref<512xi32, #tpu.memory_space<vmem>>) semaphore(%arg16 : memref<!tpu.dma_semaphore, #tpu.memory_space<semaphore_mem>>) {add = true}
      %dma_wait3A_58 = arith.constant 0 : i32
      %dma_wait3A_59 = tpu.memref_slice %arg8[%dma_wait3A_58] : memref<2048xi32, #tpu.memory_space<vmem>> -> memref<512xi32, #tpu.memory_space<vmem>>
      %dma_wait3A_60 = arith.constant 0 : i32
      %dma_wait3A_61 = arith.constant 0 : i32
      %dma_wait3A_62 = tpu.memref_slice %arg13[%dma_wait3A_60, %dma_wait3A_61] : memref<100352x16xf32, #tpu.memory_space<vmem_shared>> -> memref<100352x16xf32, #tpu.memory_space<vmem_shared>>
      tpu.wait_indirect_dma semaphore(%arg16 : memref<!tpu.dma_semaphore, #tpu.memory_space<semaphore_mem>>) src(%arg11 : memref<512x16xf32, #tpu.memory_space<vmem>>) dst(%dma_wait3A_62 : memref<100352x16xf32, #tpu.memory_space<vmem_shared>>)
      %dma_start3A_63 = arith.constant 1024 : i32
      %dma_start3A_64 = tpu.memref_slice %arg7[%dma_start3A_63] : memref<2048xi32, #tpu.memory_space<vmem>> -> memref<512xi32, #tpu.memory_space<vmem>>
      %dma_start3A_65 = arith.constant 0 : i32
      %dma_start3A_66 = arith.constant 0 : i32
      %dma_start3A_67 = tpu.memref_slice %arg2[%dma_start3A_65, %dma_start3A_66] : memref<200704x16xf32, #tpu.memory_space<hbm>> -> memref<200704x16xf32, #tpu.memory_space<hbm>>
      tpu.enqueue_indirect_dma source(%dma_start3A_67 : memref<200704x16xf32, #tpu.memory_space<hbm>>) target(%arg11 : memref<512x16xf32, #tpu.memory_space<vmem>>) offsets(%dma_start3A_64 : memref<512xi32, #tpu.memory_space<vmem>>) semaphore(%arg14 : memref<!tpu.dma_semaphore, #tpu.memory_space<semaphore_mem>>)
      %dma_wait3A_68 = arith.constant 512 : i32
      %dma_wait3A_69 = tpu.memref_slice %arg7[%dma_wait3A_68] : memref<2048xi32, #tpu.memory_space<vmem>> -> memref<512xi32, #tpu.memory_space<vmem>>
      %dma_wait3A_70 = arith.constant 0 : i32
      %dma_wait3A_71 = arith.constant 0 : i32
      %dma_wait3A_72 = tpu.memref_slice %arg2[%dma_wait3A_70, %dma_wait3A_71] : memref<200704x16xf32, #tpu.memory_space<hbm>> -> memref<200704x16xf32, #tpu.memory_space<hbm>>
      tpu.wait_indirect_dma semaphore(%arg15 : memref<!tpu.dma_semaphore, #tpu.memory_space<semaphore_mem>>) src(%dma_wait3A_72 : memref<200704x16xf32, #tpu.memory_space<hbm>>) dst(%arg12 : memref<512x16xf32, #tpu.memory_space<vmem>>)
      %dma_start3A_73 = arith.constant 512 : i32
      %dma_start3A_74 = tpu.memref_slice %arg8[%dma_start3A_73] : memref<2048xi32, #tpu.memory_space<vmem>> -> memref<512xi32, #tpu.memory_space<vmem>>
      %dma_start3A_75 = arith.constant 0 : i32
      %dma_start3A_76 = arith.constant 0 : i32
      %dma_start3A_77 = tpu.memref_slice %arg13[%dma_start3A_75, %dma_start3A_76] : memref<100352x16xf32, #tpu.memory_space<vmem_shared>> -> memref<100352x16xf32, #tpu.memory_space<vmem_shared>>
      tpu.enqueue_indirect_dma source(%arg12 : memref<512x16xf32, #tpu.memory_space<vmem>>) target(%dma_start3A_77 : memref<100352x16xf32, #tpu.memory_space<vmem_shared>>) offsets(%dma_start3A_74 : memref<512xi32, #tpu.memory_space<vmem>>) semaphore(%arg17 : memref<!tpu.dma_semaphore, #tpu.memory_space<semaphore_mem>>) {add = true}
      %dma_wait3A_78 = arith.constant 512 : i32
      %dma_wait3A_79 = tpu.memref_slice %arg8[%dma_wait3A_78] : memref<2048xi32, #tpu.memory_space<vmem>> -> memref<512xi32, #tpu.memory_space<vmem>>
      %dma_wait3A_80 = arith.constant 0 : i32
      %dma_wait3A_81 = arith.constant 0 : i32
      %dma_wait3A_82 = tpu.memref_slice %arg13[%dma_wait3A_80, %dma_wait3A_81] : memref<100352x16xf32, #tpu.memory_space<vmem_shared>> -> memref<100352x16xf32, #tpu.memory_space<vmem_shared>>
      tpu.wait_indirect_dma semaphore(%arg17 : memref<!tpu.dma_semaphore, #tpu.memory_space<semaphore_mem>>) src(%arg12 : memref<512x16xf32, #tpu.memory_space<vmem>>) dst(%dma_wait3A_82 : memref<100352x16xf32, #tpu.memory_space<vmem_shared>>)
      %dma_start3A_83 = arith.constant 1536 : i32
      %dma_start3A_84 = tpu.memref_slice %arg7[%dma_start3A_83] : memref<2048xi32, #tpu.memory_space<vmem>> -> memref<512xi32, #tpu.memory_space<vmem>>
      %dma_start3A_85 = arith.constant 0 : i32
      %dma_start3A_86 = arith.constant 0 : i32
      %dma_start3A_87 = tpu.memref_slice %arg2[%dma_start3A_85, %dma_start3A_86] : memref<200704x16xf32, #tpu.memory_space<hbm>> -> memref<200704x16xf32, #tpu.memory_space<hbm>>
      tpu.enqueue_indirect_dma source(%dma_start3A_87 : memref<200704x16xf32, #tpu.memory_space<hbm>>) target(%arg12 : memref<512x16xf32, #tpu.memory_space<vmem>>) offsets(%dma_start3A_84 : memref<512xi32, #tpu.memory_space<vmem>>) semaphore(%arg15 : memref<!tpu.dma_semaphore, #tpu.memory_space<semaphore_mem>>)
      %dma_wait3A_88 = arith.constant 1024 : i32
      %dma_wait3A_89 = tpu.memref_slice %arg7[%dma_wait3A_88] : memref<2048xi32, #tpu.memory_space<vmem>> -> memref<512xi32, #tpu.memory_space<vmem>>
      %dma_wait3A_90 = arith.constant 0 : i32
      %dma_wait3A_91 = arith.constant 0 : i32
      %dma_wait3A_92 = tpu.memref_slice %arg2[%dma_wait3A_90, %dma_wait3A_91] : memref<200704x16xf32, #tpu.memory_space<hbm>> -> memref<200704x16xf32, #tpu.memory_space<hbm>>
      tpu.wait_indirect_dma semaphore(%arg14 : memref<!tpu.dma_semaphore, #tpu.memory_space<semaphore_mem>>) src(%dma_wait3A_92 : memref<200704x16xf32, #tpu.memory_space<hbm>>) dst(%arg11 : memref<512x16xf32, #tpu.memory_space<vmem>>)
      %dma_start3A_93 = arith.constant 1024 : i32
      %dma_start3A_94 = tpu.memref_slice %arg8[%dma_start3A_93] : memref<2048xi32, #tpu.memory_space<vmem>> -> memref<512xi32, #tpu.memory_space<vmem>>
      %dma_start3A_95 = arith.constant 0 : i32
      %dma_start3A_96 = arith.constant 0 : i32
      %dma_start3A_97 = tpu.memref_slice %arg13[%dma_start3A_95, %dma_start3A_96] : memref<100352x16xf32, #tpu.memory_space<vmem_shared>> -> memref<100352x16xf32, #tpu.memory_space<vmem_shared>>
      tpu.enqueue_indirect_dma source(%arg11 : memref<512x16xf32, #tpu.memory_space<vmem>>) target(%dma_start3A_97 : memref<100352x16xf32, #tpu.memory_space<vmem_shared>>) offsets(%dma_start3A_94 : memref<512xi32, #tpu.memory_space<vmem>>) semaphore(%arg16 : memref<!tpu.dma_semaphore, #tpu.memory_space<semaphore_mem>>) {add = true}
      %dma_wait3A_98 = arith.constant 1024 : i32
      %dma_wait3A_99 = tpu.memref_slice %arg8[%dma_wait3A_98] : memref<2048xi32, #tpu.memory_space<vmem>> -> memref<512xi32, #tpu.memory_space<vmem>>
      %dma_wait3A_100 = arith.constant 0 : i32
      %dma_wait3A_101 = arith.constant 0 : i32
      %dma_wait3A_102 = tpu.memref_slice %arg13[%dma_wait3A_100, %dma_wait3A_101] : memref<100352x16xf32, #tpu.memory_space<vmem_shared>> -> memref<100352x16xf32, #tpu.memory_space<vmem_shared>>
      tpu.wait_indirect_dma semaphore(%arg16 : memref<!tpu.dma_semaphore, #tpu.memory_space<semaphore_mem>>) src(%arg11 : memref<512x16xf32, #tpu.memory_space<vmem>>) dst(%dma_wait3A_102 : memref<100352x16xf32, #tpu.memory_space<vmem_shared>>)
      %dma_start3A_103 = arith.constant 0 : i32
      %dma_start3A_104 = tpu.memref_slice %arg9[%dma_start3A_103] : memref<2048xi32, #tpu.memory_space<vmem>> -> memref<512xi32, #tpu.memory_space<vmem>>
      %dma_start3A_105 = arith.constant 0 : i32
      %dma_start3A_106 = arith.constant 0 : i32
      %dma_start3A_107 = tpu.memref_slice %arg2[%dma_start3A_105, %dma_start3A_106] : memref<200704x16xf32, #tpu.memory_space<hbm>> -> memref<200704x16xf32, #tpu.memory_space<hbm>>
      tpu.enqueue_indirect_dma source(%dma_start3A_107 : memref<200704x16xf32, #tpu.memory_space<hbm>>) target(%arg11 : memref<512x16xf32, #tpu.memory_space<vmem>>) offsets(%dma_start3A_104 : memref<512xi32, #tpu.memory_space<vmem>>) semaphore(%arg14 : memref<!tpu.dma_semaphore, #tpu.memory_space<semaphore_mem>>)
      %dma_wait3A_108 = arith.constant 1536 : i32
      %dma_wait3A_109 = tpu.memref_slice %arg7[%dma_wait3A_108] : memref<2048xi32, #tpu.memory_space<vmem>> -> memref<512xi32, #tpu.memory_space<vmem>>
      %dma_wait3A_110 = arith.constant 0 : i32
      %dma_wait3A_111 = arith.constant 0 : i32
      %dma_wait3A_112 = tpu.memref_slice %arg2[%dma_wait3A_110, %dma_wait3A_111] : memref<200704x16xf32, #tpu.memory_space<hbm>> -> memref<200704x16xf32, #tpu.memory_space<hbm>>
      tpu.wait_indirect_dma semaphore(%arg15 : memref<!tpu.dma_semaphore, #tpu.memory_space<semaphore_mem>>) src(%dma_wait3A_112 : memref<200704x16xf32, #tpu.memory_space<hbm>>) dst(%arg12 : memref<512x16xf32, #tpu.memory_space<vmem>>)
      %dma_start3A_113 = arith.constant 1536 : i32
      %dma_start3A_114 = tpu.memref_slice %arg8[%dma_start3A_113] : memref<2048xi32, #tpu.memory_space<vmem>> -> memref<512xi32, #tpu.memory_space<vmem>>
      %dma_start3A_115 = arith.constant 0 : i32
      %dma_start3A_116 = arith.constant 0 : i32
      %dma_start3A_117 = tpu.memref_slice %arg13[%dma_start3A_115, %dma_start3A_116] : memref<100352x16xf32, #tpu.memory_space<vmem_shared>> -> memref<100352x16xf32, #tpu.memory_space<vmem_shared>>
      tpu.enqueue_indirect_dma source(%arg12 : memref<512x16xf32, #tpu.memory_space<vmem>>) target(%dma_start3A_117 : memref<100352x16xf32, #tpu.memory_space<vmem_shared>>) offsets(%dma_start3A_114 : memref<512xi32, #tpu.memory_space<vmem>>) semaphore(%arg17 : memref<!tpu.dma_semaphore, #tpu.memory_space<semaphore_mem>>) {add = true}
      %dma_wait3A_118 = arith.constant 1536 : i32
      %dma_wait3A_119 = tpu.memref_slice %arg8[%dma_wait3A_118] : memref<2048xi32, #tpu.memory_space<vmem>> -> memref<512xi32, #tpu.memory_space<vmem>>
      %dma_wait3A_120 = arith.constant 0 : i32
      %dma_wait3A_121 = arith.constant 0 : i32
      %dma_wait3A_122 = tpu.memref_slice %arg13[%dma_wait3A_120, %dma_wait3A_121] : memref<100352x16xf32, #tpu.memory_space<vmem_shared>> -> memref<100352x16xf32, #tpu.memory_space<vmem_shared>>
      tpu.wait_indirect_dma semaphore(%arg17 : memref<!tpu.dma_semaphore, #tpu.memory_space<semaphore_mem>>) src(%arg12 : memref<512x16xf32, #tpu.memory_space<vmem>>) dst(%dma_wait3A_122 : memref<100352x16xf32, #tpu.memory_space<vmem_shared>>)
      %add3A_123 = arith.addi %mul3A_6, %min3A_37 : i32
      "tpu.region"() ({
        %run_scoped3A = tpu.sem_alloc : memref<!tpu.dma_semaphore, #tpu.memory_space<semaphore_mem>>
        %dma_start3A_200 = tpu.memref_slice %arg3[%add3A_123] : memref<12845056xi32, #tpu.memory_space<hbm>> -> memref<2048xi32, #tpu.memory_space<hbm>>
        %dma_start3A_201 = tpu.memref_slice %arg3[%add3A_123] : memref<12845056xi32, #tpu.memory_space<hbm>> -> memref<2048xi32, #tpu.memory_space<hbm>>
        tpu.enqueue_dma source(%dma_start3A_201 : memref<2048xi32, #tpu.memory_space<hbm>>) target(%arg7 : memref<2048xi32, #tpu.memory_space<vmem>>) target_semaphore(%run_scoped3A : memref<!tpu.dma_semaphore, #tpu.memory_space<semaphore_mem>>)
        %dma_wait3A_202 = tpu.memref_slice %arg3[%add3A_123] : memref<12845056xi32, #tpu.memory_space<hbm>> -> memref<2048xi32, #tpu.memory_space<hbm>>
        %dma_wait3A_203 = tpu.memref_slice %arg3[%add3A_123] : memref<12845056xi32, #tpu.memory_space<hbm>> -> memref<2048xi32, #tpu.memory_space<hbm>>
        tpu.wait_dma2 semaphore(%run_scoped3A : memref<!tpu.dma_semaphore, #tpu.memory_space<semaphore_mem>>) src(%dma_wait3A_203 : memref<2048xi32, #tpu.memory_space<hbm>>) dst(%arg7 : memref<2048xi32, #tpu.memory_space<vmem>>)
        tpu.yield
      }) : () -> ()
      %add3A_124 = arith.addi %mul3A_10, %min3A_37 : i32
      "tpu.region"() ({
        %run_scoped3A = tpu.sem_alloc : memref<!tpu.dma_semaphore, #tpu.memory_space<semaphore_mem>>
        %dma_start3A_200 = tpu.memref_slice %arg4[%add3A_124] : memref<6422528xi32, #tpu.memory_space<hbm>> -> memref<2048xi32, #tpu.memory_space<hbm>>
        %dma_start3A_201 = tpu.memref_slice %arg4[%add3A_124] : memref<6422528xi32, #tpu.memory_space<hbm>> -> memref<2048xi32, #tpu.memory_space<hbm>>
        tpu.enqueue_dma source(%dma_start3A_201 : memref<2048xi32, #tpu.memory_space<hbm>>) target(%arg8 : memref<2048xi32, #tpu.memory_space<vmem>>) target_semaphore(%run_scoped3A : memref<!tpu.dma_semaphore, #tpu.memory_space<semaphore_mem>>)
        %dma_wait3A_202 = tpu.memref_slice %arg4[%add3A_124] : memref<6422528xi32, #tpu.memory_space<hbm>> -> memref<2048xi32, #tpu.memory_space<hbm>>
        %dma_wait3A_203 = tpu.memref_slice %arg4[%add3A_124] : memref<6422528xi32, #tpu.memory_space<hbm>> -> memref<2048xi32, #tpu.memory_space<hbm>>
        tpu.wait_dma2 semaphore(%run_scoped3A : memref<!tpu.dma_semaphore, #tpu.memory_space<semaphore_mem>>) src(%dma_wait3A_203 : memref<2048xi32, #tpu.memory_space<hbm>>) dst(%arg8 : memref<2048xi32, #tpu.memory_space<vmem>>)
        tpu.yield
      }) : () -> ()
      %dma_start3A_125 = arith.constant 512 : i32
      %dma_start3A_126 = tpu.memref_slice %arg9[%dma_start3A_125] : memref<2048xi32, #tpu.memory_space<vmem>> -> memref<512xi32, #tpu.memory_space<vmem>>
      %dma_start3A_127 = arith.constant 0 : i32
      %dma_start3A_128 = arith.constant 0 : i32
      %dma_start3A_129 = tpu.memref_slice %arg2[%dma_start3A_127, %dma_start3A_128] : memref<200704x16xf32, #tpu.memory_space<hbm>> -> memref<200704x16xf32, #tpu.memory_space<hbm>>
      tpu.enqueue_indirect_dma source(%dma_start3A_129 : memref<200704x16xf32, #tpu.memory_space<hbm>>) target(%arg12 : memref<512x16xf32, #tpu.memory_space<vmem>>) offsets(%dma_start3A_126 : memref<512xi32, #tpu.memory_space<vmem>>) semaphore(%arg15 : memref<!tpu.dma_semaphore, #tpu.memory_space<semaphore_mem>>)
      %dma_wait3A_130 = arith.constant 0 : i32
      %dma_wait3A_131 = tpu.memref_slice %arg9[%dma_wait3A_130] : memref<2048xi32, #tpu.memory_space<vmem>> -> memref<512xi32, #tpu.memory_space<vmem>>
      %dma_wait3A_132 = arith.constant 0 : i32
      %dma_wait3A_133 = arith.constant 0 : i32
      %dma_wait3A_134 = tpu.memref_slice %arg2[%dma_wait3A_132, %dma_wait3A_133] : memref<200704x16xf32, #tpu.memory_space<hbm>> -> memref<200704x16xf32, #tpu.memory_space<hbm>>
      tpu.wait_indirect_dma semaphore(%arg14 : memref<!tpu.dma_semaphore, #tpu.memory_space<semaphore_mem>>) src(%dma_wait3A_134 : memref<200704x16xf32, #tpu.memory_space<hbm>>) dst(%arg11 : memref<512x16xf32, #tpu.memory_space<vmem>>)
      %dma_start3A_135 = arith.constant 0 : i32
      %dma_start3A_136 = tpu.memref_slice %arg10[%dma_start3A_135] : memref<2048xi32, #tpu.memory_space<vmem>> -> memref<512xi32, #tpu.memory_space<vmem>>
      %dma_start3A_137 = arith.constant 0 : i32
      %dma_start3A_138 = arith.constant 0 : i32
      %dma_start3A_139 = tpu.memref_slice %arg13[%dma_start3A_137, %dma_start3A_138] : memref<100352x16xf32, #tpu.memory_space<vmem_shared>> -> memref<100352x16xf32, #tpu.memory_space<vmem_shared>>
      tpu.enqueue_indirect_dma source(%arg11 : memref<512x16xf32, #tpu.memory_space<vmem>>) target(%dma_start3A_139 : memref<100352x16xf32, #tpu.memory_space<vmem_shared>>) offsets(%dma_start3A_136 : memref<512xi32, #tpu.memory_space<vmem>>) semaphore(%arg16 : memref<!tpu.dma_semaphore, #tpu.memory_space<semaphore_mem>>) {add = true}
      %dma_wait3A_140 = arith.constant 0 : i32
      %dma_wait3A_141 = tpu.memref_slice %arg10[%dma_wait3A_140] : memref<2048xi32, #tpu.memory_space<vmem>> -> memref<512xi32, #tpu.memory_space<vmem>>
      %dma_wait3A_142 = arith.constant 0 : i32
      %dma_wait3A_143 = arith.constant 0 : i32
      %dma_wait3A_144 = tpu.memref_slice %arg13[%dma_wait3A_142, %dma_wait3A_143] : memref<100352x16xf32, #tpu.memory_space<vmem_shared>> -> memref<100352x16xf32, #tpu.memory_space<vmem_shared>>
      tpu.wait_indirect_dma semaphore(%arg16 : memref<!tpu.dma_semaphore, #tpu.memory_space<semaphore_mem>>) src(%arg11 : memref<512x16xf32, #tpu.memory_space<vmem>>) dst(%dma_wait3A_144 : memref<100352x16xf32, #tpu.memory_space<vmem_shared>>)
      %dma_start3A_145 = arith.constant 1024 : i32
      %dma_start3A_146 = tpu.memref_slice %arg9[%dma_start3A_145] : memref<2048xi32, #tpu.memory_space<vmem>> -> memref<512xi32, #tpu.memory_space<vmem>>
      %dma_start3A_147 = arith.constant 0 : i32
      %dma_start3A_148 = arith.constant 0 : i32
      %dma_start3A_149 = tpu.memref_slice %arg2[%dma_start3A_147, %dma_start3A_148] : memref<200704x16xf32, #tpu.memory_space<hbm>> -> memref<200704x16xf32, #tpu.memory_space<hbm>>
      tpu.enqueue_indirect_dma source(%dma_start3A_149 : memref<200704x16xf32, #tpu.memory_space<hbm>>) target(%arg11 : memref<512x16xf32, #tpu.memory_space<vmem>>) offsets(%dma_start3A_146 : memref<512xi32, #tpu.memory_space<vmem>>) semaphore(%arg14 : memref<!tpu.dma_semaphore, #tpu.memory_space<semaphore_mem>>)
      %dma_wait3A_150 = arith.constant 512 : i32
      %dma_wait3A_151 = tpu.memref_slice %arg9[%dma_wait3A_150] : memref<2048xi32, #tpu.memory_space<vmem>> -> memref<512xi32, #tpu.memory_space<vmem>>
      %dma_wait3A_152 = arith.constant 0 : i32
      %dma_wait3A_153 = arith.constant 0 : i32
      %dma_wait3A_154 = tpu.memref_slice %arg2[%dma_wait3A_152, %dma_wait3A_153] : memref<200704x16xf32, #tpu.memory_space<hbm>> -> memref<200704x16xf32, #tpu.memory_space<hbm>>
      tpu.wait_indirect_dma semaphore(%arg15 : memref<!tpu.dma_semaphore, #tpu.memory_space<semaphore_mem>>) src(%dma_wait3A_154 : memref<200704x16xf32, #tpu.memory_space<hbm>>) dst(%arg12 : memref<512x16xf32, #tpu.memory_space<vmem>>)
      %dma_start3A_155 = arith.constant 512 : i32
      %dma_start3A_156 = tpu.memref_slice %arg10[%dma_start3A_155] : memref<2048xi32, #tpu.memory_space<vmem>> -> memref<512xi32, #tpu.memory_space<vmem>>
      %dma_start3A_157 = arith.constant 0 : i32
      %dma_start3A_158 = arith.constant 0 : i32
      %dma_start3A_159 = tpu.memref_slice %arg13[%dma_start3A_157, %dma_start3A_158] : memref<100352x16xf32, #tpu.memory_space<vmem_shared>> -> memref<100352x16xf32, #tpu.memory_space<vmem_shared>>
      tpu.enqueue_indirect_dma source(%arg12 : memref<512x16xf32, #tpu.memory_space<vmem>>) target(%dma_start3A_159 : memref<100352x16xf32, #tpu.memory_space<vmem_shared>>) offsets(%dma_start3A_156 : memref<512xi32, #tpu.memory_space<vmem>>) semaphore(%arg17 : memref<!tpu.dma_semaphore, #tpu.memory_space<semaphore_mem>>) {add = true}
      %dma_wait3A_160 = arith.constant 512 : i32
      %dma_wait3A_161 = tpu.memref_slice %arg10[%dma_wait3A_160] : memref<2048xi32, #tpu.memory_space<vmem>> -> memref<512xi32, #tpu.memory_space<vmem>>
      %dma_wait3A_162 = arith.constant 0 : i32
      %dma_wait3A_163 = arith.constant 0 : i32
      %dma_wait3A_164 = tpu.memref_slice %arg13[%dma_wait3A_162, %dma_wait3A_163] : memref<100352x16xf32, #tpu.memory_space<vmem_shared>> -> memref<100352x16xf32, #tpu.memory_space<vmem_shared>>
      tpu.wait_indirect_dma semaphore(%arg17 : memref<!tpu.dma_semaphore, #tpu.memory_space<semaphore_mem>>) src(%arg12 : memref<512x16xf32, #tpu.memory_space<vmem>>) dst(%dma_wait3A_164 : memref<100352x16xf32, #tpu.memory_space<vmem_shared>>)
      %dma_start3A_165 = arith.constant 1536 : i32
      %dma_start3A_166 = tpu.memref_slice %arg9[%dma_start3A_165] : memref<2048xi32, #tpu.memory_space<vmem>> -> memref<512xi32, #tpu.memory_space<vmem>>
      %dma_start3A_167 = arith.constant 0 : i32
      %dma_start3A_168 = arith.constant 0 : i32
      %dma_start3A_169 = tpu.memref_slice %arg2[%dma_start3A_167, %dma_start3A_168] : memref<200704x16xf32, #tpu.memory_space<hbm>> -> memref<200704x16xf32, #tpu.memory_space<hbm>>
      tpu.enqueue_indirect_dma source(%dma_start3A_169 : memref<200704x16xf32, #tpu.memory_space<hbm>>) target(%arg12 : memref<512x16xf32, #tpu.memory_space<vmem>>) offsets(%dma_start3A_166 : memref<512xi32, #tpu.memory_space<vmem>>) semaphore(%arg15 : memref<!tpu.dma_semaphore, #tpu.memory_space<semaphore_mem>>)
      %dma_wait3A_170 = arith.constant 1024 : i32
      %dma_wait3A_171 = tpu.memref_slice %arg9[%dma_wait3A_170] : memref<2048xi32, #tpu.memory_space<vmem>> -> memref<512xi32, #tpu.memory_space<vmem>>
      %dma_wait3A_172 = arith.constant 0 : i32
      %dma_wait3A_173 = arith.constant 0 : i32
      %dma_wait3A_174 = tpu.memref_slice %arg2[%dma_wait3A_172, %dma_wait3A_173] : memref<200704x16xf32, #tpu.memory_space<hbm>> -> memref<200704x16xf32, #tpu.memory_space<hbm>>
      tpu.wait_indirect_dma semaphore(%arg14 : memref<!tpu.dma_semaphore, #tpu.memory_space<semaphore_mem>>) src(%dma_wait3A_174 : memref<200704x16xf32, #tpu.memory_space<hbm>>) dst(%arg11 : memref<512x16xf32, #tpu.memory_space<vmem>>)
      %dma_start3A_175 = arith.constant 1024 : i32
      %dma_start3A_176 = tpu.memref_slice %arg10[%dma_start3A_175] : memref<2048xi32, #tpu.memory_space<vmem>> -> memref<512xi32, #tpu.memory_space<vmem>>
      %dma_start3A_177 = arith.constant 0 : i32
      %dma_start3A_178 = arith.constant 0 : i32
      %dma_start3A_179 = tpu.memref_slice %arg13[%dma_start3A_177, %dma_start3A_178] : memref<100352x16xf32, #tpu.memory_space<vmem_shared>> -> memref<100352x16xf32, #tpu.memory_space<vmem_shared>>
      tpu.enqueue_indirect_dma source(%arg11 : memref<512x16xf32, #tpu.memory_space<vmem>>) target(%dma_start3A_179 : memref<100352x16xf32, #tpu.memory_space<vmem_shared>>) offsets(%dma_start3A_176 : memref<512xi32, #tpu.memory_space<vmem>>) semaphore(%arg16 : memref<!tpu.dma_semaphore, #tpu.memory_space<semaphore_mem>>) {add = true}
      %dma_wait3A_180 = arith.constant 1024 : i32
      %dma_wait3A_181 = tpu.memref_slice %arg10[%dma_wait3A_180] : memref<2048xi32, #tpu.memory_space<vmem>> -> memref<512xi32, #tpu.memory_space<vmem>>
      %dma_wait3A_182 = arith.constant 0 : i32
      %dma_wait3A_183 = arith.constant 0 : i32
      %dma_wait3A_184 = tpu.memref_slice %arg13[%dma_wait3A_182, %dma_wait3A_183] : memref<100352x16xf32, #tpu.memory_space<vmem_shared>> -> memref<100352x16xf32, #tpu.memory_space<vmem_shared>>
      tpu.wait_indirect_dma semaphore(%arg16 : memref<!tpu.dma_semaphore, #tpu.memory_space<semaphore_mem>>) src(%arg11 : memref<512x16xf32, #tpu.memory_space<vmem>>) dst(%dma_wait3A_184 : memref<100352x16xf32, #tpu.memory_space<vmem_shared>>)
      %dma_wait3A_185 = arith.constant 1536 : i32
      %dma_wait3A_186 = tpu.memref_slice %arg9[%dma_wait3A_185] : memref<2048xi32, #tpu.memory_space<vmem>> -> memref<512xi32, #tpu.memory_space<vmem>>
      %dma_wait3A_187 = arith.constant 0 : i32
      %dma_wait3A_188 = arith.constant 0 : i32
      %dma_wait3A_189 = tpu.memref_slice %arg2[%dma_wait3A_187, %dma_wait3A_188] : memref<200704x16xf32, #tpu.memory_space<hbm>> -> memref<200704x16xf32, #tpu.memory_space<hbm>>
      tpu.wait_indirect_dma semaphore(%arg15 : memref<!tpu.dma_semaphore, #tpu.memory_space<semaphore_mem>>) src(%dma_wait3A_189 : memref<200704x16xf32, #tpu.memory_space<hbm>>) dst(%arg12 : memref<512x16xf32, #tpu.memory_space<vmem>>)
      %dma_start3A_190 = arith.constant 1536 : i32
      %dma_start3A_191 = tpu.memref_slice %arg10[%dma_start3A_190] : memref<2048xi32, #tpu.memory_space<vmem>> -> memref<512xi32, #tpu.memory_space<vmem>>
      %dma_start3A_192 = arith.constant 0 : i32
      %dma_start3A_193 = arith.constant 0 : i32
      %dma_start3A_194 = tpu.memref_slice %arg13[%dma_start3A_192, %dma_start3A_193] : memref<100352x16xf32, #tpu.memory_space<vmem_shared>> -> memref<100352x16xf32, #tpu.memory_space<vmem_shared>>
      tpu.enqueue_indirect_dma source(%arg12 : memref<512x16xf32, #tpu.memory_space<vmem>>) target(%dma_start3A_194 : memref<100352x16xf32, #tpu.memory_space<vmem_shared>>) offsets(%dma_start3A_191 : memref<512xi32, #tpu.memory_space<vmem>>) semaphore(%arg17 : memref<!tpu.dma_semaphore, #tpu.memory_space<semaphore_mem>>) {add = true}
      %dma_wait3A_195 = arith.constant 1536 : i32
      %dma_wait3A_196 = tpu.memref_slice %arg10[%dma_wait3A_195] : memref<2048xi32, #tpu.memory_space<vmem>> -> memref<512xi32, #tpu.memory_space<vmem>>
      %dma_wait3A_197 = arith.constant 0 : i32
      %dma_wait3A_198 = arith.constant 0 : i32
      %dma_wait3A_199 = tpu.memref_slice %arg13[%dma_wait3A_197, %dma_wait3A_198] : memref<100352x16xf32, #tpu.memory_space<vmem_shared>> -> memref<100352x16xf32, #tpu.memory_space<vmem_shared>>
      tpu.wait_indirect_dma semaphore(%arg17 : memref<!tpu.dma_semaphore, #tpu.memory_space<semaphore_mem>>) src(%arg12 : memref<512x16xf32, #tpu.memory_space<vmem>>) dst(%dma_wait3A_199 : memref<100352x16xf32, #tpu.memory_space<vmem_shared>>)
    }
    %scan3A_15 = arith.constant 98 : i32
    %barrier3A_16 = arith.constant 0 : index
    tpu.barrier barrier_id(%barrier3A_16)
    %mul3A_17 = arith.constant 6272 : i32
    %mul3A_18 = arith.muli %arg1, %mul3A_17 : i32
    %mul3A_19 = arith.constant 100352 : i32
    %mul3A_20 = arith.muli %arg0, %mul3A_19 : i32
    %mul3A_21 = arith.constant 6272 : i32
    %mul3A_22 = arith.muli %arg1, %mul3A_21 : i32
    %add3A_23 = arith.addi %mul3A_20, %mul3A_22 : i32
    "tpu.region"() ({
      %run_scoped3A = tpu.sem_alloc : memref<!tpu.dma_semaphore, #tpu.memory_space<semaphore_mem>>
      %dma_start3A = arith.constant 0 : i32
      %dma_start3A_24 = tpu.memref_slice %arg6[%add3A_23, %dma_start3A] : memref<200704x16xf32, #tpu.memory_space<hbm>> -> memref<6272x16xf32, #tpu.memory_space<hbm>>
      %dma_start3A_25 = arith.constant 0 : i32
      %dma_start3A_26 = tpu.memref_slice %arg13[%mul3A_18, %dma_start3A_25] : memref<100352x16xf32, #tpu.memory_space<vmem_shared>> -> memref<6272x16xf32, #tpu.memory_space<vmem_shared>>
      tpu.enqueue_dma source(%dma_start3A_26 : memref<6272x16xf32, #tpu.memory_space<vmem_shared>>) target(%dma_start3A_24 : memref<6272x16xf32, #tpu.memory_space<hbm>>) target_semaphore(%run_scoped3A : memref<!tpu.dma_semaphore, #tpu.memory_space<semaphore_mem>>)
      %dma_wait3A = arith.constant 0 : i32
      %dma_wait3A_27 = tpu.memref_slice %arg6[%add3A_23, %dma_wait3A] : memref<200704x16xf32, #tpu.memory_space<hbm>> -> memref<6272x16xf32, #tpu.memory_space<hbm>>
      %dma_wait3A_28 = arith.constant 0 : i32
      %dma_wait3A_29 = tpu.memref_slice %arg13[%mul3A_18, %dma_wait3A_28] : memref<100352x16xf32, #tpu.memory_space<vmem_shared>> -> memref<6272x16xf32, #tpu.memory_space<vmem_shared>>
      tpu.wait_dma2 semaphore(%run_scoped3A : memref<!tpu.dma_semaphore, #tpu.memory_space<semaphore_mem>>) src(%dma_wait3A_29 : memref<6272x16xf32, #tpu.memory_space<vmem_shared>>) dst(%dma_wait3A_27 : memref<6272x16xf32, #tpu.memory_space<hbm>>)
      tpu.yield
    }) : () -> ()
    return
  }
}

#map = affine_map<(d0, d1) -> (0, 0)>
module attributes {stable_mosaic.version = 14 : i64} {
  func.func @_sc_count_body(%arg0: i32, %arg1: i32, %arg2: memref<50176x128xi32, #tpu.memory_space<hbm>>, %arg3: memref<128x8xf32, #tpu.memory_space<hbm>>, %arg4: memref<6272x8xf32, #tpu.memory_space<hbm>>, %arg5: memref<200704x8xf32, #tpu.memory_space<hbm>>, %arg6: memref<16x128xi32, #tpu.memory_space<vmem>>, %arg7: memref<128x8xf32, #tpu.memory_space<vmem>>, %arg8: memref<100352x8xf32, #tpu.memory_space<vmem_shared>>) attributes {dimension_semantics = [#tpu.dimension_semantics<core_parallel>, #tpu.dimension_semantics<subcore_parallel>], iteration_bounds = array<i64: 2, 16>, scalar_prefetch = 0 : i64, scratch_operands = 3 : i64, tpu.core_type = #tpu.core_type<sc_vector_subcore>, window_params = [{transform_indices = #map}, {transform_indices = #map}, {transform_indices = #map}, {transform_indices = #map}]} {
    "tpu.region"() ({
      %run_scoped3A = tpu.sem_alloc : memref<!tpu.dma_semaphore, #tpu.memory_space<semaphore_mem>>
      tpu.enqueue_dma source(%arg3 : memref<128x8xf32, #tpu.memory_space<hbm>>) target(%arg7 : memref<128x8xf32, #tpu.memory_space<vmem>>) target_semaphore(%run_scoped3A : memref<!tpu.dma_semaphore, #tpu.memory_space<semaphore_mem>>)
      tpu.wait_dma2 semaphore(%run_scoped3A : memref<!tpu.dma_semaphore, #tpu.memory_space<semaphore_mem>>) src(%arg3 : memref<128x8xf32, #tpu.memory_space<hbm>>) dst(%arg7 : memref<128x8xf32, #tpu.memory_space<vmem>>)
      tpu.yield
    }) : () -> ()
    %mul3A = arith.constant 6272 : i32
    %mul3A_0 = arith.muli %arg1, %mul3A : i32
    "tpu.region"() ({
      %run_scoped3A = tpu.sem_alloc : memref<!tpu.dma_semaphore, #tpu.memory_space<semaphore_mem>>
      %dma_start3A = arith.constant 0 : i32
      %dma_start3A_18 = tpu.memref_slice %arg8[%mul3A_0, %dma_start3A] : memref<100352x8xf32, #tpu.memory_space<vmem_shared>> -> memref<6272x8xf32, #tpu.memory_space<vmem_shared>>
      tpu.enqueue_dma source(%arg4 : memref<6272x8xf32, #tpu.memory_space<hbm>>) target(%dma_start3A_18 : memref<6272x8xf32, #tpu.memory_space<vmem_shared>>) target_semaphore(%run_scoped3A : memref<!tpu.dma_semaphore, #tpu.memory_space<semaphore_mem>>)
      %dma_wait3A = arith.constant 0 : i32
      %dma_wait3A_19 = tpu.memref_slice %arg8[%mul3A_0, %dma_wait3A] : memref<100352x8xf32, #tpu.memory_space<vmem_shared>> -> memref<6272x8xf32, #tpu.memory_space<vmem_shared>>
      tpu.wait_dma2 semaphore(%run_scoped3A : memref<!tpu.dma_semaphore, #tpu.memory_space<semaphore_mem>>) src(%arg4 : memref<6272x8xf32, #tpu.memory_space<hbm>>) dst(%dma_wait3A_19 : memref<6272x8xf32, #tpu.memory_space<vmem_shared>>)
      tpu.yield
    }) : () -> ()
    %barrier3A = arith.constant 0 : index
    tpu.barrier barrier_id(%barrier3A)
    %mul3A_1 = arith.constant 25088 : i32
    %mul3A_2 = arith.muli %arg0, %mul3A_1 : i32
    %mul3A_3 = arith.constant 1568 : i32
    %mul3A_4 = arith.muli %arg1, %mul3A_3 : i32
    %add3A = arith.addi %mul3A_2, %mul3A_4 : i32
    %scan3A = arith.constant 0 : i32
    %scan3A_5 = arith.constant 0 : i32
    %scan3A_6 = arith.constant 98 : i32
    %scan3A_7 = arith.addi %scan3A_5, %scan3A_6 : i32
    %scan3A_8 = arith.constant 1 : i32
    scf.for %scan3A_18 = %scan3A_5 to %scan3A_7 step %scan3A_8  : i32 {
      %mul3A_19 = arith.constant 16 : i32
      %mul3A_20 = arith.muli %scan3A_18, %mul3A_19 : i32
      %add3A_21 = arith.addi %add3A, %mul3A_20 : i32
      "tpu.region"() ({
        %run_scoped3A_37 = tpu.sem_alloc : memref<!tpu.dma_semaphore, #tpu.memory_space<semaphore_mem>>
        %dma_start3A = arith.constant 0 : i32
        %dma_start3A_38 = tpu.memref_slice %arg2[%add3A_21, %dma_start3A] : memref<50176x128xi32, #tpu.memory_space<hbm>> -> memref<16x128xi32, #tpu.memory_space<hbm>>
        %dma_start3A_39 = arith.constant 0 : i32
        %dma_start3A_40 = tpu.memref_slice %arg2[%add3A_21, %dma_start3A_39] : memref<50176x128xi32, #tpu.memory_space<hbm>> -> memref<16x128xi32, #tpu.memory_space<hbm>>
        tpu.enqueue_dma source(%dma_start3A_40 : memref<16x128xi32, #tpu.memory_space<hbm>>) target(%arg6 : memref<16x128xi32, #tpu.memory_space<vmem>>) target_semaphore(%run_scoped3A_37 : memref<!tpu.dma_semaphore, #tpu.memory_space<semaphore_mem>>)
        %dma_wait3A = arith.constant 0 : i32
        %dma_wait3A_41 = tpu.memref_slice %arg2[%add3A_21, %dma_wait3A] : memref<50176x128xi32, #tpu.memory_space<hbm>> -> memref<16x128xi32, #tpu.memory_space<hbm>>
        %dma_wait3A_42 = arith.constant 0 : i32
        %dma_wait3A_43 = tpu.memref_slice %arg2[%add3A_21, %dma_wait3A_42] : memref<50176x128xi32, #tpu.memory_space<hbm>> -> memref<16x128xi32, #tpu.memory_space<hbm>>
        tpu.wait_dma2 semaphore(%run_scoped3A_37 : memref<!tpu.dma_semaphore, #tpu.memory_space<semaphore_mem>>) src(%dma_wait3A_43 : memref<16x128xi32, #tpu.memory_space<hbm>>) dst(%arg6 : memref<16x128xi32, #tpu.memory_space<vmem>>)
        tpu.yield
      }) : () -> ()
      %run_scoped3A = arith.constant 0 : i32
      "tpu.region"() ({
        %run_scoped3A_37 = tpu.sem_alloc : memref<!tpu.dma_semaphore, #tpu.memory_space<semaphore_mem>>
        %dma_start3A = arith.constant 0 : i32
        %dma_start3A_38 = tpu.memref_slice %arg6[%run_scoped3A, %dma_start3A] : memref<16x128xi32, #tpu.memory_space<vmem>> -> memref<1x128xi32, #tpu.memory_space<vmem>>
        %dma_start3A_39 = tpu.memref_squeeze %dma_start3A_38 : memref<1x128xi32, #tpu.memory_space<vmem>> -> memref<128xi32, #tpu.memory_space<vmem>>
        %dma_start3A_40 = arith.constant 0 : i32
        %dma_start3A_41 = arith.constant 0 : i32
        %dma_start3A_42 = tpu.memref_slice %arg8[%dma_start3A_40, %dma_start3A_41] : memref<100352x8xf32, #tpu.memory_space<vmem_shared>> -> memref<100352x8xf32, #tpu.memory_space<vmem_shared>>
        tpu.enqueue_indirect_dma source(%arg7 : memref<128x8xf32, #tpu.memory_space<vmem>>) target(%dma_start3A_42 : memref<100352x8xf32, #tpu.memory_space<vmem_shared>>) offsets(%dma_start3A_39 : memref<128xi32, #tpu.memory_space<vmem>>) semaphore(%run_scoped3A_37 : memref<!tpu.dma_semaphore, #tpu.memory_space<semaphore_mem>>) {add = true}
        %dma_wait3A = arith.constant 0 : i32
        %dma_wait3A_43 = tpu.memref_slice %arg6[%run_scoped3A, %dma_wait3A] : memref<16x128xi32, #tpu.memory_space<vmem>> -> memref<1x128xi32, #tpu.memory_space<vmem>>
        %dma_wait3A_44 = tpu.memref_squeeze %dma_wait3A_43 : memref<1x128xi32, #tpu.memory_space<vmem>> -> memref<128xi32, #tpu.memory_space<vmem>>
        %dma_wait3A_45 = arith.constant 0 : i32
        %dma_wait3A_46 = arith.constant 0 : i32
        %dma_wait3A_47 = tpu.memref_slice %arg8[%dma_wait3A_45, %dma_wait3A_46] : memref<100352x8xf32, #tpu.memory_space<vmem_shared>> -> memref<100352x8xf32, #tpu.memory_space<vmem_shared>>
        tpu.wait_indirect_dma semaphore(%run_scoped3A_37 : memref<!tpu.dma_semaphore, #tpu.memory_space<semaphore_mem>>) src(%arg7 : memref<128x8xf32, #tpu.memory_space<vmem>>) dst(%dma_wait3A_47 : memref<100352x8xf32, #tpu.memory_space<vmem_shared>>)
        tpu.yield
      }) : () -> ()
      %run_scoped3A_22 = arith.constant 1 : i32
      "tpu.region"() ({
        %run_scoped3A_37 = tpu.sem_alloc : memref<!tpu.dma_semaphore, #tpu.memory_space<semaphore_mem>>
        %dma_start3A = arith.constant 0 : i32
        %dma_start3A_38 = tpu.memref_slice %arg6[%run_scoped3A_22, %dma_start3A] : memref<16x128xi32, #tpu.memory_space<vmem>> -> memref<1x128xi32, #tpu.memory_space<vmem>>
        %dma_start3A_39 = tpu.memref_squeeze %dma_start3A_38 : memref<1x128xi32, #tpu.memory_space<vmem>> -> memref<128xi32, #tpu.memory_space<vmem>>
        %dma_start3A_40 = arith.constant 0 : i32
        %dma_start3A_41 = arith.constant 0 : i32
        %dma_start3A_42 = tpu.memref_slice %arg8[%dma_start3A_40, %dma_start3A_41] : memref<100352x8xf32, #tpu.memory_space<vmem_shared>> -> memref<100352x8xf32, #tpu.memory_space<vmem_shared>>
        tpu.enqueue_indirect_dma source(%arg7 : memref<128x8xf32, #tpu.memory_space<vmem>>) target(%dma_start3A_42 : memref<100352x8xf32, #tpu.memory_space<vmem_shared>>) offsets(%dma_start3A_39 : memref<128xi32, #tpu.memory_space<vmem>>) semaphore(%run_scoped3A_37 : memref<!tpu.dma_semaphore, #tpu.memory_space<semaphore_mem>>) {add = true}
        %dma_wait3A = arith.constant 0 : i32
        %dma_wait3A_43 = tpu.memref_slice %arg6[%run_scoped3A_22, %dma_wait3A] : memref<16x128xi32, #tpu.memory_space<vmem>> -> memref<1x128xi32, #tpu.memory_space<vmem>>
        %dma_wait3A_44 = tpu.memref_squeeze %dma_wait3A_43 : memref<1x128xi32, #tpu.memory_space<vmem>> -> memref<128xi32, #tpu.memory_space<vmem>>
        %dma_wait3A_45 = arith.constant 0 : i32
        %dma_wait3A_46 = arith.constant 0 : i32
        %dma_wait3A_47 = tpu.memref_slice %arg8[%dma_wait3A_45, %dma_wait3A_46] : memref<100352x8xf32, #tpu.memory_space<vmem_shared>> -> memref<100352x8xf32, #tpu.memory_space<vmem_shared>>
        tpu.wait_indirect_dma semaphore(%run_scoped3A_37 : memref<!tpu.dma_semaphore, #tpu.memory_space<semaphore_mem>>) src(%arg7 : memref<128x8xf32, #tpu.memory_space<vmem>>) dst(%dma_wait3A_47 : memref<100352x8xf32, #tpu.memory_space<vmem_shared>>)
        tpu.yield
      }) : () -> ()
      %run_scoped3A_23 = arith.constant 2 : i32
      "tpu.region"() ({
        %run_scoped3A_37 = tpu.sem_alloc : memref<!tpu.dma_semaphore, #tpu.memory_space<semaphore_mem>>
        %dma_start3A = arith.constant 0 : i32
        %dma_start3A_38 = tpu.memref_slice %arg6[%run_scoped3A_23, %dma_start3A] : memref<16x128xi32, #tpu.memory_space<vmem>> -> memref<1x128xi32, #tpu.memory_space<vmem>>
        %dma_start3A_39 = tpu.memref_squeeze %dma_start3A_38 : memref<1x128xi32, #tpu.memory_space<vmem>> -> memref<128xi32, #tpu.memory_space<vmem>>
        %dma_start3A_40 = arith.constant 0 : i32
        %dma_start3A_41 = arith.constant 0 : i32
        %dma_start3A_42 = tpu.memref_slice %arg8[%dma_start3A_40, %dma_start3A_41] : memref<100352x8xf32, #tpu.memory_space<vmem_shared>> -> memref<100352x8xf32, #tpu.memory_space<vmem_shared>>
        tpu.enqueue_indirect_dma source(%arg7 : memref<128x8xf32, #tpu.memory_space<vmem>>) target(%dma_start3A_42 : memref<100352x8xf32, #tpu.memory_space<vmem_shared>>) offsets(%dma_start3A_39 : memref<128xi32, #tpu.memory_space<vmem>>) semaphore(%run_scoped3A_37 : memref<!tpu.dma_semaphore, #tpu.memory_space<semaphore_mem>>) {add = true}
        %dma_wait3A = arith.constant 0 : i32
        %dma_wait3A_43 = tpu.memref_slice %arg6[%run_scoped3A_23, %dma_wait3A] : memref<16x128xi32, #tpu.memory_space<vmem>> -> memref<1x128xi32, #tpu.memory_space<vmem>>
        %dma_wait3A_44 = tpu.memref_squeeze %dma_wait3A_43 : memref<1x128xi32, #tpu.memory_space<vmem>> -> memref<128xi32, #tpu.memory_space<vmem>>
        %dma_wait3A_45 = arith.constant 0 : i32
        %dma_wait3A_46 = arith.constant 0 : i32
        %dma_wait3A_47 = tpu.memref_slice %arg8[%dma_wait3A_45, %dma_wait3A_46] : memref<100352x8xf32, #tpu.memory_space<vmem_shared>> -> memref<100352x8xf32, #tpu.memory_space<vmem_shared>>
        tpu.wait_indirect_dma semaphore(%run_scoped3A_37 : memref<!tpu.dma_semaphore, #tpu.memory_space<semaphore_mem>>) src(%arg7 : memref<128x8xf32, #tpu.memory_space<vmem>>) dst(%dma_wait3A_47 : memref<100352x8xf32, #tpu.memory_space<vmem_shared>>)
        tpu.yield
      }) : () -> ()
      %run_scoped3A_24 = arith.constant 3 : i32
      "tpu.region"() ({
        %run_scoped3A_37 = tpu.sem_alloc : memref<!tpu.dma_semaphore, #tpu.memory_space<semaphore_mem>>
        %dma_start3A = arith.constant 0 : i32
        %dma_start3A_38 = tpu.memref_slice %arg6[%run_scoped3A_24, %dma_start3A] : memref<16x128xi32, #tpu.memory_space<vmem>> -> memref<1x128xi32, #tpu.memory_space<vmem>>
        %dma_start3A_39 = tpu.memref_squeeze %dma_start3A_38 : memref<1x128xi32, #tpu.memory_space<vmem>> -> memref<128xi32, #tpu.memory_space<vmem>>
        %dma_start3A_40 = arith.constant 0 : i32
        %dma_start3A_41 = arith.constant 0 : i32
        %dma_start3A_42 = tpu.memref_slice %arg8[%dma_start3A_40, %dma_start3A_41] : memref<100352x8xf32, #tpu.memory_space<vmem_shared>> -> memref<100352x8xf32, #tpu.memory_space<vmem_shared>>
        tpu.enqueue_indirect_dma source(%arg7 : memref<128x8xf32, #tpu.memory_space<vmem>>) target(%dma_start3A_42 : memref<100352x8xf32, #tpu.memory_space<vmem_shared>>) offsets(%dma_start3A_39 : memref<128xi32, #tpu.memory_space<vmem>>) semaphore(%run_scoped3A_37 : memref<!tpu.dma_semaphore, #tpu.memory_space<semaphore_mem>>) {add = true}
        %dma_wait3A = arith.constant 0 : i32
        %dma_wait3A_43 = tpu.memref_slice %arg6[%run_scoped3A_24, %dma_wait3A] : memref<16x128xi32, #tpu.memory_space<vmem>> -> memref<1x128xi32, #tpu.memory_space<vmem>>
        %dma_wait3A_44 = tpu.memref_squeeze %dma_wait3A_43 : memref<1x128xi32, #tpu.memory_space<vmem>> -> memref<128xi32, #tpu.memory_space<vmem>>
        %dma_wait3A_45 = arith.constant 0 : i32
        %dma_wait3A_46 = arith.constant 0 : i32
        %dma_wait3A_47 = tpu.memref_slice %arg8[%dma_wait3A_45, %dma_wait3A_46] : memref<100352x8xf32, #tpu.memory_space<vmem_shared>> -> memref<100352x8xf32, #tpu.memory_space<vmem_shared>>
        tpu.wait_indirect_dma semaphore(%run_scoped3A_37 : memref<!tpu.dma_semaphore, #tpu.memory_space<semaphore_mem>>) src(%arg7 : memref<128x8xf32, #tpu.memory_space<vmem>>) dst(%dma_wait3A_47 : memref<100352x8xf32, #tpu.memory_space<vmem_shared>>)
        tpu.yield
      }) : () -> ()
      %run_scoped3A_25 = arith.constant 4 : i32
      "tpu.region"() ({
        %run_scoped3A_37 = tpu.sem_alloc : memref<!tpu.dma_semaphore, #tpu.memory_space<semaphore_mem>>
        %dma_start3A = arith.constant 0 : i32
        %dma_start3A_38 = tpu.memref_slice %arg6[%run_scoped3A_25, %dma_start3A] : memref<16x128xi32, #tpu.memory_space<vmem>> -> memref<1x128xi32, #tpu.memory_space<vmem>>
        %dma_start3A_39 = tpu.memref_squeeze %dma_start3A_38 : memref<1x128xi32, #tpu.memory_space<vmem>> -> memref<128xi32, #tpu.memory_space<vmem>>
        %dma_start3A_40 = arith.constant 0 : i32
        %dma_start3A_41 = arith.constant 0 : i32
        %dma_start3A_42 = tpu.memref_slice %arg8[%dma_start3A_40, %dma_start3A_41] : memref<100352x8xf32, #tpu.memory_space<vmem_shared>> -> memref<100352x8xf32, #tpu.memory_space<vmem_shared>>
        tpu.enqueue_indirect_dma source(%arg7 : memref<128x8xf32, #tpu.memory_space<vmem>>) target(%dma_start3A_42 : memref<100352x8xf32, #tpu.memory_space<vmem_shared>>) offsets(%dma_start3A_39 : memref<128xi32, #tpu.memory_space<vmem>>) semaphore(%run_scoped3A_37 : memref<!tpu.dma_semaphore, #tpu.memory_space<semaphore_mem>>) {add = true}
        %dma_wait3A = arith.constant 0 : i32
        %dma_wait3A_43 = tpu.memref_slice %arg6[%run_scoped3A_25, %dma_wait3A] : memref<16x128xi32, #tpu.memory_space<vmem>> -> memref<1x128xi32, #tpu.memory_space<vmem>>
        %dma_wait3A_44 = tpu.memref_squeeze %dma_wait3A_43 : memref<1x128xi32, #tpu.memory_space<vmem>> -> memref<128xi32, #tpu.memory_space<vmem>>
        %dma_wait3A_45 = arith.constant 0 : i32
        %dma_wait3A_46 = arith.constant 0 : i32
        %dma_wait3A_47 = tpu.memref_slice %arg8[%dma_wait3A_45, %dma_wait3A_46] : memref<100352x8xf32, #tpu.memory_space<vmem_shared>> -> memref<100352x8xf32, #tpu.memory_space<vmem_shared>>
        tpu.wait_indirect_dma semaphore(%run_scoped3A_37 : memref<!tpu.dma_semaphore, #tpu.memory_space<semaphore_mem>>) src(%arg7 : memref<128x8xf32, #tpu.memory_space<vmem>>) dst(%dma_wait3A_47 : memref<100352x8xf32, #tpu.memory_space<vmem_shared>>)
        tpu.yield
      }) : () -> ()
      %run_scoped3A_26 = arith.constant 5 : i32
      "tpu.region"() ({
        %run_scoped3A_37 = tpu.sem_alloc : memref<!tpu.dma_semaphore, #tpu.memory_space<semaphore_mem>>
        %dma_start3A = arith.constant 0 : i32
        %dma_start3A_38 = tpu.memref_slice %arg6[%run_scoped3A_26, %dma_start3A] : memref<16x128xi32, #tpu.memory_space<vmem>> -> memref<1x128xi32, #tpu.memory_space<vmem>>
        %dma_start3A_39 = tpu.memref_squeeze %dma_start3A_38 : memref<1x128xi32, #tpu.memory_space<vmem>> -> memref<128xi32, #tpu.memory_space<vmem>>
        %dma_start3A_40 = arith.constant 0 : i32
        %dma_start3A_41 = arith.constant 0 : i32
        %dma_start3A_42 = tpu.memref_slice %arg8[%dma_start3A_40, %dma_start3A_41] : memref<100352x8xf32, #tpu.memory_space<vmem_shared>> -> memref<100352x8xf32, #tpu.memory_space<vmem_shared>>
        tpu.enqueue_indirect_dma source(%arg7 : memref<128x8xf32, #tpu.memory_space<vmem>>) target(%dma_start3A_42 : memref<100352x8xf32, #tpu.memory_space<vmem_shared>>) offsets(%dma_start3A_39 : memref<128xi32, #tpu.memory_space<vmem>>) semaphore(%run_scoped3A_37 : memref<!tpu.dma_semaphore, #tpu.memory_space<semaphore_mem>>) {add = true}
        %dma_wait3A = arith.constant 0 : i32
        %dma_wait3A_43 = tpu.memref_slice %arg6[%run_scoped3A_26, %dma_wait3A] : memref<16x128xi32, #tpu.memory_space<vmem>> -> memref<1x128xi32, #tpu.memory_space<vmem>>
        %dma_wait3A_44 = tpu.memref_squeeze %dma_wait3A_43 : memref<1x128xi32, #tpu.memory_space<vmem>> -> memref<128xi32, #tpu.memory_space<vmem>>
        %dma_wait3A_45 = arith.constant 0 : i32
        %dma_wait3A_46 = arith.constant 0 : i32
        %dma_wait3A_47 = tpu.memref_slice %arg8[%dma_wait3A_45, %dma_wait3A_46] : memref<100352x8xf32, #tpu.memory_space<vmem_shared>> -> memref<100352x8xf32, #tpu.memory_space<vmem_shared>>
        tpu.wait_indirect_dma semaphore(%run_scoped3A_37 : memref<!tpu.dma_semaphore, #tpu.memory_space<semaphore_mem>>) src(%arg7 : memref<128x8xf32, #tpu.memory_space<vmem>>) dst(%dma_wait3A_47 : memref<100352x8xf32, #tpu.memory_space<vmem_shared>>)
        tpu.yield
      }) : () -> ()
      %run_scoped3A_27 = arith.constant 6 : i32
      "tpu.region"() ({
        %run_scoped3A_37 = tpu.sem_alloc : memref<!tpu.dma_semaphore, #tpu.memory_space<semaphore_mem>>
        %dma_start3A = arith.constant 0 : i32
        %dma_start3A_38 = tpu.memref_slice %arg6[%run_scoped3A_27, %dma_start3A] : memref<16x128xi32, #tpu.memory_space<vmem>> -> memref<1x128xi32, #tpu.memory_space<vmem>>
        %dma_start3A_39 = tpu.memref_squeeze %dma_start3A_38 : memref<1x128xi32, #tpu.memory_space<vmem>> -> memref<128xi32, #tpu.memory_space<vmem>>
        %dma_start3A_40 = arith.constant 0 : i32
        %dma_start3A_41 = arith.constant 0 : i32
        %dma_start3A_42 = tpu.memref_slice %arg8[%dma_start3A_40, %dma_start3A_41] : memref<100352x8xf32, #tpu.memory_space<vmem_shared>> -> memref<100352x8xf32, #tpu.memory_space<vmem_shared>>
        tpu.enqueue_indirect_dma source(%arg7 : memref<128x8xf32, #tpu.memory_space<vmem>>) target(%dma_start3A_42 : memref<100352x8xf32, #tpu.memory_space<vmem_shared>>) offsets(%dma_start3A_39 : memref<128xi32, #tpu.memory_space<vmem>>) semaphore(%run_scoped3A_37 : memref<!tpu.dma_semaphore, #tpu.memory_space<semaphore_mem>>) {add = true}
        %dma_wait3A = arith.constant 0 : i32
        %dma_wait3A_43 = tpu.memref_slice %arg6[%run_scoped3A_27, %dma_wait3A] : memref<16x128xi32, #tpu.memory_space<vmem>> -> memref<1x128xi32, #tpu.memory_space<vmem>>
        %dma_wait3A_44 = tpu.memref_squeeze %dma_wait3A_43 : memref<1x128xi32, #tpu.memory_space<vmem>> -> memref<128xi32, #tpu.memory_space<vmem>>
        %dma_wait3A_45 = arith.constant 0 : i32
        %dma_wait3A_46 = arith.constant 0 : i32
        %dma_wait3A_47 = tpu.memref_slice %arg8[%dma_wait3A_45, %dma_wait3A_46] : memref<100352x8xf32, #tpu.memory_space<vmem_shared>> -> memref<100352x8xf32, #tpu.memory_space<vmem_shared>>
        tpu.wait_indirect_dma semaphore(%run_scoped3A_37 : memref<!tpu.dma_semaphore, #tpu.memory_space<semaphore_mem>>) src(%arg7 : memref<128x8xf32, #tpu.memory_space<vmem>>) dst(%dma_wait3A_47 : memref<100352x8xf32, #tpu.memory_space<vmem_shared>>)
        tpu.yield
      }) : () -> ()
      %run_scoped3A_28 = arith.constant 7 : i32
      "tpu.region"() ({
        %run_scoped3A_37 = tpu.sem_alloc : memref<!tpu.dma_semaphore, #tpu.memory_space<semaphore_mem>>
        %dma_start3A = arith.constant 0 : i32
        %dma_start3A_38 = tpu.memref_slice %arg6[%run_scoped3A_28, %dma_start3A] : memref<16x128xi32, #tpu.memory_space<vmem>> -> memref<1x128xi32, #tpu.memory_space<vmem>>
        %dma_start3A_39 = tpu.memref_squeeze %dma_start3A_38 : memref<1x128xi32, #tpu.memory_space<vmem>> -> memref<128xi32, #tpu.memory_space<vmem>>
        %dma_start3A_40 = arith.constant 0 : i32
        %dma_start3A_41 = arith.constant 0 : i32
        %dma_start3A_42 = tpu.memref_slice %arg8[%dma_start3A_40, %dma_start3A_41] : memref<100352x8xf32, #tpu.memory_space<vmem_shared>> -> memref<100352x8xf32, #tpu.memory_space<vmem_shared>>
        tpu.enqueue_indirect_dma source(%arg7 : memref<128x8xf32, #tpu.memory_space<vmem>>) target(%dma_start3A_42 : memref<100352x8xf32, #tpu.memory_space<vmem_shared>>) offsets(%dma_start3A_39 : memref<128xi32, #tpu.memory_space<vmem>>) semaphore(%run_scoped3A_37 : memref<!tpu.dma_semaphore, #tpu.memory_space<semaphore_mem>>) {add = true}
        %dma_wait3A = arith.constant 0 : i32
        %dma_wait3A_43 = tpu.memref_slice %arg6[%run_scoped3A_28, %dma_wait3A] : memref<16x128xi32, #tpu.memory_space<vmem>> -> memref<1x128xi32, #tpu.memory_space<vmem>>
        %dma_wait3A_44 = tpu.memref_squeeze %dma_wait3A_43 : memref<1x128xi32, #tpu.memory_space<vmem>> -> memref<128xi32, #tpu.memory_space<vmem>>
        %dma_wait3A_45 = arith.constant 0 : i32
        %dma_wait3A_46 = arith.constant 0 : i32
        %dma_wait3A_47 = tpu.memref_slice %arg8[%dma_wait3A_45, %dma_wait3A_46] : memref<100352x8xf32, #tpu.memory_space<vmem_shared>> -> memref<100352x8xf32, #tpu.memory_space<vmem_shared>>
        tpu.wait_indirect_dma semaphore(%run_scoped3A_37 : memref<!tpu.dma_semaphore, #tpu.memory_space<semaphore_mem>>) src(%arg7 : memref<128x8xf32, #tpu.memory_space<vmem>>) dst(%dma_wait3A_47 : memref<100352x8xf32, #tpu.memory_space<vmem_shared>>)
        tpu.yield
      }) : () -> ()
      %run_scoped3A_29 = arith.constant 8 : i32
      "tpu.region"() ({
        %run_scoped3A_37 = tpu.sem_alloc : memref<!tpu.dma_semaphore, #tpu.memory_space<semaphore_mem>>
        %dma_start3A = arith.constant 0 : i32
        %dma_start3A_38 = tpu.memref_slice %arg6[%run_scoped3A_29, %dma_start3A] : memref<16x128xi32, #tpu.memory_space<vmem>> -> memref<1x128xi32, #tpu.memory_space<vmem>>
        %dma_start3A_39 = tpu.memref_squeeze %dma_start3A_38 : memref<1x128xi32, #tpu.memory_space<vmem>> -> memref<128xi32, #tpu.memory_space<vmem>>
        %dma_start3A_40 = arith.constant 0 : i32
        %dma_start3A_41 = arith.constant 0 : i32
        %dma_start3A_42 = tpu.memref_slice %arg8[%dma_start3A_40, %dma_start3A_41] : memref<100352x8xf32, #tpu.memory_space<vmem_shared>> -> memref<100352x8xf32, #tpu.memory_space<vmem_shared>>
        tpu.enqueue_indirect_dma source(%arg7 : memref<128x8xf32, #tpu.memory_space<vmem>>) target(%dma_start3A_42 : memref<100352x8xf32, #tpu.memory_space<vmem_shared>>) offsets(%dma_start3A_39 : memref<128xi32, #tpu.memory_space<vmem>>) semaphore(%run_scoped3A_37 : memref<!tpu.dma_semaphore, #tpu.memory_space<semaphore_mem>>) {add = true}
        %dma_wait3A = arith.constant 0 : i32
        %dma_wait3A_43 = tpu.memref_slice %arg6[%run_scoped3A_29, %dma_wait3A] : memref<16x128xi32, #tpu.memory_space<vmem>> -> memref<1x128xi32, #tpu.memory_space<vmem>>
        %dma_wait3A_44 = tpu.memref_squeeze %dma_wait3A_43 : memref<1x128xi32, #tpu.memory_space<vmem>> -> memref<128xi32, #tpu.memory_space<vmem>>
        %dma_wait3A_45 = arith.constant 0 : i32
        %dma_wait3A_46 = arith.constant 0 : i32
        %dma_wait3A_47 = tpu.memref_slice %arg8[%dma_wait3A_45, %dma_wait3A_46] : memref<100352x8xf32, #tpu.memory_space<vmem_shared>> -> memref<100352x8xf32, #tpu.memory_space<vmem_shared>>
        tpu.wait_indirect_dma semaphore(%run_scoped3A_37 : memref<!tpu.dma_semaphore, #tpu.memory_space<semaphore_mem>>) src(%arg7 : memref<128x8xf32, #tpu.memory_space<vmem>>) dst(%dma_wait3A_47 : memref<100352x8xf32, #tpu.memory_space<vmem_shared>>)
        tpu.yield
      }) : () -> ()
      %run_scoped3A_30 = arith.constant 9 : i32
      "tpu.region"() ({
        %run_scoped3A_37 = tpu.sem_alloc : memref<!tpu.dma_semaphore, #tpu.memory_space<semaphore_mem>>
        %dma_start3A = arith.constant 0 : i32
        %dma_start3A_38 = tpu.memref_slice %arg6[%run_scoped3A_30, %dma_start3A] : memref<16x128xi32, #tpu.memory_space<vmem>> -> memref<1x128xi32, #tpu.memory_space<vmem>>
        %dma_start3A_39 = tpu.memref_squeeze %dma_start3A_38 : memref<1x128xi32, #tpu.memory_space<vmem>> -> memref<128xi32, #tpu.memory_space<vmem>>
        %dma_start3A_40 = arith.constant 0 : i32
        %dma_start3A_41 = arith.constant 0 : i32
        %dma_start3A_42 = tpu.memref_slice %arg8[%dma_start3A_40, %dma_start3A_41] : memref<100352x8xf32, #tpu.memory_space<vmem_shared>> -> memref<100352x8xf32, #tpu.memory_space<vmem_shared>>
        tpu.enqueue_indirect_dma source(%arg7 : memref<128x8xf32, #tpu.memory_space<vmem>>) target(%dma_start3A_42 : memref<100352x8xf32, #tpu.memory_space<vmem_shared>>) offsets(%dma_start3A_39 : memref<128xi32, #tpu.memory_space<vmem>>) semaphore(%run_scoped3A_37 : memref<!tpu.dma_semaphore, #tpu.memory_space<semaphore_mem>>) {add = true}
        %dma_wait3A = arith.constant 0 : i32
        %dma_wait3A_43 = tpu.memref_slice %arg6[%run_scoped3A_30, %dma_wait3A] : memref<16x128xi32, #tpu.memory_space<vmem>> -> memref<1x128xi32, #tpu.memory_space<vmem>>
        %dma_wait3A_44 = tpu.memref_squeeze %dma_wait3A_43 : memref<1x128xi32, #tpu.memory_space<vmem>> -> memref<128xi32, #tpu.memory_space<vmem>>
        %dma_wait3A_45 = arith.constant 0 : i32
        %dma_wait3A_46 = arith.constant 0 : i32
        %dma_wait3A_47 = tpu.memref_slice %arg8[%dma_wait3A_45, %dma_wait3A_46] : memref<100352x8xf32, #tpu.memory_space<vmem_shared>> -> memref<100352x8xf32, #tpu.memory_space<vmem_shared>>
        tpu.wait_indirect_dma semaphore(%run_scoped3A_37 : memref<!tpu.dma_semaphore, #tpu.memory_space<semaphore_mem>>) src(%arg7 : memref<128x8xf32, #tpu.memory_space<vmem>>) dst(%dma_wait3A_47 : memref<100352x8xf32, #tpu.memory_space<vmem_shared>>)
        tpu.yield
      }) : () -> ()
      %run_scoped3A_31 = arith.constant 10 : i32
      "tpu.region"() ({
        %run_scoped3A_37 = tpu.sem_alloc : memref<!tpu.dma_semaphore, #tpu.memory_space<semaphore_mem>>
        %dma_start3A = arith.constant 0 : i32
        %dma_start3A_38 = tpu.memref_slice %arg6[%run_scoped3A_31, %dma_start3A] : memref<16x128xi32, #tpu.memory_space<vmem>> -> memref<1x128xi32, #tpu.memory_space<vmem>>
        %dma_start3A_39 = tpu.memref_squeeze %dma_start3A_38 : memref<1x128xi32, #tpu.memory_space<vmem>> -> memref<128xi32, #tpu.memory_space<vmem>>
        %dma_start3A_40 = arith.constant 0 : i32
        %dma_start3A_41 = arith.constant 0 : i32
        %dma_start3A_42 = tpu.memref_slice %arg8[%dma_start3A_40, %dma_start3A_41] : memref<100352x8xf32, #tpu.memory_space<vmem_shared>> -> memref<100352x8xf32, #tpu.memory_space<vmem_shared>>
        tpu.enqueue_indirect_dma source(%arg7 : memref<128x8xf32, #tpu.memory_space<vmem>>) target(%dma_start3A_42 : memref<100352x8xf32, #tpu.memory_space<vmem_shared>>) offsets(%dma_start3A_39 : memref<128xi32, #tpu.memory_space<vmem>>) semaphore(%run_scoped3A_37 : memref<!tpu.dma_semaphore, #tpu.memory_space<semaphore_mem>>) {add = true}
        %dma_wait3A = arith.constant 0 : i32
        %dma_wait3A_43 = tpu.memref_slice %arg6[%run_scoped3A_31, %dma_wait3A] : memref<16x128xi32, #tpu.memory_space<vmem>> -> memref<1x128xi32, #tpu.memory_space<vmem>>
        %dma_wait3A_44 = tpu.memref_squeeze %dma_wait3A_43 : memref<1x128xi32, #tpu.memory_space<vmem>> -> memref<128xi32, #tpu.memory_space<vmem>>
        %dma_wait3A_45 = arith.constant 0 : i32
        %dma_wait3A_46 = arith.constant 0 : i32
        %dma_wait3A_47 = tpu.memref_slice %arg8[%dma_wait3A_45, %dma_wait3A_46] : memref<100352x8xf32, #tpu.memory_space<vmem_shared>> -> memref<100352x8xf32, #tpu.memory_space<vmem_shared>>
        tpu.wait_indirect_dma semaphore(%run_scoped3A_37 : memref<!tpu.dma_semaphore, #tpu.memory_space<semaphore_mem>>) src(%arg7 : memref<128x8xf32, #tpu.memory_space<vmem>>) dst(%dma_wait3A_47 : memref<100352x8xf32, #tpu.memory_space<vmem_shared>>)
        tpu.yield
      }) : () -> ()
      %run_scoped3A_32 = arith.constant 11 : i32
      "tpu.region"() ({
        %run_scoped3A_37 = tpu.sem_alloc : memref<!tpu.dma_semaphore, #tpu.memory_space<semaphore_mem>>
        %dma_start3A = arith.constant 0 : i32
        %dma_start3A_38 = tpu.memref_slice %arg6[%run_scoped3A_32, %dma_start3A] : memref<16x128xi32, #tpu.memory_space<vmem>> -> memref<1x128xi32, #tpu.memory_space<vmem>>
        %dma_start3A_39 = tpu.memref_squeeze %dma_start3A_38 : memref<1x128xi32, #tpu.memory_space<vmem>> -> memref<128xi32, #tpu.memory_space<vmem>>
        %dma_start3A_40 = arith.constant 0 : i32
        %dma_start3A_41 = arith.constant 0 : i32
        %dma_start3A_42 = tpu.memref_slice %arg8[%dma_start3A_40, %dma_start3A_41] : memref<100352x8xf32, #tpu.memory_space<vmem_shared>> -> memref<100352x8xf32, #tpu.memory_space<vmem_shared>>
        tpu.enqueue_indirect_dma source(%arg7 : memref<128x8xf32, #tpu.memory_space<vmem>>) target(%dma_start3A_42 : memref<100352x8xf32, #tpu.memory_space<vmem_shared>>) offsets(%dma_start3A_39 : memref<128xi32, #tpu.memory_space<vmem>>) semaphore(%run_scoped3A_37 : memref<!tpu.dma_semaphore, #tpu.memory_space<semaphore_mem>>) {add = true}
        %dma_wait3A = arith.constant 0 : i32
        %dma_wait3A_43 = tpu.memref_slice %arg6[%run_scoped3A_32, %dma_wait3A] : memref<16x128xi32, #tpu.memory_space<vmem>> -> memref<1x128xi32, #tpu.memory_space<vmem>>
        %dma_wait3A_44 = tpu.memref_squeeze %dma_wait3A_43 : memref<1x128xi32, #tpu.memory_space<vmem>> -> memref<128xi32, #tpu.memory_space<vmem>>
        %dma_wait3A_45 = arith.constant 0 : i32
        %dma_wait3A_46 = arith.constant 0 : i32
        %dma_wait3A_47 = tpu.memref_slice %arg8[%dma_wait3A_45, %dma_wait3A_46] : memref<100352x8xf32, #tpu.memory_space<vmem_shared>> -> memref<100352x8xf32, #tpu.memory_space<vmem_shared>>
        tpu.wait_indirect_dma semaphore(%run_scoped3A_37 : memref<!tpu.dma_semaphore, #tpu.memory_space<semaphore_mem>>) src(%arg7 : memref<128x8xf32, #tpu.memory_space<vmem>>) dst(%dma_wait3A_47 : memref<100352x8xf32, #tpu.memory_space<vmem_shared>>)
        tpu.yield
      }) : () -> ()
      %run_scoped3A_33 = arith.constant 12 : i32
      "tpu.region"() ({
        %run_scoped3A_37 = tpu.sem_alloc : memref<!tpu.dma_semaphore, #tpu.memory_space<semaphore_mem>>
        %dma_start3A = arith.constant 0 : i32
        %dma_start3A_38 = tpu.memref_slice %arg6[%run_scoped3A_33, %dma_start3A] : memref<16x128xi32, #tpu.memory_space<vmem>> -> memref<1x128xi32, #tpu.memory_space<vmem>>
        %dma_start3A_39 = tpu.memref_squeeze %dma_start3A_38 : memref<1x128xi32, #tpu.memory_space<vmem>> -> memref<128xi32, #tpu.memory_space<vmem>>
        %dma_start3A_40 = arith.constant 0 : i32
        %dma_start3A_41 = arith.constant 0 : i32
        %dma_start3A_42 = tpu.memref_slice %arg8[%dma_start3A_40, %dma_start3A_41] : memref<100352x8xf32, #tpu.memory_space<vmem_shared>> -> memref<100352x8xf32, #tpu.memory_space<vmem_shared>>
        tpu.enqueue_indirect_dma source(%arg7 : memref<128x8xf32, #tpu.memory_space<vmem>>) target(%dma_start3A_42 : memref<100352x8xf32, #tpu.memory_space<vmem_shared>>) offsets(%dma_start3A_39 : memref<128xi32, #tpu.memory_space<vmem>>) semaphore(%run_scoped3A_37 : memref<!tpu.dma_semaphore, #tpu.memory_space<semaphore_mem>>) {add = true}
        %dma_wait3A = arith.constant 0 : i32
        %dma_wait3A_43 = tpu.memref_slice %arg6[%run_scoped3A_33, %dma_wait3A] : memref<16x128xi32, #tpu.memory_space<vmem>> -> memref<1x128xi32, #tpu.memory_space<vmem>>
        %dma_wait3A_44 = tpu.memref_squeeze %dma_wait3A_43 : memref<1x128xi32, #tpu.memory_space<vmem>> -> memref<128xi32, #tpu.memory_space<vmem>>
        %dma_wait3A_45 = arith.constant 0 : i32
        %dma_wait3A_46 = arith.constant 0 : i32
        %dma_wait3A_47 = tpu.memref_slice %arg8[%dma_wait3A_45, %dma_wait3A_46] : memref<100352x8xf32, #tpu.memory_space<vmem_shared>> -> memref<100352x8xf32, #tpu.memory_space<vmem_shared>>
        tpu.wait_indirect_dma semaphore(%run_scoped3A_37 : memref<!tpu.dma_semaphore, #tpu.memory_space<semaphore_mem>>) src(%arg7 : memref<128x8xf32, #tpu.memory_space<vmem>>) dst(%dma_wait3A_47 : memref<100352x8xf32, #tpu.memory_space<vmem_shared>>)
        tpu.yield
      }) : () -> ()
      %run_scoped3A_34 = arith.constant 13 : i32
      "tpu.region"() ({
        %run_scoped3A_37 = tpu.sem_alloc : memref<!tpu.dma_semaphore, #tpu.memory_space<semaphore_mem>>
        %dma_start3A = arith.constant 0 : i32
        %dma_start3A_38 = tpu.memref_slice %arg6[%run_scoped3A_34, %dma_start3A] : memref<16x128xi32, #tpu.memory_space<vmem>> -> memref<1x128xi32, #tpu.memory_space<vmem>>
        %dma_start3A_39 = tpu.memref_squeeze %dma_start3A_38 : memref<1x128xi32, #tpu.memory_space<vmem>> -> memref<128xi32, #tpu.memory_space<vmem>>
        %dma_start3A_40 = arith.constant 0 : i32
        %dma_start3A_41 = arith.constant 0 : i32
        %dma_start3A_42 = tpu.memref_slice %arg8[%dma_start3A_40, %dma_start3A_41] : memref<100352x8xf32, #tpu.memory_space<vmem_shared>> -> memref<100352x8xf32, #tpu.memory_space<vmem_shared>>
        tpu.enqueue_indirect_dma source(%arg7 : memref<128x8xf32, #tpu.memory_space<vmem>>) target(%dma_start3A_42 : memref<100352x8xf32, #tpu.memory_space<vmem_shared>>) offsets(%dma_start3A_39 : memref<128xi32, #tpu.memory_space<vmem>>) semaphore(%run_scoped3A_37 : memref<!tpu.dma_semaphore, #tpu.memory_space<semaphore_mem>>) {add = true}
        %dma_wait3A = arith.constant 0 : i32
        %dma_wait3A_43 = tpu.memref_slice %arg6[%run_scoped3A_34, %dma_wait3A] : memref<16x128xi32, #tpu.memory_space<vmem>> -> memref<1x128xi32, #tpu.memory_space<vmem>>
        %dma_wait3A_44 = tpu.memref_squeeze %dma_wait3A_43 : memref<1x128xi32, #tpu.memory_space<vmem>> -> memref<128xi32, #tpu.memory_space<vmem>>
        %dma_wait3A_45 = arith.constant 0 : i32
        %dma_wait3A_46 = arith.constant 0 : i32
        %dma_wait3A_47 = tpu.memref_slice %arg8[%dma_wait3A_45, %dma_wait3A_46] : memref<100352x8xf32, #tpu.memory_space<vmem_shared>> -> memref<100352x8xf32, #tpu.memory_space<vmem_shared>>
        tpu.wait_indirect_dma semaphore(%run_scoped3A_37 : memref<!tpu.dma_semaphore, #tpu.memory_space<semaphore_mem>>) src(%arg7 : memref<128x8xf32, #tpu.memory_space<vmem>>) dst(%dma_wait3A_47 : memref<100352x8xf32, #tpu.memory_space<vmem_shared>>)
        tpu.yield
      }) : () -> ()
      %run_scoped3A_35 = arith.constant 14 : i32
      "tpu.region"() ({
        %run_scoped3A_37 = tpu.sem_alloc : memref<!tpu.dma_semaphore, #tpu.memory_space<semaphore_mem>>
        %dma_start3A = arith.constant 0 : i32
        %dma_start3A_38 = tpu.memref_slice %arg6[%run_scoped3A_35, %dma_start3A] : memref<16x128xi32, #tpu.memory_space<vmem>> -> memref<1x128xi32, #tpu.memory_space<vmem>>
        %dma_start3A_39 = tpu.memref_squeeze %dma_start3A_38 : memref<1x128xi32, #tpu.memory_space<vmem>> -> memref<128xi32, #tpu.memory_space<vmem>>
        %dma_start3A_40 = arith.constant 0 : i32
        %dma_start3A_41 = arith.constant 0 : i32
        %dma_start3A_42 = tpu.memref_slice %arg8[%dma_start3A_40, %dma_start3A_41] : memref<100352x8xf32, #tpu.memory_space<vmem_shared>> -> memref<100352x8xf32, #tpu.memory_space<vmem_shared>>
        tpu.enqueue_indirect_dma source(%arg7 : memref<128x8xf32, #tpu.memory_space<vmem>>) target(%dma_start3A_42 : memref<100352x8xf32, #tpu.memory_space<vmem_shared>>) offsets(%dma_start3A_39 : memref<128xi32, #tpu.memory_space<vmem>>) semaphore(%run_scoped3A_37 : memref<!tpu.dma_semaphore, #tpu.memory_space<semaphore_mem>>) {add = true}
        %dma_wait3A = arith.constant 0 : i32
        %dma_wait3A_43 = tpu.memref_slice %arg6[%run_scoped3A_35, %dma_wait3A] : memref<16x128xi32, #tpu.memory_space<vmem>> -> memref<1x128xi32, #tpu.memory_space<vmem>>
        %dma_wait3A_44 = tpu.memref_squeeze %dma_wait3A_43 : memref<1x128xi32, #tpu.memory_space<vmem>> -> memref<128xi32, #tpu.memory_space<vmem>>
        %dma_wait3A_45 = arith.constant 0 : i32
        %dma_wait3A_46 = arith.constant 0 : i32
        %dma_wait3A_47 = tpu.memref_slice %arg8[%dma_wait3A_45, %dma_wait3A_46] : memref<100352x8xf32, #tpu.memory_space<vmem_shared>> -> memref<100352x8xf32, #tpu.memory_space<vmem_shared>>
        tpu.wait_indirect_dma semaphore(%run_scoped3A_37 : memref<!tpu.dma_semaphore, #tpu.memory_space<semaphore_mem>>) src(%arg7 : memref<128x8xf32, #tpu.memory_space<vmem>>) dst(%dma_wait3A_47 : memref<100352x8xf32, #tpu.memory_space<vmem_shared>>)
        tpu.yield
      }) : () -> ()
      %run_scoped3A_36 = arith.constant 15 : i32
      "tpu.region"() ({
        %run_scoped3A_37 = tpu.sem_alloc : memref<!tpu.dma_semaphore, #tpu.memory_space<semaphore_mem>>
        %dma_start3A = arith.constant 0 : i32
        %dma_start3A_38 = tpu.memref_slice %arg6[%run_scoped3A_36, %dma_start3A] : memref<16x128xi32, #tpu.memory_space<vmem>> -> memref<1x128xi32, #tpu.memory_space<vmem>>
        %dma_start3A_39 = tpu.memref_squeeze %dma_start3A_38 : memref<1x128xi32, #tpu.memory_space<vmem>> -> memref<128xi32, #tpu.memory_space<vmem>>
        %dma_start3A_40 = arith.constant 0 : i32
        %dma_start3A_41 = arith.constant 0 : i32
        %dma_start3A_42 = tpu.memref_slice %arg8[%dma_start3A_40, %dma_start3A_41] : memref<100352x8xf32, #tpu.memory_space<vmem_shared>> -> memref<100352x8xf32, #tpu.memory_space<vmem_shared>>
        tpu.enqueue_indirect_dma source(%arg7 : memref<128x8xf32, #tpu.memory_space<vmem>>) target(%dma_start3A_42 : memref<100352x8xf32, #tpu.memory_space<vmem_shared>>) offsets(%dma_start3A_39 : memref<128xi32, #tpu.memory_space<vmem>>) semaphore(%run_scoped3A_37 : memref<!tpu.dma_semaphore, #tpu.memory_space<semaphore_mem>>) {add = true}
        %dma_wait3A = arith.constant 0 : i32
        %dma_wait3A_43 = tpu.memref_slice %arg6[%run_scoped3A_36, %dma_wait3A] : memref<16x128xi32, #tpu.memory_space<vmem>> -> memref<1x128xi32, #tpu.memory_space<vmem>>
        %dma_wait3A_44 = tpu.memref_squeeze %dma_wait3A_43 : memref<1x128xi32, #tpu.memory_space<vmem>> -> memref<128xi32, #tpu.memory_space<vmem>>
        %dma_wait3A_45 = arith.constant 0 : i32
        %dma_wait3A_46 = arith.constant 0 : i32
        %dma_wait3A_47 = tpu.memref_slice %arg8[%dma_wait3A_45, %dma_wait3A_46] : memref<100352x8xf32, #tpu.memory_space<vmem_shared>> -> memref<100352x8xf32, #tpu.memory_space<vmem_shared>>
        tpu.wait_indirect_dma semaphore(%run_scoped3A_37 : memref<!tpu.dma_semaphore, #tpu.memory_space<semaphore_mem>>) src(%arg7 : memref<128x8xf32, #tpu.memory_space<vmem>>) dst(%dma_wait3A_47 : memref<100352x8xf32, #tpu.memory_space<vmem_shared>>)
        tpu.yield
      }) : () -> ()
    }
    %scan3A_9 = arith.constant 98 : i32
    %barrier3A_10 = arith.constant 0 : index
    tpu.barrier barrier_id(%barrier3A_10)
    %mul3A_11 = arith.constant 6272 : i32
    %mul3A_12 = arith.muli %arg1, %mul3A_11 : i32
    %mul3A_13 = arith.constant 100352 : i32
    %mul3A_14 = arith.muli %arg0, %mul3A_13 : i32
    %mul3A_15 = arith.constant 6272 : i32
    %mul3A_16 = arith.muli %arg1, %mul3A_15 : i32
    %add3A_17 = arith.addi %mul3A_14, %mul3A_16 : i32
    "tpu.region"() ({
      %run_scoped3A = tpu.sem_alloc : memref<!tpu.dma_semaphore, #tpu.memory_space<semaphore_mem>>
      %dma_start3A = arith.constant 0 : i32
      %dma_start3A_18 = tpu.memref_slice %arg5[%add3A_17, %dma_start3A] : memref<200704x8xf32, #tpu.memory_space<hbm>> -> memref<6272x8xf32, #tpu.memory_space<hbm>>
      %dma_start3A_19 = arith.constant 0 : i32
      %dma_start3A_20 = tpu.memref_slice %arg8[%mul3A_12, %dma_start3A_19] : memref<100352x8xf32, #tpu.memory_space<vmem_shared>> -> memref<6272x8xf32, #tpu.memory_space<vmem_shared>>
      tpu.enqueue_dma source(%dma_start3A_20 : memref<6272x8xf32, #tpu.memory_space<vmem_shared>>) target(%dma_start3A_18 : memref<6272x8xf32, #tpu.memory_space<hbm>>) target_semaphore(%run_scoped3A : memref<!tpu.dma_semaphore, #tpu.memory_space<semaphore_mem>>)
      %dma_wait3A = arith.constant 0 : i32
      %dma_wait3A_21 = tpu.memref_slice %arg5[%add3A_17, %dma_wait3A] : memref<200704x8xf32, #tpu.memory_space<hbm>> -> memref<6272x8xf32, #tpu.memory_space<hbm>>
      %dma_wait3A_22 = arith.constant 0 : i32
      %dma_wait3A_23 = tpu.memref_slice %arg8[%mul3A_12, %dma_wait3A_22] : memref<100352x8xf32, #tpu.memory_space<vmem_shared>> -> memref<6272x8xf32, #tpu.memory_space<vmem_shared>>
      tpu.wait_dma2 semaphore(%run_scoped3A : memref<!tpu.dma_semaphore, #tpu.memory_space<semaphore_mem>>) src(%dma_wait3A_23 : memref<6272x8xf32, #tpu.memory_space<vmem_shared>>) dst(%dma_wait3A_21 : memref<6272x8xf32, #tpu.memory_space<hbm>>)
      tpu.yield
    }) : () -> ()
    return
  }
}

#map = affine_map<(d0, d1) -> (0, 0)>
#map1 = affine_map<(d0, d1) -> (0)>
module attributes {stable_mosaic.version = 14 : i64} {
  func.func @_sc_segsum_body(%arg0: i32, %arg1: i32, %arg2: memref<200704x16xf32, #tpu.memory_space<hbm>>, %arg3: memref<12845056xi32, #tpu.memory_space<hbm>>, %arg4: memref<6422528xi32, #tpu.memory_space<hbm>>, %arg5: memref<6272x16xf32, #tpu.memory_space<hbm>>, %arg6: memref<200704x16xf32, #tpu.memory_space<hbm>>, %arg7: memref<2048xi32, #tpu.memory_space<vmem>>, %arg8: memref<2048xi32, #tpu.memory_space<vmem>>, %arg9: memref<2048xi32, #tpu.memory_space<vmem>>, %arg10: memref<2048xi32, #tpu.memory_space<vmem>>, %arg11: memref<512x16xf32, #tpu.memory_space<vmem>>, %arg12: memref<512x16xf32, #tpu.memory_space<vmem>>, %arg13: memref<100352x16xf32, #tpu.memory_space<vmem_shared>>, %arg14: memref<!tpu.dma_semaphore, #tpu.memory_space<semaphore_mem>>, %arg15: memref<!tpu.dma_semaphore, #tpu.memory_space<semaphore_mem>>, %arg16: memref<!tpu.dma_semaphore, #tpu.memory_space<semaphore_mem>>, %arg17: memref<!tpu.dma_semaphore, #tpu.memory_space<semaphore_mem>>) attributes {dimension_semantics = [#tpu.dimension_semantics<core_parallel>, #tpu.dimension_semantics<subcore_parallel>], iteration_bounds = array<i64: 2, 16>, scalar_prefetch = 0 : i64, scratch_operands = 11 : i64, tpu.core_type = #tpu.core_type<sc_vector_subcore>, window_params = [{transform_indices = #map}, {transform_indices = #map1}, {transform_indices = #map1}, {transform_indices = #map}, {transform_indices = #map}]} {
    %mul3A = arith.constant 6272 : i32
    %mul3A_0 = arith.muli %arg1, %mul3A : i32
    "tpu.region"() ({
      %run_scoped3A = tpu.sem_alloc : memref<!tpu.dma_semaphore, #tpu.memory_space<semaphore_mem>>
      %dma_start3A = arith.constant 0 : i32
      %dma_start3A_24 = tpu.memref_slice %arg13[%mul3A_0, %dma_start3A] : memref<100352x16xf32, #tpu.memory_space<vmem_shared>> -> memref<6272x16xf32, #tpu.memory_space<vmem_shared>>
      tpu.enqueue_dma source(%arg5 : memref<6272x16xf32, #tpu.memory_space<hbm>>) target(%dma_start3A_24 : memref<6272x16xf32, #tpu.memory_space<vmem_shared>>) target_semaphore(%run_scoped3A : memref<!tpu.dma_semaphore, #tpu.memory_space<semaphore_mem>>)
      %dma_wait3A = arith.constant 0 : i32
      %dma_wait3A_25 = tpu.memref_slice %arg13[%mul3A_0, %dma_wait3A] : memref<100352x16xf32, #tpu.memory_space<vmem_shared>> -> memref<6272x16xf32, #tpu.memory_space<vmem_shared>>
      tpu.wait_dma2 semaphore(%run_scoped3A : memref<!tpu.dma_semaphore, #tpu.memory_space<semaphore_mem>>) src(%arg5 : memref<6272x16xf32, #tpu.memory_space<hbm>>) dst(%dma_wait3A_25 : memref<6272x16xf32, #tpu.memory_space<vmem_shared>>)
      tpu.yield
    }) : () -> ()
    %barrier3A = arith.constant 0 : index
    tpu.barrier barrier_id(%barrier3A)
    %mul3A_1 = arith.constant 50176 : i32
    %mul3A_2 = arith.muli %arg0, %mul3A_1 : i32
    %mul3A_3 = arith.constant 3136 : i32
    %mul3A_4 = arith.muli %arg1, %mul3A_3 : i32
    %add3A = arith.addi %mul3A_2, %mul3A_4 : i32
    %mul3A_5 = arith.constant 128 : i32
    %mul3A_6 = arith.muli %add3A, %mul3A_5 : i32
    %mul3A_7 = arith.constant 3136 : i32
    %mul3A_8 = arith.muli %arg1, %mul3A_7 : i32
    %mul3A_9 = arith.constant 128 : i32
    %mul3A_10 = arith.muli %mul3A_8, %mul3A_9 : i32
    "tpu.region"() ({
      %run_scoped3A = tpu.sem_alloc : memref<!tpu.dma_semaphore, #tpu.memory_space<semaphore_mem>>
      %dma_start3A = tpu.memref_slice %arg3[%mul3A_6] : memref<12845056xi32, #tpu.memory_space<hbm>> -> memref<2048xi32, #tpu.memory_space<hbm>>
      %dma_start3A_24 = tpu.memref_slice %arg3[%mul3A_6] : memref<12845056xi32, #tpu.memory_space<hbm>> -> memref<2048xi32, #tpu.memory_space<hbm>>
      tpu.enqueue_dma source(%dma_start3A_24 : memref<2048xi32, #tpu.memory_space<hbm>>) target(%arg7 : memref<2048xi32, #tpu.memory_space<vmem>>) target_semaphore(%run_scoped3A : memref<!tpu.dma_semaphore, #tpu.memory_space<semaphore_mem>>)
      %dma_wait3A = tpu.memref_slice %arg3[%mul3A_6] : memref<12845056xi32, #tpu.memory_space<hbm>> -> memref<2048xi32, #tpu.memory_space<hbm>>
      %dma_wait3A_25 = tpu.memref_slice %arg3[%mul3A_6] : memref<12845056xi32, #tpu.memory_space<hbm>> -> memref<2048xi32, #tpu.memory_space<hbm>>
      tpu.wait_dma2 semaphore(%run_scoped3A : memref<!tpu.dma_semaphore, #tpu.memory_space<semaphore_mem>>) src(%dma_wait3A_25 : memref<2048xi32, #tpu.memory_space<hbm>>) dst(%arg7 : memref<2048xi32, #tpu.memory_space<vmem>>)
      tpu.yield
    }) : () -> ()
    "tpu.region"() ({
      %run_scoped3A = tpu.sem_alloc : memref<!tpu.dma_semaphore, #tpu.memory_space<semaphore_mem>>
      %dma_start3A = tpu.memref_slice %arg4[%mul3A_10] : memref<6422528xi32, #tpu.memory_space<hbm>> -> memref<2048xi32, #tpu.memory_space<hbm>>
      %dma_start3A_24 = tpu.memref_slice %arg4[%mul3A_10] : memref<6422528xi32, #tpu.memory_space<hbm>> -> memref<2048xi32, #tpu.memory_space<hbm>>
      tpu.enqueue_dma source(%dma_start3A_24 : memref<2048xi32, #tpu.memory_space<hbm>>) target(%arg8 : memref<2048xi32, #tpu.memory_space<vmem>>) target_semaphore(%run_scoped3A : memref<!tpu.dma_semaphore, #tpu.memory_space<semaphore_mem>>)
      %dma_wait3A = tpu.memref_slice %arg4[%mul3A_10] : memref<6422528xi32, #tpu.memory_space<hbm>> -> memref<2048xi32, #tpu.memory_space<hbm>>
      %dma_wait3A_25 = tpu.memref_slice %arg4[%mul3A_10] : memref<6422528xi32, #tpu.memory_space<hbm>> -> memref<2048xi32, #tpu.memory_space<hbm>>
      tpu.wait_dma2 semaphore(%run_scoped3A : memref<!tpu.dma_semaphore, #tpu.memory_space<semaphore_mem>>) src(%dma_wait3A_25 : memref<2048xi32, #tpu.memory_space<hbm>>) dst(%arg8 : memref<2048xi32, #tpu.memory_space<vmem>>)
      tpu.yield
    }) : () -> ()
    %scan3A = arith.constant 0 : i32
    %scan3A_11 = arith.constant 0 : i32
    %scan3A_12 = arith.constant 98 : i32
    %scan3A_13 = arith.addi %scan3A_11, %scan3A_12 : i32
    %scan3A_14 = arith.constant 1 : i32
    scf.for %scan3A_24 = %scan3A_11 to %scan3A_13 step %scan3A_14  : i32 {
      %mul3A_25 = arith.constant 2 : i32
      %mul3A_26 = arith.muli %mul3A_25, %scan3A_24 : i32
      %add3A_27 = arith.constant 1 : i32
      %add3A_28 = arith.addi %mul3A_26, %add3A_27 : i32
      %mul3A_29 = arith.constant 2048 : i32
      %mul3A_30 = arith.muli %add3A_28, %mul3A_29 : i32
      %mul3A_31 = arith.constant 2 : i32
      %mul3A_32 = arith.muli %mul3A_31, %scan3A_24 : i32
      %add3A_33 = arith.constant 2 : i32
      %add3A_34 = arith.addi %mul3A_32, %add3A_33 : i32
      %mul3A_35 = arith.constant 2048 : i32
      %mul3A_36 = arith.muli %add3A_34, %mul3A_35 : i32
      %min3A = arith.constant 399360 : i32
      %min3A_37 = arith.minsi %mul3A_36, %min3A : i32
      %dma_start3A = arith.constant 0 : i32
      %dma_start3A_38 = tpu.memref_slice %arg7[%dma_start3A] : memref<2048xi32, #tpu.memory_space<vmem>> -> memref<512xi32, #tpu.memory_space<vmem>>
      %dma_start3A_39 = arith.constant 0 : i32
      %dma_start3A_40 = arith.constant 0 : i32
      %dma_start3A_41 = tpu.memref_slice %arg2[%dma_start3A_39, %dma_start3A_40] : memref<200704x16xf32, #tpu.memory_space<hbm>> -> memref<200704x16xf32, #tpu.memory_space<hbm>>
      tpu.enqueue_indirect_dma source(%dma_start3A_41 : memref<200704x16xf32, #tpu.memory_space<hbm>>) target(%arg11 : memref<512x16xf32, #tpu.memory_space<vmem>>) offsets(%dma_start3A_38 : memref<512xi32, #tpu.memory_space<vmem>>) semaphore(%arg14 : memref<!tpu.dma_semaphore, #tpu.memory_space<semaphore_mem>>)
      %add3A_42 = arith.addi %mul3A_6, %mul3A_30 : i32
      "tpu.region"() ({
        %run_scoped3A = tpu.sem_alloc : memref<!tpu.dma_semaphore, #tpu.memory_space<semaphore_mem>>
        %dma_start3A_200 = tpu.memref_slice %arg3[%add3A_42] : memref<12845056xi32, #tpu.memory_space<hbm>> -> memref<2048xi32, #tpu.memory_space<hbm>>
        %dma_start3A_201 = tpu.memref_slice %arg3[%add3A_42] : memref<12845056xi32, #tpu.memory_space<hbm>> -> memref<2048xi32, #tpu.memory_space<hbm>>
        tpu.enqueue_dma source(%dma_start3A_201 : memref<2048xi32, #tpu.memory_space<hbm>>) target(%arg9 : memref<2048xi32, #tpu.memory_space<vmem>>) target_semaphore(%run_scoped3A : memref<!tpu.dma_semaphore, #tpu.memory_space<semaphore_mem>>)
        %dma_wait3A_202 = tpu.memref_slice %arg3[%add3A_42] : memref<12845056xi32, #tpu.memory_space<hbm>> -> memref<2048xi32, #tpu.memory_space<hbm>>
        %dma_wait3A_203 = tpu.memref_slice %arg3[%add3A_42] : memref<12845056xi32, #tpu.memory_space<hbm>> -> memref<2048xi32, #tpu.memory_space<hbm>>
        tpu.wait_dma2 semaphore(%run_scoped3A : memref<!tpu.dma_semaphore, #tpu.memory_space<semaphore_mem>>) src(%dma_wait3A_203 : memref<2048xi32, #tpu.memory_space<hbm>>) dst(%arg9 : memref<2048xi32, #tpu.memory_space<vmem>>)
        tpu.yield
      }) : () -> ()
      %add3A_43 = arith.addi %mul3A_10, %mul3A_30 : i32
      "tpu.region"() ({
        %run_scoped3A = tpu.sem_alloc : memref<!tpu.dma_semaphore, #tpu.memory_space<semaphore_mem>>
        %dma_start3A_200 = tpu.memref_slice %arg4[%add3A_43] : memref<6422528xi32, #tpu.memory_space<hbm>> -> memref<2048xi32, #tpu.memory_space<hbm>>
        %dma_start3A_201 = tpu.memref_slice %arg4[%add3A_43] : memref<6422528xi32, #tpu.memory_space<hbm>> -> memref<2048xi32, #tpu.memory_space<hbm>>
        tpu.enqueue_dma source(%dma_start3A_201 : memref<2048xi32, #tpu.memory_space<hbm>>) target(%arg10 : memref<2048xi32, #tpu.memory_space<vmem>>) target_semaphore(%run_scoped3A : memref<!tpu.dma_semaphore, #tpu.memory_space<semaphore_mem>>)
        %dma_wait3A_202 = tpu.memref_slice %arg4[%add3A_43] : memref<6422528xi32, #tpu.memory_space<hbm>> -> memref<2048xi32, #tpu.memory_space<hbm>>
        %dma_wait3A_203 = tpu.memref_slice %arg4[%add3A_43] : memref<6422528xi32, #tpu.memory_space<hbm>> -> memref<2048xi32, #tpu.memory_space<hbm>>
        tpu.wait_dma2 semaphore(%run_scoped3A : memref<!tpu.dma_semaphore, #tpu.memory_space<semaphore_mem>>) src(%dma_wait3A_203 : memref<2048xi32, #tpu.memory_space<hbm>>) dst(%arg10 : memref<2048xi32, #tpu.memory_space<vmem>>)
        tpu.yield
      }) : () -> ()
      %dma_start3A_44 = arith.constant 512 : i32
      %dma_start3A_45 = tpu.memref_slice %arg7[%dma_start3A_44] : memref<2048xi32, #tpu.memory_space<vmem>> -> memref<512xi32, #tpu.memory_space<vmem>>
      %dma_start3A_46 = arith.constant 0 : i32
      %dma_start3A_47 = arith.constant 0 : i32
      %dma_start3A_48 = tpu.memref_slice %arg2[%dma_start3A_46, %dma_start3A_47] : memref<200704x16xf32, #tpu.memory_space<hbm>> -> memref<200704x16xf32, #tpu.memory_space<hbm>>
      tpu.enqueue_indirect_dma source(%dma_start3A_48 : memref<200704x16xf32, #tpu.memory_space<hbm>>) target(%arg12 : memref<512x16xf32, #tpu.memory_space<vmem>>) offsets(%dma_start3A_45 : memref<512xi32, #tpu.memory_space<vmem>>) semaphore(%arg15 : memref<!tpu.dma_semaphore, #tpu.memory_space<semaphore_mem>>)
      %dma_wait3A = arith.constant 0 : i32
      %dma_wait3A_49 = tpu.memref_slice %arg7[%dma_wait3A] : memref<2048xi32, #tpu.memory_space<vmem>> -> memref<512xi32, #tpu.memory_space<vmem>>
      %dma_wait3A_50 = arith.constant 0 : i32
      %dma_wait3A_51 = arith.constant 0 : i32
      %dma_wait3A_52 = tpu.memref_slice %arg2[%dma_wait3A_50, %dma_wait3A_51] : memref<200704x16xf32, #tpu.memory_space<hbm>> -> memref<200704x16xf32, #tpu.memory_space<hbm>>
      tpu.wait_indirect_dma semaphore(%arg14 : memref<!tpu.dma_semaphore, #tpu.memory_space<semaphore_mem>>) src(%dma_wait3A_52 : memref<200704x16xf32, #tpu.memory_space<hbm>>) dst(%arg11 : memref<512x16xf32, #tpu.memory_space<vmem>>)
      %dma_start3A_53 = arith.constant 0 : i32
      %dma_start3A_54 = tpu.memref_slice %arg8[%dma_start3A_53] : memref<2048xi32, #tpu.memory_space<vmem>> -> memref<512xi32, #tpu.memory_space<vmem>>
      %dma_start3A_55 = arith.constant 0 : i32
      %dma_start3A_56 = arith.constant 0 : i32
      %dma_start3A_57 = tpu.memref_slice %arg13[%dma_start3A_55, %dma_start3A_56] : memref<100352x16xf32, #tpu.memory_space<vmem_shared>> -> memref<100352x16xf32, #tpu.memory_space<vmem_shared>>
      tpu.enqueue_indirect_dma source(%arg11 : memref<512x16xf32, #tpu.memory_space<vmem>>) target(%dma_start3A_57 : memref<100352x16xf32, #tpu.memory_space<vmem_shared>>) offsets(%dma_start3A_54 : memref<512xi32, #tpu.memory_space<vmem>>) semaphore(%arg16 : memref<!tpu.dma_semaphore, #tpu.memory_space<semaphore_mem>>) {add = true}
      %dma_wait3A_58 = arith.constant 0 : i32
      %dma_wait3A_59 = tpu.memref_slice %arg8[%dma_wait3A_58] : memref<2048xi32, #tpu.memory_space<vmem>> -> memref<512xi32, #tpu.memory_space<vmem>>
      %dma_wait3A_60 = arith.constant 0 : i32
      %dma_wait3A_61 = arith.constant 0 : i32
      %dma_wait3A_62 = tpu.memref_slice %arg13[%dma_wait3A_60, %dma_wait3A_61] : memref<100352x16xf32, #tpu.memory_space<vmem_shared>> -> memref<100352x16xf32, #tpu.memory_space<vmem_shared>>
      tpu.wait_indirect_dma semaphore(%arg16 : memref<!tpu.dma_semaphore, #tpu.memory_space<semaphore_mem>>) src(%arg11 : memref<512x16xf32, #tpu.memory_space<vmem>>) dst(%dma_wait3A_62 : memref<100352x16xf32, #tpu.memory_space<vmem_shared>>)
      %dma_start3A_63 = arith.constant 1024 : i32
      %dma_start3A_64 = tpu.memref_slice %arg7[%dma_start3A_63] : memref<2048xi32, #tpu.memory_space<vmem>> -> memref<512xi32, #tpu.memory_space<vmem>>
      %dma_start3A_65 = arith.constant 0 : i32
      %dma_start3A_66 = arith.constant 0 : i32
      %dma_start3A_67 = tpu.memref_slice %arg2[%dma_start3A_65, %dma_start3A_66] : memref<200704x16xf32, #tpu.memory_space<hbm>> -> memref<200704x16xf32, #tpu.memory_space<hbm>>
      tpu.enqueue_indirect_dma source(%dma_start3A_67 : memref<200704x16xf32, #tpu.memory_space<hbm>>) target(%arg11 : memref<512x16xf32, #tpu.memory_space<vmem>>) offsets(%dma_start3A_64 : memref<512xi32, #tpu.memory_space<vmem>>) semaphore(%arg14 : memref<!tpu.dma_semaphore, #tpu.memory_space<semaphore_mem>>)
      %dma_wait3A_68 = arith.constant 512 : i32
      %dma_wait3A_69 = tpu.memref_slice %arg7[%dma_wait3A_68] : memref<2048xi32, #tpu.memory_space<vmem>> -> memref<512xi32, #tpu.memory_space<vmem>>
      %dma_wait3A_70 = arith.constant 0 : i32
      %dma_wait3A_71 = arith.constant 0 : i32
      %dma_wait3A_72 = tpu.memref_slice %arg2[%dma_wait3A_70, %dma_wait3A_71] : memref<200704x16xf32, #tpu.memory_space<hbm>> -> memref<200704x16xf32, #tpu.memory_space<hbm>>
      tpu.wait_indirect_dma semaphore(%arg15 : memref<!tpu.dma_semaphore, #tpu.memory_space<semaphore_mem>>) src(%dma_wait3A_72 : memref<200704x16xf32, #tpu.memory_space<hbm>>) dst(%arg12 : memref<512x16xf32, #tpu.memory_space<vmem>>)
      %dma_start3A_73 = arith.constant 512 : i32
      %dma_start3A_74 = tpu.memref_slice %arg8[%dma_start3A_73] : memref<2048xi32, #tpu.memory_space<vmem>> -> memref<512xi32, #tpu.memory_space<vmem>>
      %dma_start3A_75 = arith.constant 0 : i32
      %dma_start3A_76 = arith.constant 0 : i32
      %dma_start3A_77 = tpu.memref_slice %arg13[%dma_start3A_75, %dma_start3A_76] : memref<100352x16xf32, #tpu.memory_space<vmem_shared>> -> memref<100352x16xf32, #tpu.memory_space<vmem_shared>>
      tpu.enqueue_indirect_dma source(%arg12 : memref<512x16xf32, #tpu.memory_space<vmem>>) target(%dma_start3A_77 : memref<100352x16xf32, #tpu.memory_space<vmem_shared>>) offsets(%dma_start3A_74 : memref<512xi32, #tpu.memory_space<vmem>>) semaphore(%arg17 : memref<!tpu.dma_semaphore, #tpu.memory_space<semaphore_mem>>) {add = true}
      %dma_wait3A_78 = arith.constant 512 : i32
      %dma_wait3A_79 = tpu.memref_slice %arg8[%dma_wait3A_78] : memref<2048xi32, #tpu.memory_space<vmem>> -> memref<512xi32, #tpu.memory_space<vmem>>
      %dma_wait3A_80 = arith.constant 0 : i32
      %dma_wait3A_81 = arith.constant 0 : i32
      %dma_wait3A_82 = tpu.memref_slice %arg13[%dma_wait3A_80, %dma_wait3A_81] : memref<100352x16xf32, #tpu.memory_space<vmem_shared>> -> memref<100352x16xf32, #tpu.memory_space<vmem_shared>>
      tpu.wait_indirect_dma semaphore(%arg17 : memref<!tpu.dma_semaphore, #tpu.memory_space<semaphore_mem>>) src(%arg12 : memref<512x16xf32, #tpu.memory_space<vmem>>) dst(%dma_wait3A_82 : memref<100352x16xf32, #tpu.memory_space<vmem_shared>>)
      %dma_start3A_83 = arith.constant 1536 : i32
      %dma_start3A_84 = tpu.memref_slice %arg7[%dma_start3A_83] : memref<2048xi32, #tpu.memory_space<vmem>> -> memref<512xi32, #tpu.memory_space<vmem>>
      %dma_start3A_85 = arith.constant 0 : i32
      %dma_start3A_86 = arith.constant 0 : i32
      %dma_start3A_87 = tpu.memref_slice %arg2[%dma_start3A_85, %dma_start3A_86] : memref<200704x16xf32, #tpu.memory_space<hbm>> -> memref<200704x16xf32, #tpu.memory_space<hbm>>
      tpu.enqueue_indirect_dma source(%dma_start3A_87 : memref<200704x16xf32, #tpu.memory_space<hbm>>) target(%arg12 : memref<512x16xf32, #tpu.memory_space<vmem>>) offsets(%dma_start3A_84 : memref<512xi32, #tpu.memory_space<vmem>>) semaphore(%arg15 : memref<!tpu.dma_semaphore, #tpu.memory_space<semaphore_mem>>)
      %dma_wait3A_88 = arith.constant 1024 : i32
      %dma_wait3A_89 = tpu.memref_slice %arg7[%dma_wait3A_88] : memref<2048xi32, #tpu.memory_space<vmem>> -> memref<512xi32, #tpu.memory_space<vmem>>
      %dma_wait3A_90 = arith.constant 0 : i32
      %dma_wait3A_91 = arith.constant 0 : i32
      %dma_wait3A_92 = tpu.memref_slice %arg2[%dma_wait3A_90, %dma_wait3A_91] : memref<200704x16xf32, #tpu.memory_space<hbm>> -> memref<200704x16xf32, #tpu.memory_space<hbm>>
      tpu.wait_indirect_dma semaphore(%arg14 : memref<!tpu.dma_semaphore, #tpu.memory_space<semaphore_mem>>) src(%dma_wait3A_92 : memref<200704x16xf32, #tpu.memory_space<hbm>>) dst(%arg11 : memref<512x16xf32, #tpu.memory_space<vmem>>)
      %dma_start3A_93 = arith.constant 1024 : i32
      %dma_start3A_94 = tpu.memref_slice %arg8[%dma_start3A_93] : memref<2048xi32, #tpu.memory_space<vmem>> -> memref<512xi32, #tpu.memory_space<vmem>>
      %dma_start3A_95 = arith.constant 0 : i32
      %dma_start3A_96 = arith.constant 0 : i32
      %dma_start3A_97 = tpu.memref_slice %arg13[%dma_start3A_95, %dma_start3A_96] : memref<100352x16xf32, #tpu.memory_space<vmem_shared>> -> memref<100352x16xf32, #tpu.memory_space<vmem_shared>>
      tpu.enqueue_indirect_dma source(%arg11 : memref<512x16xf32, #tpu.memory_space<vmem>>) target(%dma_start3A_97 : memref<100352x16xf32, #tpu.memory_space<vmem_shared>>) offsets(%dma_start3A_94 : memref<512xi32, #tpu.memory_space<vmem>>) semaphore(%arg16 : memref<!tpu.dma_semaphore, #tpu.memory_space<semaphore_mem>>) {add = true}
      %dma_wait3A_98 = arith.constant 1024 : i32
      %dma_wait3A_99 = tpu.memref_slice %arg8[%dma_wait3A_98] : memref<2048xi32, #tpu.memory_space<vmem>> -> memref<512xi32, #tpu.memory_space<vmem>>
      %dma_wait3A_100 = arith.constant 0 : i32
      %dma_wait3A_101 = arith.constant 0 : i32
      %dma_wait3A_102 = tpu.memref_slice %arg13[%dma_wait3A_100, %dma_wait3A_101] : memref<100352x16xf32, #tpu.memory_space<vmem_shared>> -> memref<100352x16xf32, #tpu.memory_space<vmem_shared>>
      tpu.wait_indirect_dma semaphore(%arg16 : memref<!tpu.dma_semaphore, #tpu.memory_space<semaphore_mem>>) src(%arg11 : memref<512x16xf32, #tpu.memory_space<vmem>>) dst(%dma_wait3A_102 : memref<100352x16xf32, #tpu.memory_space<vmem_shared>>)
      %dma_start3A_103 = arith.constant 0 : i32
      %dma_start3A_104 = tpu.memref_slice %arg9[%dma_start3A_103] : memref<2048xi32, #tpu.memory_space<vmem>> -> memref<512xi32, #tpu.memory_space<vmem>>
      %dma_start3A_105 = arith.constant 0 : i32
      %dma_start3A_106 = arith.constant 0 : i32
      %dma_start3A_107 = tpu.memref_slice %arg2[%dma_start3A_105, %dma_start3A_106] : memref<200704x16xf32, #tpu.memory_space<hbm>> -> memref<200704x16xf32, #tpu.memory_space<hbm>>
      tpu.enqueue_indirect_dma source(%dma_start3A_107 : memref<200704x16xf32, #tpu.memory_space<hbm>>) target(%arg11 : memref<512x16xf32, #tpu.memory_space<vmem>>) offsets(%dma_start3A_104 : memref<512xi32, #tpu.memory_space<vmem>>) semaphore(%arg14 : memref<!tpu.dma_semaphore, #tpu.memory_space<semaphore_mem>>)
      %dma_wait3A_108 = arith.constant 1536 : i32
      %dma_wait3A_109 = tpu.memref_slice %arg7[%dma_wait3A_108] : memref<2048xi32, #tpu.memory_space<vmem>> -> memref<512xi32, #tpu.memory_space<vmem>>
      %dma_wait3A_110 = arith.constant 0 : i32
      %dma_wait3A_111 = arith.constant 0 : i32
      %dma_wait3A_112 = tpu.memref_slice %arg2[%dma_wait3A_110, %dma_wait3A_111] : memref<200704x16xf32, #tpu.memory_space<hbm>> -> memref<200704x16xf32, #tpu.memory_space<hbm>>
      tpu.wait_indirect_dma semaphore(%arg15 : memref<!tpu.dma_semaphore, #tpu.memory_space<semaphore_mem>>) src(%dma_wait3A_112 : memref<200704x16xf32, #tpu.memory_space<hbm>>) dst(%arg12 : memref<512x16xf32, #tpu.memory_space<vmem>>)
      %dma_start3A_113 = arith.constant 1536 : i32
      %dma_start3A_114 = tpu.memref_slice %arg8[%dma_start3A_113] : memref<2048xi32, #tpu.memory_space<vmem>> -> memref<512xi32, #tpu.memory_space<vmem>>
      %dma_start3A_115 = arith.constant 0 : i32
      %dma_start3A_116 = arith.constant 0 : i32
      %dma_start3A_117 = tpu.memref_slice %arg13[%dma_start3A_115, %dma_start3A_116] : memref<100352x16xf32, #tpu.memory_space<vmem_shared>> -> memref<100352x16xf32, #tpu.memory_space<vmem_shared>>
      tpu.enqueue_indirect_dma source(%arg12 : memref<512x16xf32, #tpu.memory_space<vmem>>) target(%dma_start3A_117 : memref<100352x16xf32, #tpu.memory_space<vmem_shared>>) offsets(%dma_start3A_114 : memref<512xi32, #tpu.memory_space<vmem>>) semaphore(%arg17 : memref<!tpu.dma_semaphore, #tpu.memory_space<semaphore_mem>>) {add = true}
      %dma_wait3A_118 = arith.constant 1536 : i32
      %dma_wait3A_119 = tpu.memref_slice %arg8[%dma_wait3A_118] : memref<2048xi32, #tpu.memory_space<vmem>> -> memref<512xi32, #tpu.memory_space<vmem>>
      %dma_wait3A_120 = arith.constant 0 : i32
      %dma_wait3A_121 = arith.constant 0 : i32
      %dma_wait3A_122 = tpu.memref_slice %arg13[%dma_wait3A_120, %dma_wait3A_121] : memref<100352x16xf32, #tpu.memory_space<vmem_shared>> -> memref<100352x16xf32, #tpu.memory_space<vmem_shared>>
      tpu.wait_indirect_dma semaphore(%arg17 : memref<!tpu.dma_semaphore, #tpu.memory_space<semaphore_mem>>) src(%arg12 : memref<512x16xf32, #tpu.memory_space<vmem>>) dst(%dma_wait3A_122 : memref<100352x16xf32, #tpu.memory_space<vmem_shared>>)
      %add3A_123 = arith.addi %mul3A_6, %min3A_37 : i32
      "tpu.region"() ({
        %run_scoped3A = tpu.sem_alloc : memref<!tpu.dma_semaphore, #tpu.memory_space<semaphore_mem>>
        %dma_start3A_200 = tpu.memref_slice %arg3[%add3A_123] : memref<12845056xi32, #tpu.memory_space<hbm>> -> memref<2048xi32, #tpu.memory_space<hbm>>
        %dma_start3A_201 = tpu.memref_slice %arg3[%add3A_123] : memref<12845056xi32, #tpu.memory_space<hbm>> -> memref<2048xi32, #tpu.memory_space<hbm>>
        tpu.enqueue_dma source(%dma_start3A_201 : memref<2048xi32, #tpu.memory_space<hbm>>) target(%arg7 : memref<2048xi32, #tpu.memory_space<vmem>>) target_semaphore(%run_scoped3A : memref<!tpu.dma_semaphore, #tpu.memory_space<semaphore_mem>>)
        %dma_wait3A_202 = tpu.memref_slice %arg3[%add3A_123] : memref<12845056xi32, #tpu.memory_space<hbm>> -> memref<2048xi32, #tpu.memory_space<hbm>>
        %dma_wait3A_203 = tpu.memref_slice %arg3[%add3A_123] : memref<12845056xi32, #tpu.memory_space<hbm>> -> memref<2048xi32, #tpu.memory_space<hbm>>
        tpu.wait_dma2 semaphore(%run_scoped3A : memref<!tpu.dma_semaphore, #tpu.memory_space<semaphore_mem>>) src(%dma_wait3A_203 : memref<2048xi32, #tpu.memory_space<hbm>>) dst(%arg7 : memref<2048xi32, #tpu.memory_space<vmem>>)
        tpu.yield
      }) : () -> ()
      %add3A_124 = arith.addi %mul3A_10, %min3A_37 : i32
      "tpu.region"() ({
        %run_scoped3A = tpu.sem_alloc : memref<!tpu.dma_semaphore, #tpu.memory_space<semaphore_mem>>
        %dma_start3A_200 = tpu.memref_slice %arg4[%add3A_124] : memref<6422528xi32, #tpu.memory_space<hbm>> -> memref<2048xi32, #tpu.memory_space<hbm>>
        %dma_start3A_201 = tpu.memref_slice %arg4[%add3A_124] : memref<6422528xi32, #tpu.memory_space<hbm>> -> memref<2048xi32, #tpu.memory_space<hbm>>
        tpu.enqueue_dma source(%dma_start3A_201 : memref<2048xi32, #tpu.memory_space<hbm>>) target(%arg8 : memref<2048xi32, #tpu.memory_space<vmem>>) target_semaphore(%run_scoped3A : memref<!tpu.dma_semaphore, #tpu.memory_space<semaphore_mem>>)
        %dma_wait3A_202 = tpu.memref_slice %arg4[%add3A_124] : memref<6422528xi32, #tpu.memory_space<hbm>> -> memref<2048xi32, #tpu.memory_space<hbm>>
        %dma_wait3A_203 = tpu.memref_slice %arg4[%add3A_124] : memref<6422528xi32, #tpu.memory_space<hbm>> -> memref<2048xi32, #tpu.memory_space<hbm>>
        tpu.wait_dma2 semaphore(%run_scoped3A : memref<!tpu.dma_semaphore, #tpu.memory_space<semaphore_mem>>) src(%dma_wait3A_203 : memref<2048xi32, #tpu.memory_space<hbm>>) dst(%arg8 : memref<2048xi32, #tpu.memory_space<vmem>>)
        tpu.yield
      }) : () -> ()
      %dma_start3A_125 = arith.constant 512 : i32
      %dma_start3A_126 = tpu.memref_slice %arg9[%dma_start3A_125] : memref<2048xi32, #tpu.memory_space<vmem>> -> memref<512xi32, #tpu.memory_space<vmem>>
      %dma_start3A_127 = arith.constant 0 : i32
      %dma_start3A_128 = arith.constant 0 : i32
      %dma_start3A_129 = tpu.memref_slice %arg2[%dma_start3A_127, %dma_start3A_128] : memref<200704x16xf32, #tpu.memory_space<hbm>> -> memref<200704x16xf32, #tpu.memory_space<hbm>>
      tpu.enqueue_indirect_dma source(%dma_start3A_129 : memref<200704x16xf32, #tpu.memory_space<hbm>>) target(%arg12 : memref<512x16xf32, #tpu.memory_space<vmem>>) offsets(%dma_start3A_126 : memref<512xi32, #tpu.memory_space<vmem>>) semaphore(%arg15 : memref<!tpu.dma_semaphore, #tpu.memory_space<semaphore_mem>>)
      %dma_wait3A_130 = arith.constant 0 : i32
      %dma_wait3A_131 = tpu.memref_slice %arg9[%dma_wait3A_130] : memref<2048xi32, #tpu.memory_space<vmem>> -> memref<512xi32, #tpu.memory_space<vmem>>
      %dma_wait3A_132 = arith.constant 0 : i32
      %dma_wait3A_133 = arith.constant 0 : i32
      %dma_wait3A_134 = tpu.memref_slice %arg2[%dma_wait3A_132, %dma_wait3A_133] : memref<200704x16xf32, #tpu.memory_space<hbm>> -> memref<200704x16xf32, #tpu.memory_space<hbm>>
      tpu.wait_indirect_dma semaphore(%arg14 : memref<!tpu.dma_semaphore, #tpu.memory_space<semaphore_mem>>) src(%dma_wait3A_134 : memref<200704x16xf32, #tpu.memory_space<hbm>>) dst(%arg11 : memref<512x16xf32, #tpu.memory_space<vmem>>)
      %dma_start3A_135 = arith.constant 0 : i32
      %dma_start3A_136 = tpu.memref_slice %arg10[%dma_start3A_135] : memref<2048xi32, #tpu.memory_space<vmem>> -> memref<512xi32, #tpu.memory_space<vmem>>
      %dma_start3A_137 = arith.constant 0 : i32
      %dma_start3A_138 = arith.constant 0 : i32
      %dma_start3A_139 = tpu.memref_slice %arg13[%dma_start3A_137, %dma_start3A_138] : memref<100352x16xf32, #tpu.memory_space<vmem_shared>> -> memref<100352x16xf32, #tpu.memory_space<vmem_shared>>
      tpu.enqueue_indirect_dma source(%arg11 : memref<512x16xf32, #tpu.memory_space<vmem>>) target(%dma_start3A_139 : memref<100352x16xf32, #tpu.memory_space<vmem_shared>>) offsets(%dma_start3A_136 : memref<512xi32, #tpu.memory_space<vmem>>) semaphore(%arg16 : memref<!tpu.dma_semaphore, #tpu.memory_space<semaphore_mem>>) {add = true}
      %dma_wait3A_140 = arith.constant 0 : i32
      %dma_wait3A_141 = tpu.memref_slice %arg10[%dma_wait3A_140] : memref<2048xi32, #tpu.memory_space<vmem>> -> memref<512xi32, #tpu.memory_space<vmem>>
      %dma_wait3A_142 = arith.constant 0 : i32
      %dma_wait3A_143 = arith.constant 0 : i32
      %dma_wait3A_144 = tpu.memref_slice %arg13[%dma_wait3A_142, %dma_wait3A_143] : memref<100352x16xf32, #tpu.memory_space<vmem_shared>> -> memref<100352x16xf32, #tpu.memory_space<vmem_shared>>
      tpu.wait_indirect_dma semaphore(%arg16 : memref<!tpu.dma_semaphore, #tpu.memory_space<semaphore_mem>>) src(%arg11 : memref<512x16xf32, #tpu.memory_space<vmem>>) dst(%dma_wait3A_144 : memref<100352x16xf32, #tpu.memory_space<vmem_shared>>)
      %dma_start3A_145 = arith.constant 1024 : i32
      %dma_start3A_146 = tpu.memref_slice %arg9[%dma_start3A_145] : memref<2048xi32, #tpu.memory_space<vmem>> -> memref<512xi32, #tpu.memory_space<vmem>>
      %dma_start3A_147 = arith.constant 0 : i32
      %dma_start3A_148 = arith.constant 0 : i32
      %dma_start3A_149 = tpu.memref_slice %arg2[%dma_start3A_147, %dma_start3A_148] : memref<200704x16xf32, #tpu.memory_space<hbm>> -> memref<200704x16xf32, #tpu.memory_space<hbm>>
      tpu.enqueue_indirect_dma source(%dma_start3A_149 : memref<200704x16xf32, #tpu.memory_space<hbm>>) target(%arg11 : memref<512x16xf32, #tpu.memory_space<vmem>>) offsets(%dma_start3A_146 : memref<512xi32, #tpu.memory_space<vmem>>) semaphore(%arg14 : memref<!tpu.dma_semaphore, #tpu.memory_space<semaphore_mem>>)
      %dma_wait3A_150 = arith.constant 512 : i32
      %dma_wait3A_151 = tpu.memref_slice %arg9[%dma_wait3A_150] : memref<2048xi32, #tpu.memory_space<vmem>> -> memref<512xi32, #tpu.memory_space<vmem>>
      %dma_wait3A_152 = arith.constant 0 : i32
      %dma_wait3A_153 = arith.constant 0 : i32
      %dma_wait3A_154 = tpu.memref_slice %arg2[%dma_wait3A_152, %dma_wait3A_153] : memref<200704x16xf32, #tpu.memory_space<hbm>> -> memref<200704x16xf32, #tpu.memory_space<hbm>>
      tpu.wait_indirect_dma semaphore(%arg15 : memref<!tpu.dma_semaphore, #tpu.memory_space<semaphore_mem>>) src(%dma_wait3A_154 : memref<200704x16xf32, #tpu.memory_space<hbm>>) dst(%arg12 : memref<512x16xf32, #tpu.memory_space<vmem>>)
      %dma_start3A_155 = arith.constant 512 : i32
      %dma_start3A_156 = tpu.memref_slice %arg10[%dma_start3A_155] : memref<2048xi32, #tpu.memory_space<vmem>> -> memref<512xi32, #tpu.memory_space<vmem>>
      %dma_start3A_157 = arith.constant 0 : i32
      %dma_start3A_158 = arith.constant 0 : i32
      %dma_start3A_159 = tpu.memref_slice %arg13[%dma_start3A_157, %dma_start3A_158] : memref<100352x16xf32, #tpu.memory_space<vmem_shared>> -> memref<100352x16xf32, #tpu.memory_space<vmem_shared>>
      tpu.enqueue_indirect_dma source(%arg12 : memref<512x16xf32, #tpu.memory_space<vmem>>) target(%dma_start3A_159 : memref<100352x16xf32, #tpu.memory_space<vmem_shared>>) offsets(%dma_start3A_156 : memref<512xi32, #tpu.memory_space<vmem>>) semaphore(%arg17 : memref<!tpu.dma_semaphore, #tpu.memory_space<semaphore_mem>>) {add = true}
      %dma_wait3A_160 = arith.constant 512 : i32
      %dma_wait3A_161 = tpu.memref_slice %arg10[%dma_wait3A_160] : memref<2048xi32, #tpu.memory_space<vmem>> -> memref<512xi32, #tpu.memory_space<vmem>>
      %dma_wait3A_162 = arith.constant 0 : i32
      %dma_wait3A_163 = arith.constant 0 : i32
      %dma_wait3A_164 = tpu.memref_slice %arg13[%dma_wait3A_162, %dma_wait3A_163] : memref<100352x16xf32, #tpu.memory_space<vmem_shared>> -> memref<100352x16xf32, #tpu.memory_space<vmem_shared>>
      tpu.wait_indirect_dma semaphore(%arg17 : memref<!tpu.dma_semaphore, #tpu.memory_space<semaphore_mem>>) src(%arg12 : memref<512x16xf32, #tpu.memory_space<vmem>>) dst(%dma_wait3A_164 : memref<100352x16xf32, #tpu.memory_space<vmem_shared>>)
      %dma_start3A_165 = arith.constant 1536 : i32
      %dma_start3A_166 = tpu.memref_slice %arg9[%dma_start3A_165] : memref<2048xi32, #tpu.memory_space<vmem>> -> memref<512xi32, #tpu.memory_space<vmem>>
      %dma_start3A_167 = arith.constant 0 : i32
      %dma_start3A_168 = arith.constant 0 : i32
      %dma_start3A_169 = tpu.memref_slice %arg2[%dma_start3A_167, %dma_start3A_168] : memref<200704x16xf32, #tpu.memory_space<hbm>> -> memref<200704x16xf32, #tpu.memory_space<hbm>>
      tpu.enqueue_indirect_dma source(%dma_start3A_169 : memref<200704x16xf32, #tpu.memory_space<hbm>>) target(%arg12 : memref<512x16xf32, #tpu.memory_space<vmem>>) offsets(%dma_start3A_166 : memref<512xi32, #tpu.memory_space<vmem>>) semaphore(%arg15 : memref<!tpu.dma_semaphore, #tpu.memory_space<semaphore_mem>>)
      %dma_wait3A_170 = arith.constant 1024 : i32
      %dma_wait3A_171 = tpu.memref_slice %arg9[%dma_wait3A_170] : memref<2048xi32, #tpu.memory_space<vmem>> -> memref<512xi32, #tpu.memory_space<vmem>>
      %dma_wait3A_172 = arith.constant 0 : i32
      %dma_wait3A_173 = arith.constant 0 : i32
      %dma_wait3A_174 = tpu.memref_slice %arg2[%dma_wait3A_172, %dma_wait3A_173] : memref<200704x16xf32, #tpu.memory_space<hbm>> -> memref<200704x16xf32, #tpu.memory_space<hbm>>
      tpu.wait_indirect_dma semaphore(%arg14 : memref<!tpu.dma_semaphore, #tpu.memory_space<semaphore_mem>>) src(%dma_wait3A_174 : memref<200704x16xf32, #tpu.memory_space<hbm>>) dst(%arg11 : memref<512x16xf32, #tpu.memory_space<vmem>>)
      %dma_start3A_175 = arith.constant 1024 : i32
      %dma_start3A_176 = tpu.memref_slice %arg10[%dma_start3A_175] : memref<2048xi32, #tpu.memory_space<vmem>> -> memref<512xi32, #tpu.memory_space<vmem>>
      %dma_start3A_177 = arith.constant 0 : i32
      %dma_start3A_178 = arith.constant 0 : i32
      %dma_start3A_179 = tpu.memref_slice %arg13[%dma_start3A_177, %dma_start3A_178] : memref<100352x16xf32, #tpu.memory_space<vmem_shared>> -> memref<100352x16xf32, #tpu.memory_space<vmem_shared>>
      tpu.enqueue_indirect_dma source(%arg11 : memref<512x16xf32, #tpu.memory_space<vmem>>) target(%dma_start3A_179 : memref<100352x16xf32, #tpu.memory_space<vmem_shared>>) offsets(%dma_start3A_176 : memref<512xi32, #tpu.memory_space<vmem>>) semaphore(%arg16 : memref<!tpu.dma_semaphore, #tpu.memory_space<semaphore_mem>>) {add = true}
      %dma_wait3A_180 = arith.constant 1024 : i32
      %dma_wait3A_181 = tpu.memref_slice %arg10[%dma_wait3A_180] : memref<2048xi32, #tpu.memory_space<vmem>> -> memref<512xi32, #tpu.memory_space<vmem>>
      %dma_wait3A_182 = arith.constant 0 : i32
      %dma_wait3A_183 = arith.constant 0 : i32
      %dma_wait3A_184 = tpu.memref_slice %arg13[%dma_wait3A_182, %dma_wait3A_183] : memref<100352x16xf32, #tpu.memory_space<vmem_shared>> -> memref<100352x16xf32, #tpu.memory_space<vmem_shared>>
      tpu.wait_indirect_dma semaphore(%arg16 : memref<!tpu.dma_semaphore, #tpu.memory_space<semaphore_mem>>) src(%arg11 : memref<512x16xf32, #tpu.memory_space<vmem>>) dst(%dma_wait3A_184 : memref<100352x16xf32, #tpu.memory_space<vmem_shared>>)
      %dma_wait3A_185 = arith.constant 1536 : i32
      %dma_wait3A_186 = tpu.memref_slice %arg9[%dma_wait3A_185] : memref<2048xi32, #tpu.memory_space<vmem>> -> memref<512xi32, #tpu.memory_space<vmem>>
      %dma_wait3A_187 = arith.constant 0 : i32
      %dma_wait3A_188 = arith.constant 0 : i32
      %dma_wait3A_189 = tpu.memref_slice %arg2[%dma_wait3A_187, %dma_wait3A_188] : memref<200704x16xf32, #tpu.memory_space<hbm>> -> memref<200704x16xf32, #tpu.memory_space<hbm>>
      tpu.wait_indirect_dma semaphore(%arg15 : memref<!tpu.dma_semaphore, #tpu.memory_space<semaphore_mem>>) src(%dma_wait3A_189 : memref<200704x16xf32, #tpu.memory_space<hbm>>) dst(%arg12 : memref<512x16xf32, #tpu.memory_space<vmem>>)
      %dma_start3A_190 = arith.constant 1536 : i32
      %dma_start3A_191 = tpu.memref_slice %arg10[%dma_start3A_190] : memref<2048xi32, #tpu.memory_space<vmem>> -> memref<512xi32, #tpu.memory_space<vmem>>
      %dma_start3A_192 = arith.constant 0 : i32
      %dma_start3A_193 = arith.constant 0 : i32
      %dma_start3A_194 = tpu.memref_slice %arg13[%dma_start3A_192, %dma_start3A_193] : memref<100352x16xf32, #tpu.memory_space<vmem_shared>> -> memref<100352x16xf32, #tpu.memory_space<vmem_shared>>
      tpu.enqueue_indirect_dma source(%arg12 : memref<512x16xf32, #tpu.memory_space<vmem>>) target(%dma_start3A_194 : memref<100352x16xf32, #tpu.memory_space<vmem_shared>>) offsets(%dma_start3A_191 : memref<512xi32, #tpu.memory_space<vmem>>) semaphore(%arg17 : memref<!tpu.dma_semaphore, #tpu.memory_space<semaphore_mem>>) {add = true}
      %dma_wait3A_195 = arith.constant 1536 : i32
      %dma_wait3A_196 = tpu.memref_slice %arg10[%dma_wait3A_195] : memref<2048xi32, #tpu.memory_space<vmem>> -> memref<512xi32, #tpu.memory_space<vmem>>
      %dma_wait3A_197 = arith.constant 0 : i32
      %dma_wait3A_198 = arith.constant 0 : i32
      %dma_wait3A_199 = tpu.memref_slice %arg13[%dma_wait3A_197, %dma_wait3A_198] : memref<100352x16xf32, #tpu.memory_space<vmem_shared>> -> memref<100352x16xf32, #tpu.memory_space<vmem_shared>>
      tpu.wait_indirect_dma semaphore(%arg17 : memref<!tpu.dma_semaphore, #tpu.memory_space<semaphore_mem>>) src(%arg12 : memref<512x16xf32, #tpu.memory_space<vmem>>) dst(%dma_wait3A_199 : memref<100352x16xf32, #tpu.memory_space<vmem_shared>>)
    }
    %scan3A_15 = arith.constant 98 : i32
    %barrier3A_16 = arith.constant 0 : index
    tpu.barrier barrier_id(%barrier3A_16)
    %mul3A_17 = arith.constant 6272 : i32
    %mul3A_18 = arith.muli %arg1, %mul3A_17 : i32
    %mul3A_19 = arith.constant 100352 : i32
    %mul3A_20 = arith.muli %arg0, %mul3A_19 : i32
    %mul3A_21 = arith.constant 6272 : i32
    %mul3A_22 = arith.muli %arg1, %mul3A_21 : i32
    %add3A_23 = arith.addi %mul3A_20, %mul3A_22 : i32
    "tpu.region"() ({
      %run_scoped3A = tpu.sem_alloc : memref<!tpu.dma_semaphore, #tpu.memory_space<semaphore_mem>>
      %dma_start3A = arith.constant 0 : i32
      %dma_start3A_24 = tpu.memref_slice %arg6[%add3A_23, %dma_start3A] : memref<200704x16xf32, #tpu.memory_space<hbm>> -> memref<6272x16xf32, #tpu.memory_space<hbm>>
      %dma_start3A_25 = arith.constant 0 : i32
      %dma_start3A_26 = tpu.memref_slice %arg13[%mul3A_18, %dma_start3A_25] : memref<100352x16xf32, #tpu.memory_space<vmem_shared>> -> memref<6272x16xf32, #tpu.memory_space<vmem_shared>>
      tpu.enqueue_dma source(%dma_start3A_26 : memref<6272x16xf32, #tpu.memory_space<vmem_shared>>) target(%dma_start3A_24 : memref<6272x16xf32, #tpu.memory_space<hbm>>) target_semaphore(%run_scoped3A : memref<!tpu.dma_semaphore, #tpu.memory_space<semaphore_mem>>)
      %dma_wait3A = arith.constant 0 : i32
      %dma_wait3A_27 = tpu.memref_slice %arg6[%add3A_23, %dma_wait3A] : memref<200704x16xf32, #tpu.memory_space<hbm>> -> memref<6272x16xf32, #tpu.memory_space<hbm>>
      %dma_wait3A_28 = arith.constant 0 : i32
      %dma_wait3A_29 = tpu.memref_slice %arg13[%mul3A_18, %dma_wait3A_28] : memref<100352x16xf32, #tpu.memory_space<vmem_shared>> -> memref<6272x16xf32, #tpu.memory_space<vmem_shared>>
      tpu.wait_dma2 semaphore(%run_scoped3A : memref<!tpu.dma_semaphore, #tpu.memory_space<semaphore_mem>>) src(%dma_wait3A_29 : memref<6272x16xf32, #tpu.memory_space<vmem_shared>>) dst(%dma_wait3A_27 : memref<6272x16xf32, #tpu.memory_space<hbm>>)
      tpu.yield
    }) : () -> ()
    return
  }
}

#map = affine_map<(d0, d1) -> (0, 0)>
#map1 = affine_map<(d0, d1) -> (0)>
module attributes {stable_mosaic.version = 14 : i64} {
  func.func @_sc_segsum_body(%arg0: i32, %arg1: i32, %arg2: memref<200704x16xf32, #tpu.memory_space<hbm>>, %arg3: memref<12845056xi32, #tpu.memory_space<hbm>>, %arg4: memref<6422528xi32, #tpu.memory_space<hbm>>, %arg5: memref<6272x16xf32, #tpu.memory_space<hbm>>, %arg6: memref<200704x16xf32, #tpu.memory_space<hbm>>, %arg7: memref<2048xi32, #tpu.memory_space<vmem>>, %arg8: memref<2048xi32, #tpu.memory_space<vmem>>, %arg9: memref<2048xi32, #tpu.memory_space<vmem>>, %arg10: memref<2048xi32, #tpu.memory_space<vmem>>, %arg11: memref<512x16xf32, #tpu.memory_space<vmem>>, %arg12: memref<512x16xf32, #tpu.memory_space<vmem>>, %arg13: memref<100352x16xf32, #tpu.memory_space<vmem_shared>>, %arg14: memref<!tpu.dma_semaphore, #tpu.memory_space<semaphore_mem>>, %arg15: memref<!tpu.dma_semaphore, #tpu.memory_space<semaphore_mem>>, %arg16: memref<!tpu.dma_semaphore, #tpu.memory_space<semaphore_mem>>, %arg17: memref<!tpu.dma_semaphore, #tpu.memory_space<semaphore_mem>>) attributes {dimension_semantics = [#tpu.dimension_semantics<core_parallel>, #tpu.dimension_semantics<subcore_parallel>], iteration_bounds = array<i64: 2, 16>, scalar_prefetch = 0 : i64, scratch_operands = 11 : i64, tpu.core_type = #tpu.core_type<sc_vector_subcore>, window_params = [{transform_indices = #map}, {transform_indices = #map1}, {transform_indices = #map1}, {transform_indices = #map}, {transform_indices = #map}]} {
    %mul3A = arith.constant 6272 : i32
    %mul3A_0 = arith.muli %arg1, %mul3A : i32
    "tpu.region"() ({
      %run_scoped3A = tpu.sem_alloc : memref<!tpu.dma_semaphore, #tpu.memory_space<semaphore_mem>>
      %dma_start3A = arith.constant 0 : i32
      %dma_start3A_24 = tpu.memref_slice %arg13[%mul3A_0, %dma_start3A] : memref<100352x16xf32, #tpu.memory_space<vmem_shared>> -> memref<6272x16xf32, #tpu.memory_space<vmem_shared>>
      tpu.enqueue_dma source(%arg5 : memref<6272x16xf32, #tpu.memory_space<hbm>>) target(%dma_start3A_24 : memref<6272x16xf32, #tpu.memory_space<vmem_shared>>) target_semaphore(%run_scoped3A : memref<!tpu.dma_semaphore, #tpu.memory_space<semaphore_mem>>)
      %dma_wait3A = arith.constant 0 : i32
      %dma_wait3A_25 = tpu.memref_slice %arg13[%mul3A_0, %dma_wait3A] : memref<100352x16xf32, #tpu.memory_space<vmem_shared>> -> memref<6272x16xf32, #tpu.memory_space<vmem_shared>>
      tpu.wait_dma2 semaphore(%run_scoped3A : memref<!tpu.dma_semaphore, #tpu.memory_space<semaphore_mem>>) src(%arg5 : memref<6272x16xf32, #tpu.memory_space<hbm>>) dst(%dma_wait3A_25 : memref<6272x16xf32, #tpu.memory_space<vmem_shared>>)
      tpu.yield
    }) : () -> ()
    %barrier3A = arith.constant 0 : index
    tpu.barrier barrier_id(%barrier3A)
    %mul3A_1 = arith.constant 50176 : i32
    %mul3A_2 = arith.muli %arg0, %mul3A_1 : i32
    %mul3A_3 = arith.constant 3136 : i32
    %mul3A_4 = arith.muli %arg1, %mul3A_3 : i32
    %add3A = arith.addi %mul3A_2, %mul3A_4 : i32
    %mul3A_5 = arith.constant 128 : i32
    %mul3A_6 = arith.muli %add3A, %mul3A_5 : i32
    %mul3A_7 = arith.constant 3136 : i32
    %mul3A_8 = arith.muli %arg1, %mul3A_7 : i32
    %mul3A_9 = arith.constant 128 : i32
    %mul3A_10 = arith.muli %mul3A_8, %mul3A_9 : i32
    "tpu.region"() ({
      %run_scoped3A = tpu.sem_alloc : memref<!tpu.dma_semaphore, #tpu.memory_space<semaphore_mem>>
      %dma_start3A = tpu.memref_slice %arg3[%mul3A_6] : memref<12845056xi32, #tpu.memory_space<hbm>> -> memref<2048xi32, #tpu.memory_space<hbm>>
      %dma_start3A_24 = tpu.memref_slice %arg3[%mul3A_6] : memref<12845056xi32, #tpu.memory_space<hbm>> -> memref<2048xi32, #tpu.memory_space<hbm>>
      tpu.enqueue_dma source(%dma_start3A_24 : memref<2048xi32, #tpu.memory_space<hbm>>) target(%arg7 : memref<2048xi32, #tpu.memory_space<vmem>>) target_semaphore(%run_scoped3A : memref<!tpu.dma_semaphore, #tpu.memory_space<semaphore_mem>>)
      %dma_wait3A = tpu.memref_slice %arg3[%mul3A_6] : memref<12845056xi32, #tpu.memory_space<hbm>> -> memref<2048xi32, #tpu.memory_space<hbm>>
      %dma_wait3A_25 = tpu.memref_slice %arg3[%mul3A_6] : memref<12845056xi32, #tpu.memory_space<hbm>> -> memref<2048xi32, #tpu.memory_space<hbm>>
      tpu.wait_dma2 semaphore(%run_scoped3A : memref<!tpu.dma_semaphore, #tpu.memory_space<semaphore_mem>>) src(%dma_wait3A_25 : memref<2048xi32, #tpu.memory_space<hbm>>) dst(%arg7 : memref<2048xi32, #tpu.memory_space<vmem>>)
      tpu.yield
    }) : () -> ()
    "tpu.region"() ({
      %run_scoped3A = tpu.sem_alloc : memref<!tpu.dma_semaphore, #tpu.memory_space<semaphore_mem>>
      %dma_start3A = tpu.memref_slice %arg4[%mul3A_10] : memref<6422528xi32, #tpu.memory_space<hbm>> -> memref<2048xi32, #tpu.memory_space<hbm>>
      %dma_start3A_24 = tpu.memref_slice %arg4[%mul3A_10] : memref<6422528xi32, #tpu.memory_space<hbm>> -> memref<2048xi32, #tpu.memory_space<hbm>>
      tpu.enqueue_dma source(%dma_start3A_24 : memref<2048xi32, #tpu.memory_space<hbm>>) target(%arg8 : memref<2048xi32, #tpu.memory_space<vmem>>) target_semaphore(%run_scoped3A : memref<!tpu.dma_semaphore, #tpu.memory_space<semaphore_mem>>)
      %dma_wait3A = tpu.memref_slice %arg4[%mul3A_10] : memref<6422528xi32, #tpu.memory_space<hbm>> -> memref<2048xi32, #tpu.memory_space<hbm>>
      %dma_wait3A_25 = tpu.memref_slice %arg4[%mul3A_10] : memref<6422528xi32, #tpu.memory_space<hbm>> -> memref<2048xi32, #tpu.memory_space<hbm>>
      tpu.wait_dma2 semaphore(%run_scoped3A : memref<!tpu.dma_semaphore, #tpu.memory_space<semaphore_mem>>) src(%dma_wait3A_25 : memref<2048xi32, #tpu.memory_space<hbm>>) dst(%arg8 : memref<2048xi32, #tpu.memory_space<vmem>>)
      tpu.yield
    }) : () -> ()
    %scan3A = arith.constant 0 : i32
    %scan3A_11 = arith.constant 0 : i32
    %scan3A_12 = arith.constant 98 : i32
    %scan3A_13 = arith.addi %scan3A_11, %scan3A_12 : i32
    %scan3A_14 = arith.constant 1 : i32
    scf.for %scan3A_24 = %scan3A_11 to %scan3A_13 step %scan3A_14  : i32 {
      %mul3A_25 = arith.constant 2 : i32
      %mul3A_26 = arith.muli %mul3A_25, %scan3A_24 : i32
      %add3A_27 = arith.constant 1 : i32
      %add3A_28 = arith.addi %mul3A_26, %add3A_27 : i32
      %mul3A_29 = arith.constant 2048 : i32
      %mul3A_30 = arith.muli %add3A_28, %mul3A_29 : i32
      %mul3A_31 = arith.constant 2 : i32
      %mul3A_32 = arith.muli %mul3A_31, %scan3A_24 : i32
      %add3A_33 = arith.constant 2 : i32
      %add3A_34 = arith.addi %mul3A_32, %add3A_33 : i32
      %mul3A_35 = arith.constant 2048 : i32
      %mul3A_36 = arith.muli %add3A_34, %mul3A_35 : i32
      %min3A = arith.constant 399360 : i32
      %min3A_37 = arith.minsi %mul3A_36, %min3A : i32
      %dma_start3A = arith.constant 0 : i32
      %dma_start3A_38 = tpu.memref_slice %arg7[%dma_start3A] : memref<2048xi32, #tpu.memory_space<vmem>> -> memref<512xi32, #tpu.memory_space<vmem>>
      %dma_start3A_39 = arith.constant 0 : i32
      %dma_start3A_40 = arith.constant 0 : i32
      %dma_start3A_41 = tpu.memref_slice %arg2[%dma_start3A_39, %dma_start3A_40] : memref<200704x16xf32, #tpu.memory_space<hbm>> -> memref<200704x16xf32, #tpu.memory_space<hbm>>
      tpu.enqueue_indirect_dma source(%dma_start3A_41 : memref<200704x16xf32, #tpu.memory_space<hbm>>) target(%arg11 : memref<512x16xf32, #tpu.memory_space<vmem>>) offsets(%dma_start3A_38 : memref<512xi32, #tpu.memory_space<vmem>>) semaphore(%arg14 : memref<!tpu.dma_semaphore, #tpu.memory_space<semaphore_mem>>)
      %add3A_42 = arith.addi %mul3A_6, %mul3A_30 : i32
      "tpu.region"() ({
        %run_scoped3A = tpu.sem_alloc : memref<!tpu.dma_semaphore, #tpu.memory_space<semaphore_mem>>
        %dma_start3A_200 = tpu.memref_slice %arg3[%add3A_42] : memref<12845056xi32, #tpu.memory_space<hbm>> -> memref<2048xi32, #tpu.memory_space<hbm>>
        %dma_start3A_201 = tpu.memref_slice %arg3[%add3A_42] : memref<12845056xi32, #tpu.memory_space<hbm>> -> memref<2048xi32, #tpu.memory_space<hbm>>
        tpu.enqueue_dma source(%dma_start3A_201 : memref<2048xi32, #tpu.memory_space<hbm>>) target(%arg9 : memref<2048xi32, #tpu.memory_space<vmem>>) target_semaphore(%run_scoped3A : memref<!tpu.dma_semaphore, #tpu.memory_space<semaphore_mem>>)
        %dma_wait3A_202 = tpu.memref_slice %arg3[%add3A_42] : memref<12845056xi32, #tpu.memory_space<hbm>> -> memref<2048xi32, #tpu.memory_space<hbm>>
        %dma_wait3A_203 = tpu.memref_slice %arg3[%add3A_42] : memref<12845056xi32, #tpu.memory_space<hbm>> -> memref<2048xi32, #tpu.memory_space<hbm>>
        tpu.wait_dma2 semaphore(%run_scoped3A : memref<!tpu.dma_semaphore, #tpu.memory_space<semaphore_mem>>) src(%dma_wait3A_203 : memref<2048xi32, #tpu.memory_space<hbm>>) dst(%arg9 : memref<2048xi32, #tpu.memory_space<vmem>>)
        tpu.yield
      }) : () -> ()
      %add3A_43 = arith.addi %mul3A_10, %mul3A_30 : i32
      "tpu.region"() ({
        %run_scoped3A = tpu.sem_alloc : memref<!tpu.dma_semaphore, #tpu.memory_space<semaphore_mem>>
        %dma_start3A_200 = tpu.memref_slice %arg4[%add3A_43] : memref<6422528xi32, #tpu.memory_space<hbm>> -> memref<2048xi32, #tpu.memory_space<hbm>>
        %dma_start3A_201 = tpu.memref_slice %arg4[%add3A_43] : memref<6422528xi32, #tpu.memory_space<hbm>> -> memref<2048xi32, #tpu.memory_space<hbm>>
        tpu.enqueue_dma source(%dma_start3A_201 : memref<2048xi32, #tpu.memory_space<hbm>>) target(%arg10 : memref<2048xi32, #tpu.memory_space<vmem>>) target_semaphore(%run_scoped3A : memref<!tpu.dma_semaphore, #tpu.memory_space<semaphore_mem>>)
        %dma_wait3A_202 = tpu.memref_slice %arg4[%add3A_43] : memref<6422528xi32, #tpu.memory_space<hbm>> -> memref<2048xi32, #tpu.memory_space<hbm>>
        %dma_wait3A_203 = tpu.memref_slice %arg4[%add3A_43] : memref<6422528xi32, #tpu.memory_space<hbm>> -> memref<2048xi32, #tpu.memory_space<hbm>>
        tpu.wait_dma2 semaphore(%run_scoped3A : memref<!tpu.dma_semaphore, #tpu.memory_space<semaphore_mem>>) src(%dma_wait3A_203 : memref<2048xi32, #tpu.memory_space<hbm>>) dst(%arg10 : memref<2048xi32, #tpu.memory_space<vmem>>)
        tpu.yield
      }) : () -> ()
      %dma_start3A_44 = arith.constant 512 : i32
      %dma_start3A_45 = tpu.memref_slice %arg7[%dma_start3A_44] : memref<2048xi32, #tpu.memory_space<vmem>> -> memref<512xi32, #tpu.memory_space<vmem>>
      %dma_start3A_46 = arith.constant 0 : i32
      %dma_start3A_47 = arith.constant 0 : i32
      %dma_start3A_48 = tpu.memref_slice %arg2[%dma_start3A_46, %dma_start3A_47] : memref<200704x16xf32, #tpu.memory_space<hbm>> -> memref<200704x16xf32, #tpu.memory_space<hbm>>
      tpu.enqueue_indirect_dma source(%dma_start3A_48 : memref<200704x16xf32, #tpu.memory_space<hbm>>) target(%arg12 : memref<512x16xf32, #tpu.memory_space<vmem>>) offsets(%dma_start3A_45 : memref<512xi32, #tpu.memory_space<vmem>>) semaphore(%arg15 : memref<!tpu.dma_semaphore, #tpu.memory_space<semaphore_mem>>)
      %dma_wait3A = arith.constant 0 : i32
      %dma_wait3A_49 = tpu.memref_slice %arg7[%dma_wait3A] : memref<2048xi32, #tpu.memory_space<vmem>> -> memref<512xi32, #tpu.memory_space<vmem>>
      %dma_wait3A_50 = arith.constant 0 : i32
      %dma_wait3A_51 = arith.constant 0 : i32
      %dma_wait3A_52 = tpu.memref_slice %arg2[%dma_wait3A_50, %dma_wait3A_51] : memref<200704x16xf32, #tpu.memory_space<hbm>> -> memref<200704x16xf32, #tpu.memory_space<hbm>>
      tpu.wait_indirect_dma semaphore(%arg14 : memref<!tpu.dma_semaphore, #tpu.memory_space<semaphore_mem>>) src(%dma_wait3A_52 : memref<200704x16xf32, #tpu.memory_space<hbm>>) dst(%arg11 : memref<512x16xf32, #tpu.memory_space<vmem>>)
      %dma_start3A_53 = arith.constant 0 : i32
      %dma_start3A_54 = tpu.memref_slice %arg8[%dma_start3A_53] : memref<2048xi32, #tpu.memory_space<vmem>> -> memref<512xi32, #tpu.memory_space<vmem>>
      %dma_start3A_55 = arith.constant 0 : i32
      %dma_start3A_56 = arith.constant 0 : i32
      %dma_start3A_57 = tpu.memref_slice %arg13[%dma_start3A_55, %dma_start3A_56] : memref<100352x16xf32, #tpu.memory_space<vmem_shared>> -> memref<100352x16xf32, #tpu.memory_space<vmem_shared>>
      tpu.enqueue_indirect_dma source(%arg11 : memref<512x16xf32, #tpu.memory_space<vmem>>) target(%dma_start3A_57 : memref<100352x16xf32, #tpu.memory_space<vmem_shared>>) offsets(%dma_start3A_54 : memref<512xi32, #tpu.memory_space<vmem>>) semaphore(%arg16 : memref<!tpu.dma_semaphore, #tpu.memory_space<semaphore_mem>>) {add = true}
      %dma_wait3A_58 = arith.constant 0 : i32
      %dma_wait3A_59 = tpu.memref_slice %arg8[%dma_wait3A_58] : memref<2048xi32, #tpu.memory_space<vmem>> -> memref<512xi32, #tpu.memory_space<vmem>>
      %dma_wait3A_60 = arith.constant 0 : i32
      %dma_wait3A_61 = arith.constant 0 : i32
      %dma_wait3A_62 = tpu.memref_slice %arg13[%dma_wait3A_60, %dma_wait3A_61] : memref<100352x16xf32, #tpu.memory_space<vmem_shared>> -> memref<100352x16xf32, #tpu.memory_space<vmem_shared>>
      tpu.wait_indirect_dma semaphore(%arg16 : memref<!tpu.dma_semaphore, #tpu.memory_space<semaphore_mem>>) src(%arg11 : memref<512x16xf32, #tpu.memory_space<vmem>>) dst(%dma_wait3A_62 : memref<100352x16xf32, #tpu.memory_space<vmem_shared>>)
      %dma_start3A_63 = arith.constant 1024 : i32
      %dma_start3A_64 = tpu.memref_slice %arg7[%dma_start3A_63] : memref<2048xi32, #tpu.memory_space<vmem>> -> memref<512xi32, #tpu.memory_space<vmem>>
      %dma_start3A_65 = arith.constant 0 : i32
      %dma_start3A_66 = arith.constant 0 : i32
      %dma_start3A_67 = tpu.memref_slice %arg2[%dma_start3A_65, %dma_start3A_66] : memref<200704x16xf32, #tpu.memory_space<hbm>> -> memref<200704x16xf32, #tpu.memory_space<hbm>>
      tpu.enqueue_indirect_dma source(%dma_start3A_67 : memref<200704x16xf32, #tpu.memory_space<hbm>>) target(%arg11 : memref<512x16xf32, #tpu.memory_space<vmem>>) offsets(%dma_start3A_64 : memref<512xi32, #tpu.memory_space<vmem>>) semaphore(%arg14 : memref<!tpu.dma_semaphore, #tpu.memory_space<semaphore_mem>>)
      %dma_wait3A_68 = arith.constant 512 : i32
      %dma_wait3A_69 = tpu.memref_slice %arg7[%dma_wait3A_68] : memref<2048xi32, #tpu.memory_space<vmem>> -> memref<512xi32, #tpu.memory_space<vmem>>
      %dma_wait3A_70 = arith.constant 0 : i32
      %dma_wait3A_71 = arith.constant 0 : i32
      %dma_wait3A_72 = tpu.memref_slice %arg2[%dma_wait3A_70, %dma_wait3A_71] : memref<200704x16xf32, #tpu.memory_space<hbm>> -> memref<200704x16xf32, #tpu.memory_space<hbm>>
      tpu.wait_indirect_dma semaphore(%arg15 : memref<!tpu.dma_semaphore, #tpu.memory_space<semaphore_mem>>) src(%dma_wait3A_72 : memref<200704x16xf32, #tpu.memory_space<hbm>>) dst(%arg12 : memref<512x16xf32, #tpu.memory_space<vmem>>)
      %dma_start3A_73 = arith.constant 512 : i32
      %dma_start3A_74 = tpu.memref_slice %arg8[%dma_start3A_73] : memref<2048xi32, #tpu.memory_space<vmem>> -> memref<512xi32, #tpu.memory_space<vmem>>
      %dma_start3A_75 = arith.constant 0 : i32
      %dma_start3A_76 = arith.constant 0 : i32
      %dma_start3A_77 = tpu.memref_slice %arg13[%dma_start3A_75, %dma_start3A_76] : memref<100352x16xf32, #tpu.memory_space<vmem_shared>> -> memref<100352x16xf32, #tpu.memory_space<vmem_shared>>
      tpu.enqueue_indirect_dma source(%arg12 : memref<512x16xf32, #tpu.memory_space<vmem>>) target(%dma_start3A_77 : memref<100352x16xf32, #tpu.memory_space<vmem_shared>>) offsets(%dma_start3A_74 : memref<512xi32, #tpu.memory_space<vmem>>) semaphore(%arg17 : memref<!tpu.dma_semaphore, #tpu.memory_space<semaphore_mem>>) {add = true}
      %dma_wait3A_78 = arith.constant 512 : i32
      %dma_wait3A_79 = tpu.memref_slice %arg8[%dma_wait3A_78] : memref<2048xi32, #tpu.memory_space<vmem>> -> memref<512xi32, #tpu.memory_space<vmem>>
      %dma_wait3A_80 = arith.constant 0 : i32
      %dma_wait3A_81 = arith.constant 0 : i32
      %dma_wait3A_82 = tpu.memref_slice %arg13[%dma_wait3A_80, %dma_wait3A_81] : memref<100352x16xf32, #tpu.memory_space<vmem_shared>> -> memref<100352x16xf32, #tpu.memory_space<vmem_shared>>
      tpu.wait_indirect_dma semaphore(%arg17 : memref<!tpu.dma_semaphore, #tpu.memory_space<semaphore_mem>>) src(%arg12 : memref<512x16xf32, #tpu.memory_space<vmem>>) dst(%dma_wait3A_82 : memref<100352x16xf32, #tpu.memory_space<vmem_shared>>)
      %dma_start3A_83 = arith.constant 1536 : i32
      %dma_start3A_84 = tpu.memref_slice %arg7[%dma_start3A_83] : memref<2048xi32, #tpu.memory_space<vmem>> -> memref<512xi32, #tpu.memory_space<vmem>>
      %dma_start3A_85 = arith.constant 0 : i32
      %dma_start3A_86 = arith.constant 0 : i32
      %dma_start3A_87 = tpu.memref_slice %arg2[%dma_start3A_85, %dma_start3A_86] : memref<200704x16xf32, #tpu.memory_space<hbm>> -> memref<200704x16xf32, #tpu.memory_space<hbm>>
      tpu.enqueue_indirect_dma source(%dma_start3A_87 : memref<200704x16xf32, #tpu.memory_space<hbm>>) target(%arg12 : memref<512x16xf32, #tpu.memory_space<vmem>>) offsets(%dma_start3A_84 : memref<512xi32, #tpu.memory_space<vmem>>) semaphore(%arg15 : memref<!tpu.dma_semaphore, #tpu.memory_space<semaphore_mem>>)
      %dma_wait3A_88 = arith.constant 1024 : i32
      %dma_wait3A_89 = tpu.memref_slice %arg7[%dma_wait3A_88] : memref<2048xi32, #tpu.memory_space<vmem>> -> memref<512xi32, #tpu.memory_space<vmem>>
      %dma_wait3A_90 = arith.constant 0 : i32
      %dma_wait3A_91 = arith.constant 0 : i32
      %dma_wait3A_92 = tpu.memref_slice %arg2[%dma_wait3A_90, %dma_wait3A_91] : memref<200704x16xf32, #tpu.memory_space<hbm>> -> memref<200704x16xf32, #tpu.memory_space<hbm>>
      tpu.wait_indirect_dma semaphore(%arg14 : memref<!tpu.dma_semaphore, #tpu.memory_space<semaphore_mem>>) src(%dma_wait3A_92 : memref<200704x16xf32, #tpu.memory_space<hbm>>) dst(%arg11 : memref<512x16xf32, #tpu.memory_space<vmem>>)
      %dma_start3A_93 = arith.constant 1024 : i32
      %dma_start3A_94 = tpu.memref_slice %arg8[%dma_start3A_93] : memref<2048xi32, #tpu.memory_space<vmem>> -> memref<512xi32, #tpu.memory_space<vmem>>
      %dma_start3A_95 = arith.constant 0 : i32
      %dma_start3A_96 = arith.constant 0 : i32
      %dma_start3A_97 = tpu.memref_slice %arg13[%dma_start3A_95, %dma_start3A_96] : memref<100352x16xf32, #tpu.memory_space<vmem_shared>> -> memref<100352x16xf32, #tpu.memory_space<vmem_shared>>
      tpu.enqueue_indirect_dma source(%arg11 : memref<512x16xf32, #tpu.memory_space<vmem>>) target(%dma_start3A_97 : memref<100352x16xf32, #tpu.memory_space<vmem_shared>>) offsets(%dma_start3A_94 : memref<512xi32, #tpu.memory_space<vmem>>) semaphore(%arg16 : memref<!tpu.dma_semaphore, #tpu.memory_space<semaphore_mem>>) {add = true}
      %dma_wait3A_98 = arith.constant 1024 : i32
      %dma_wait3A_99 = tpu.memref_slice %arg8[%dma_wait3A_98] : memref<2048xi32, #tpu.memory_space<vmem>> -> memref<512xi32, #tpu.memory_space<vmem>>
      %dma_wait3A_100 = arith.constant 0 : i32
      %dma_wait3A_101 = arith.constant 0 : i32
      %dma_wait3A_102 = tpu.memref_slice %arg13[%dma_wait3A_100, %dma_wait3A_101] : memref<100352x16xf32, #tpu.memory_space<vmem_shared>> -> memref<100352x16xf32, #tpu.memory_space<vmem_shared>>
      tpu.wait_indirect_dma semaphore(%arg16 : memref<!tpu.dma_semaphore, #tpu.memory_space<semaphore_mem>>) src(%arg11 : memref<512x16xf32, #tpu.memory_space<vmem>>) dst(%dma_wait3A_102 : memref<100352x16xf32, #tpu.memory_space<vmem_shared>>)
      %dma_start3A_103 = arith.constant 0 : i32
      %dma_start3A_104 = tpu.memref_slice %arg9[%dma_start3A_103] : memref<2048xi32, #tpu.memory_space<vmem>> -> memref<512xi32, #tpu.memory_space<vmem>>
      %dma_start3A_105 = arith.constant 0 : i32
      %dma_start3A_106 = arith.constant 0 : i32
      %dma_start3A_107 = tpu.memref_slice %arg2[%dma_start3A_105, %dma_start3A_106] : memref<200704x16xf32, #tpu.memory_space<hbm>> -> memref<200704x16xf32, #tpu.memory_space<hbm>>
      tpu.enqueue_indirect_dma source(%dma_start3A_107 : memref<200704x16xf32, #tpu.memory_space<hbm>>) target(%arg11 : memref<512x16xf32, #tpu.memory_space<vmem>>) offsets(%dma_start3A_104 : memref<512xi32, #tpu.memory_space<vmem>>) semaphore(%arg14 : memref<!tpu.dma_semaphore, #tpu.memory_space<semaphore_mem>>)
      %dma_wait3A_108 = arith.constant 1536 : i32
      %dma_wait3A_109 = tpu.memref_slice %arg7[%dma_wait3A_108] : memref<2048xi32, #tpu.memory_space<vmem>> -> memref<512xi32, #tpu.memory_space<vmem>>
      %dma_wait3A_110 = arith.constant 0 : i32
      %dma_wait3A_111 = arith.constant 0 : i32
      %dma_wait3A_112 = tpu.memref_slice %arg2[%dma_wait3A_110, %dma_wait3A_111] : memref<200704x16xf32, #tpu.memory_space<hbm>> -> memref<200704x16xf32, #tpu.memory_space<hbm>>
      tpu.wait_indirect_dma semaphore(%arg15 : memref<!tpu.dma_semaphore, #tpu.memory_space<semaphore_mem>>) src(%dma_wait3A_112 : memref<200704x16xf32, #tpu.memory_space<hbm>>) dst(%arg12 : memref<512x16xf32, #tpu.memory_space<vmem>>)
      %dma_start3A_113 = arith.constant 1536 : i32
      %dma_start3A_114 = tpu.memref_slice %arg8[%dma_start3A_113] : memref<2048xi32, #tpu.memory_space<vmem>> -> memref<512xi32, #tpu.memory_space<vmem>>
      %dma_start3A_115 = arith.constant 0 : i32
      %dma_start3A_116 = arith.constant 0 : i32
      %dma_start3A_117 = tpu.memref_slice %arg13[%dma_start3A_115, %dma_start3A_116] : memref<100352x16xf32, #tpu.memory_space<vmem_shared>> -> memref<100352x16xf32, #tpu.memory_space<vmem_shared>>
      tpu.enqueue_indirect_dma source(%arg12 : memref<512x16xf32, #tpu.memory_space<vmem>>) target(%dma_start3A_117 : memref<100352x16xf32, #tpu.memory_space<vmem_shared>>) offsets(%dma_start3A_114 : memref<512xi32, #tpu.memory_space<vmem>>) semaphore(%arg17 : memref<!tpu.dma_semaphore, #tpu.memory_space<semaphore_mem>>) {add = true}
      %dma_wait3A_118 = arith.constant 1536 : i32
      %dma_wait3A_119 = tpu.memref_slice %arg8[%dma_wait3A_118] : memref<2048xi32, #tpu.memory_space<vmem>> -> memref<512xi32, #tpu.memory_space<vmem>>
      %dma_wait3A_120 = arith.constant 0 : i32
      %dma_wait3A_121 = arith.constant 0 : i32
      %dma_wait3A_122 = tpu.memref_slice %arg13[%dma_wait3A_120, %dma_wait3A_121] : memref<100352x16xf32, #tpu.memory_space<vmem_shared>> -> memref<100352x16xf32, #tpu.memory_space<vmem_shared>>
      tpu.wait_indirect_dma semaphore(%arg17 : memref<!tpu.dma_semaphore, #tpu.memory_space<semaphore_mem>>) src(%arg12 : memref<512x16xf32, #tpu.memory_space<vmem>>) dst(%dma_wait3A_122 : memref<100352x16xf32, #tpu.memory_space<vmem_shared>>)
      %add3A_123 = arith.addi %mul3A_6, %min3A_37 : i32
      "tpu.region"() ({
        %run_scoped3A = tpu.sem_alloc : memref<!tpu.dma_semaphore, #tpu.memory_space<semaphore_mem>>
        %dma_start3A_200 = tpu.memref_slice %arg3[%add3A_123] : memref<12845056xi32, #tpu.memory_space<hbm>> -> memref<2048xi32, #tpu.memory_space<hbm>>
        %dma_start3A_201 = tpu.memref_slice %arg3[%add3A_123] : memref<12845056xi32, #tpu.memory_space<hbm>> -> memref<2048xi32, #tpu.memory_space<hbm>>
        tpu.enqueue_dma source(%dma_start3A_201 : memref<2048xi32, #tpu.memory_space<hbm>>) target(%arg7 : memref<2048xi32, #tpu.memory_space<vmem>>) target_semaphore(%run_scoped3A : memref<!tpu.dma_semaphore, #tpu.memory_space<semaphore_mem>>)
        %dma_wait3A_202 = tpu.memref_slice %arg3[%add3A_123] : memref<12845056xi32, #tpu.memory_space<hbm>> -> memref<2048xi32, #tpu.memory_space<hbm>>
        %dma_wait3A_203 = tpu.memref_slice %arg3[%add3A_123] : memref<12845056xi32, #tpu.memory_space<hbm>> -> memref<2048xi32, #tpu.memory_space<hbm>>
        tpu.wait_dma2 semaphore(%run_scoped3A : memref<!tpu.dma_semaphore, #tpu.memory_space<semaphore_mem>>) src(%dma_wait3A_203 : memref<2048xi32, #tpu.memory_space<hbm>>) dst(%arg7 : memref<2048xi32, #tpu.memory_space<vmem>>)
        tpu.yield
      }) : () -> ()
      %add3A_124 = arith.addi %mul3A_10, %min3A_37 : i32
      "tpu.region"() ({
        %run_scoped3A = tpu.sem_alloc : memref<!tpu.dma_semaphore, #tpu.memory_space<semaphore_mem>>
        %dma_start3A_200 = tpu.memref_slice %arg4[%add3A_124] : memref<6422528xi32, #tpu.memory_space<hbm>> -> memref<2048xi32, #tpu.memory_space<hbm>>
        %dma_start3A_201 = tpu.memref_slice %arg4[%add3A_124] : memref<6422528xi32, #tpu.memory_space<hbm>> -> memref<2048xi32, #tpu.memory_space<hbm>>
        tpu.enqueue_dma source(%dma_start3A_201 : memref<2048xi32, #tpu.memory_space<hbm>>) target(%arg8 : memref<2048xi32, #tpu.memory_space<vmem>>) target_semaphore(%run_scoped3A : memref<!tpu.dma_semaphore, #tpu.memory_space<semaphore_mem>>)
        %dma_wait3A_202 = tpu.memref_slice %arg4[%add3A_124] : memref<6422528xi32, #tpu.memory_space<hbm>> -> memref<2048xi32, #tpu.memory_space<hbm>>
        %dma_wait3A_203 = tpu.memref_slice %arg4[%add3A_124] : memref<6422528xi32, #tpu.memory_space<hbm>> -> memref<2048xi32, #tpu.memory_space<hbm>>
        tpu.wait_dma2 semaphore(%run_scoped3A : memref<!tpu.dma_semaphore, #tpu.memory_space<semaphore_mem>>) src(%dma_wait3A_203 : memref<2048xi32, #tpu.memory_space<hbm>>) dst(%arg8 : memref<2048xi32, #tpu.memory_space<vmem>>)
        tpu.yield
      }) : () -> ()
      %dma_start3A_125 = arith.constant 512 : i32
      %dma_start3A_126 = tpu.memref_slice %arg9[%dma_start3A_125] : memref<2048xi32, #tpu.memory_space<vmem>> -> memref<512xi32, #tpu.memory_space<vmem>>
      %dma_start3A_127 = arith.constant 0 : i32
      %dma_start3A_128 = arith.constant 0 : i32
      %dma_start3A_129 = tpu.memref_slice %arg2[%dma_start3A_127, %dma_start3A_128] : memref<200704x16xf32, #tpu.memory_space<hbm>> -> memref<200704x16xf32, #tpu.memory_space<hbm>>
      tpu.enqueue_indirect_dma source(%dma_start3A_129 : memref<200704x16xf32, #tpu.memory_space<hbm>>) target(%arg12 : memref<512x16xf32, #tpu.memory_space<vmem>>) offsets(%dma_start3A_126 : memref<512xi32, #tpu.memory_space<vmem>>) semaphore(%arg15 : memref<!tpu.dma_semaphore, #tpu.memory_space<semaphore_mem>>)
      %dma_wait3A_130 = arith.constant 0 : i32
      %dma_wait3A_131 = tpu.memref_slice %arg9[%dma_wait3A_130] : memref<2048xi32, #tpu.memory_space<vmem>> -> memref<512xi32, #tpu.memory_space<vmem>>
      %dma_wait3A_132 = arith.constant 0 : i32
      %dma_wait3A_133 = arith.constant 0 : i32
      %dma_wait3A_134 = tpu.memref_slice %arg2[%dma_wait3A_132, %dma_wait3A_133] : memref<200704x16xf32, #tpu.memory_space<hbm>> -> memref<200704x16xf32, #tpu.memory_space<hbm>>
      tpu.wait_indirect_dma semaphore(%arg14 : memref<!tpu.dma_semaphore, #tpu.memory_space<semaphore_mem>>) src(%dma_wait3A_134 : memref<200704x16xf32, #tpu.memory_space<hbm>>) dst(%arg11 : memref<512x16xf32, #tpu.memory_space<vmem>>)
      %dma_start3A_135 = arith.constant 0 : i32
      %dma_start3A_136 = tpu.memref_slice %arg10[%dma_start3A_135] : memref<2048xi32, #tpu.memory_space<vmem>> -> memref<512xi32, #tpu.memory_space<vmem>>
      %dma_start3A_137 = arith.constant 0 : i32
      %dma_start3A_138 = arith.constant 0 : i32
      %dma_start3A_139 = tpu.memref_slice %arg13[%dma_start3A_137, %dma_start3A_138] : memref<100352x16xf32, #tpu.memory_space<vmem_shared>> -> memref<100352x16xf32, #tpu.memory_space<vmem_shared>>
      tpu.enqueue_indirect_dma source(%arg11 : memref<512x16xf32, #tpu.memory_space<vmem>>) target(%dma_start3A_139 : memref<100352x16xf32, #tpu.memory_space<vmem_shared>>) offsets(%dma_start3A_136 : memref<512xi32, #tpu.memory_space<vmem>>) semaphore(%arg16 : memref<!tpu.dma_semaphore, #tpu.memory_space<semaphore_mem>>) {add = true}
      %dma_wait3A_140 = arith.constant 0 : i32
      %dma_wait3A_141 = tpu.memref_slice %arg10[%dma_wait3A_140] : memref<2048xi32, #tpu.memory_space<vmem>> -> memref<512xi32, #tpu.memory_space<vmem>>
      %dma_wait3A_142 = arith.constant 0 : i32
      %dma_wait3A_143 = arith.constant 0 : i32
      %dma_wait3A_144 = tpu.memref_slice %arg13[%dma_wait3A_142, %dma_wait3A_143] : memref<100352x16xf32, #tpu.memory_space<vmem_shared>> -> memref<100352x16xf32, #tpu.memory_space<vmem_shared>>
      tpu.wait_indirect_dma semaphore(%arg16 : memref<!tpu.dma_semaphore, #tpu.memory_space<semaphore_mem>>) src(%arg11 : memref<512x16xf32, #tpu.memory_space<vmem>>) dst(%dma_wait3A_144 : memref<100352x16xf32, #tpu.memory_space<vmem_shared>>)
      %dma_start3A_145 = arith.constant 1024 : i32
      %dma_start3A_146 = tpu.memref_slice %arg9[%dma_start3A_145] : memref<2048xi32, #tpu.memory_space<vmem>> -> memref<512xi32, #tpu.memory_space<vmem>>
      %dma_start3A_147 = arith.constant 0 : i32
      %dma_start3A_148 = arith.constant 0 : i32
      %dma_start3A_149 = tpu.memref_slice %arg2[%dma_start3A_147, %dma_start3A_148] : memref<200704x16xf32, #tpu.memory_space<hbm>> -> memref<200704x16xf32, #tpu.memory_space<hbm>>
      tpu.enqueue_indirect_dma source(%dma_start3A_149 : memref<200704x16xf32, #tpu.memory_space<hbm>>) target(%arg11 : memref<512x16xf32, #tpu.memory_space<vmem>>) offsets(%dma_start3A_146 : memref<512xi32, #tpu.memory_space<vmem>>) semaphore(%arg14 : memref<!tpu.dma_semaphore, #tpu.memory_space<semaphore_mem>>)
      %dma_wait3A_150 = arith.constant 512 : i32
      %dma_wait3A_151 = tpu.memref_slice %arg9[%dma_wait3A_150] : memref<2048xi32, #tpu.memory_space<vmem>> -> memref<512xi32, #tpu.memory_space<vmem>>
      %dma_wait3A_152 = arith.constant 0 : i32
      %dma_wait3A_153 = arith.constant 0 : i32
      %dma_wait3A_154 = tpu.memref_slice %arg2[%dma_wait3A_152, %dma_wait3A_153] : memref<200704x16xf32, #tpu.memory_space<hbm>> -> memref<200704x16xf32, #tpu.memory_space<hbm>>
      tpu.wait_indirect_dma semaphore(%arg15 : memref<!tpu.dma_semaphore, #tpu.memory_space<semaphore_mem>>) src(%dma_wait3A_154 : memref<200704x16xf32, #tpu.memory_space<hbm>>) dst(%arg12 : memref<512x16xf32, #tpu.memory_space<vmem>>)
      %dma_start3A_155 = arith.constant 512 : i32
      %dma_start3A_156 = tpu.memref_slice %arg10[%dma_start3A_155] : memref<2048xi32, #tpu.memory_space<vmem>> -> memref<512xi32, #tpu.memory_space<vmem>>
      %dma_start3A_157 = arith.constant 0 : i32
      %dma_start3A_158 = arith.constant 0 : i32
      %dma_start3A_159 = tpu.memref_slice %arg13[%dma_start3A_157, %dma_start3A_158] : memref<100352x16xf32, #tpu.memory_space<vmem_shared>> -> memref<100352x16xf32, #tpu.memory_space<vmem_shared>>
      tpu.enqueue_indirect_dma source(%arg12 : memref<512x16xf32, #tpu.memory_space<vmem>>) target(%dma_start3A_159 : memref<100352x16xf32, #tpu.memory_space<vmem_shared>>) offsets(%dma_start3A_156 : memref<512xi32, #tpu.memory_space<vmem>>) semaphore(%arg17 : memref<!tpu.dma_semaphore, #tpu.memory_space<semaphore_mem>>) {add = true}
      %dma_wait3A_160 = arith.constant 512 : i32
      %dma_wait3A_161 = tpu.memref_slice %arg10[%dma_wait3A_160] : memref<2048xi32, #tpu.memory_space<vmem>> -> memref<512xi32, #tpu.memory_space<vmem>>
      %dma_wait3A_162 = arith.constant 0 : i32
      %dma_wait3A_163 = arith.constant 0 : i32
      %dma_wait3A_164 = tpu.memref_slice %arg13[%dma_wait3A_162, %dma_wait3A_163] : memref<100352x16xf32, #tpu.memory_space<vmem_shared>> -> memref<100352x16xf32, #tpu.memory_space<vmem_shared>>
      tpu.wait_indirect_dma semaphore(%arg17 : memref<!tpu.dma_semaphore, #tpu.memory_space<semaphore_mem>>) src(%arg12 : memref<512x16xf32, #tpu.memory_space<vmem>>) dst(%dma_wait3A_164 : memref<100352x16xf32, #tpu.memory_space<vmem_shared>>)
      %dma_start3A_165 = arith.constant 1536 : i32
      %dma_start3A_166 = tpu.memref_slice %arg9[%dma_start3A_165] : memref<2048xi32, #tpu.memory_space<vmem>> -> memref<512xi32, #tpu.memory_space<vmem>>
      %dma_start3A_167 = arith.constant 0 : i32
      %dma_start3A_168 = arith.constant 0 : i32
      %dma_start3A_169 = tpu.memref_slice %arg2[%dma_start3A_167, %dma_start3A_168] : memref<200704x16xf32, #tpu.memory_space<hbm>> -> memref<200704x16xf32, #tpu.memory_space<hbm>>
      tpu.enqueue_indirect_dma source(%dma_start3A_169 : memref<200704x16xf32, #tpu.memory_space<hbm>>) target(%arg12 : memref<512x16xf32, #tpu.memory_space<vmem>>) offsets(%dma_start3A_166 : memref<512xi32, #tpu.memory_space<vmem>>) semaphore(%arg15 : memref<!tpu.dma_semaphore, #tpu.memory_space<semaphore_mem>>)
      %dma_wait3A_170 = arith.constant 1024 : i32
      %dma_wait3A_171 = tpu.memref_slice %arg9[%dma_wait3A_170] : memref<2048xi32, #tpu.memory_space<vmem>> -> memref<512xi32, #tpu.memory_space<vmem>>
      %dma_wait3A_172 = arith.constant 0 : i32
      %dma_wait3A_173 = arith.constant 0 : i32
      %dma_wait3A_174 = tpu.memref_slice %arg2[%dma_wait3A_172, %dma_wait3A_173] : memref<200704x16xf32, #tpu.memory_space<hbm>> -> memref<200704x16xf32, #tpu.memory_space<hbm>>
      tpu.wait_indirect_dma semaphore(%arg14 : memref<!tpu.dma_semaphore, #tpu.memory_space<semaphore_mem>>) src(%dma_wait3A_174 : memref<200704x16xf32, #tpu.memory_space<hbm>>) dst(%arg11 : memref<512x16xf32, #tpu.memory_space<vmem>>)
      %dma_start3A_175 = arith.constant 1024 : i32
      %dma_start3A_176 = tpu.memref_slice %arg10[%dma_start3A_175] : memref<2048xi32, #tpu.memory_space<vmem>> -> memref<512xi32, #tpu.memory_space<vmem>>
      %dma_start3A_177 = arith.constant 0 : i32
      %dma_start3A_178 = arith.constant 0 : i32
      %dma_start3A_179 = tpu.memref_slice %arg13[%dma_start3A_177, %dma_start3A_178] : memref<100352x16xf32, #tpu.memory_space<vmem_shared>> -> memref<100352x16xf32, #tpu.memory_space<vmem_shared>>
      tpu.enqueue_indirect_dma source(%arg11 : memref<512x16xf32, #tpu.memory_space<vmem>>) target(%dma_start3A_179 : memref<100352x16xf32, #tpu.memory_space<vmem_shared>>) offsets(%dma_start3A_176 : memref<512xi32, #tpu.memory_space<vmem>>) semaphore(%arg16 : memref<!tpu.dma_semaphore, #tpu.memory_space<semaphore_mem>>) {add = true}
      %dma_wait3A_180 = arith.constant 1024 : i32
      %dma_wait3A_181 = tpu.memref_slice %arg10[%dma_wait3A_180] : memref<2048xi32, #tpu.memory_space<vmem>> -> memref<512xi32, #tpu.memory_space<vmem>>
      %dma_wait3A_182 = arith.constant 0 : i32
      %dma_wait3A_183 = arith.constant 0 : i32
      %dma_wait3A_184 = tpu.memref_slice %arg13[%dma_wait3A_182, %dma_wait3A_183] : memref<100352x16xf32, #tpu.memory_space<vmem_shared>> -> memref<100352x16xf32, #tpu.memory_space<vmem_shared>>
      tpu.wait_indirect_dma semaphore(%arg16 : memref<!tpu.dma_semaphore, #tpu.memory_space<semaphore_mem>>) src(%arg11 : memref<512x16xf32, #tpu.memory_space<vmem>>) dst(%dma_wait3A_184 : memref<100352x16xf32, #tpu.memory_space<vmem_shared>>)
      %dma_wait3A_185 = arith.constant 1536 : i32
      %dma_wait3A_186 = tpu.memref_slice %arg9[%dma_wait3A_185] : memref<2048xi32, #tpu.memory_space<vmem>> -> memref<512xi32, #tpu.memory_space<vmem>>
      %dma_wait3A_187 = arith.constant 0 : i32
      %dma_wait3A_188 = arith.constant 0 : i32
      %dma_wait3A_189 = tpu.memref_slice %arg2[%dma_wait3A_187, %dma_wait3A_188] : memref<200704x16xf32, #tpu.memory_space<hbm>> -> memref<200704x16xf32, #tpu.memory_space<hbm>>
      tpu.wait_indirect_dma semaphore(%arg15 : memref<!tpu.dma_semaphore, #tpu.memory_space<semaphore_mem>>) src(%dma_wait3A_189 : memref<200704x16xf32, #tpu.memory_space<hbm>>) dst(%arg12 : memref<512x16xf32, #tpu.memory_space<vmem>>)
      %dma_start3A_190 = arith.constant 1536 : i32
      %dma_start3A_191 = tpu.memref_slice %arg10[%dma_start3A_190] : memref<2048xi32, #tpu.memory_space<vmem>> -> memref<512xi32, #tpu.memory_space<vmem>>
      %dma_start3A_192 = arith.constant 0 : i32
      %dma_start3A_193 = arith.constant 0 : i32
      %dma_start3A_194 = tpu.memref_slice %arg13[%dma_start3A_192, %dma_start3A_193] : memref<100352x16xf32, #tpu.memory_space<vmem_shared>> -> memref<100352x16xf32, #tpu.memory_space<vmem_shared>>
      tpu.enqueue_indirect_dma source(%arg12 : memref<512x16xf32, #tpu.memory_space<vmem>>) target(%dma_start3A_194 : memref<100352x16xf32, #tpu.memory_space<vmem_shared>>) offsets(%dma_start3A_191 : memref<512xi32, #tpu.memory_space<vmem>>) semaphore(%arg17 : memref<!tpu.dma_semaphore, #tpu.memory_space<semaphore_mem>>) {add = true}
      %dma_wait3A_195 = arith.constant 1536 : i32
      %dma_wait3A_196 = tpu.memref_slice %arg10[%dma_wait3A_195] : memref<2048xi32, #tpu.memory_space<vmem>> -> memref<512xi32, #tpu.memory_space<vmem>>
      %dma_wait3A_197 = arith.constant 0 : i32
      %dma_wait3A_198 = arith.constant 0 : i32
      %dma_wait3A_199 = tpu.memref_slice %arg13[%dma_wait3A_197, %dma_wait3A_198] : memref<100352x16xf32, #tpu.memory_space<vmem_shared>> -> memref<100352x16xf32, #tpu.memory_space<vmem_shared>>
      tpu.wait_indirect_dma semaphore(%arg17 : memref<!tpu.dma_semaphore, #tpu.memory_space<semaphore_mem>>) src(%arg12 : memref<512x16xf32, #tpu.memory_space<vmem>>) dst(%dma_wait3A_199 : memref<100352x16xf32, #tpu.memory_space<vmem_shared>>)
    }
    %scan3A_15 = arith.constant 98 : i32
    %barrier3A_16 = arith.constant 0 : index
    tpu.barrier barrier_id(%barrier3A_16)
    %mul3A_17 = arith.constant 6272 : i32
    %mul3A_18 = arith.muli %arg1, %mul3A_17 : i32
    %mul3A_19 = arith.constant 100352 : i32
    %mul3A_20 = arith.muli %arg0, %mul3A_19 : i32
    %mul3A_21 = arith.constant 6272 : i32
    %mul3A_22 = arith.muli %arg1, %mul3A_21 : i32
    %add3A_23 = arith.addi %mul3A_20, %mul3A_22 : i32
    "tpu.region"() ({
      %run_scoped3A = tpu.sem_alloc : memref<!tpu.dma_semaphore, #tpu.memory_space<semaphore_mem>>
      %dma_start3A = arith.constant 0 : i32
      %dma_start3A_24 = tpu.memref_slice %arg6[%add3A_23, %dma_start3A] : memref<200704x16xf32, #tpu.memory_space<hbm>> -> memref<6272x16xf32, #tpu.memory_space<hbm>>
      %dma_start3A_25 = arith.constant 0 : i32
      %dma_start3A_26 = tpu.memref_slice %arg13[%mul3A_18, %dma_start3A_25] : memref<100352x16xf32, #tpu.memory_space<vmem_shared>> -> memref<6272x16xf32, #tpu.memory_space<vmem_shared>>
      tpu.enqueue_dma source(%dma_start3A_26 : memref<6272x16xf32, #tpu.memory_space<vmem_shared>>) target(%dma_start3A_24 : memref<6272x16xf32, #tpu.memory_space<hbm>>) target_semaphore(%run_scoped3A : memref<!tpu.dma_semaphore, #tpu.memory_space<semaphore_mem>>)
      %dma_wait3A = arith.constant 0 : i32
      %dma_wait3A_27 = tpu.memref_slice %arg6[%add3A_23, %dma_wait3A] : memref<200704x16xf32, #tpu.memory_space<hbm>> -> memref<6272x16xf32, #tpu.memory_space<hbm>>
      %dma_wait3A_28 = arith.constant 0 : i32
      %dma_wait3A_29 = tpu.memref_slice %arg13[%mul3A_18, %dma_wait3A_28] : memref<100352x16xf32, #tpu.memory_space<vmem_shared>> -> memref<6272x16xf32, #tpu.memory_space<vmem_shared>>
      tpu.wait_dma2 semaphore(%run_scoped3A : memref<!tpu.dma_semaphore, #tpu.memory_space<semaphore_mem>>) src(%dma_wait3A_29 : memref<6272x16xf32, #tpu.memory_space<vmem_shared>>) dst(%dma_wait3A_27 : memref<6272x16xf32, #tpu.memory_space<hbm>>)
      tpu.yield
    }) : () -> ()
    return
  }
}

#map = affine_map<(d0, d1) -> (0, 0)>
#map1 = affine_map<(d0, d1) -> (0)>
module attributes {stable_mosaic.version = 14 : i64} {
  func.func @_sc_segsum_body(%arg0: i32, %arg1: i32, %arg2: memref<200704x16xf32, #tpu.memory_space<hbm>>, %arg3: memref<12845056xi32, #tpu.memory_space<hbm>>, %arg4: memref<6422528xi32, #tpu.memory_space<hbm>>, %arg5: memref<6272x16xf32, #tpu.memory_space<hbm>>, %arg6: memref<200704x16xf32, #tpu.memory_space<hbm>>, %arg7: memref<2048xi32, #tpu.memory_space<vmem>>, %arg8: memref<2048xi32, #tpu.memory_space<vmem>>, %arg9: memref<2048xi32, #tpu.memory_space<vmem>>, %arg10: memref<2048xi32, #tpu.memory_space<vmem>>, %arg11: memref<512x16xf32, #tpu.memory_space<vmem>>, %arg12: memref<512x16xf32, #tpu.memory_space<vmem>>, %arg13: memref<100352x16xf32, #tpu.memory_space<vmem_shared>>, %arg14: memref<!tpu.dma_semaphore, #tpu.memory_space<semaphore_mem>>, %arg15: memref<!tpu.dma_semaphore, #tpu.memory_space<semaphore_mem>>, %arg16: memref<!tpu.dma_semaphore, #tpu.memory_space<semaphore_mem>>, %arg17: memref<!tpu.dma_semaphore, #tpu.memory_space<semaphore_mem>>) attributes {dimension_semantics = [#tpu.dimension_semantics<core_parallel>, #tpu.dimension_semantics<subcore_parallel>], iteration_bounds = array<i64: 2, 16>, scalar_prefetch = 0 : i64, scratch_operands = 11 : i64, tpu.core_type = #tpu.core_type<sc_vector_subcore>, window_params = [{transform_indices = #map}, {transform_indices = #map1}, {transform_indices = #map1}, {transform_indices = #map}, {transform_indices = #map}]} {
    %mul3A = arith.constant 6272 : i32
    %mul3A_0 = arith.muli %arg1, %mul3A : i32
    "tpu.region"() ({
      %run_scoped3A = tpu.sem_alloc : memref<!tpu.dma_semaphore, #tpu.memory_space<semaphore_mem>>
      %dma_start3A = arith.constant 0 : i32
      %dma_start3A_24 = tpu.memref_slice %arg13[%mul3A_0, %dma_start3A] : memref<100352x16xf32, #tpu.memory_space<vmem_shared>> -> memref<6272x16xf32, #tpu.memory_space<vmem_shared>>
      tpu.enqueue_dma source(%arg5 : memref<6272x16xf32, #tpu.memory_space<hbm>>) target(%dma_start3A_24 : memref<6272x16xf32, #tpu.memory_space<vmem_shared>>) target_semaphore(%run_scoped3A : memref<!tpu.dma_semaphore, #tpu.memory_space<semaphore_mem>>)
      %dma_wait3A = arith.constant 0 : i32
      %dma_wait3A_25 = tpu.memref_slice %arg13[%mul3A_0, %dma_wait3A] : memref<100352x16xf32, #tpu.memory_space<vmem_shared>> -> memref<6272x16xf32, #tpu.memory_space<vmem_shared>>
      tpu.wait_dma2 semaphore(%run_scoped3A : memref<!tpu.dma_semaphore, #tpu.memory_space<semaphore_mem>>) src(%arg5 : memref<6272x16xf32, #tpu.memory_space<hbm>>) dst(%dma_wait3A_25 : memref<6272x16xf32, #tpu.memory_space<vmem_shared>>)
      tpu.yield
    }) : () -> ()
    %barrier3A = arith.constant 0 : index
    tpu.barrier barrier_id(%barrier3A)
    %mul3A_1 = arith.constant 50176 : i32
    %mul3A_2 = arith.muli %arg0, %mul3A_1 : i32
    %mul3A_3 = arith.constant 3136 : i32
    %mul3A_4 = arith.muli %arg1, %mul3A_3 : i32
    %add3A = arith.addi %mul3A_2, %mul3A_4 : i32
    %mul3A_5 = arith.constant 128 : i32
    %mul3A_6 = arith.muli %add3A, %mul3A_5 : i32
    %mul3A_7 = arith.constant 3136 : i32
    %mul3A_8 = arith.muli %arg1, %mul3A_7 : i32
    %mul3A_9 = arith.constant 128 : i32
    %mul3A_10 = arith.muli %mul3A_8, %mul3A_9 : i32
    "tpu.region"() ({
      %run_scoped3A = tpu.sem_alloc : memref<!tpu.dma_semaphore, #tpu.memory_space<semaphore_mem>>
      %dma_start3A = tpu.memref_slice %arg3[%mul3A_6] : memref<12845056xi32, #tpu.memory_space<hbm>> -> memref<2048xi32, #tpu.memory_space<hbm>>
      %dma_start3A_24 = tpu.memref_slice %arg3[%mul3A_6] : memref<12845056xi32, #tpu.memory_space<hbm>> -> memref<2048xi32, #tpu.memory_space<hbm>>
      tpu.enqueue_dma source(%dma_start3A_24 : memref<2048xi32, #tpu.memory_space<hbm>>) target(%arg7 : memref<2048xi32, #tpu.memory_space<vmem>>) target_semaphore(%run_scoped3A : memref<!tpu.dma_semaphore, #tpu.memory_space<semaphore_mem>>)
      %dma_wait3A = tpu.memref_slice %arg3[%mul3A_6] : memref<12845056xi32, #tpu.memory_space<hbm>> -> memref<2048xi32, #tpu.memory_space<hbm>>
      %dma_wait3A_25 = tpu.memref_slice %arg3[%mul3A_6] : memref<12845056xi32, #tpu.memory_space<hbm>> -> memref<2048xi32, #tpu.memory_space<hbm>>
      tpu.wait_dma2 semaphore(%run_scoped3A : memref<!tpu.dma_semaphore, #tpu.memory_space<semaphore_mem>>) src(%dma_wait3A_25 : memref<2048xi32, #tpu.memory_space<hbm>>) dst(%arg7 : memref<2048xi32, #tpu.memory_space<vmem>>)
      tpu.yield
    }) : () -> ()
    "tpu.region"() ({
      %run_scoped3A = tpu.sem_alloc : memref<!tpu.dma_semaphore, #tpu.memory_space<semaphore_mem>>
      %dma_start3A = tpu.memref_slice %arg4[%mul3A_10] : memref<6422528xi32, #tpu.memory_space<hbm>> -> memref<2048xi32, #tpu.memory_space<hbm>>
      %dma_start3A_24 = tpu.memref_slice %arg4[%mul3A_10] : memref<6422528xi32, #tpu.memory_space<hbm>> -> memref<2048xi32, #tpu.memory_space<hbm>>
      tpu.enqueue_dma source(%dma_start3A_24 : memref<2048xi32, #tpu.memory_space<hbm>>) target(%arg8 : memref<2048xi32, #tpu.memory_space<vmem>>) target_semaphore(%run_scoped3A : memref<!tpu.dma_semaphore, #tpu.memory_space<semaphore_mem>>)
      %dma_wait3A = tpu.memref_slice %arg4[%mul3A_10] : memref<6422528xi32, #tpu.memory_space<hbm>> -> memref<2048xi32, #tpu.memory_space<hbm>>
      %dma_wait3A_25 = tpu.memref_slice %arg4[%mul3A_10] : memref<6422528xi32, #tpu.memory_space<hbm>> -> memref<2048xi32, #tpu.memory_space<hbm>>
      tpu.wait_dma2 semaphore(%run_scoped3A : memref<!tpu.dma_semaphore, #tpu.memory_space<semaphore_mem>>) src(%dma_wait3A_25 : memref<2048xi32, #tpu.memory_space<hbm>>) dst(%arg8 : memref<2048xi32, #tpu.memory_space<vmem>>)
      tpu.yield
    }) : () -> ()
    %scan3A = arith.constant 0 : i32
    %scan3A_11 = arith.constant 0 : i32
    %scan3A_12 = arith.constant 98 : i32
    %scan3A_13 = arith.addi %scan3A_11, %scan3A_12 : i32
    %scan3A_14 = arith.constant 1 : i32
    scf.for %scan3A_24 = %scan3A_11 to %scan3A_13 step %scan3A_14  : i32 {
      %mul3A_25 = arith.constant 2 : i32
      %mul3A_26 = arith.muli %mul3A_25, %scan3A_24 : i32
      %add3A_27 = arith.constant 1 : i32
      %add3A_28 = arith.addi %mul3A_26, %add3A_27 : i32
      %mul3A_29 = arith.constant 2048 : i32
      %mul3A_30 = arith.muli %add3A_28, %mul3A_29 : i32
      %mul3A_31 = arith.constant 2 : i32
      %mul3A_32 = arith.muli %mul3A_31, %scan3A_24 : i32
      %add3A_33 = arith.constant 2 : i32
      %add3A_34 = arith.addi %mul3A_32, %add3A_33 : i32
      %mul3A_35 = arith.constant 2048 : i32
      %mul3A_36 = arith.muli %add3A_34, %mul3A_35 : i32
      %min3A = arith.constant 399360 : i32
      %min3A_37 = arith.minsi %mul3A_36, %min3A : i32
      %dma_start3A = arith.constant 0 : i32
      %dma_start3A_38 = tpu.memref_slice %arg7[%dma_start3A] : memref<2048xi32, #tpu.memory_space<vmem>> -> memref<512xi32, #tpu.memory_space<vmem>>
      %dma_start3A_39 = arith.constant 0 : i32
      %dma_start3A_40 = arith.constant 0 : i32
      %dma_start3A_41 = tpu.memref_slice %arg2[%dma_start3A_39, %dma_start3A_40] : memref<200704x16xf32, #tpu.memory_space<hbm>> -> memref<200704x16xf32, #tpu.memory_space<hbm>>
      tpu.enqueue_indirect_dma source(%dma_start3A_41 : memref<200704x16xf32, #tpu.memory_space<hbm>>) target(%arg11 : memref<512x16xf32, #tpu.memory_space<vmem>>) offsets(%dma_start3A_38 : memref<512xi32, #tpu.memory_space<vmem>>) semaphore(%arg14 : memref<!tpu.dma_semaphore, #tpu.memory_space<semaphore_mem>>)
      %add3A_42 = arith.addi %mul3A_6, %mul3A_30 : i32
      "tpu.region"() ({
        %run_scoped3A = tpu.sem_alloc : memref<!tpu.dma_semaphore, #tpu.memory_space<semaphore_mem>>
        %dma_start3A_200 = tpu.memref_slice %arg3[%add3A_42] : memref<12845056xi32, #tpu.memory_space<hbm>> -> memref<2048xi32, #tpu.memory_space<hbm>>
        %dma_start3A_201 = tpu.memref_slice %arg3[%add3A_42] : memref<12845056xi32, #tpu.memory_space<hbm>> -> memref<2048xi32, #tpu.memory_space<hbm>>
        tpu.enqueue_dma source(%dma_start3A_201 : memref<2048xi32, #tpu.memory_space<hbm>>) target(%arg9 : memref<2048xi32, #tpu.memory_space<vmem>>) target_semaphore(%run_scoped3A : memref<!tpu.dma_semaphore, #tpu.memory_space<semaphore_mem>>)
        %dma_wait3A_202 = tpu.memref_slice %arg3[%add3A_42] : memref<12845056xi32, #tpu.memory_space<hbm>> -> memref<2048xi32, #tpu.memory_space<hbm>>
        %dma_wait3A_203 = tpu.memref_slice %arg3[%add3A_42] : memref<12845056xi32, #tpu.memory_space<hbm>> -> memref<2048xi32, #tpu.memory_space<hbm>>
        tpu.wait_dma2 semaphore(%run_scoped3A : memref<!tpu.dma_semaphore, #tpu.memory_space<semaphore_mem>>) src(%dma_wait3A_203 : memref<2048xi32, #tpu.memory_space<hbm>>) dst(%arg9 : memref<2048xi32, #tpu.memory_space<vmem>>)
        tpu.yield
      }) : () -> ()
      %add3A_43 = arith.addi %mul3A_10, %mul3A_30 : i32
      "tpu.region"() ({
        %run_scoped3A = tpu.sem_alloc : memref<!tpu.dma_semaphore, #tpu.memory_space<semaphore_mem>>
        %dma_start3A_200 = tpu.memref_slice %arg4[%add3A_43] : memref<6422528xi32, #tpu.memory_space<hbm>> -> memref<2048xi32, #tpu.memory_space<hbm>>
        %dma_start3A_201 = tpu.memref_slice %arg4[%add3A_43] : memref<6422528xi32, #tpu.memory_space<hbm>> -> memref<2048xi32, #tpu.memory_space<hbm>>
        tpu.enqueue_dma source(%dma_start3A_201 : memref<2048xi32, #tpu.memory_space<hbm>>) target(%arg10 : memref<2048xi32, #tpu.memory_space<vmem>>) target_semaphore(%run_scoped3A : memref<!tpu.dma_semaphore, #tpu.memory_space<semaphore_mem>>)
        %dma_wait3A_202 = tpu.memref_slice %arg4[%add3A_43] : memref<6422528xi32, #tpu.memory_space<hbm>> -> memref<2048xi32, #tpu.memory_space<hbm>>
        %dma_wait3A_203 = tpu.memref_slice %arg4[%add3A_43] : memref<6422528xi32, #tpu.memory_space<hbm>> -> memref<2048xi32, #tpu.memory_space<hbm>>
        tpu.wait_dma2 semaphore(%run_scoped3A : memref<!tpu.dma_semaphore, #tpu.memory_space<semaphore_mem>>) src(%dma_wait3A_203 : memref<2048xi32, #tpu.memory_space<hbm>>) dst(%arg10 : memref<2048xi32, #tpu.memory_space<vmem>>)
        tpu.yield
      }) : () -> ()
      %dma_start3A_44 = arith.constant 512 : i32
      %dma_start3A_45 = tpu.memref_slice %arg7[%dma_start3A_44] : memref<2048xi32, #tpu.memory_space<vmem>> -> memref<512xi32, #tpu.memory_space<vmem>>
      %dma_start3A_46 = arith.constant 0 : i32
      %dma_start3A_47 = arith.constant 0 : i32
      %dma_start3A_48 = tpu.memref_slice %arg2[%dma_start3A_46, %dma_start3A_47] : memref<200704x16xf32, #tpu.memory_space<hbm>> -> memref<200704x16xf32, #tpu.memory_space<hbm>>
      tpu.enqueue_indirect_dma source(%dma_start3A_48 : memref<200704x16xf32, #tpu.memory_space<hbm>>) target(%arg12 : memref<512x16xf32, #tpu.memory_space<vmem>>) offsets(%dma_start3A_45 : memref<512xi32, #tpu.memory_space<vmem>>) semaphore(%arg15 : memref<!tpu.dma_semaphore, #tpu.memory_space<semaphore_mem>>)
      %dma_wait3A = arith.constant 0 : i32
      %dma_wait3A_49 = tpu.memref_slice %arg7[%dma_wait3A] : memref<2048xi32, #tpu.memory_space<vmem>> -> memref<512xi32, #tpu.memory_space<vmem>>
      %dma_wait3A_50 = arith.constant 0 : i32
      %dma_wait3A_51 = arith.constant 0 : i32
      %dma_wait3A_52 = tpu.memref_slice %arg2[%dma_wait3A_50, %dma_wait3A_51] : memref<200704x16xf32, #tpu.memory_space<hbm>> -> memref<200704x16xf32, #tpu.memory_space<hbm>>
      tpu.wait_indirect_dma semaphore(%arg14 : memref<!tpu.dma_semaphore, #tpu.memory_space<semaphore_mem>>) src(%dma_wait3A_52 : memref<200704x16xf32, #tpu.memory_space<hbm>>) dst(%arg11 : memref<512x16xf32, #tpu.memory_space<vmem>>)
      %dma_start3A_53 = arith.constant 0 : i32
      %dma_start3A_54 = tpu.memref_slice %arg8[%dma_start3A_53] : memref<2048xi32, #tpu.memory_space<vmem>> -> memref<512xi32, #tpu.memory_space<vmem>>
      %dma_start3A_55 = arith.constant 0 : i32
      %dma_start3A_56 = arith.constant 0 : i32
      %dma_start3A_57 = tpu.memref_slice %arg13[%dma_start3A_55, %dma_start3A_56] : memref<100352x16xf32, #tpu.memory_space<vmem_shared>> -> memref<100352x16xf32, #tpu.memory_space<vmem_shared>>
      tpu.enqueue_indirect_dma source(%arg11 : memref<512x16xf32, #tpu.memory_space<vmem>>) target(%dma_start3A_57 : memref<100352x16xf32, #tpu.memory_space<vmem_shared>>) offsets(%dma_start3A_54 : memref<512xi32, #tpu.memory_space<vmem>>) semaphore(%arg16 : memref<!tpu.dma_semaphore, #tpu.memory_space<semaphore_mem>>) {add = true}
      %dma_wait3A_58 = arith.constant 0 : i32
      %dma_wait3A_59 = tpu.memref_slice %arg8[%dma_wait3A_58] : memref<2048xi32, #tpu.memory_space<vmem>> -> memref<512xi32, #tpu.memory_space<vmem>>
      %dma_wait3A_60 = arith.constant 0 : i32
      %dma_wait3A_61 = arith.constant 0 : i32
      %dma_wait3A_62 = tpu.memref_slice %arg13[%dma_wait3A_60, %dma_wait3A_61] : memref<100352x16xf32, #tpu.memory_space<vmem_shared>> -> memref<100352x16xf32, #tpu.memory_space<vmem_shared>>
      tpu.wait_indirect_dma semaphore(%arg16 : memref<!tpu.dma_semaphore, #tpu.memory_space<semaphore_mem>>) src(%arg11 : memref<512x16xf32, #tpu.memory_space<vmem>>) dst(%dma_wait3A_62 : memref<100352x16xf32, #tpu.memory_space<vmem_shared>>)
      %dma_start3A_63 = arith.constant 1024 : i32
      %dma_start3A_64 = tpu.memref_slice %arg7[%dma_start3A_63] : memref<2048xi32, #tpu.memory_space<vmem>> -> memref<512xi32, #tpu.memory_space<vmem>>
      %dma_start3A_65 = arith.constant 0 : i32
      %dma_start3A_66 = arith.constant 0 : i32
      %dma_start3A_67 = tpu.memref_slice %arg2[%dma_start3A_65, %dma_start3A_66] : memref<200704x16xf32, #tpu.memory_space<hbm>> -> memref<200704x16xf32, #tpu.memory_space<hbm>>
      tpu.enqueue_indirect_dma source(%dma_start3A_67 : memref<200704x16xf32, #tpu.memory_space<hbm>>) target(%arg11 : memref<512x16xf32, #tpu.memory_space<vmem>>) offsets(%dma_start3A_64 : memref<512xi32, #tpu.memory_space<vmem>>) semaphore(%arg14 : memref<!tpu.dma_semaphore, #tpu.memory_space<semaphore_mem>>)
      %dma_wait3A_68 = arith.constant 512 : i32
      %dma_wait3A_69 = tpu.memref_slice %arg7[%dma_wait3A_68] : memref<2048xi32, #tpu.memory_space<vmem>> -> memref<512xi32, #tpu.memory_space<vmem>>
      %dma_wait3A_70 = arith.constant 0 : i32
      %dma_wait3A_71 = arith.constant 0 : i32
      %dma_wait3A_72 = tpu.memref_slice %arg2[%dma_wait3A_70, %dma_wait3A_71] : memref<200704x16xf32, #tpu.memory_space<hbm>> -> memref<200704x16xf32, #tpu.memory_space<hbm>>
      tpu.wait_indirect_dma semaphore(%arg15 : memref<!tpu.dma_semaphore, #tpu.memory_space<semaphore_mem>>) src(%dma_wait3A_72 : memref<200704x16xf32, #tpu.memory_space<hbm>>) dst(%arg12 : memref<512x16xf32, #tpu.memory_space<vmem>>)
      %dma_start3A_73 = arith.constant 512 : i32
      %dma_start3A_74 = tpu.memref_slice %arg8[%dma_start3A_73] : memref<2048xi32, #tpu.memory_space<vmem>> -> memref<512xi32, #tpu.memory_space<vmem>>
      %dma_start3A_75 = arith.constant 0 : i32
      %dma_start3A_76 = arith.constant 0 : i32
      %dma_start3A_77 = tpu.memref_slice %arg13[%dma_start3A_75, %dma_start3A_76] : memref<100352x16xf32, #tpu.memory_space<vmem_shared>> -> memref<100352x16xf32, #tpu.memory_space<vmem_shared>>
      tpu.enqueue_indirect_dma source(%arg12 : memref<512x16xf32, #tpu.memory_space<vmem>>) target(%dma_start3A_77 : memref<100352x16xf32, #tpu.memory_space<vmem_shared>>) offsets(%dma_start3A_74 : memref<512xi32, #tpu.memory_space<vmem>>) semaphore(%arg17 : memref<!tpu.dma_semaphore, #tpu.memory_space<semaphore_mem>>) {add = true}
      %dma_wait3A_78 = arith.constant 512 : i32
      %dma_wait3A_79 = tpu.memref_slice %arg8[%dma_wait3A_78] : memref<2048xi32, #tpu.memory_space<vmem>> -> memref<512xi32, #tpu.memory_space<vmem>>
      %dma_wait3A_80 = arith.constant 0 : i32
      %dma_wait3A_81 = arith.constant 0 : i32
      %dma_wait3A_82 = tpu.memref_slice %arg13[%dma_wait3A_80, %dma_wait3A_81] : memref<100352x16xf32, #tpu.memory_space<vmem_shared>> -> memref<100352x16xf32, #tpu.memory_space<vmem_shared>>
      tpu.wait_indirect_dma semaphore(%arg17 : memref<!tpu.dma_semaphore, #tpu.memory_space<semaphore_mem>>) src(%arg12 : memref<512x16xf32, #tpu.memory_space<vmem>>) dst(%dma_wait3A_82 : memref<100352x16xf32, #tpu.memory_space<vmem_shared>>)
      %dma_start3A_83 = arith.constant 1536 : i32
      %dma_start3A_84 = tpu.memref_slice %arg7[%dma_start3A_83] : memref<2048xi32, #tpu.memory_space<vmem>> -> memref<512xi32, #tpu.memory_space<vmem>>
      %dma_start3A_85 = arith.constant 0 : i32
      %dma_start3A_86 = arith.constant 0 : i32
      %dma_start3A_87 = tpu.memref_slice %arg2[%dma_start3A_85, %dma_start3A_86] : memref<200704x16xf32, #tpu.memory_space<hbm>> -> memref<200704x16xf32, #tpu.memory_space<hbm>>
      tpu.enqueue_indirect_dma source(%dma_start3A_87 : memref<200704x16xf32, #tpu.memory_space<hbm>>) target(%arg12 : memref<512x16xf32, #tpu.memory_space<vmem>>) offsets(%dma_start3A_84 : memref<512xi32, #tpu.memory_space<vmem>>) semaphore(%arg15 : memref<!tpu.dma_semaphore, #tpu.memory_space<semaphore_mem>>)
      %dma_wait3A_88 = arith.constant 1024 : i32
      %dma_wait3A_89 = tpu.memref_slice %arg7[%dma_wait3A_88] : memref<2048xi32, #tpu.memory_space<vmem>> -> memref<512xi32, #tpu.memory_space<vmem>>
      %dma_wait3A_90 = arith.constant 0 : i32
      %dma_wait3A_91 = arith.constant 0 : i32
      %dma_wait3A_92 = tpu.memref_slice %arg2[%dma_wait3A_90, %dma_wait3A_91] : memref<200704x16xf32, #tpu.memory_space<hbm>> -> memref<200704x16xf32, #tpu.memory_space<hbm>>
      tpu.wait_indirect_dma semaphore(%arg14 : memref<!tpu.dma_semaphore, #tpu.memory_space<semaphore_mem>>) src(%dma_wait3A_92 : memref<200704x16xf32, #tpu.memory_space<hbm>>) dst(%arg11 : memref<512x16xf32, #tpu.memory_space<vmem>>)
      %dma_start3A_93 = arith.constant 1024 : i32
      %dma_start3A_94 = tpu.memref_slice %arg8[%dma_start3A_93] : memref<2048xi32, #tpu.memory_space<vmem>> -> memref<512xi32, #tpu.memory_space<vmem>>
      %dma_start3A_95 = arith.constant 0 : i32
      %dma_start3A_96 = arith.constant 0 : i32
      %dma_start3A_97 = tpu.memref_slice %arg13[%dma_start3A_95, %dma_start3A_96] : memref<100352x16xf32, #tpu.memory_space<vmem_shared>> -> memref<100352x16xf32, #tpu.memory_space<vmem_shared>>
      tpu.enqueue_indirect_dma source(%arg11 : memref<512x16xf32, #tpu.memory_space<vmem>>) target(%dma_start3A_97 : memref<100352x16xf32, #tpu.memory_space<vmem_shared>>) offsets(%dma_start3A_94 : memref<512xi32, #tpu.memory_space<vmem>>) semaphore(%arg16 : memref<!tpu.dma_semaphore, #tpu.memory_space<semaphore_mem>>) {add = true}
      %dma_wait3A_98 = arith.constant 1024 : i32
      %dma_wait3A_99 = tpu.memref_slice %arg8[%dma_wait3A_98] : memref<2048xi32, #tpu.memory_space<vmem>> -> memref<512xi32, #tpu.memory_space<vmem>>
      %dma_wait3A_100 = arith.constant 0 : i32
      %dma_wait3A_101 = arith.constant 0 : i32
      %dma_wait3A_102 = tpu.memref_slice %arg13[%dma_wait3A_100, %dma_wait3A_101] : memref<100352x16xf32, #tpu.memory_space<vmem_shared>> -> memref<100352x16xf32, #tpu.memory_space<vmem_shared>>
      tpu.wait_indirect_dma semaphore(%arg16 : memref<!tpu.dma_semaphore, #tpu.memory_space<semaphore_mem>>) src(%arg11 : memref<512x16xf32, #tpu.memory_space<vmem>>) dst(%dma_wait3A_102 : memref<100352x16xf32, #tpu.memory_space<vmem_shared>>)
      %dma_start3A_103 = arith.constant 0 : i32
      %dma_start3A_104 = tpu.memref_slice %arg9[%dma_start3A_103] : memref<2048xi32, #tpu.memory_space<vmem>> -> memref<512xi32, #tpu.memory_space<vmem>>
      %dma_start3A_105 = arith.constant 0 : i32
      %dma_start3A_106 = arith.constant 0 : i32
      %dma_start3A_107 = tpu.memref_slice %arg2[%dma_start3A_105, %dma_start3A_106] : memref<200704x16xf32, #tpu.memory_space<hbm>> -> memref<200704x16xf32, #tpu.memory_space<hbm>>
      tpu.enqueue_indirect_dma source(%dma_start3A_107 : memref<200704x16xf32, #tpu.memory_space<hbm>>) target(%arg11 : memref<512x16xf32, #tpu.memory_space<vmem>>) offsets(%dma_start3A_104 : memref<512xi32, #tpu.memory_space<vmem>>) semaphore(%arg14 : memref<!tpu.dma_semaphore, #tpu.memory_space<semaphore_mem>>)
      %dma_wait3A_108 = arith.constant 1536 : i32
      %dma_wait3A_109 = tpu.memref_slice %arg7[%dma_wait3A_108] : memref<2048xi32, #tpu.memory_space<vmem>> -> memref<512xi32, #tpu.memory_space<vmem>>
      %dma_wait3A_110 = arith.constant 0 : i32
      %dma_wait3A_111 = arith.constant 0 : i32
      %dma_wait3A_112 = tpu.memref_slice %arg2[%dma_wait3A_110, %dma_wait3A_111] : memref<200704x16xf32, #tpu.memory_space<hbm>> -> memref<200704x16xf32, #tpu.memory_space<hbm>>
      tpu.wait_indirect_dma semaphore(%arg15 : memref<!tpu.dma_semaphore, #tpu.memory_space<semaphore_mem>>) src(%dma_wait3A_112 : memref<200704x16xf32, #tpu.memory_space<hbm>>) dst(%arg12 : memref<512x16xf32, #tpu.memory_space<vmem>>)
      %dma_start3A_113 = arith.constant 1536 : i32
      %dma_start3A_114 = tpu.memref_slice %arg8[%dma_start3A_113] : memref<2048xi32, #tpu.memory_space<vmem>> -> memref<512xi32, #tpu.memory_space<vmem>>
      %dma_start3A_115 = arith.constant 0 : i32
      %dma_start3A_116 = arith.constant 0 : i32
      %dma_start3A_117 = tpu.memref_slice %arg13[%dma_start3A_115, %dma_start3A_116] : memref<100352x16xf32, #tpu.memory_space<vmem_shared>> -> memref<100352x16xf32, #tpu.memory_space<vmem_shared>>
      tpu.enqueue_indirect_dma source(%arg12 : memref<512x16xf32, #tpu.memory_space<vmem>>) target(%dma_start3A_117 : memref<100352x16xf32, #tpu.memory_space<vmem_shared>>) offsets(%dma_start3A_114 : memref<512xi32, #tpu.memory_space<vmem>>) semaphore(%arg17 : memref<!tpu.dma_semaphore, #tpu.memory_space<semaphore_mem>>) {add = true}
      %dma_wait3A_118 = arith.constant 1536 : i32
      %dma_wait3A_119 = tpu.memref_slice %arg8[%dma_wait3A_118] : memref<2048xi32, #tpu.memory_space<vmem>> -> memref<512xi32, #tpu.memory_space<vmem>>
      %dma_wait3A_120 = arith.constant 0 : i32
      %dma_wait3A_121 = arith.constant 0 : i32
      %dma_wait3A_122 = tpu.memref_slice %arg13[%dma_wait3A_120, %dma_wait3A_121] : memref<100352x16xf32, #tpu.memory_space<vmem_shared>> -> memref<100352x16xf32, #tpu.memory_space<vmem_shared>>
      tpu.wait_indirect_dma semaphore(%arg17 : memref<!tpu.dma_semaphore, #tpu.memory_space<semaphore_mem>>) src(%arg12 : memref<512x16xf32, #tpu.memory_space<vmem>>) dst(%dma_wait3A_122 : memref<100352x16xf32, #tpu.memory_space<vmem_shared>>)
      %add3A_123 = arith.addi %mul3A_6, %min3A_37 : i32
      "tpu.region"() ({
        %run_scoped3A = tpu.sem_alloc : memref<!tpu.dma_semaphore, #tpu.memory_space<semaphore_mem>>
        %dma_start3A_200 = tpu.memref_slice %arg3[%add3A_123] : memref<12845056xi32, #tpu.memory_space<hbm>> -> memref<2048xi32, #tpu.memory_space<hbm>>
        %dma_start3A_201 = tpu.memref_slice %arg3[%add3A_123] : memref<12845056xi32, #tpu.memory_space<hbm>> -> memref<2048xi32, #tpu.memory_space<hbm>>
        tpu.enqueue_dma source(%dma_start3A_201 : memref<2048xi32, #tpu.memory_space<hbm>>) target(%arg7 : memref<2048xi32, #tpu.memory_space<vmem>>) target_semaphore(%run_scoped3A : memref<!tpu.dma_semaphore, #tpu.memory_space<semaphore_mem>>)
        %dma_wait3A_202 = tpu.memref_slice %arg3[%add3A_123] : memref<12845056xi32, #tpu.memory_space<hbm>> -> memref<2048xi32, #tpu.memory_space<hbm>>
        %dma_wait3A_203 = tpu.memref_slice %arg3[%add3A_123] : memref<12845056xi32, #tpu.memory_space<hbm>> -> memref<2048xi32, #tpu.memory_space<hbm>>
        tpu.wait_dma2 semaphore(%run_scoped3A : memref<!tpu.dma_semaphore, #tpu.memory_space<semaphore_mem>>) src(%dma_wait3A_203 : memref<2048xi32, #tpu.memory_space<hbm>>) dst(%arg7 : memref<2048xi32, #tpu.memory_space<vmem>>)
        tpu.yield
      }) : () -> ()
      %add3A_124 = arith.addi %mul3A_10, %min3A_37 : i32
      "tpu.region"() ({
        %run_scoped3A = tpu.sem_alloc : memref<!tpu.dma_semaphore, #tpu.memory_space<semaphore_mem>>
        %dma_start3A_200 = tpu.memref_slice %arg4[%add3A_124] : memref<6422528xi32, #tpu.memory_space<hbm>> -> memref<2048xi32, #tpu.memory_space<hbm>>
        %dma_start3A_201 = tpu.memref_slice %arg4[%add3A_124] : memref<6422528xi32, #tpu.memory_space<hbm>> -> memref<2048xi32, #tpu.memory_space<hbm>>
        tpu.enqueue_dma source(%dma_start3A_201 : memref<2048xi32, #tpu.memory_space<hbm>>) target(%arg8 : memref<2048xi32, #tpu.memory_space<vmem>>) target_semaphore(%run_scoped3A : memref<!tpu.dma_semaphore, #tpu.memory_space<semaphore_mem>>)
        %dma_wait3A_202 = tpu.memref_slice %arg4[%add3A_124] : memref<6422528xi32, #tpu.memory_space<hbm>> -> memref<2048xi32, #tpu.memory_space<hbm>>
        %dma_wait3A_203 = tpu.memref_slice %arg4[%add3A_124] : memref<6422528xi32, #tpu.memory_space<hbm>> -> memref<2048xi32, #tpu.memory_space<hbm>>
        tpu.wait_dma2 semaphore(%run_scoped3A : memref<!tpu.dma_semaphore, #tpu.memory_space<semaphore_mem>>) src(%dma_wait3A_203 : memref<2048xi32, #tpu.memory_space<hbm>>) dst(%arg8 : memref<2048xi32, #tpu.memory_space<vmem>>)
        tpu.yield
      }) : () -> ()
      %dma_start3A_125 = arith.constant 512 : i32
      %dma_start3A_126 = tpu.memref_slice %arg9[%dma_start3A_125] : memref<2048xi32, #tpu.memory_space<vmem>> -> memref<512xi32, #tpu.memory_space<vmem>>
      %dma_start3A_127 = arith.constant 0 : i32
      %dma_start3A_128 = arith.constant 0 : i32
      %dma_start3A_129 = tpu.memref_slice %arg2[%dma_start3A_127, %dma_start3A_128] : memref<200704x16xf32, #tpu.memory_space<hbm>> -> memref<200704x16xf32, #tpu.memory_space<hbm>>
      tpu.enqueue_indirect_dma source(%dma_start3A_129 : memref<200704x16xf32, #tpu.memory_space<hbm>>) target(%arg12 : memref<512x16xf32, #tpu.memory_space<vmem>>) offsets(%dma_start3A_126 : memref<512xi32, #tpu.memory_space<vmem>>) semaphore(%arg15 : memref<!tpu.dma_semaphore, #tpu.memory_space<semaphore_mem>>)
      %dma_wait3A_130 = arith.constant 0 : i32
      %dma_wait3A_131 = tpu.memref_slice %arg9[%dma_wait3A_130] : memref<2048xi32, #tpu.memory_space<vmem>> -> memref<512xi32, #tpu.memory_space<vmem>>
      %dma_wait3A_132 = arith.constant 0 : i32
      %dma_wait3A_133 = arith.constant 0 : i32
      %dma_wait3A_134 = tpu.memref_slice %arg2[%dma_wait3A_132, %dma_wait3A_133] : memref<200704x16xf32, #tpu.memory_space<hbm>> -> memref<200704x16xf32, #tpu.memory_space<hbm>>
      tpu.wait_indirect_dma semaphore(%arg14 : memref<!tpu.dma_semaphore, #tpu.memory_space<semaphore_mem>>) src(%dma_wait3A_134 : memref<200704x16xf32, #tpu.memory_space<hbm>>) dst(%arg11 : memref<512x16xf32, #tpu.memory_space<vmem>>)
      %dma_start3A_135 = arith.constant 0 : i32
      %dma_start3A_136 = tpu.memref_slice %arg10[%dma_start3A_135] : memref<2048xi32, #tpu.memory_space<vmem>> -> memref<512xi32, #tpu.memory_space<vmem>>
      %dma_start3A_137 = arith.constant 0 : i32
      %dma_start3A_138 = arith.constant 0 : i32
      %dma_start3A_139 = tpu.memref_slice %arg13[%dma_start3A_137, %dma_start3A_138] : memref<100352x16xf32, #tpu.memory_space<vmem_shared>> -> memref<100352x16xf32, #tpu.memory_space<vmem_shared>>
      tpu.enqueue_indirect_dma source(%arg11 : memref<512x16xf32, #tpu.memory_space<vmem>>) target(%dma_start3A_139 : memref<100352x16xf32, #tpu.memory_space<vmem_shared>>) offsets(%dma_start3A_136 : memref<512xi32, #tpu.memory_space<vmem>>) semaphore(%arg16 : memref<!tpu.dma_semaphore, #tpu.memory_space<semaphore_mem>>) {add = true}
      %dma_wait3A_140 = arith.constant 0 : i32
      %dma_wait3A_141 = tpu.memref_slice %arg10[%dma_wait3A_140] : memref<2048xi32, #tpu.memory_space<vmem>> -> memref<512xi32, #tpu.memory_space<vmem>>
      %dma_wait3A_142 = arith.constant 0 : i32
      %dma_wait3A_143 = arith.constant 0 : i32
      %dma_wait3A_144 = tpu.memref_slice %arg13[%dma_wait3A_142, %dma_wait3A_143] : memref<100352x16xf32, #tpu.memory_space<vmem_shared>> -> memref<100352x16xf32, #tpu.memory_space<vmem_shared>>
      tpu.wait_indirect_dma semaphore(%arg16 : memref<!tpu.dma_semaphore, #tpu.memory_space<semaphore_mem>>) src(%arg11 : memref<512x16xf32, #tpu.memory_space<vmem>>) dst(%dma_wait3A_144 : memref<100352x16xf32, #tpu.memory_space<vmem_shared>>)
      %dma_start3A_145 = arith.constant 1024 : i32
      %dma_start3A_146 = tpu.memref_slice %arg9[%dma_start3A_145] : memref<2048xi32, #tpu.memory_space<vmem>> -> memref<512xi32, #tpu.memory_space<vmem>>
      %dma_start3A_147 = arith.constant 0 : i32
      %dma_start3A_148 = arith.constant 0 : i32
      %dma_start3A_149 = tpu.memref_slice %arg2[%dma_start3A_147, %dma_start3A_148] : memref<200704x16xf32, #tpu.memory_space<hbm>> -> memref<200704x16xf32, #tpu.memory_space<hbm>>
      tpu.enqueue_indirect_dma source(%dma_start3A_149 : memref<200704x16xf32, #tpu.memory_space<hbm>>) target(%arg11 : memref<512x16xf32, #tpu.memory_space<vmem>>) offsets(%dma_start3A_146 : memref<512xi32, #tpu.memory_space<vmem>>) semaphore(%arg14 : memref<!tpu.dma_semaphore, #tpu.memory_space<semaphore_mem>>)
      %dma_wait3A_150 = arith.constant 512 : i32
      %dma_wait3A_151 = tpu.memref_slice %arg9[%dma_wait3A_150] : memref<2048xi32, #tpu.memory_space<vmem>> -> memref<512xi32, #tpu.memory_space<vmem>>
      %dma_wait3A_152 = arith.constant 0 : i32
      %dma_wait3A_153 = arith.constant 0 : i32
      %dma_wait3A_154 = tpu.memref_slice %arg2[%dma_wait3A_152, %dma_wait3A_153] : memref<200704x16xf32, #tpu.memory_space<hbm>> -> memref<200704x16xf32, #tpu.memory_space<hbm>>
      tpu.wait_indirect_dma semaphore(%arg15 : memref<!tpu.dma_semaphore, #tpu.memory_space<semaphore_mem>>) src(%dma_wait3A_154 : memref<200704x16xf32, #tpu.memory_space<hbm>>) dst(%arg12 : memref<512x16xf32, #tpu.memory_space<vmem>>)
      %dma_start3A_155 = arith.constant 512 : i32
      %dma_start3A_156 = tpu.memref_slice %arg10[%dma_start3A_155] : memref<2048xi32, #tpu.memory_space<vmem>> -> memref<512xi32, #tpu.memory_space<vmem>>
      %dma_start3A_157 = arith.constant 0 : i32
      %dma_start3A_158 = arith.constant 0 : i32
      %dma_start3A_159 = tpu.memref_slice %arg13[%dma_start3A_157, %dma_start3A_158] : memref<100352x16xf32, #tpu.memory_space<vmem_shared>> -> memref<100352x16xf32, #tpu.memory_space<vmem_shared>>
      tpu.enqueue_indirect_dma source(%arg12 : memref<512x16xf32, #tpu.memory_space<vmem>>) target(%dma_start3A_159 : memref<100352x16xf32, #tpu.memory_space<vmem_shared>>) offsets(%dma_start3A_156 : memref<512xi32, #tpu.memory_space<vmem>>) semaphore(%arg17 : memref<!tpu.dma_semaphore, #tpu.memory_space<semaphore_mem>>) {add = true}
      %dma_wait3A_160 = arith.constant 512 : i32
      %dma_wait3A_161 = tpu.memref_slice %arg10[%dma_wait3A_160] : memref<2048xi32, #tpu.memory_space<vmem>> -> memref<512xi32, #tpu.memory_space<vmem>>
      %dma_wait3A_162 = arith.constant 0 : i32
      %dma_wait3A_163 = arith.constant 0 : i32
      %dma_wait3A_164 = tpu.memref_slice %arg13[%dma_wait3A_162, %dma_wait3A_163] : memref<100352x16xf32, #tpu.memory_space<vmem_shared>> -> memref<100352x16xf32, #tpu.memory_space<vmem_shared>>
      tpu.wait_indirect_dma semaphore(%arg17 : memref<!tpu.dma_semaphore, #tpu.memory_space<semaphore_mem>>) src(%arg12 : memref<512x16xf32, #tpu.memory_space<vmem>>) dst(%dma_wait3A_164 : memref<100352x16xf32, #tpu.memory_space<vmem_shared>>)
      %dma_start3A_165 = arith.constant 1536 : i32
      %dma_start3A_166 = tpu.memref_slice %arg9[%dma_start3A_165] : memref<2048xi32, #tpu.memory_space<vmem>> -> memref<512xi32, #tpu.memory_space<vmem>>
      %dma_start3A_167 = arith.constant 0 : i32
      %dma_start3A_168 = arith.constant 0 : i32
      %dma_start3A_169 = tpu.memref_slice %arg2[%dma_start3A_167, %dma_start3A_168] : memref<200704x16xf32, #tpu.memory_space<hbm>> -> memref<200704x16xf32, #tpu.memory_space<hbm>>
      tpu.enqueue_indirect_dma source(%dma_start3A_169 : memref<200704x16xf32, #tpu.memory_space<hbm>>) target(%arg12 : memref<512x16xf32, #tpu.memory_space<vmem>>) offsets(%dma_start3A_166 : memref<512xi32, #tpu.memory_space<vmem>>) semaphore(%arg15 : memref<!tpu.dma_semaphore, #tpu.memory_space<semaphore_mem>>)
      %dma_wait3A_170 = arith.constant 1024 : i32
      %dma_wait3A_171 = tpu.memref_slice %arg9[%dma_wait3A_170] : memref<2048xi32, #tpu.memory_space<vmem>> -> memref<512xi32, #tpu.memory_space<vmem>>
      %dma_wait3A_172 = arith.constant 0 : i32
      %dma_wait3A_173 = arith.constant 0 : i32
      %dma_wait3A_174 = tpu.memref_slice %arg2[%dma_wait3A_172, %dma_wait3A_173] : memref<200704x16xf32, #tpu.memory_space<hbm>> -> memref<200704x16xf32, #tpu.memory_space<hbm>>
      tpu.wait_indirect_dma semaphore(%arg14 : memref<!tpu.dma_semaphore, #tpu.memory_space<semaphore_mem>>) src(%dma_wait3A_174 : memref<200704x16xf32, #tpu.memory_space<hbm>>) dst(%arg11 : memref<512x16xf32, #tpu.memory_space<vmem>>)
      %dma_start3A_175 = arith.constant 1024 : i32
      %dma_start3A_176 = tpu.memref_slice %arg10[%dma_start3A_175] : memref<2048xi32, #tpu.memory_space<vmem>> -> memref<512xi32, #tpu.memory_space<vmem>>
      %dma_start3A_177 = arith.constant 0 : i32
      %dma_start3A_178 = arith.constant 0 : i32
      %dma_start3A_179 = tpu.memref_slice %arg13[%dma_start3A_177, %dma_start3A_178] : memref<100352x16xf32, #tpu.memory_space<vmem_shared>> -> memref<100352x16xf32, #tpu.memory_space<vmem_shared>>
      tpu.enqueue_indirect_dma source(%arg11 : memref<512x16xf32, #tpu.memory_space<vmem>>) target(%dma_start3A_179 : memref<100352x16xf32, #tpu.memory_space<vmem_shared>>) offsets(%dma_start3A_176 : memref<512xi32, #tpu.memory_space<vmem>>) semaphore(%arg16 : memref<!tpu.dma_semaphore, #tpu.memory_space<semaphore_mem>>) {add = true}
      %dma_wait3A_180 = arith.constant 1024 : i32
      %dma_wait3A_181 = tpu.memref_slice %arg10[%dma_wait3A_180] : memref<2048xi32, #tpu.memory_space<vmem>> -> memref<512xi32, #tpu.memory_space<vmem>>
      %dma_wait3A_182 = arith.constant 0 : i32
      %dma_wait3A_183 = arith.constant 0 : i32
      %dma_wait3A_184 = tpu.memref_slice %arg13[%dma_wait3A_182, %dma_wait3A_183] : memref<100352x16xf32, #tpu.memory_space<vmem_shared>> -> memref<100352x16xf32, #tpu.memory_space<vmem_shared>>
      tpu.wait_indirect_dma semaphore(%arg16 : memref<!tpu.dma_semaphore, #tpu.memory_space<semaphore_mem>>) src(%arg11 : memref<512x16xf32, #tpu.memory_space<vmem>>) dst(%dma_wait3A_184 : memref<100352x16xf32, #tpu.memory_space<vmem_shared>>)
      %dma_wait3A_185 = arith.constant 1536 : i32
      %dma_wait3A_186 = tpu.memref_slice %arg9[%dma_wait3A_185] : memref<2048xi32, #tpu.memory_space<vmem>> -> memref<512xi32, #tpu.memory_space<vmem>>
      %dma_wait3A_187 = arith.constant 0 : i32
      %dma_wait3A_188 = arith.constant 0 : i32
      %dma_wait3A_189 = tpu.memref_slice %arg2[%dma_wait3A_187, %dma_wait3A_188] : memref<200704x16xf32, #tpu.memory_space<hbm>> -> memref<200704x16xf32, #tpu.memory_space<hbm>>
      tpu.wait_indirect_dma semaphore(%arg15 : memref<!tpu.dma_semaphore, #tpu.memory_space<semaphore_mem>>) src(%dma_wait3A_189 : memref<200704x16xf32, #tpu.memory_space<hbm>>) dst(%arg12 : memref<512x16xf32, #tpu.memory_space<vmem>>)
      %dma_start3A_190 = arith.constant 1536 : i32
      %dma_start3A_191 = tpu.memref_slice %arg10[%dma_start3A_190] : memref<2048xi32, #tpu.memory_space<vmem>> -> memref<512xi32, #tpu.memory_space<vmem>>
      %dma_start3A_192 = arith.constant 0 : i32
      %dma_start3A_193 = arith.constant 0 : i32
      %dma_start3A_194 = tpu.memref_slice %arg13[%dma_start3A_192, %dma_start3A_193] : memref<100352x16xf32, #tpu.memory_space<vmem_shared>> -> memref<100352x16xf32, #tpu.memory_space<vmem_shared>>
      tpu.enqueue_indirect_dma source(%arg12 : memref<512x16xf32, #tpu.memory_space<vmem>>) target(%dma_start3A_194 : memref<100352x16xf32, #tpu.memory_space<vmem_shared>>) offsets(%dma_start3A_191 : memref<512xi32, #tpu.memory_space<vmem>>) semaphore(%arg17 : memref<!tpu.dma_semaphore, #tpu.memory_space<semaphore_mem>>) {add = true}
      %dma_wait3A_195 = arith.constant 1536 : i32
      %dma_wait3A_196 = tpu.memref_slice %arg10[%dma_wait3A_195] : memref<2048xi32, #tpu.memory_space<vmem>> -> memref<512xi32, #tpu.memory_space<vmem>>
      %dma_wait3A_197 = arith.constant 0 : i32
      %dma_wait3A_198 = arith.constant 0 : i32
      %dma_wait3A_199 = tpu.memref_slice %arg13[%dma_wait3A_197, %dma_wait3A_198] : memref<100352x16xf32, #tpu.memory_space<vmem_shared>> -> memref<100352x16xf32, #tpu.memory_space<vmem_shared>>
      tpu.wait_indirect_dma semaphore(%arg17 : memref<!tpu.dma_semaphore, #tpu.memory_space<semaphore_mem>>) src(%arg12 : memref<512x16xf32, #tpu.memory_space<vmem>>) dst(%dma_wait3A_199 : memref<100352x16xf32, #tpu.memory_space<vmem_shared>>)
    }
    %scan3A_15 = arith.constant 98 : i32
    %barrier3A_16 = arith.constant 0 : index
    tpu.barrier barrier_id(%barrier3A_16)
    %mul3A_17 = arith.constant 6272 : i32
    %mul3A_18 = arith.muli %arg1, %mul3A_17 : i32
    %mul3A_19 = arith.constant 100352 : i32
    %mul3A_20 = arith.muli %arg0, %mul3A_19 : i32
    %mul3A_21 = arith.constant 6272 : i32
    %mul3A_22 = arith.muli %arg1, %mul3A_21 : i32
    %add3A_23 = arith.addi %mul3A_20, %mul3A_22 : i32
    "tpu.region"() ({
      %run_scoped3A = tpu.sem_alloc : memref<!tpu.dma_semaphore, #tpu.memory_space<semaphore_mem>>
      %dma_start3A = arith.constant 0 : i32
      %dma_start3A_24 = tpu.memref_slice %arg6[%add3A_23, %dma_start3A] : memref<200704x16xf32, #tpu.memory_space<hbm>> -> memref<6272x16xf32, #tpu.memory_space<hbm>>
      %dma_start3A_25 = arith.constant 0 : i32
      %dma_start3A_26 = tpu.memref_slice %arg13[%mul3A_18, %dma_start3A_25] : memref<100352x16xf32, #tpu.memory_space<vmem_shared>> -> memref<6272x16xf32, #tpu.memory_space<vmem_shared>>
      tpu.enqueue_dma source(%dma_start3A_26 : memref<6272x16xf32, #tpu.memory_space<vmem_shared>>) target(%dma_start3A_24 : memref<6272x16xf32, #tpu.memory_space<hbm>>) target_semaphore(%run_scoped3A : memref<!tpu.dma_semaphore, #tpu.memory_space<semaphore_mem>>)
      %dma_wait3A = arith.constant 0 : i32
      %dma_wait3A_27 = tpu.memref_slice %arg6[%add3A_23, %dma_wait3A] : memref<200704x16xf32, #tpu.memory_space<hbm>> -> memref<6272x16xf32, #tpu.memory_space<hbm>>
      %dma_wait3A_28 = arith.constant 0 : i32
      %dma_wait3A_29 = tpu.memref_slice %arg13[%mul3A_18, %dma_wait3A_28] : memref<100352x16xf32, #tpu.memory_space<vmem_shared>> -> memref<6272x16xf32, #tpu.memory_space<vmem_shared>>
      tpu.wait_dma2 semaphore(%run_scoped3A : memref<!tpu.dma_semaphore, #tpu.memory_space<semaphore_mem>>) src(%dma_wait3A_29 : memref<6272x16xf32, #tpu.memory_space<vmem_shared>>) dst(%dma_wait3A_27 : memref<6272x16xf32, #tpu.memory_space<hbm>>)
      tpu.yield
    }) : () -> ()
    return
  }
}

#map = affine_map<(d0, d1) -> (0, 0)>
#map1 = affine_map<(d0, d1) -> (0)>
module attributes {stable_mosaic.version = 14 : i64} {
  func.func @_sc_segsum_body(%arg0: i32, %arg1: i32, %arg2: memref<200704x16xf32, #tpu.memory_space<hbm>>, %arg3: memref<12845056xi32, #tpu.memory_space<hbm>>, %arg4: memref<6422528xi32, #tpu.memory_space<hbm>>, %arg5: memref<6272x16xf32, #tpu.memory_space<hbm>>, %arg6: memref<200704x16xf32, #tpu.memory_space<hbm>>, %arg7: memref<2048xi32, #tpu.memory_space<vmem>>, %arg8: memref<2048xi32, #tpu.memory_space<vmem>>, %arg9: memref<2048xi32, #tpu.memory_space<vmem>>, %arg10: memref<2048xi32, #tpu.memory_space<vmem>>, %arg11: memref<512x16xf32, #tpu.memory_space<vmem>>, %arg12: memref<512x16xf32, #tpu.memory_space<vmem>>, %arg13: memref<100352x16xf32, #tpu.memory_space<vmem_shared>>, %arg14: memref<!tpu.dma_semaphore, #tpu.memory_space<semaphore_mem>>, %arg15: memref<!tpu.dma_semaphore, #tpu.memory_space<semaphore_mem>>, %arg16: memref<!tpu.dma_semaphore, #tpu.memory_space<semaphore_mem>>, %arg17: memref<!tpu.dma_semaphore, #tpu.memory_space<semaphore_mem>>) attributes {dimension_semantics = [#tpu.dimension_semantics<core_parallel>, #tpu.dimension_semantics<subcore_parallel>], iteration_bounds = array<i64: 2, 16>, scalar_prefetch = 0 : i64, scratch_operands = 11 : i64, tpu.core_type = #tpu.core_type<sc_vector_subcore>, window_params = [{transform_indices = #map}, {transform_indices = #map1}, {transform_indices = #map1}, {transform_indices = #map}, {transform_indices = #map}]} {
    %mul3A = arith.constant 6272 : i32
    %mul3A_0 = arith.muli %arg1, %mul3A : i32
    "tpu.region"() ({
      %run_scoped3A = tpu.sem_alloc : memref<!tpu.dma_semaphore, #tpu.memory_space<semaphore_mem>>
      %dma_start3A = arith.constant 0 : i32
      %dma_start3A_24 = tpu.memref_slice %arg13[%mul3A_0, %dma_start3A] : memref<100352x16xf32, #tpu.memory_space<vmem_shared>> -> memref<6272x16xf32, #tpu.memory_space<vmem_shared>>
      tpu.enqueue_dma source(%arg5 : memref<6272x16xf32, #tpu.memory_space<hbm>>) target(%dma_start3A_24 : memref<6272x16xf32, #tpu.memory_space<vmem_shared>>) target_semaphore(%run_scoped3A : memref<!tpu.dma_semaphore, #tpu.memory_space<semaphore_mem>>)
      %dma_wait3A = arith.constant 0 : i32
      %dma_wait3A_25 = tpu.memref_slice %arg13[%mul3A_0, %dma_wait3A] : memref<100352x16xf32, #tpu.memory_space<vmem_shared>> -> memref<6272x16xf32, #tpu.memory_space<vmem_shared>>
      tpu.wait_dma2 semaphore(%run_scoped3A : memref<!tpu.dma_semaphore, #tpu.memory_space<semaphore_mem>>) src(%arg5 : memref<6272x16xf32, #tpu.memory_space<hbm>>) dst(%dma_wait3A_25 : memref<6272x16xf32, #tpu.memory_space<vmem_shared>>)
      tpu.yield
    }) : () -> ()
    %barrier3A = arith.constant 0 : index
    tpu.barrier barrier_id(%barrier3A)
    %mul3A_1 = arith.constant 50176 : i32
    %mul3A_2 = arith.muli %arg0, %mul3A_1 : i32
    %mul3A_3 = arith.constant 3136 : i32
    %mul3A_4 = arith.muli %arg1, %mul3A_3 : i32
    %add3A = arith.addi %mul3A_2, %mul3A_4 : i32
    %mul3A_5 = arith.constant 128 : i32
    %mul3A_6 = arith.muli %add3A, %mul3A_5 : i32
    %mul3A_7 = arith.constant 3136 : i32
    %mul3A_8 = arith.muli %arg1, %mul3A_7 : i32
    %mul3A_9 = arith.constant 128 : i32
    %mul3A_10 = arith.muli %mul3A_8, %mul3A_9 : i32
    "tpu.region"() ({
      %run_scoped3A = tpu.sem_alloc : memref<!tpu.dma_semaphore, #tpu.memory_space<semaphore_mem>>
      %dma_start3A = tpu.memref_slice %arg3[%mul3A_6] : memref<12845056xi32, #tpu.memory_space<hbm>> -> memref<2048xi32, #tpu.memory_space<hbm>>
      %dma_start3A_24 = tpu.memref_slice %arg3[%mul3A_6] : memref<12845056xi32, #tpu.memory_space<hbm>> -> memref<2048xi32, #tpu.memory_space<hbm>>
      tpu.enqueue_dma source(%dma_start3A_24 : memref<2048xi32, #tpu.memory_space<hbm>>) target(%arg7 : memref<2048xi32, #tpu.memory_space<vmem>>) target_semaphore(%run_scoped3A : memref<!tpu.dma_semaphore, #tpu.memory_space<semaphore_mem>>)
      %dma_wait3A = tpu.memref_slice %arg3[%mul3A_6] : memref<12845056xi32, #tpu.memory_space<hbm>> -> memref<2048xi32, #tpu.memory_space<hbm>>
      %dma_wait3A_25 = tpu.memref_slice %arg3[%mul3A_6] : memref<12845056xi32, #tpu.memory_space<hbm>> -> memref<2048xi32, #tpu.memory_space<hbm>>
      tpu.wait_dma2 semaphore(%run_scoped3A : memref<!tpu.dma_semaphore, #tpu.memory_space<semaphore_mem>>) src(%dma_wait3A_25 : memref<2048xi32, #tpu.memory_space<hbm>>) dst(%arg7 : memref<2048xi32, #tpu.memory_space<vmem>>)
      tpu.yield
    }) : () -> ()
    "tpu.region"() ({
      %run_scoped3A = tpu.sem_alloc : memref<!tpu.dma_semaphore, #tpu.memory_space<semaphore_mem>>
      %dma_start3A = tpu.memref_slice %arg4[%mul3A_10] : memref<6422528xi32, #tpu.memory_space<hbm>> -> memref<2048xi32, #tpu.memory_space<hbm>>
      %dma_start3A_24 = tpu.memref_slice %arg4[%mul3A_10] : memref<6422528xi32, #tpu.memory_space<hbm>> -> memref<2048xi32, #tpu.memory_space<hbm>>
      tpu.enqueue_dma source(%dma_start3A_24 : memref<2048xi32, #tpu.memory_space<hbm>>) target(%arg8 : memref<2048xi32, #tpu.memory_space<vmem>>) target_semaphore(%run_scoped3A : memref<!tpu.dma_semaphore, #tpu.memory_space<semaphore_mem>>)
      %dma_wait3A = tpu.memref_slice %arg4[%mul3A_10] : memref<6422528xi32, #tpu.memory_space<hbm>> -> memref<2048xi32, #tpu.memory_space<hbm>>
      %dma_wait3A_25 = tpu.memref_slice %arg4[%mul3A_10] : memref<6422528xi32, #tpu.memory_space<hbm>> -> memref<2048xi32, #tpu.memory_space<hbm>>
      tpu.wait_dma2 semaphore(%run_scoped3A : memref<!tpu.dma_semaphore, #tpu.memory_space<semaphore_mem>>) src(%dma_wait3A_25 : memref<2048xi32, #tpu.memory_space<hbm>>) dst(%arg8 : memref<2048xi32, #tpu.memory_space<vmem>>)
      tpu.yield
    }) : () -> ()
    %scan3A = arith.constant 0 : i32
    %scan3A_11 = arith.constant 0 : i32
    %scan3A_12 = arith.constant 98 : i32
    %scan3A_13 = arith.addi %scan3A_11, %scan3A_12 : i32
    %scan3A_14 = arith.constant 1 : i32
    scf.for %scan3A_24 = %scan3A_11 to %scan3A_13 step %scan3A_14  : i32 {
      %mul3A_25 = arith.constant 2 : i32
      %mul3A_26 = arith.muli %mul3A_25, %scan3A_24 : i32
      %add3A_27 = arith.constant 1 : i32
      %add3A_28 = arith.addi %mul3A_26, %add3A_27 : i32
      %mul3A_29 = arith.constant 2048 : i32
      %mul3A_30 = arith.muli %add3A_28, %mul3A_29 : i32
      %mul3A_31 = arith.constant 2 : i32
      %mul3A_32 = arith.muli %mul3A_31, %scan3A_24 : i32
      %add3A_33 = arith.constant 2 : i32
      %add3A_34 = arith.addi %mul3A_32, %add3A_33 : i32
      %mul3A_35 = arith.constant 2048 : i32
      %mul3A_36 = arith.muli %add3A_34, %mul3A_35 : i32
      %min3A = arith.constant 399360 : i32
      %min3A_37 = arith.minsi %mul3A_36, %min3A : i32
      %dma_start3A = arith.constant 0 : i32
      %dma_start3A_38 = tpu.memref_slice %arg7[%dma_start3A] : memref<2048xi32, #tpu.memory_space<vmem>> -> memref<512xi32, #tpu.memory_space<vmem>>
      %dma_start3A_39 = arith.constant 0 : i32
      %dma_start3A_40 = arith.constant 0 : i32
      %dma_start3A_41 = tpu.memref_slice %arg2[%dma_start3A_39, %dma_start3A_40] : memref<200704x16xf32, #tpu.memory_space<hbm>> -> memref<200704x16xf32, #tpu.memory_space<hbm>>
      tpu.enqueue_indirect_dma source(%dma_start3A_41 : memref<200704x16xf32, #tpu.memory_space<hbm>>) target(%arg11 : memref<512x16xf32, #tpu.memory_space<vmem>>) offsets(%dma_start3A_38 : memref<512xi32, #tpu.memory_space<vmem>>) semaphore(%arg14 : memref<!tpu.dma_semaphore, #tpu.memory_space<semaphore_mem>>)
      %add3A_42 = arith.addi %mul3A_6, %mul3A_30 : i32
      "tpu.region"() ({
        %run_scoped3A = tpu.sem_alloc : memref<!tpu.dma_semaphore, #tpu.memory_space<semaphore_mem>>
        %dma_start3A_200 = tpu.memref_slice %arg3[%add3A_42] : memref<12845056xi32, #tpu.memory_space<hbm>> -> memref<2048xi32, #tpu.memory_space<hbm>>
        %dma_start3A_201 = tpu.memref_slice %arg3[%add3A_42] : memref<12845056xi32, #tpu.memory_space<hbm>> -> memref<2048xi32, #tpu.memory_space<hbm>>
        tpu.enqueue_dma source(%dma_start3A_201 : memref<2048xi32, #tpu.memory_space<hbm>>) target(%arg9 : memref<2048xi32, #tpu.memory_space<vmem>>) target_semaphore(%run_scoped3A : memref<!tpu.dma_semaphore, #tpu.memory_space<semaphore_mem>>)
        %dma_wait3A_202 = tpu.memref_slice %arg3[%add3A_42] : memref<12845056xi32, #tpu.memory_space<hbm>> -> memref<2048xi32, #tpu.memory_space<hbm>>
        %dma_wait3A_203 = tpu.memref_slice %arg3[%add3A_42] : memref<12845056xi32, #tpu.memory_space<hbm>> -> memref<2048xi32, #tpu.memory_space<hbm>>
        tpu.wait_dma2 semaphore(%run_scoped3A : memref<!tpu.dma_semaphore, #tpu.memory_space<semaphore_mem>>) src(%dma_wait3A_203 : memref<2048xi32, #tpu.memory_space<hbm>>) dst(%arg9 : memref<2048xi32, #tpu.memory_space<vmem>>)
        tpu.yield
      }) : () -> ()
      %add3A_43 = arith.addi %mul3A_10, %mul3A_30 : i32
      "tpu.region"() ({
        %run_scoped3A = tpu.sem_alloc : memref<!tpu.dma_semaphore, #tpu.memory_space<semaphore_mem>>
        %dma_start3A_200 = tpu.memref_slice %arg4[%add3A_43] : memref<6422528xi32, #tpu.memory_space<hbm>> -> memref<2048xi32, #tpu.memory_space<hbm>>
        %dma_start3A_201 = tpu.memref_slice %arg4[%add3A_43] : memref<6422528xi32, #tpu.memory_space<hbm>> -> memref<2048xi32, #tpu.memory_space<hbm>>
        tpu.enqueue_dma source(%dma_start3A_201 : memref<2048xi32, #tpu.memory_space<hbm>>) target(%arg10 : memref<2048xi32, #tpu.memory_space<vmem>>) target_semaphore(%run_scoped3A : memref<!tpu.dma_semaphore, #tpu.memory_space<semaphore_mem>>)
        %dma_wait3A_202 = tpu.memref_slice %arg4[%add3A_43] : memref<6422528xi32, #tpu.memory_space<hbm>> -> memref<2048xi32, #tpu.memory_space<hbm>>
        %dma_wait3A_203 = tpu.memref_slice %arg4[%add3A_43] : memref<6422528xi32, #tpu.memory_space<hbm>> -> memref<2048xi32, #tpu.memory_space<hbm>>
        tpu.wait_dma2 semaphore(%run_scoped3A : memref<!tpu.dma_semaphore, #tpu.memory_space<semaphore_mem>>) src(%dma_wait3A_203 : memref<2048xi32, #tpu.memory_space<hbm>>) dst(%arg10 : memref<2048xi32, #tpu.memory_space<vmem>>)
        tpu.yield
      }) : () -> ()
      %dma_start3A_44 = arith.constant 512 : i32
      %dma_start3A_45 = tpu.memref_slice %arg7[%dma_start3A_44] : memref<2048xi32, #tpu.memory_space<vmem>> -> memref<512xi32, #tpu.memory_space<vmem>>
      %dma_start3A_46 = arith.constant 0 : i32
      %dma_start3A_47 = arith.constant 0 : i32
      %dma_start3A_48 = tpu.memref_slice %arg2[%dma_start3A_46, %dma_start3A_47] : memref<200704x16xf32, #tpu.memory_space<hbm>> -> memref<200704x16xf32, #tpu.memory_space<hbm>>
      tpu.enqueue_indirect_dma source(%dma_start3A_48 : memref<200704x16xf32, #tpu.memory_space<hbm>>) target(%arg12 : memref<512x16xf32, #tpu.memory_space<vmem>>) offsets(%dma_start3A_45 : memref<512xi32, #tpu.memory_space<vmem>>) semaphore(%arg15 : memref<!tpu.dma_semaphore, #tpu.memory_space<semaphore_mem>>)
      %dma_wait3A = arith.constant 0 : i32
      %dma_wait3A_49 = tpu.memref_slice %arg7[%dma_wait3A] : memref<2048xi32, #tpu.memory_space<vmem>> -> memref<512xi32, #tpu.memory_space<vmem>>
      %dma_wait3A_50 = arith.constant 0 : i32
      %dma_wait3A_51 = arith.constant 0 : i32
      %dma_wait3A_52 = tpu.memref_slice %arg2[%dma_wait3A_50, %dma_wait3A_51] : memref<200704x16xf32, #tpu.memory_space<hbm>> -> memref<200704x16xf32, #tpu.memory_space<hbm>>
      tpu.wait_indirect_dma semaphore(%arg14 : memref<!tpu.dma_semaphore, #tpu.memory_space<semaphore_mem>>) src(%dma_wait3A_52 : memref<200704x16xf32, #tpu.memory_space<hbm>>) dst(%arg11 : memref<512x16xf32, #tpu.memory_space<vmem>>)
      %dma_start3A_53 = arith.constant 0 : i32
      %dma_start3A_54 = tpu.memref_slice %arg8[%dma_start3A_53] : memref<2048xi32, #tpu.memory_space<vmem>> -> memref<512xi32, #tpu.memory_space<vmem>>
      %dma_start3A_55 = arith.constant 0 : i32
      %dma_start3A_56 = arith.constant 0 : i32
      %dma_start3A_57 = tpu.memref_slice %arg13[%dma_start3A_55, %dma_start3A_56] : memref<100352x16xf32, #tpu.memory_space<vmem_shared>> -> memref<100352x16xf32, #tpu.memory_space<vmem_shared>>
      tpu.enqueue_indirect_dma source(%arg11 : memref<512x16xf32, #tpu.memory_space<vmem>>) target(%dma_start3A_57 : memref<100352x16xf32, #tpu.memory_space<vmem_shared>>) offsets(%dma_start3A_54 : memref<512xi32, #tpu.memory_space<vmem>>) semaphore(%arg16 : memref<!tpu.dma_semaphore, #tpu.memory_space<semaphore_mem>>) {add = true}
      %dma_wait3A_58 = arith.constant 0 : i32
      %dma_wait3A_59 = tpu.memref_slice %arg8[%dma_wait3A_58] : memref<2048xi32, #tpu.memory_space<vmem>> -> memref<512xi32, #tpu.memory_space<vmem>>
      %dma_wait3A_60 = arith.constant 0 : i32
      %dma_wait3A_61 = arith.constant 0 : i32
      %dma_wait3A_62 = tpu.memref_slice %arg13[%dma_wait3A_60, %dma_wait3A_61] : memref<100352x16xf32, #tpu.memory_space<vmem_shared>> -> memref<100352x16xf32, #tpu.memory_space<vmem_shared>>
      tpu.wait_indirect_dma semaphore(%arg16 : memref<!tpu.dma_semaphore, #tpu.memory_space<semaphore_mem>>) src(%arg11 : memref<512x16xf32, #tpu.memory_space<vmem>>) dst(%dma_wait3A_62 : memref<100352x16xf32, #tpu.memory_space<vmem_shared>>)
      %dma_start3A_63 = arith.constant 1024 : i32
      %dma_start3A_64 = tpu.memref_slice %arg7[%dma_start3A_63] : memref<2048xi32, #tpu.memory_space<vmem>> -> memref<512xi32, #tpu.memory_space<vmem>>
      %dma_start3A_65 = arith.constant 0 : i32
      %dma_start3A_66 = arith.constant 0 : i32
      %dma_start3A_67 = tpu.memref_slice %arg2[%dma_start3A_65, %dma_start3A_66] : memref<200704x16xf32, #tpu.memory_space<hbm>> -> memref<200704x16xf32, #tpu.memory_space<hbm>>
      tpu.enqueue_indirect_dma source(%dma_start3A_67 : memref<200704x16xf32, #tpu.memory_space<hbm>>) target(%arg11 : memref<512x16xf32, #tpu.memory_space<vmem>>) offsets(%dma_start3A_64 : memref<512xi32, #tpu.memory_space<vmem>>) semaphore(%arg14 : memref<!tpu.dma_semaphore, #tpu.memory_space<semaphore_mem>>)
      %dma_wait3A_68 = arith.constant 512 : i32
      %dma_wait3A_69 = tpu.memref_slice %arg7[%dma_wait3A_68] : memref<2048xi32, #tpu.memory_space<vmem>> -> memref<512xi32, #tpu.memory_space<vmem>>
      %dma_wait3A_70 = arith.constant 0 : i32
      %dma_wait3A_71 = arith.constant 0 : i32
      %dma_wait3A_72 = tpu.memref_slice %arg2[%dma_wait3A_70, %dma_wait3A_71] : memref<200704x16xf32, #tpu.memory_space<hbm>> -> memref<200704x16xf32, #tpu.memory_space<hbm>>
      tpu.wait_indirect_dma semaphore(%arg15 : memref<!tpu.dma_semaphore, #tpu.memory_space<semaphore_mem>>) src(%dma_wait3A_72 : memref<200704x16xf32, #tpu.memory_space<hbm>>) dst(%arg12 : memref<512x16xf32, #tpu.memory_space<vmem>>)
      %dma_start3A_73 = arith.constant 512 : i32
      %dma_start3A_74 = tpu.memref_slice %arg8[%dma_start3A_73] : memref<2048xi32, #tpu.memory_space<vmem>> -> memref<512xi32, #tpu.memory_space<vmem>>
      %dma_start3A_75 = arith.constant 0 : i32
      %dma_start3A_76 = arith.constant 0 : i32
      %dma_start3A_77 = tpu.memref_slice %arg13[%dma_start3A_75, %dma_start3A_76] : memref<100352x16xf32, #tpu.memory_space<vmem_shared>> -> memref<100352x16xf32, #tpu.memory_space<vmem_shared>>
      tpu.enqueue_indirect_dma source(%arg12 : memref<512x16xf32, #tpu.memory_space<vmem>>) target(%dma_start3A_77 : memref<100352x16xf32, #tpu.memory_space<vmem_shared>>) offsets(%dma_start3A_74 : memref<512xi32, #tpu.memory_space<vmem>>) semaphore(%arg17 : memref<!tpu.dma_semaphore, #tpu.memory_space<semaphore_mem>>) {add = true}
      %dma_wait3A_78 = arith.constant 512 : i32
      %dma_wait3A_79 = tpu.memref_slice %arg8[%dma_wait3A_78] : memref<2048xi32, #tpu.memory_space<vmem>> -> memref<512xi32, #tpu.memory_space<vmem>>
      %dma_wait3A_80 = arith.constant 0 : i32
      %dma_wait3A_81 = arith.constant 0 : i32
      %dma_wait3A_82 = tpu.memref_slice %arg13[%dma_wait3A_80, %dma_wait3A_81] : memref<100352x16xf32, #tpu.memory_space<vmem_shared>> -> memref<100352x16xf32, #tpu.memory_space<vmem_shared>>
      tpu.wait_indirect_dma semaphore(%arg17 : memref<!tpu.dma_semaphore, #tpu.memory_space<semaphore_mem>>) src(%arg12 : memref<512x16xf32, #tpu.memory_space<vmem>>) dst(%dma_wait3A_82 : memref<100352x16xf32, #tpu.memory_space<vmem_shared>>)
      %dma_start3A_83 = arith.constant 1536 : i32
      %dma_start3A_84 = tpu.memref_slice %arg7[%dma_start3A_83] : memref<2048xi32, #tpu.memory_space<vmem>> -> memref<512xi32, #tpu.memory_space<vmem>>
      %dma_start3A_85 = arith.constant 0 : i32
      %dma_start3A_86 = arith.constant 0 : i32
      %dma_start3A_87 = tpu.memref_slice %arg2[%dma_start3A_85, %dma_start3A_86] : memref<200704x16xf32, #tpu.memory_space<hbm>> -> memref<200704x16xf32, #tpu.memory_space<hbm>>
      tpu.enqueue_indirect_dma source(%dma_start3A_87 : memref<200704x16xf32, #tpu.memory_space<hbm>>) target(%arg12 : memref<512x16xf32, #tpu.memory_space<vmem>>) offsets(%dma_start3A_84 : memref<512xi32, #tpu.memory_space<vmem>>) semaphore(%arg15 : memref<!tpu.dma_semaphore, #tpu.memory_space<semaphore_mem>>)
      %dma_wait3A_88 = arith.constant 1024 : i32
      %dma_wait3A_89 = tpu.memref_slice %arg7[%dma_wait3A_88] : memref<2048xi32, #tpu.memory_space<vmem>> -> memref<512xi32, #tpu.memory_space<vmem>>
      %dma_wait3A_90 = arith.constant 0 : i32
      %dma_wait3A_91 = arith.constant 0 : i32
      %dma_wait3A_92 = tpu.memref_slice %arg2[%dma_wait3A_90, %dma_wait3A_91] : memref<200704x16xf32, #tpu.memory_space<hbm>> -> memref<200704x16xf32, #tpu.memory_space<hbm>>
      tpu.wait_indirect_dma semaphore(%arg14 : memref<!tpu.dma_semaphore, #tpu.memory_space<semaphore_mem>>) src(%dma_wait3A_92 : memref<200704x16xf32, #tpu.memory_space<hbm>>) dst(%arg11 : memref<512x16xf32, #tpu.memory_space<vmem>>)
      %dma_start3A_93 = arith.constant 1024 : i32
      %dma_start3A_94 = tpu.memref_slice %arg8[%dma_start3A_93] : memref<2048xi32, #tpu.memory_space<vmem>> -> memref<512xi32, #tpu.memory_space<vmem>>
      %dma_start3A_95 = arith.constant 0 : i32
      %dma_start3A_96 = arith.constant 0 : i32
      %dma_start3A_97 = tpu.memref_slice %arg13[%dma_start3A_95, %dma_start3A_96] : memref<100352x16xf32, #tpu.memory_space<vmem_shared>> -> memref<100352x16xf32, #tpu.memory_space<vmem_shared>>
      tpu.enqueue_indirect_dma source(%arg11 : memref<512x16xf32, #tpu.memory_space<vmem>>) target(%dma_start3A_97 : memref<100352x16xf32, #tpu.memory_space<vmem_shared>>) offsets(%dma_start3A_94 : memref<512xi32, #tpu.memory_space<vmem>>) semaphore(%arg16 : memref<!tpu.dma_semaphore, #tpu.memory_space<semaphore_mem>>) {add = true}
      %dma_wait3A_98 = arith.constant 1024 : i32
      %dma_wait3A_99 = tpu.memref_slice %arg8[%dma_wait3A_98] : memref<2048xi32, #tpu.memory_space<vmem>> -> memref<512xi32, #tpu.memory_space<vmem>>
      %dma_wait3A_100 = arith.constant 0 : i32
      %dma_wait3A_101 = arith.constant 0 : i32
      %dma_wait3A_102 = tpu.memref_slice %arg13[%dma_wait3A_100, %dma_wait3A_101] : memref<100352x16xf32, #tpu.memory_space<vmem_shared>> -> memref<100352x16xf32, #tpu.memory_space<vmem_shared>>
      tpu.wait_indirect_dma semaphore(%arg16 : memref<!tpu.dma_semaphore, #tpu.memory_space<semaphore_mem>>) src(%arg11 : memref<512x16xf32, #tpu.memory_space<vmem>>) dst(%dma_wait3A_102 : memref<100352x16xf32, #tpu.memory_space<vmem_shared>>)
      %dma_start3A_103 = arith.constant 0 : i32
      %dma_start3A_104 = tpu.memref_slice %arg9[%dma_start3A_103] : memref<2048xi32, #tpu.memory_space<vmem>> -> memref<512xi32, #tpu.memory_space<vmem>>
      %dma_start3A_105 = arith.constant 0 : i32
      %dma_start3A_106 = arith.constant 0 : i32
      %dma_start3A_107 = tpu.memref_slice %arg2[%dma_start3A_105, %dma_start3A_106] : memref<200704x16xf32, #tpu.memory_space<hbm>> -> memref<200704x16xf32, #tpu.memory_space<hbm>>
      tpu.enqueue_indirect_dma source(%dma_start3A_107 : memref<200704x16xf32, #tpu.memory_space<hbm>>) target(%arg11 : memref<512x16xf32, #tpu.memory_space<vmem>>) offsets(%dma_start3A_104 : memref<512xi32, #tpu.memory_space<vmem>>) semaphore(%arg14 : memref<!tpu.dma_semaphore, #tpu.memory_space<semaphore_mem>>)
      %dma_wait3A_108 = arith.constant 1536 : i32
      %dma_wait3A_109 = tpu.memref_slice %arg7[%dma_wait3A_108] : memref<2048xi32, #tpu.memory_space<vmem>> -> memref<512xi32, #tpu.memory_space<vmem>>
      %dma_wait3A_110 = arith.constant 0 : i32
      %dma_wait3A_111 = arith.constant 0 : i32
      %dma_wait3A_112 = tpu.memref_slice %arg2[%dma_wait3A_110, %dma_wait3A_111] : memref<200704x16xf32, #tpu.memory_space<hbm>> -> memref<200704x16xf32, #tpu.memory_space<hbm>>
      tpu.wait_indirect_dma semaphore(%arg15 : memref<!tpu.dma_semaphore, #tpu.memory_space<semaphore_mem>>) src(%dma_wait3A_112 : memref<200704x16xf32, #tpu.memory_space<hbm>>) dst(%arg12 : memref<512x16xf32, #tpu.memory_space<vmem>>)
      %dma_start3A_113 = arith.constant 1536 : i32
      %dma_start3A_114 = tpu.memref_slice %arg8[%dma_start3A_113] : memref<2048xi32, #tpu.memory_space<vmem>> -> memref<512xi32, #tpu.memory_space<vmem>>
      %dma_start3A_115 = arith.constant 0 : i32
      %dma_start3A_116 = arith.constant 0 : i32
      %dma_start3A_117 = tpu.memref_slice %arg13[%dma_start3A_115, %dma_start3A_116] : memref<100352x16xf32, #tpu.memory_space<vmem_shared>> -> memref<100352x16xf32, #tpu.memory_space<vmem_shared>>
      tpu.enqueue_indirect_dma source(%arg12 : memref<512x16xf32, #tpu.memory_space<vmem>>) target(%dma_start3A_117 : memref<100352x16xf32, #tpu.memory_space<vmem_shared>>) offsets(%dma_start3A_114 : memref<512xi32, #tpu.memory_space<vmem>>) semaphore(%arg17 : memref<!tpu.dma_semaphore, #tpu.memory_space<semaphore_mem>>) {add = true}
      %dma_wait3A_118 = arith.constant 1536 : i32
      %dma_wait3A_119 = tpu.memref_slice %arg8[%dma_wait3A_118] : memref<2048xi32, #tpu.memory_space<vmem>> -> memref<512xi32, #tpu.memory_space<vmem>>
      %dma_wait3A_120 = arith.constant 0 : i32
      %dma_wait3A_121 = arith.constant 0 : i32
      %dma_wait3A_122 = tpu.memref_slice %arg13[%dma_wait3A_120, %dma_wait3A_121] : memref<100352x16xf32, #tpu.memory_space<vmem_shared>> -> memref<100352x16xf32, #tpu.memory_space<vmem_shared>>
      tpu.wait_indirect_dma semaphore(%arg17 : memref<!tpu.dma_semaphore, #tpu.memory_space<semaphore_mem>>) src(%arg12 : memref<512x16xf32, #tpu.memory_space<vmem>>) dst(%dma_wait3A_122 : memref<100352x16xf32, #tpu.memory_space<vmem_shared>>)
      %add3A_123 = arith.addi %mul3A_6, %min3A_37 : i32
      "tpu.region"() ({
        %run_scoped3A = tpu.sem_alloc : memref<!tpu.dma_semaphore, #tpu.memory_space<semaphore_mem>>
        %dma_start3A_200 = tpu.memref_slice %arg3[%add3A_123] : memref<12845056xi32, #tpu.memory_space<hbm>> -> memref<2048xi32, #tpu.memory_space<hbm>>
        %dma_start3A_201 = tpu.memref_slice %arg3[%add3A_123] : memref<12845056xi32, #tpu.memory_space<hbm>> -> memref<2048xi32, #tpu.memory_space<hbm>>
        tpu.enqueue_dma source(%dma_start3A_201 : memref<2048xi32, #tpu.memory_space<hbm>>) target(%arg7 : memref<2048xi32, #tpu.memory_space<vmem>>) target_semaphore(%run_scoped3A : memref<!tpu.dma_semaphore, #tpu.memory_space<semaphore_mem>>)
        %dma_wait3A_202 = tpu.memref_slice %arg3[%add3A_123] : memref<12845056xi32, #tpu.memory_space<hbm>> -> memref<2048xi32, #tpu.memory_space<hbm>>
        %dma_wait3A_203 = tpu.memref_slice %arg3[%add3A_123] : memref<12845056xi32, #tpu.memory_space<hbm>> -> memref<2048xi32, #tpu.memory_space<hbm>>
        tpu.wait_dma2 semaphore(%run_scoped3A : memref<!tpu.dma_semaphore, #tpu.memory_space<semaphore_mem>>) src(%dma_wait3A_203 : memref<2048xi32, #tpu.memory_space<hbm>>) dst(%arg7 : memref<2048xi32, #tpu.memory_space<vmem>>)
        tpu.yield
      }) : () -> ()
      %add3A_124 = arith.addi %mul3A_10, %min3A_37 : i32
      "tpu.region"() ({
        %run_scoped3A = tpu.sem_alloc : memref<!tpu.dma_semaphore, #tpu.memory_space<semaphore_mem>>
        %dma_start3A_200 = tpu.memref_slice %arg4[%add3A_124] : memref<6422528xi32, #tpu.memory_space<hbm>> -> memref<2048xi32, #tpu.memory_space<hbm>>
        %dma_start3A_201 = tpu.memref_slice %arg4[%add3A_124] : memref<6422528xi32, #tpu.memory_space<hbm>> -> memref<2048xi32, #tpu.memory_space<hbm>>
        tpu.enqueue_dma source(%dma_start3A_201 : memref<2048xi32, #tpu.memory_space<hbm>>) target(%arg8 : memref<2048xi32, #tpu.memory_space<vmem>>) target_semaphore(%run_scoped3A : memref<!tpu.dma_semaphore, #tpu.memory_space<semaphore_mem>>)
        %dma_wait3A_202 = tpu.memref_slice %arg4[%add3A_124] : memref<6422528xi32, #tpu.memory_space<hbm>> -> memref<2048xi32, #tpu.memory_space<hbm>>
        %dma_wait3A_203 = tpu.memref_slice %arg4[%add3A_124] : memref<6422528xi32, #tpu.memory_space<hbm>> -> memref<2048xi32, #tpu.memory_space<hbm>>
        tpu.wait_dma2 semaphore(%run_scoped3A : memref<!tpu.dma_semaphore, #tpu.memory_space<semaphore_mem>>) src(%dma_wait3A_203 : memref<2048xi32, #tpu.memory_space<hbm>>) dst(%arg8 : memref<2048xi32, #tpu.memory_space<vmem>>)
        tpu.yield
      }) : () -> ()
      %dma_start3A_125 = arith.constant 512 : i32
      %dma_start3A_126 = tpu.memref_slice %arg9[%dma_start3A_125] : memref<2048xi32, #tpu.memory_space<vmem>> -> memref<512xi32, #tpu.memory_space<vmem>>
      %dma_start3A_127 = arith.constant 0 : i32
      %dma_start3A_128 = arith.constant 0 : i32
      %dma_start3A_129 = tpu.memref_slice %arg2[%dma_start3A_127, %dma_start3A_128] : memref<200704x16xf32, #tpu.memory_space<hbm>> -> memref<200704x16xf32, #tpu.memory_space<hbm>>
      tpu.enqueue_indirect_dma source(%dma_start3A_129 : memref<200704x16xf32, #tpu.memory_space<hbm>>) target(%arg12 : memref<512x16xf32, #tpu.memory_space<vmem>>) offsets(%dma_start3A_126 : memref<512xi32, #tpu.memory_space<vmem>>) semaphore(%arg15 : memref<!tpu.dma_semaphore, #tpu.memory_space<semaphore_mem>>)
      %dma_wait3A_130 = arith.constant 0 : i32
      %dma_wait3A_131 = tpu.memref_slice %arg9[%dma_wait3A_130] : memref<2048xi32, #tpu.memory_space<vmem>> -> memref<512xi32, #tpu.memory_space<vmem>>
      %dma_wait3A_132 = arith.constant 0 : i32
      %dma_wait3A_133 = arith.constant 0 : i32
      %dma_wait3A_134 = tpu.memref_slice %arg2[%dma_wait3A_132, %dma_wait3A_133] : memref<200704x16xf32, #tpu.memory_space<hbm>> -> memref<200704x16xf32, #tpu.memory_space<hbm>>
      tpu.wait_indirect_dma semaphore(%arg14 : memref<!tpu.dma_semaphore, #tpu.memory_space<semaphore_mem>>) src(%dma_wait3A_134 : memref<200704x16xf32, #tpu.memory_space<hbm>>) dst(%arg11 : memref<512x16xf32, #tpu.memory_space<vmem>>)
      %dma_start3A_135 = arith.constant 0 : i32
      %dma_start3A_136 = tpu.memref_slice %arg10[%dma_start3A_135] : memref<2048xi32, #tpu.memory_space<vmem>> -> memref<512xi32, #tpu.memory_space<vmem>>
      %dma_start3A_137 = arith.constant 0 : i32
      %dma_start3A_138 = arith.constant 0 : i32
      %dma_start3A_139 = tpu.memref_slice %arg13[%dma_start3A_137, %dma_start3A_138] : memref<100352x16xf32, #tpu.memory_space<vmem_shared>> -> memref<100352x16xf32, #tpu.memory_space<vmem_shared>>
      tpu.enqueue_indirect_dma source(%arg11 : memref<512x16xf32, #tpu.memory_space<vmem>>) target(%dma_start3A_139 : memref<100352x16xf32, #tpu.memory_space<vmem_shared>>) offsets(%dma_start3A_136 : memref<512xi32, #tpu.memory_space<vmem>>) semaphore(%arg16 : memref<!tpu.dma_semaphore, #tpu.memory_space<semaphore_mem>>) {add = true}
      %dma_wait3A_140 = arith.constant 0 : i32
      %dma_wait3A_141 = tpu.memref_slice %arg10[%dma_wait3A_140] : memref<2048xi32, #tpu.memory_space<vmem>> -> memref<512xi32, #tpu.memory_space<vmem>>
      %dma_wait3A_142 = arith.constant 0 : i32
      %dma_wait3A_143 = arith.constant 0 : i32
      %dma_wait3A_144 = tpu.memref_slice %arg13[%dma_wait3A_142, %dma_wait3A_143] : memref<100352x16xf32, #tpu.memory_space<vmem_shared>> -> memref<100352x16xf32, #tpu.memory_space<vmem_shared>>
      tpu.wait_indirect_dma semaphore(%arg16 : memref<!tpu.dma_semaphore, #tpu.memory_space<semaphore_mem>>) src(%arg11 : memref<512x16xf32, #tpu.memory_space<vmem>>) dst(%dma_wait3A_144 : memref<100352x16xf32, #tpu.memory_space<vmem_shared>>)
      %dma_start3A_145 = arith.constant 1024 : i32
      %dma_start3A_146 = tpu.memref_slice %arg9[%dma_start3A_145] : memref<2048xi32, #tpu.memory_space<vmem>> -> memref<512xi32, #tpu.memory_space<vmem>>
      %dma_start3A_147 = arith.constant 0 : i32
      %dma_start3A_148 = arith.constant 0 : i32
      %dma_start3A_149 = tpu.memref_slice %arg2[%dma_start3A_147, %dma_start3A_148] : memref<200704x16xf32, #tpu.memory_space<hbm>> -> memref<200704x16xf32, #tpu.memory_space<hbm>>
      tpu.enqueue_indirect_dma source(%dma_start3A_149 : memref<200704x16xf32, #tpu.memory_space<hbm>>) target(%arg11 : memref<512x16xf32, #tpu.memory_space<vmem>>) offsets(%dma_start3A_146 : memref<512xi32, #tpu.memory_space<vmem>>) semaphore(%arg14 : memref<!tpu.dma_semaphore, #tpu.memory_space<semaphore_mem>>)
      %dma_wait3A_150 = arith.constant 512 : i32
      %dma_wait3A_151 = tpu.memref_slice %arg9[%dma_wait3A_150] : memref<2048xi32, #tpu.memory_space<vmem>> -> memref<512xi32, #tpu.memory_space<vmem>>
      %dma_wait3A_152 = arith.constant 0 : i32
      %dma_wait3A_153 = arith.constant 0 : i32
      %dma_wait3A_154 = tpu.memref_slice %arg2[%dma_wait3A_152, %dma_wait3A_153] : memref<200704x16xf32, #tpu.memory_space<hbm>> -> memref<200704x16xf32, #tpu.memory_space<hbm>>
      tpu.wait_indirect_dma semaphore(%arg15 : memref<!tpu.dma_semaphore, #tpu.memory_space<semaphore_mem>>) src(%dma_wait3A_154 : memref<200704x16xf32, #tpu.memory_space<hbm>>) dst(%arg12 : memref<512x16xf32, #tpu.memory_space<vmem>>)
      %dma_start3A_155 = arith.constant 512 : i32
      %dma_start3A_156 = tpu.memref_slice %arg10[%dma_start3A_155] : memref<2048xi32, #tpu.memory_space<vmem>> -> memref<512xi32, #tpu.memory_space<vmem>>
      %dma_start3A_157 = arith.constant 0 : i32
      %dma_start3A_158 = arith.constant 0 : i32
      %dma_start3A_159 = tpu.memref_slice %arg13[%dma_start3A_157, %dma_start3A_158] : memref<100352x16xf32, #tpu.memory_space<vmem_shared>> -> memref<100352x16xf32, #tpu.memory_space<vmem_shared>>
      tpu.enqueue_indirect_dma source(%arg12 : memref<512x16xf32, #tpu.memory_space<vmem>>) target(%dma_start3A_159 : memref<100352x16xf32, #tpu.memory_space<vmem_shared>>) offsets(%dma_start3A_156 : memref<512xi32, #tpu.memory_space<vmem>>) semaphore(%arg17 : memref<!tpu.dma_semaphore, #tpu.memory_space<semaphore_mem>>) {add = true}
      %dma_wait3A_160 = arith.constant 512 : i32
      %dma_wait3A_161 = tpu.memref_slice %arg10[%dma_wait3A_160] : memref<2048xi32, #tpu.memory_space<vmem>> -> memref<512xi32, #tpu.memory_space<vmem>>
      %dma_wait3A_162 = arith.constant 0 : i32
      %dma_wait3A_163 = arith.constant 0 : i32
      %dma_wait3A_164 = tpu.memref_slice %arg13[%dma_wait3A_162, %dma_wait3A_163] : memref<100352x16xf32, #tpu.memory_space<vmem_shared>> -> memref<100352x16xf32, #tpu.memory_space<vmem_shared>>
      tpu.wait_indirect_dma semaphore(%arg17 : memref<!tpu.dma_semaphore, #tpu.memory_space<semaphore_mem>>) src(%arg12 : memref<512x16xf32, #tpu.memory_space<vmem>>) dst(%dma_wait3A_164 : memref<100352x16xf32, #tpu.memory_space<vmem_shared>>)
      %dma_start3A_165 = arith.constant 1536 : i32
      %dma_start3A_166 = tpu.memref_slice %arg9[%dma_start3A_165] : memref<2048xi32, #tpu.memory_space<vmem>> -> memref<512xi32, #tpu.memory_space<vmem>>
      %dma_start3A_167 = arith.constant 0 : i32
      %dma_start3A_168 = arith.constant 0 : i32
      %dma_start3A_169 = tpu.memref_slice %arg2[%dma_start3A_167, %dma_start3A_168] : memref<200704x16xf32, #tpu.memory_space<hbm>> -> memref<200704x16xf32, #tpu.memory_space<hbm>>
      tpu.enqueue_indirect_dma source(%dma_start3A_169 : memref<200704x16xf32, #tpu.memory_space<hbm>>) target(%arg12 : memref<512x16xf32, #tpu.memory_space<vmem>>) offsets(%dma_start3A_166 : memref<512xi32, #tpu.memory_space<vmem>>) semaphore(%arg15 : memref<!tpu.dma_semaphore, #tpu.memory_space<semaphore_mem>>)
      %dma_wait3A_170 = arith.constant 1024 : i32
      %dma_wait3A_171 = tpu.memref_slice %arg9[%dma_wait3A_170] : memref<2048xi32, #tpu.memory_space<vmem>> -> memref<512xi32, #tpu.memory_space<vmem>>
      %dma_wait3A_172 = arith.constant 0 : i32
      %dma_wait3A_173 = arith.constant 0 : i32
      %dma_wait3A_174 = tpu.memref_slice %arg2[%dma_wait3A_172, %dma_wait3A_173] : memref<200704x16xf32, #tpu.memory_space<hbm>> -> memref<200704x16xf32, #tpu.memory_space<hbm>>
      tpu.wait_indirect_dma semaphore(%arg14 : memref<!tpu.dma_semaphore, #tpu.memory_space<semaphore_mem>>) src(%dma_wait3A_174 : memref<200704x16xf32, #tpu.memory_space<hbm>>) dst(%arg11 : memref<512x16xf32, #tpu.memory_space<vmem>>)
      %dma_start3A_175 = arith.constant 1024 : i32
      %dma_start3A_176 = tpu.memref_slice %arg10[%dma_start3A_175] : memref<2048xi32, #tpu.memory_space<vmem>> -> memref<512xi32, #tpu.memory_space<vmem>>
      %dma_start3A_177 = arith.constant 0 : i32
      %dma_start3A_178 = arith.constant 0 : i32
      %dma_start3A_179 = tpu.memref_slice %arg13[%dma_start3A_177, %dma_start3A_178] : memref<100352x16xf32, #tpu.memory_space<vmem_shared>> -> memref<100352x16xf32, #tpu.memory_space<vmem_shared>>
      tpu.enqueue_indirect_dma source(%arg11 : memref<512x16xf32, #tpu.memory_space<vmem>>) target(%dma_start3A_179 : memref<100352x16xf32, #tpu.memory_space<vmem_shared>>) offsets(%dma_start3A_176 : memref<512xi32, #tpu.memory_space<vmem>>) semaphore(%arg16 : memref<!tpu.dma_semaphore, #tpu.memory_space<semaphore_mem>>) {add = true}
      %dma_wait3A_180 = arith.constant 1024 : i32
      %dma_wait3A_181 = tpu.memref_slice %arg10[%dma_wait3A_180] : memref<2048xi32, #tpu.memory_space<vmem>> -> memref<512xi32, #tpu.memory_space<vmem>>
      %dma_wait3A_182 = arith.constant 0 : i32
      %dma_wait3A_183 = arith.constant 0 : i32
      %dma_wait3A_184 = tpu.memref_slice %arg13[%dma_wait3A_182, %dma_wait3A_183] : memref<100352x16xf32, #tpu.memory_space<vmem_shared>> -> memref<100352x16xf32, #tpu.memory_space<vmem_shared>>
      tpu.wait_indirect_dma semaphore(%arg16 : memref<!tpu.dma_semaphore, #tpu.memory_space<semaphore_mem>>) src(%arg11 : memref<512x16xf32, #tpu.memory_space<vmem>>) dst(%dma_wait3A_184 : memref<100352x16xf32, #tpu.memory_space<vmem_shared>>)
      %dma_wait3A_185 = arith.constant 1536 : i32
      %dma_wait3A_186 = tpu.memref_slice %arg9[%dma_wait3A_185] : memref<2048xi32, #tpu.memory_space<vmem>> -> memref<512xi32, #tpu.memory_space<vmem>>
      %dma_wait3A_187 = arith.constant 0 : i32
      %dma_wait3A_188 = arith.constant 0 : i32
      %dma_wait3A_189 = tpu.memref_slice %arg2[%dma_wait3A_187, %dma_wait3A_188] : memref<200704x16xf32, #tpu.memory_space<hbm>> -> memref<200704x16xf32, #tpu.memory_space<hbm>>
      tpu.wait_indirect_dma semaphore(%arg15 : memref<!tpu.dma_semaphore, #tpu.memory_space<semaphore_mem>>) src(%dma_wait3A_189 : memref<200704x16xf32, #tpu.memory_space<hbm>>) dst(%arg12 : memref<512x16xf32, #tpu.memory_space<vmem>>)
      %dma_start3A_190 = arith.constant 1536 : i32
      %dma_start3A_191 = tpu.memref_slice %arg10[%dma_start3A_190] : memref<2048xi32, #tpu.memory_space<vmem>> -> memref<512xi32, #tpu.memory_space<vmem>>
      %dma_start3A_192 = arith.constant 0 : i32
      %dma_start3A_193 = arith.constant 0 : i32
      %dma_start3A_194 = tpu.memref_slice %arg13[%dma_start3A_192, %dma_start3A_193] : memref<100352x16xf32, #tpu.memory_space<vmem_shared>> -> memref<100352x16xf32, #tpu.memory_space<vmem_shared>>
      tpu.enqueue_indirect_dma source(%arg12 : memref<512x16xf32, #tpu.memory_space<vmem>>) target(%dma_start3A_194 : memref<100352x16xf32, #tpu.memory_space<vmem_shared>>) offsets(%dma_start3A_191 : memref<512xi32, #tpu.memory_space<vmem>>) semaphore(%arg17 : memref<!tpu.dma_semaphore, #tpu.memory_space<semaphore_mem>>) {add = true}
      %dma_wait3A_195 = arith.constant 1536 : i32
      %dma_wait3A_196 = tpu.memref_slice %arg10[%dma_wait3A_195] : memref<2048xi32, #tpu.memory_space<vmem>> -> memref<512xi32, #tpu.memory_space<vmem>>
      %dma_wait3A_197 = arith.constant 0 : i32
      %dma_wait3A_198 = arith.constant 0 : i32
      %dma_wait3A_199 = tpu.memref_slice %arg13[%dma_wait3A_197, %dma_wait3A_198] : memref<100352x16xf32, #tpu.memory_space<vmem_shared>> -> memref<100352x16xf32, #tpu.memory_space<vmem_shared>>
      tpu.wait_indirect_dma semaphore(%arg17 : memref<!tpu.dma_semaphore, #tpu.memory_space<semaphore_mem>>) src(%arg12 : memref<512x16xf32, #tpu.memory_space<vmem>>) dst(%dma_wait3A_199 : memref<100352x16xf32, #tpu.memory_space<vmem_shared>>)
    }
    %scan3A_15 = arith.constant 98 : i32
    %barrier3A_16 = arith.constant 0 : index
    tpu.barrier barrier_id(%barrier3A_16)
    %mul3A_17 = arith.constant 6272 : i32
    %mul3A_18 = arith.muli %arg1, %mul3A_17 : i32
    %mul3A_19 = arith.constant 100352 : i32
    %mul3A_20 = arith.muli %arg0, %mul3A_19 : i32
    %mul3A_21 = arith.constant 6272 : i32
    %mul3A_22 = arith.muli %arg1, %mul3A_21 : i32
    %add3A_23 = arith.addi %mul3A_20, %mul3A_22 : i32
    "tpu.region"() ({
      %run_scoped3A = tpu.sem_alloc : memref<!tpu.dma_semaphore, #tpu.memory_space<semaphore_mem>>
      %dma_start3A = arith.constant 0 : i32
      %dma_start3A_24 = tpu.memref_slice %arg6[%add3A_23, %dma_start3A] : memref<200704x16xf32, #tpu.memory_space<hbm>> -> memref<6272x16xf32, #tpu.memory_space<hbm>>
      %dma_start3A_25 = arith.constant 0 : i32
      %dma_start3A_26 = tpu.memref_slice %arg13[%mul3A_18, %dma_start3A_25] : memref<100352x16xf32, #tpu.memory_space<vmem_shared>> -> memref<6272x16xf32, #tpu.memory_space<vmem_shared>>
      tpu.enqueue_dma source(%dma_start3A_26 : memref<6272x16xf32, #tpu.memory_space<vmem_shared>>) target(%dma_start3A_24 : memref<6272x16xf32, #tpu.memory_space<hbm>>) target_semaphore(%run_scoped3A : memref<!tpu.dma_semaphore, #tpu.memory_space<semaphore_mem>>)
      %dma_wait3A = arith.constant 0 : i32
      %dma_wait3A_27 = tpu.memref_slice %arg6[%add3A_23, %dma_wait3A] : memref<200704x16xf32, #tpu.memory_space<hbm>> -> memref<6272x16xf32, #tpu.memory_space<hbm>>
      %dma_wait3A_28 = arith.constant 0 : i32
      %dma_wait3A_29 = tpu.memref_slice %arg13[%mul3A_18, %dma_wait3A_28] : memref<100352x16xf32, #tpu.memory_space<vmem_shared>> -> memref<6272x16xf32, #tpu.memory_space<vmem_shared>>
      tpu.wait_dma2 semaphore(%run_scoped3A : memref<!tpu.dma_semaphore, #tpu.memory_space<semaphore_mem>>) src(%dma_wait3A_29 : memref<6272x16xf32, #tpu.memory_space<vmem_shared>>) dst(%dma_wait3A_27 : memref<6272x16xf32, #tpu.memory_space<hbm>>)
      tpu.yield
    }) : () -> ()
    return
  }
}

module attributes {stable_mosaic.version = 14 : i64} {
  func.func @_tc_pre_body(%arg0: i32, %arg1: memref<3584x32xf32, #tpu.memory_space<vmem>>, %arg2: memref<2x3584x16xf32, #tpu.memory_space<vmem>>) attributes {dimension_semantics = [#tpu.dimension_semantics<arbitrary>], iteration_bounds = array<i64: 28>, scalar_prefetch = 0 : i64, scratch_operands = 0 : i64, tpu.core_type = #tpu.core_type<tc>, window_params = [{transform_indices = @transform_0, window_bounds = array<i64: 3584, 32>}, {transform_indices = @transform_1, window_bounds = array<i64: 2, 3584, 16>}]} {
    %get3A = arith.constant 0 : index
    %get3A_0 = arith.constant 0 : index
    %get3A_1 = vector.load %arg1[%get3A, %get3A_0] : memref<3584x32xf32, #tpu.memory_space<vmem>>, vector<3584x16xf32>
    %swap3A = arith.constant 0 : index
    %swap3A_2 = arith.constant 0 : index
    %swap3A_3 = arith.constant 0 : index
    %swap3A_4 = vector.load %arg2[%swap3A, %swap3A_2, %swap3A_3] : memref<2x3584x16xf32, #tpu.memory_space<vmem>>, vector<1x3584x16xf32>
    %swap3A_5 = vector.shape_cast %swap3A_4 : vector<1x3584x16xf32> to vector<3584x16xf32>
    %swap3A_6 = vector.shape_cast %get3A_1 : vector<3584x16xf32> to vector<1x3584x16xf32>
    tpu.vector_store %arg2[%swap3A, %swap3A_2, %swap3A_3], %swap3A_6 {strides = array<i32>} : memref<2x3584x16xf32, #tpu.memory_space<vmem>>, vector<1x3584x16xf32>,
    %get3A_7 = arith.constant 0 : index
    %get3A_8 = arith.constant 16 : index
    %get3A_9 = vector.load %arg1[%get3A_7, %get3A_8] : memref<3584x32xf32, #tpu.memory_space<vmem>>, vector<3584x16xf32>
    %swap3A_10 = arith.constant 1 : index
    %swap3A_11 = arith.constant 0 : index
    %swap3A_12 = arith.constant 0 : index
    %swap3A_13 = vector.load %arg2[%swap3A_10, %swap3A_11, %swap3A_12] : memref<2x3584x16xf32, #tpu.memory_space<vmem>>, vector<1x3584x16xf32>
    %swap3A_14 = vector.shape_cast %swap3A_13 : vector<1x3584x16xf32> to vector<3584x16xf32>
    %swap3A_15 = vector.shape_cast %get3A_9 : vector<3584x16xf32> to vector<1x3584x16xf32>
    tpu.vector_store %arg2[%swap3A_10, %swap3A_11, %swap3A_12], %swap3A_15 {strides = array<i32>} : memref<2x3584x16xf32, #tpu.memory_space<vmem>>, vector<1x3584x16xf32>,
    return
  }
  func.func @transform_0(%arg0: i32) -> (i32, i32) {
    %c0_i32 = arith.constant 0 : i32
    %c0_i32_0 = arith.constant 0 : i32
    return %arg0, %c0_i32 : i32, i32
  }
  func.func @transform_1(%arg0: i32) -> (i32, i32, i32) {
    %c0_i32 = arith.constant 0 : i32
    %c0_i32_0 = arith.constant 0 : i32
    %c0_i32_1 = arith.constant 0 : i32
    return %c0_i32, %arg0, %c0_i32_0 : i32, i32, i32
  }
}

module attributes {stable_mosaic.version = 14 : i64} {
  func.func @_tc_mid_body(%arg0: i32, %arg1: memref<3584x16xf32, #tpu.memory_space<vmem>>, %arg2: memref<3584x16xf32, #tpu.memory_space<vmem>>, %arg3: memref<3584x32xf32, #tpu.memory_space<vmem>>, %arg4: memref<3584x8xf32, #tpu.memory_space<vmem>>, %arg5: memref<3584x8xf32, #tpu.memory_space<vmem>>, %arg6: memref<1x32xf32, #tpu.memory_space<vmem>>, %arg7: memref<32x32xf32, #tpu.memory_space<vmem>>, %arg8: memref<32x32xf32, #tpu.memory_space<vmem>>, %arg9: memref<3584x32xf32, #tpu.memory_space<vmem>>, %arg10: memref<2x3584x16xf32, #tpu.memory_space<vmem>>) attributes {dimension_semantics = [#tpu.dimension_semantics<arbitrary>], iteration_bounds = array<i64: 28>, scalar_prefetch = 0 : i64, scratch_operands = 0 : i64, tpu.core_type = #tpu.core_type<tc>, window_params = [{transform_indices = @transform_0, window_bounds = array<i64: 3584, 16>}, {transform_indices = @transform_1, window_bounds = array<i64: 3584, 16>}, {transform_indices = @transform_2, window_bounds = array<i64: 3584, 32>}, {transform_indices = @transform_3, window_bounds = array<i64: 3584, 8>}, {transform_indices = @transform_4, window_bounds = array<i64: 3584, 8>}, {pipeline_mode = #tpu.pipeline_mode<synchronous>, transform_indices = @transform_5, window_bounds = array<i64: 1, 32>}, {pipeline_mode = #tpu.pipeline_mode<synchronous>, transform_indices = @transform_6, window_bounds = array<i64: 32, 32>}, {pipeline_mode = #tpu.pipeline_mode<synchronous>, transform_indices = @transform_7, window_bounds = array<i64: 32, 32>}, {transform_indices = @transform_8, window_bounds = array<i64: 3584, 32>}, {transform_indices = @transform_9, window_bounds = array<i64: 2, 3584, 16>}]} {
    %get3A = arith.constant 0 : index
    %get3A_0 = arith.constant 0 : index
    %get3A_1 = vector.load %arg4[%get3A, %get3A_0] : memref<3584x8xf32, #tpu.memory_space<vmem>>, vector<3584x1xf32>
    %get3A_2 = arith.constant 0 : index
    %get3A_3 = arith.constant 0 : index
    %get3A_4 = vector.load %arg5[%get3A_2, %get3A_3] : memref<3584x8xf32, #tpu.memory_space<vmem>>, vector<3584x1xf32>
    %add3A = arith.addf %get3A_1, %get3A_4 : vector<3584x1xf32>
    %max3A = arith.constant 1.000000e+00 : f32
    %max3A_5 = vector.broadcast %max3A : f32 to vector<3584x1xf32>
    %max3A_6 = arith.maximumf %add3A, %max3A_5 : vector<3584x1xf32>
    %div3A = arith.constant 1.000000e+00 : f32
    %div3A_7 = vector.broadcast %div3A : f32 to vector<3584x1xf32>
    %div3A_8 = arith.divf %div3A_7, %max3A_6 : vector<3584x1xf32>
    %get3A_9 = arith.constant 0 : index
    %get3A_10 = arith.constant 0 : index
    %get3A_11 = vector.load %arg1[%get3A_9, %get3A_10] : memref<3584x16xf32, #tpu.memory_space<vmem>>, vector<3584x16xf32>
    %get3A_12 = arith.constant 0 : index
    %get3A_13 = arith.constant 0 : index
    %get3A_14 = vector.load %arg2[%get3A_12, %get3A_13] : memref<3584x16xf32, #tpu.memory_space<vmem>>, vector<3584x16xf32>
    %concatenate3A = tpu.concatenate %get3A_11, %get3A_14 in 1 : vector<3584x16xf32>, vector<3584x16xf32> -> vector<3584x32xf32>
    %mul3A = vector.broadcast %div3A_8 : vector<3584x1xf32> to vector<3584x32xf32>
    %mul3A_15 = arith.mulf %concatenate3A, %mul3A : vector<3584x32xf32>
    %get3A_16 = arith.constant 0 : index
    %get3A_17 = arith.constant 0 : index
    %get3A_18 = vector.load %arg8[%get3A_16, %get3A_17] : memref<32x32xf32, #tpu.memory_space<vmem>>, vector<32x32xf32>
    %dot_general3A = arith.constant dense<0.000000e+00> : vector<3584x32xf32>
    %dot_general3A_19 = tpu.matmul %mul3A_15, %get3A_18, %dot_general3A {dimension_numbers = #tpu.dot_dimension_numbers<[1], [0], [0], [1], [0, 0, 1, 1], [], []>, transpose_lhs_hint = false} : vector<3584x32xf32>, vector<32x32xf32>, vector<3584x32xf32> -> vector<3584x32xf32>
    %get3A_20 = arith.constant 0 : index
    %get3A_21 = arith.constant 0 : index
    %get3A_22 = vector.load %arg6[%get3A_20, %get3A_21] : memref<1x32xf32, #tpu.memory_space<vmem>>, vector<1x32xf32>
    %add3A_23 = vector.broadcast %get3A_22 : vector<1x32xf32> to vector<3584x32xf32>
    %add3A_24 = arith.addf %dot_general3A_19, %add3A_23 : vector<3584x32xf32>
    %get3A_25 = arith.constant 0 : index
    %get3A_26 = arith.constant 0 : index
    %get3A_27 = vector.load %arg3[%get3A_25, %get3A_26] : memref<3584x32xf32, #tpu.memory_space<vmem>>, vector<3584x32xf32>
    %get3A_28 = arith.constant 0 : index
    %get3A_29 = arith.constant 0 : index
    %get3A_30 = vector.load %arg7[%get3A_28, %get3A_29] : memref<32x32xf32, #tpu.memory_space<vmem>>, vector<32x32xf32>
    %dot_general3A_31 = arith.constant dense<0.000000e+00> : vector<3584x32xf32>
    %dot_general3A_32 = tpu.matmul %get3A_27, %get3A_30, %dot_general3A_31 {dimension_numbers = #tpu.dot_dimension_numbers<[1], [0], [0], [1], [0, 0, 1, 1], [], []>, transpose_lhs_hint = false} : vector<3584x32xf32>, vector<32x32xf32>, vector<3584x32xf32> -> vector<3584x32xf32>
    %add3A_33 = arith.addf %add3A_24, %dot_general3A_32 : vector<3584x32xf32>
    %max3A_34 = arith.constant 0.000000e+00 : f32
    %max3A_35 = vector.broadcast %max3A_34 : f32 to vector<3584x32xf32>
    %max3A_36 = arith.maximumf %add3A_33, %max3A_35 : vector<3584x32xf32>
    %swap3A = arith.constant 0 : index
    %swap3A_37 = arith.constant 0 : index
    %swap3A_38 = vector.load %arg9[%swap3A, %swap3A_37] : memref<3584x32xf32, #tpu.memory_space<vmem>>, vector<3584x32xf32>
    tpu.vector_store %arg9[%swap3A, %swap3A_37], %max3A_36 {strides = array<i32>} : memref<3584x32xf32, #tpu.memory_space<vmem>>, vector<3584x32xf32>,
    %slice3A = vector.extract_strided_slice %max3A_36 {offsets = [0, 0], sizes = [3584, 16], strides = [1, 1]} : vector<3584x32xf32> to vector<3584x16xf32>
    %swap3A_39 = arith.constant 0 : index
    %swap3A_40 = arith.constant 0 : index
    %swap3A_41 = arith.constant 0 : index
    %swap3A_42 = vector.load %arg10[%swap3A_39, %swap3A_40, %swap3A_41] : memref<2x3584x16xf32, #tpu.memory_space<vmem>>, vector<1x3584x16xf32>
    %swap3A_43 = vector.shape_cast %swap3A_42 : vector<1x3584x16xf32> to vector<3584x16xf32>
    %swap3A_44 = vector.shape_cast %slice3A : vector<3584x16xf32> to vector<1x3584x16xf32>
    tpu.vector_store %arg10[%swap3A_39, %swap3A_40, %swap3A_41], %swap3A_44 {strides = array<i32>} : memref<2x3584x16xf32, #tpu.memory_space<vmem>>, vector<1x3584x16xf32>,
    %slice3A_45 = vector.extract_strided_slice %max3A_36 {offsets = [0, 16], sizes = [3584, 16], strides = [1, 1]} : vector<3584x32xf32> to vector<3584x16xf32>
    %swap3A_46 = arith.constant 1 : index
    %swap3A_47 = arith.constant 0 : index
    %swap3A_48 = arith.constant 0 : index
    %swap3A_49 = vector.load %arg10[%swap3A_46, %swap3A_47, %swap3A_48] : memref<2x3584x16xf32, #tpu.memory_space<vmem>>, vector<1x3584x16xf32>
    %swap3A_50 = vector.shape_cast %swap3A_49 : vector<1x3584x16xf32> to vector<3584x16xf32>
    %swap3A_51 = vector.shape_cast %slice3A_45 : vector<3584x16xf32> to vector<1x3584x16xf32>
    tpu.vector_store %arg10[%swap3A_46, %swap3A_47, %swap3A_48], %swap3A_51 {strides = array<i32>} : memref<2x3584x16xf32, #tpu.memory_space<vmem>>, vector<1x3584x16xf32>,
    return
  }
  func.func @transform_0(%arg0: i32) -> (i32, i32) {
    %c0_i32 = arith.constant 0 : i32
    %c0_i32_0 = arith.constant 0 : i32
    return %arg0, %c0_i32 : i32, i32
  }
  func.func @transform_1(%arg0: i32) -> (i32, i32) {
    %c0_i32 = arith.constant 0 : i32
    %c0_i32_0 = arith.constant 0 : i32
    return %arg0, %c0_i32 : i32, i32
  }
  func.func @transform_2(%arg0: i32) -> (i32, i32) {
    %c0_i32 = arith.constant 0 : i32
    %c0_i32_0 = arith.constant 0 : i32
    return %arg0, %c0_i32 : i32, i32
  }
  func.func @transform_3(%arg0: i32) -> (i32, i32) {
    %c0_i32 = arith.constant 0 : i32
    %c0_i32_0 = arith.constant 0 : i32
    return %arg0, %c0_i32 : i32, i32
  }
  func.func @transform_4(%arg0: i32) -> (i32, i32) {
    %c0_i32 = arith.constant 0 : i32
    %c0_i32_0 = arith.constant 0 : i32
    return %arg0, %c0_i32 : i32, i32
  }
  func.func @transform_5(%arg0: i32) -> (i32, i32) {
    %c0_i32 = arith.constant 0 : i32
    %c0_i32_0 = arith.constant 0 : i32
    %c0_i32_1 = arith.constant 0 : i32
    return %c0_i32, %c0_i32_0 : i32, i32
  }
  func.func @transform_6(%arg0: i32) -> (i32, i32) {
    %c0_i32 = arith.constant 0 : i32
    %c0_i32_0 = arith.constant 0 : i32
    %c0_i32_1 = arith.constant 0 : i32
    return %c0_i32, %c0_i32_0 : i32, i32
  }
  func.func @transform_7(%arg0: i32) -> (i32, i32) {
    %c0_i32 = arith.constant 0 : i32
    %c0_i32_0 = arith.constant 0 : i32
    %c0_i32_1 = arith.constant 0 : i32
    return %c0_i32, %c0_i32_0 : i32, i32
  }
  func.func @transform_8(%arg0: i32) -> (i32, i32) {
    %c0_i32 = arith.constant 0 : i32
    %c0_i32_0 = arith.constant 0 : i32
    return %arg0, %c0_i32 : i32, i32
  }
  func.func @transform_9(%arg0: i32) -> (i32, i32, i32) {
    %c0_i32 = arith.constant 0 : i32
    %c0_i32_0 = arith.constant 0 : i32
    %c0_i32_1 = arith.constant 0 : i32
    return %c0_i32, %arg0, %c0_i32_0 : i32, i32, i32
  }
}

module attributes {stable_mosaic.version = 14 : i64} {
  func.func @_tc_final_body(%arg0: i32, %arg1: memref<3584x16xf32, #tpu.memory_space<vmem>>, %arg2: memref<3584x16xf32, #tpu.memory_space<vmem>>, %arg3: memref<3584x32xf32, #tpu.memory_space<vmem>>, %arg4: memref<3584x8xf32, #tpu.memory_space<vmem>>, %arg5: memref<3584x8xf32, #tpu.memory_space<vmem>>, %arg6: memref<1x32xf32, #tpu.memory_space<vmem>>, %arg7: memref<32x32xf32, #tpu.memory_space<vmem>>, %arg8: memref<32x32xf32, #tpu.memory_space<vmem>>, %arg9: memref<32x32xf32, #tpu.memory_space<vmem>>, %arg10: memref<1x32xf32, #tpu.memory_space<vmem>>, %arg11: memref<32x1xf32, #tpu.memory_space<vmem>>, %arg12: memref<1x1xf32, #tpu.memory_space<vmem>>, %arg13: memref<3584x1xf32, #tpu.memory_space<vmem>>) attributes {dimension_semantics = [#tpu.dimension_semantics<arbitrary>], iteration_bounds = array<i64: 28>, scalar_prefetch = 0 : i64, scratch_operands = 0 : i64, tpu.core_type = #tpu.core_type<tc>, window_params = [{transform_indices = @transform_0, window_bounds = array<i64: 3584, 16>}, {transform_indices = @transform_1, window_bounds = array<i64: 3584, 16>}, {transform_indices = @transform_2, window_bounds = array<i64: 3584, 32>}, {transform_indices = @transform_3, window_bounds = array<i64: 3584, 8>}, {transform_indices = @transform_4, window_bounds = array<i64: 3584, 8>}, {pipeline_mode = #tpu.pipeline_mode<synchronous>, transform_indices = @transform_5, window_bounds = array<i64: 1, 32>}, {pipeline_mode = #tpu.pipeline_mode<synchronous>, transform_indices = @transform_6, window_bounds = array<i64: 32, 32>}, {pipeline_mode = #tpu.pipeline_mode<synchronous>, transform_indices = @transform_7, window_bounds = array<i64: 32, 32>}, {pipeline_mode = #tpu.pipeline_mode<synchronous>, transform_indices = @transform_8, window_bounds = array<i64: 32, 32>}, {pipeline_mode = #tpu.pipeline_mode<synchronous>, transform_indices = @transform_9, window_bounds = array<i64: 1, 32>}, {pipeline_mode = #tpu.pipeline_mode<synchronous>, transform_indices = @transform_10, window_bounds = array<i64: 32, 1>}, {pipeline_mode = #tpu.pipeline_mode<synchronous>, transform_indices = @transform_11, window_bounds = array<i64: 1, 1>}, {transform_indices = @transform_12, window_bounds = array<i64: 3584, 1>}]} {
    %get3A = arith.constant 0 : index
    %get3A_0 = arith.constant 0 : index
    %get3A_1 = vector.load %arg4[%get3A, %get3A_0] : memref<3584x8xf32, #tpu.memory_space<vmem>>, vector<3584x1xf32>
    %get3A_2 = arith.constant 0 : index
    %get3A_3 = arith.constant 0 : index
    %get3A_4 = vector.load %arg5[%get3A_2, %get3A_3] : memref<3584x8xf32, #tpu.memory_space<vmem>>, vector<3584x1xf32>
    %add3A = arith.addf %get3A_1, %get3A_4 : vector<3584x1xf32>
    %max3A = arith.constant 1.000000e+00 : f32
    %max3A_5 = vector.broadcast %max3A : f32 to vector<3584x1xf32>
    %max3A_6 = arith.maximumf %add3A, %max3A_5 : vector<3584x1xf32>
    %div3A = arith.constant 1.000000e+00 : f32
    %div3A_7 = vector.broadcast %div3A : f32 to vector<3584x1xf32>
    %div3A_8 = arith.divf %div3A_7, %max3A_6 : vector<3584x1xf32>
    %get3A_9 = arith.constant 0 : index
    %get3A_10 = arith.constant 0 : index
    %get3A_11 = vector.load %arg1[%get3A_9, %get3A_10] : memref<3584x16xf32, #tpu.memory_space<vmem>>, vector<3584x16xf32>
    %get3A_12 = arith.constant 0 : index
    %get3A_13 = arith.constant 0 : index
    %get3A_14 = vector.load %arg2[%get3A_12, %get3A_13] : memref<3584x16xf32, #tpu.memory_space<vmem>>, vector<3584x16xf32>
    %concatenate3A = tpu.concatenate %get3A_11, %get3A_14 in 1 : vector<3584x16xf32>, vector<3584x16xf32> -> vector<3584x32xf32>
    %mul3A = vector.broadcast %div3A_8 : vector<3584x1xf32> to vector<3584x32xf32>
    %mul3A_15 = arith.mulf %concatenate3A, %mul3A : vector<3584x32xf32>
    %get3A_16 = arith.constant 0 : index
    %get3A_17 = arith.constant 0 : index
    %get3A_18 = vector.load %arg8[%get3A_16, %get3A_17] : memref<32x32xf32, #tpu.memory_space<vmem>>, vector<32x32xf32>
    %dot_general3A = arith.constant dense<0.000000e+00> : vector<3584x32xf32>
    %dot_general3A_19 = tpu.matmul %mul3A_15, %get3A_18, %dot_general3A {dimension_numbers = #tpu.dot_dimension_numbers<[1], [0], [0], [1], [0, 0, 1, 1], [], []>, transpose_lhs_hint = false} : vector<3584x32xf32>, vector<32x32xf32>, vector<3584x32xf32> -> vector<3584x32xf32>
    %get3A_20 = arith.constant 0 : index
    %get3A_21 = arith.constant 0 : index
    %get3A_22 = vector.load %arg6[%get3A_20, %get3A_21] : memref<1x32xf32, #tpu.memory_space<vmem>>, vector<1x32xf32>
    %add3A_23 = vector.broadcast %get3A_22 : vector<1x32xf32> to vector<3584x32xf32>
    %add3A_24 = arith.addf %dot_general3A_19, %add3A_23 : vector<3584x32xf32>
    %get3A_25 = arith.constant 0 : index
    %get3A_26 = arith.constant 0 : index
    %get3A_27 = vector.load %arg3[%get3A_25, %get3A_26] : memref<3584x32xf32, #tpu.memory_space<vmem>>, vector<3584x32xf32>
    %get3A_28 = arith.constant 0 : index
    %get3A_29 = arith.constant 0 : index
    %get3A_30 = vector.load %arg7[%get3A_28, %get3A_29] : memref<32x32xf32, #tpu.memory_space<vmem>>, vector<32x32xf32>
    %dot_general3A_31 = arith.constant dense<0.000000e+00> : vector<3584x32xf32>
    %dot_general3A_32 = tpu.matmul %get3A_27, %get3A_30, %dot_general3A_31 {dimension_numbers = #tpu.dot_dimension_numbers<[1], [0], [0], [1], [0, 0, 1, 1], [], []>, transpose_lhs_hint = false} : vector<3584x32xf32>, vector<32x32xf32>, vector<3584x32xf32> -> vector<3584x32xf32>
    %add3A_33 = arith.addf %add3A_24, %dot_general3A_32 : vector<3584x32xf32>
    %get3A_34 = arith.constant 0 : index
    %get3A_35 = arith.constant 0 : index
    %get3A_36 = vector.load %arg9[%get3A_34, %get3A_35] : memref<32x32xf32, #tpu.memory_space<vmem>>, vector<32x32xf32>
    %dot_general3A_37 = arith.constant dense<0.000000e+00> : vector<3584x32xf32>
    %dot_general3A_38 = tpu.matmul %add3A_33, %get3A_36, %dot_general3A_37 {dimension_numbers = #tpu.dot_dimension_numbers<[1], [0], [0], [1], [0, 0, 1, 1], [], []>, transpose_lhs_hint = false} : vector<3584x32xf32>, vector<32x32xf32>, vector<3584x32xf32> -> vector<3584x32xf32>
    %get3A_39 = arith.constant 0 : index
    %get3A_40 = arith.constant 0 : index
    %get3A_41 = vector.load %arg10[%get3A_39, %get3A_40] : memref<1x32xf32, #tpu.memory_space<vmem>>, vector<1x32xf32>
    %add3A_42 = vector.broadcast %get3A_41 : vector<1x32xf32> to vector<3584x32xf32>
    %add3A_43 = arith.addf %dot_general3A_38, %add3A_42 : vector<3584x32xf32>
    %max3A_44 = arith.constant 0.000000e+00 : f32
    %max3A_45 = vector.broadcast %max3A_44 : f32 to vector<3584x32xf32>
    %max3A_46 = arith.maximumf %add3A_43, %max3A_45 : vector<3584x32xf32>
    %get3A_47 = arith.constant 0 : index
    %get3A_48 = arith.constant 0 : index
    %get3A_49 = vector.load %arg11[%get3A_47, %get3A_48] : memref<32x1xf32, #tpu.memory_space<vmem>>, vector<32x1xf32>
    %dot_general3A_50 = arith.constant dense<0.000000e+00> : vector<3584x1xf32>
    %dot_general3A_51 = tpu.matmul %max3A_46, %get3A_49, %dot_general3A_50 {dimension_numbers = #tpu.dot_dimension_numbers<[1], [0], [0], [1], [0, 0, 1, 1], [], []>, transpose_lhs_hint = false} : vector<3584x32xf32>, vector<32x1xf32>, vector<3584x1xf32> -> vector<3584x1xf32>
    %get3A_52 = arith.constant 0 : index
    %get3A_53 = arith.constant 0 : index
    %get3A_54 = vector.load %arg12[%get3A_52, %get3A_53] : memref<1x1xf32, #tpu.memory_space<vmem>>, vector<1x1xf32>
    %add3A_55 = vector.broadcast %get3A_54 : vector<1x1xf32> to vector<3584x1xf32>
    %add3A_56 = arith.addf %dot_general3A_51, %add3A_55 : vector<3584x1xf32>
    %swap3A = arith.constant 0 : index
    %swap3A_57 = arith.constant 0 : index
    %swap3A_58 = vector.load %arg13[%swap3A, %swap3A_57] : memref<3584x1xf32, #tpu.memory_space<vmem>>, vector<3584x1xf32>
    tpu.vector_store %arg13[%swap3A, %swap3A_57], %add3A_56 {strides = array<i32>} : memref<3584x1xf32, #tpu.memory_space<vmem>>, vector<3584x1xf32>,
    return
  }
  func.func @transform_0(%arg0: i32) -> (i32, i32) {
    %c0_i32 = arith.constant 0 : i32
    %c0_i32_0 = arith.constant 0 : i32
    return %arg0, %c0_i32 : i32, i32
  }
  func.func @transform_1(%arg0: i32) -> (i32, i32) {
    %c0_i32 = arith.constant 0 : i32
    %c0_i32_0 = arith.constant 0 : i32
    return %arg0, %c0_i32 : i32, i32
  }
  func.func @transform_2(%arg0: i32) -> (i32, i32) {
    %c0_i32 = arith.constant 0 : i32
    %c0_i32_0 = arith.constant 0 : i32
    return %arg0, %c0_i32 : i32, i32
  }
  func.func @transform_3(%arg0: i32) -> (i32, i32) {
    %c0_i32 = arith.constant 0 : i32
    %c0_i32_0 = arith.constant 0 : i32
    return %arg0, %c0_i32 : i32, i32
  }
  func.func @transform_4(%arg0: i32) -> (i32, i32) {
    %c0_i32 = arith.constant 0 : i32
    %c0_i32_0 = arith.constant 0 : i32
    return %arg0, %c0_i32 : i32, i32
  }
  func.func @transform_5(%arg0: i32) -> (i32, i32) {
    %c0_i32 = arith.constant 0 : i32
    %c0_i32_0 = arith.constant 0 : i32
    %c0_i32_1 = arith.constant 0 : i32
    return %c0_i32, %c0_i32_0 : i32, i32
  }
  func.func @transform_6(%arg0: i32) -> (i32, i32) {
    %c0_i32 = arith.constant 0 : i32
    %c0_i32_0 = arith.constant 0 : i32
    %c0_i32_1 = arith.constant 0 : i32
    return %c0_i32, %c0_i32_0 : i32, i32
  }
  func.func @transform_7(%arg0: i32) -> (i32, i32) {
    %c0_i32 = arith.constant 0 : i32
    %c0_i32_0 = arith.constant 0 : i32
    %c0_i32_1 = arith.constant 0 : i32
    return %c0_i32, %c0_i32_0 : i32, i32
  }
  func.func @transform_8(%arg0: i32) -> (i32, i32) {
    %c0_i32 = arith.constant 0 : i32
    %c0_i32_0 = arith.constant 0 : i32
    %c0_i32_1 = arith.constant 0 : i32
    return %c0_i32, %c0_i32_0 : i32, i32
  }
  func.func @transform_9(%arg0: i32) -> (i32, i32) {
    %c0_i32 = arith.constant 0 : i32
    %c0_i32_0 = arith.constant 0 : i32
    %c0_i32_1 = arith.constant 0 : i32
    return %c0_i32, %c0_i32_0 : i32, i32
  }
  func.func @transform_10(%arg0: i32) -> (i32, i32) {
    %c0_i32 = arith.constant 0 : i32
    %c0_i32_0 = arith.constant 0 : i32
    %c0_i32_1 = arith.constant 0 : i32
    return %c0_i32, %c0_i32_0 : i32, i32
  }
  func.func @transform_11(%arg0: i32) -> (i32, i32) {
    %c0_i32 = arith.constant 0 : i32
    %c0_i32_0 = arith.constant 0 : i32
    %c0_i32_1 = arith.constant 0 : i32
    return %c0_i32, %c0_i32_0 : i32, i32
  }
  func.func @transform_12(%arg0: i32) -> (i32, i32) {
    %c0_i32 = arith.constant 0 : i32
    %c0_i32_0 = arith.constant 0 : i32
    return %arg0, %c0_i32 : i32, i32
  }
}

</mosaic_0001>

<sc_bundles>
// kernel: kernel.14.cloned.1.call-start
scs
__scs_entry_jumppad:
0x0: {  	(pc) =	sbr.rel $0x88, $3  }
0x1: {  	(tag) =	ssettag $0x0;
	lr =	simm.s32 $0x1  }
0x2: {  	[smem:$0x3F8C] =	sst lr;
	_ =	strace $0xD0000000  }
0x3: {  	_ = 	snop  }
0x4: {  	_ = 	snop  }
0x5: {  	_ = 	snop  }
0x6: {  	_ = 	snop  }
0x7: {  	_ = 	snop  }
__scs_overlays_trampoline_lowered:
0x8: {  	[smem:$0x3F9B] =	sst s0  }
0x9: {  	[smem:$0x3F9C] =	sst s1  }
0xa: {  	[smem:$0x3F9D] =	sst s2  }
0xb: {  	[smem:$0x3F9E] =	sst s3  }
0xc: {  	[smem:$0x3F9F] =	sst s4  }
0xd: {  	[smem:$0x3FA0] =	sst s5  }
0xe: {  	[smem:$0x3FA1] =	sst s6  }
0xf: {  	[smem:$0x3FA2] =	sst s7  }
0x10: {  	[smem:$0x3FA3] =	sst s8  }
0x11: {  	[smem:$0x3FA4] =	sst s9;
	s0 =	simm.s32 @!p0 $0x0  }
0x12: {  	s1 =	sld [smem:$0x3F8A];
	s0 =	simm.s32 @p0 $0x1  }
0x13: {  	[smem:$0x3FA5] =	sst s0;
	s0 =	simm.s32 @!p1 $0x0  }
0x14: {  	s2 =	sld [smem:$0x3F89];
	s0 =	simm.s32 @p1 $0x1  }
0x15: {  	[smem:$0x3FA6] =	sst s0;
	s0 =	simm.s32 @!p2 $0x0  }
0x16: {  	s3 =	sld [smem:$0x3FDB];
	s0 =	simm.s32 @p2 $0x1  }
0x17: {  	s4 =	simm.s32 $0x1BF5;
	[smem:$0x3FA8] =	sst s0  }
0x18: {  	s0 =	sld [smem:$0x3F8B];
	_ =	swait.ge [sflag:s4], $0x0  }
0x19: {  	s7 =	sld [smem:$0x3F8C]  }
0x1a: {  	s8 =	sadd.s32 $0xFFFFE003, lr  }
0x1b: {  	s9 =	sadd.s32 $0xFFFFFEF7, lr;
	s5 =	simm.s32 $0xFFFFFFFF;
	p2 =	slt.u32 s8, $0xFFFFF086  }
0x1c: {  	p1 =	slt.u32 s9, $0xF7A;
	s5 =	simm.s32 @!p2 $0x0  }
0x1d: {  	s5 =	simm.s32 @p1 $0x1;
	p0 =	seq.s32 s7, s2  }
0x1e: {  	s7 =	smul.u32 @!p0 $0xF7A, s2;
	p2 =	seq.s32 @!p0 s5, $0x0  }
0x1f: {  	s9 =	smul.u32 $0xF7A, s1;
	s8 =	simm.s32 @!p0 $0x1BF5;
	p2 =	por !p2, p0  }
0x20: {  	[sflag:s8] =	ssyncset.s32 @!p0 $0xFFFFF086;
	s6 =	sadd.s32 @!p0 s3, s7;
	s7 =	simm.s32 @!p0 $0x108  }
0x21: {  	s3 =	sadd.s32 s3, s9;
	s6 =	sadd.s32 @!p0 $0x88, s6;
	s7 =	simm.s32 @p2 $0x1082  }
0x22: {  	[simem:s7], [sflag:s8] =	dma.local @!p0 [hbm:s6], $0xF7A  }
0x23: {  	s9 =	sor.u32 $0xD0000000, s2;
	s6 =	simm.s32 $0x108;
	_ =	swait.ge @!p0 [sflag:s8], $0x0  }
0x24: {  	s3 =	sadd.s32 $0x88, s3;
	s6 =	simm.s32 @!p1 $0x1082;
	[sflag:s4] =	ssyncset.s32 $0xFFFFF086  }
0x25: {  	[simem:s6], [sflag:s4] =	dma.local [hbm:s3], $0xF7A  }
0x26: {  	[smem:$0x3F8C] =	sst s1;
	(tag) =	ssettag s2;
	_ =	strace s9  }
0x27: {  	s1 =	sld [smem:$0x3F9C]  }
0x28: {  	s2 =	sld [smem:$0x3F9D]  }
0x29: {  	s4 =	sld [smem:$0x3F9F]  }
0x2a: {  	p0 =	seq.s32 s5, $0x0;
	s5 =	sld [smem:$0x3FA0]  }
0x2b: {  	s6 =	sld [smem:$0x3FA1]  }
0x2c: {  	s7 =	sld [smem:$0x3FA2]  }
0x2d: {  	s3 =	simm.s32 $0x108;
	s8 =	sld [smem:$0x3FA3]  }
0x2e: {  	s3 =	simm.s32 @!p0 $0x1082;
	s9 =	sld [smem:$0x3FA4]  }
0x2f: {  	lr =	sadd.s32 s0, s3;
	s0 =	sld [smem:$0x3F9B]  }
0x30: {  	s3 =	sld [smem:$0x3F9E]  }
0x31: {  	[smem:$0x3FA7] =	sst s10  }
0x32: {  	s10 =	sld [smem:$0x3FA5];
	_ =	sdelay $0x3  }
0x33: {  	p0 =	seq.s32 s10, $0x1;
	s10 =	sld [smem:$0x3FA7];
	_ =	sdelay $0x3  }
0x34: {  	[smem:$0x3FA7] =	sst s10  }
0x35: {  	s10 =	sld [smem:$0x3FA6];
	_ =	sdelay $0x3  }
0x36: {  	p1 =	seq.s32 s10, $0x1;
	s10 =	sld [smem:$0x3FA7];
	_ =	sdelay $0x3  }
0x37: {  	[smem:$0x3FA7] =	sst s10  }
0x38: {  	s10 =	sld [smem:$0x3FA8]  }
0x39: {  	_ = 	snop;
	(pc) =	sbr.ind lr, $3  }
0x3a: {  	_ = 	snop  }
0x3b: {  	_ = 	snop  }
0x3c: {  	p2 =	seq.s32 s10, $0x1;
	s10 =	sld [smem:$0x3FA7]  }
0x3d: {  	_ =	shalt  }
0x3e: {  	_ =	shalt  }
0x3f: {  	_ =	shalt  }
0x40: {  	_ =	shalt  }
0x41: {  	_ =	shalt  }
0x42: {  	_ =	shalt  }
0x43: {  	_ =	shalt  }
0x44: {  	_ =	shalt  }
0x45: {  	_ =	shalt  }
0x46: {  	_ =	shalt  }
0x47: {  	_ =	shalt  }
0x48: {  	_ =	shalt  }
0x49: {  	_ =	shalt  }
0x4a: {  	_ =	shalt  }
0x4b: {  	_ =	shalt  }
0x4c: {  	_ =	shalt  }
0x4d: {  	_ =	shalt  }
0x4e: {  	_ =	shalt  }
0x4f: {  	_ =	shalt  }
0x50: {  	_ =	shalt  }
0x51: {  	_ =	shalt  }
0x52: {  	_ =	shalt  }
0x53: {  	_ =	shalt  }
0x54: {  	_ =	shalt  }
0x55: {  	_ =	shalt  }
0x56: {  	_ =	shalt  }
0x57: {  	_ =	shalt  }
0x58: {  	_ =	shalt  }
0x59: {  	_ =	shalt  }
0x5a: {  	_ =	shalt  }
0x5b: {  	_ =	shalt  }
0x5c: {  	_ =	shalt  }
0x5d: {  	_ =	shalt  }
0x5e: {  	_ =	shalt  }
0x5f: {  	_ =	shalt  }
0x60: {  	_ =	shalt  }
0x61: {  	_ =	shalt  }
0x62: {  	_ =	shalt  }
0x63: {  	_ =	shalt  }
0x64: {  	_ =	shalt  }
0x65: {  	_ =	shalt  }
0x66: {  	_ =	shalt  }
0x67: {  	_ =	shalt  }
0x68: {  	_ =	shalt  }
0x69: {  	_ =	shalt  }
0x6a: {  	_ =	shalt  }
0x6b: {  	_ =	shalt  }
0x6c: {  	_ =	shalt  }
0x6d: {  	_ =	shalt  }
0x6e: {  	_ =	shalt  }
0x6f: {  	_ =	shalt  }
0x70: {  	_ =	shalt  }
0x71: {  	_ =	shalt  }
0x72: {  	_ =	shalt  }
0x73: {  	_ =	shalt  }
0x74: {  	_ =	shalt  }
0x75: {  	_ =	shalt  }
0x76: {  	_ =	shalt  }
0x77: {  	_ =	shalt  }
0x78: {  	_ =	shalt  }
0x79: {  	_ =	shalt  }
0x7a: {  	_ =	shalt  }
0x7b: {  	_ =	shalt  }
0x7c: {  	_ =	shalt  }
0x7d: {  	_ =	shalt  }
0x7e: {  	_ =	shalt  }
0x7f: {  	_ =	shalt  }
0x80: {  	_ =	shalt  }
0x81: {  	_ =	shalt  }
0x82: {  	_ =	shalt  }
0x83: {  	_ =	shalt  }
0x84: {  	_ =	shalt  }
0x85: {  	_ =	shalt  }
0x86: {  	_ =	shalt  }
0x87: {  	_ =	shalt  }
.Lfunc_end0:
.L_simem_size_0:
called_computation_lowered:
.L_overlay_start_0:
0x88: {  	s2 =	sld [smem:$0x3FD9]  }
0x89: {  	s3 =	sld [smem:$0x3FFE];
	_ =	sdelay $0x1  }
0x8a: {  	s1 =	srdreg.scid  }
0x8b: {  	s0 =	sand.u32 $0x1, s1  }
0x8c: {  	s17 =	sshll.u32 s0, $0xA;
	s2 =	sadd.s32 s3, s2  }
0x8d: {  	s2 =	sadd.s32 s2, s17  }
0x8e: {  	[smem:$0x3FB3] =	sst s2  }
0x8f: {  	_ = 	snop  }
0x90: {  	s18 =	sld [smem:$0x3FD0];
	(tm) =	ssettm $0x1  }
0x91: {  	s19 =	sld [smem:$0x3FFB];
	_ =	sdelay $0x3  }
0x92: {  	_ =	strace s19  }
0x93: {  	s2 =	sld [smem:$0x3FFC];
	_ =	sdelay $0x3  }
0x94: {  	_ =	strace s2  }
0x95: {  	s2 =	sld [smem:$0x3FFD];
	_ =	sdelay $0x3  }
0x96: {  	_ =	strace s2  }
0x97: {  	_ =	strace $0x8FFFFFFF  }
0x98: {  	s20 =	sld [smem:$0x3FDB];
	_ =	sdelay $0x1  }
0x99: {  	s4 =	simm.s32 $_scs_section_size  }
0x9a: {  	s5 =	simm.s32 $_size__tile_overlayer_lowered;
	s6 =	simm.s32 $_tile_overlayer_lowered  }
0x9b: {  	s7 =	simm.s32 $0x1BFF;
	s21 =	sshll.u32 s6, $0x1;
	s4 =	sadd.s32 s4, s20  }
0x9c: {  	s22 =	simm.s32 $0x0;
	s5 =	sshll.u32 s5, $0x1;
	s6 =	sadd.s32 s21, s4  }
0x9d: {  	[timem:s22], [sflag:s7] =	dma.local [hbm:s6], s5  }
0x9e: {  	_ =	swait.ge [sflag:s7], s5  }
0x9f: {  	s5 =	ssub.s32 $0x0, s5;
	[sflag:s7] =	ssyncset.done $0x0  }
0xa0: {  	[sflag:s7] =	ssyncadd.s32 s5;
	_ =	sdelay $0x1  }
0xa1: {  	s23 =	simm.s32 $0x1B8B  }
0xa2: {  	_ =	swait.ge [sflag:s23], $0x1  }
0xa3: {  	[sflag:s23] =	ssyncset.done $0x0  }
0xa4: {  	[sflag:s23] =	ssyncadd.s32 $0xFFFFFFFF  }
0xa5: {  	s5 =	sld [smem:$0x0]  }
0xa6: {  	s6 =	sand.u32 $0xFFFFFFFE, s1  }
0xa7: {  	p0 =	sne.s32 s1, s6  }
0xa8: {  	s6 =	sshll.u32 @p0 s6, $0xE  }
0xa9: {  	s6 =	sadd.s32 @p0 $0x11B8D, s6;
	s7 =	sshll.u32 @p0 s5, $0x11  }
0xaa: {  	s6 =	sor.u32 @p0 s7, s6  }
0xab: {  	[sflag:s6] =	ssyncadd.remote.s32 @p0 $0x1;
	_ =	sdelay $0x1  }
0xac: {  	s6 =	simm.s32 @p0 $0x1B8D  }
0xad: {  	_ =	swait.eq @p0 [sflag:s6], $0x1  }
0xae: {  	[sflag:s6] =	ssyncadd.s32 @p0 $0xFFFFFFFF  }
0xaf: {  	s7 =	sshll.u32 @!p0 s1, $0xE  }
0xb0: {  	s7 =	sor.u32 @!p0 $0x4000, s7;
	s6 =	simm.s32 @!p0 $0x1B8D  }
0xb1: {  	s5 =	sshll.u32 @!p0 s5, $0x11;
	s7 =	sadd.s32 @!p0 $0x11B8D, s7;
	_ =	swait.eq @!p0 [sflag:s6], $0x1  }
0xb2: {  	s5 =	sor.u32 @!p0 s5, s7;
	[sflag:s6] =	ssyncadd.s32 @!p0 $0xFFFFFFFF  }
0xb3: {  	s25 =	simm.s32 $0x1B8E;
	s24 =	sld [smem:$0x3FFE];
	[sflag:s5] =	ssyncadd.remote.s32 @!p0 $0x1  }
0xb4: {  	s26 =	simm.s32 $execute0_lowered;
	[smem:$0x3FD2] =	sst s25  }
0xb5: {  	s6 =	sshll.u32 s26, $0x1;
	_ =	strace $0x80000049;
	[dreg:$0x1] =	wrdreg $0xFFFFFFFF  }
0xb6: {  	s28 =	simm.s32 $_size_execute0_lowered;
	s4 =	sadd.s32 s4, s6;
	[dreg:$0x0] =	wrdreg $0x0  }
0xb7: {  	s6 =	sshll.u32 s28, $0x1;
	[dreg:$0x2] =	wrdreg s4  }
0xb8: {  	[dreg:$0x3] =	wrdreg s6  }
0xb9: {  	[dreg:$0x4] =	wrdreg $0xC0  }
0xba: {  	_ =	task [dreg:s22], $0x5FFFF  }
0xbb: {  	[dreg:$0x1] =	wrdreg $0xFFFFFFFF  }
0xbc: {  	[dreg:$0x0] =	wrdreg $0x60  }
0xbd: {  	[dreg:$0x2] =	wrdreg s24  }
0xbe: {  	[dreg:$0x3] =	wrdreg s18  }
0xbf: {  	[dreg:$0x4] =	wrdreg $0xC000  }
0xc0: {  	[dreg:$0x5] =	wrdreg $0x9  }
0xc1: {  	_ =	task.clear_ibuf [dreg:s22], $0x6FFFF;
	_ =	strace $0x90000049  }
0xc2: {  	s29 =	simm.s32 $0x9;
	_ =	strace $0x8000004B  }
0xc3: {  	_ =	swait.ge [sflag:s29], $0x1  }
0xc4: {  	[sflag:s29] =	ssyncadd.s32 $0xFFFFFFFF  }
0xc5: {  	_ =	strace $0x9000004B  }
0xc6: {  	_ =	sfence  }
0xc7: {  	s30 =	sld [smem:$0x0];
	_ =	sdelay $0x2  }
0xc8: {  	s31 =	sshll.u32 s1, $0xD;
	s1 =	sshrl.u32 s1, $0x2  }
0xc9: {  	s4 =	sand.u32 $0x4000, s31;
	s1 =	sadd.s32 s1, s30  }
0xca: {  	s0 =	sor.u32 s4, s0;
	s1 =	sshll.u32 s1, $0x11  }
0xcb: {  	s0 =	sor.u32 s1, s0  }
0xcc: {  	s0 =	sadd.s32 $0x8F2B, s0  }
0xcd: {  	[sflag:s0] =	ssyncadd.remote.s32 $0x1  }
0xce: {  	_ =	sfence.sel $0xFFFF  }
0xcf: {  	[dreg:$0x0] =	wrdreg $0xFFFFFFFF;
	(pc) =	sbr.abs _section_cstart, $3  }
0xd0: {  	[dreg:$0x1] =	wrdreg $0xFFFFFFFF  }
0xd1: {  	_ =	task.clear_ibuf [dreg:s22], $0x2FFFF;
	_ =	strace $0x9FFFFFFF  }
0xd2: {  	(tm) =	ssettm $0x7FFFFFFF  }
0xd3: {  	_ =	shalt  }
tec
execute0_lowered:
.L_overlay_start_1:
0x0: {  	(tag) =	ssettag $0x1  }
0x1: {  	s0 =	rddreg [dreg:$0x0]  }
0x2: {  	s1 =	rddreg [dreg:$0x1]  }
0x3: {  	s2 =	rddreg [dreg:$0x2]  }
0x4: {  	s3 =	srdreg.scid;
	s4 =	simm.s32 $0x0;
	s24 =	stileid.u32  }
0x5: {  	s13 =	simm.s32 $0x80;
	s14 =	simm.s32 $0x100;
	s15 =	simm.s32 $0x180  }
0x6: {  	s16 =	simm.s32 $0x200;
	s17 =	simm.s32 $0x280;
	s18 =	simm.s32 $0x300  }
0x7: {  	s19 =	simm.s32 $0x380;
	s20 =	simm.s32 $0x400;
	s21 =	simm.s32 $0x480  }
0x8: {  	s22 =	simm.s32 $0x500;
	s23 =	simm.s32 $0x580;
	s7 =	smul.u32 $0x1880, s24  }
0x9: {  	s28 =	simm.s32 $0x780;
	s29 =	simm.s32 $0x0;
	s8 =	smul.u32 $0x31000, s24  }
0xa: {  	s6 =	sand.u32 $0x1, s3;
	[smem:$0x7FF] =	sst s4;
	s11 =	smul.u32 $0x6200, s24  }
0xb: {  	s31 =	sshll.u32 s24, $0x6;
	s24 =	simm.s32 $0x600;
	s5 =	smul.u32 $0x62000, s6  }
0xc: {  	_ =	strace $0x8000004A;
	s10 =	ssub.s32 $0x2, s6;
	s6 =	smul.u32 $0x18800, s6  }
0xd: {  	s12 =	sshrl.u32 s10, $0x1;
	s8 =	sshrl.u32 s8, $0x2;
	s9 =	sadd.s32 s5, s0  }
0xe: {  	s5 =	sadd.s32 $0xCCC00, s0;
	s0 =	sadd.s32 s7, s0;
	s25 =	ssub.s32 s10, s12  }
0xf: {  	s26 =	sadd.s32 s8, s2;
	s10 =	simm.s32 $0x1;
	s0 =	sadd.s32 s6, s0  }
0x10: {  	s30 =	sadd.s32 s11, s9;
	s7 =	smax.u32 s25, $0x1;
	s9 =	simm.s32 $0x800  }
0x11: {  	s11 =	sor.u32 $0x1C01, s31;
	s12 =	sshrl.u32 s26, $0x3;
	s25 =	simm.s32 $0x680  }
0x12: {  	s26 =	simm.s32 $0x700;
	s6 =	sadd.s32 $0xCCE00, s0;
	s8 =	sadd.s32 $0x18C600, s30  }
.LBB2_1:
0x13: {  	[tilespmem:s9], [sflag:$0x1] =	stream.linear.gather [hbm4b:s5+s4], $0x400, $0x38;
	[tilespmem:$0xD000] =	vst v63  }
0x14: {  	_ =	swait.ge [sflag:s10], $0x400  }
0x15: {  	[sflag:s10] =	ssyncset.done $0x0  }
0x16: {  	[sflag:s10] =	ssyncadd.s32 $0xFFFFFC00  }
0x17: {  	[spmem:s12], [sflag:s11] =	dma.local [hbm:s1], $0x1880  }
0x18: {  	_ =	swait.ge [sflag:s10], $0x1880  }
0x19: {  	[sflag:s10] =	ssyncset.done $0x0  }
0x1a: {  	[sflag:s10] =	ssyncadd.s32 $0xFFFFE780  }
0x1b: {  	s0 =	sadd.s32 $0x0, s8;
	[bflag:$0x0] =	sbarrier.arrive $0xFFFF  }
0x1c: {  	[tilespmem:s4], [sflag:$0x1] =	stream.linear.gather [hbm4b:s0+s4], $0x800, $0x38;
	[tilespmem:$0xD000] =	vst v63  }
0x1d: {  	_ =	swait.ge [sflag:s10], $0x800  }
0x1e: {  	[sflag:s10] =	ssyncset.done $0x0  }
0x1f: {  	[sflag:s10] =	ssyncadd.s32 $0xFFFFF800  }
0x20: {  	[spmem:s2] =	stream.indirect.scatter.add.f32 [tilespmem:s9], [sflag:$0x1], $0x8, s4, s13, $0xb8;
	[tilespmem:$0xD000] =	vst v63  }
0x21: {  	_ =	swait.ge [sflag:s10], $0x400  }
0x22: {  	[sflag:s10] =	ssyncset.done $0x0  }
0x23: {  	[sflag:s10] =	ssyncadd.s32 $0xFFFFFC00  }
0x24: {  	[spmem:s2] =	stream.indirect.scatter.add.f32 [tilespmem:s9], [sflag:$0x1], $0x8, s13, s13, $0xb8;
	[tilespmem:$0xD000] =	vst v63  }
0x25: {  	_ =	swait.ge [sflag:s10], $0x400  }
0x26: {  	[sflag:s10] =	ssyncset.done $0x0  }
0x27: {  	[sflag:s10] =	ssyncadd.s32 $0xFFFFFC00  }
0x28: {  	[spmem:s2] =	stream.indirect.scatter.add.f32 [tilespmem:s9], [sflag:$0x1], $0x8, s14, s13, $0xb8;
	[tilespmem:$0xD000] =	vst v63  }
0x29: {  	_ =	swait.ge [sflag:s10], $0x400  }
0x2a: {  	[sflag:s10] =	ssyncset.done $0x0  }
0x2b: {  	[sflag:s10] =	ssyncadd.s32 $0xFFFFFC00  }
0x2c: {  	[spmem:s2] =	stream.indirect.scatter.add.f32 [tilespmem:s9], [sflag:$0x1], $0x8, s15, s13, $0xb8;
	[tilespmem:$0xD000] =	vst v63  }
0x2d: {  	_ =	swait.ge [sflag:s10], $0x400  }
0x2e: {  	[sflag:s10] =	ssyncset.done $0x0  }
0x2f: {  	[sflag:s10] =	ssyncadd.s32 $0xFFFFFC00  }
0x30: {  	[spmem:s2] =	stream.indirect.scatter.add.f32 [tilespmem:s9], [sflag:$0x1], $0x8, s16, s13, $0xb8;
	[tilespmem:$0xD000] =	vst v63  }
0x31: {  	_ =	swait.ge [sflag:s10], $0x400  }
0x32: {  	[sflag:s10] =	ssyncset.done $0x0  }
0x33: {  	[sflag:s10] =	ssyncadd.s32 $0xFFFFFC00  }
0x34: {  	[spmem:s2] =	stream.indirect.scatter.add.f32 [tilespmem:s9], [sflag:$0x1], $0x8, s17, s13, $0xb8;
	[tilespmem:$0xD000] =	vst v63  }
0x35: {  	_ =	swait.ge [sflag:s10], $0x400  }
0x36: {  	[sflag:s10] =	ssyncset.done $0x0  }
0x37: {  	[sflag:s10] =	ssyncadd.s32 $0xFFFFFC00  }
0x38: {  	[spmem:s2] =	stream.indirect.scatter.add.f32 [tilespmem:s9], [sflag:$0x1], $0x8, s18, s13, $0xb8;
	[tilespmem:$0xD000] =	vst v63  }
0x39: {  	_ =	swait.ge [sflag:s10], $0x400  }
0x3a: {  	[sflag:s10] =	ssyncset.done $0x0  }
0x3b: {  	[sflag:s10] =	ssyncadd.s32 $0xFFFFFC00  }
0x3c: {  	[spmem:s2] =	stream.indirect.scatter.add.f32 [tilespmem:s9], [sflag:$0x1], $0x8, s19, s13, $0xb8;
	[tilespmem:$0xD000] =	vst v63  }
0x3d: {  	_ =	swait.ge [sflag:s10], $0x400  }
0x3e: {  	[sflag:s10] =	ssyncset.done $0x0  }
0x3f: {  	[sflag:s10] =	ssyncadd.s32 $0xFFFFFC00  }
0x40: {  	[spmem:s2] =	stream.indirect.scatter.add.f32 [tilespmem:s9], [sflag:$0x1], $0x8, s20, s13, $0xb8;
	[tilespmem:$0xD000] =	vst v63  }
0x41: {  	_ =	swait.ge [sflag:s10], $0x400  }
0x42: {  	[sflag:s10] =	ssyncset.done $0x0  }
0x43: {  	[sflag:s10] =	ssyncadd.s32 $0xFFFFFC00  }
0x44: {  	[spmem:s2] =	stream.indirect.scatter.add.f32 [tilespmem:s9], [sflag:$0x1], $0x8, s21, s13, $0xb8;
	[tilespmem:$0xD000] =	vst v63  }
0x45: {  	_ =	swait.ge [sflag:s10], $0x400  }
0x46: {  	[sflag:s10] =	ssyncset.done $0x0  }
0x47: {  	[sflag:s10] =	ssyncadd.s32 $0xFFFFFC00  }
0x48: {  	[spmem:s2] =	stream.indirect.scatter.add.f32 [tilespmem:s9], [sflag:$0x1], $0x8, s22, s13, $0xb8;
	[tilespmem:$0xD000] =	vst v63  }
0x49: {  	_ =	swait.ge [sflag:s10], $0x400  }
0x4a: {  	[sflag:s10] =	ssyncset.done $0x0  }
0x4b: {  	[sflag:s10] =	ssyncadd.s32 $0xFFFFFC00  }
0x4c: {  	[spmem:s2] =	stream.indirect.scatter.add.f32 [tilespmem:s9], [sflag:$0x1], $0x8, s23, s13, $0xb8;
	[tilespmem:$0xD000] =	vst v63  }
0x4d: {  	_ =	swait.ge [sflag:s10], $0x400  }
0x4e: {  	[sflag:s10] =	ssyncset.done $0x0  }
0x4f: {  	[sflag:s10] =	ssyncadd.s32 $0xFFFFFC00  }
0x50: {  	[spmem:s2] =	stream.indirect.scatter.add.f32 [tilespmem:s9], [sflag:$0x1], $0x8, s24, s13, $0xb8;
	[tilespmem:$0xD000] =	vst v63  }
0x51: {  	_ =	swait.ge [sflag:s10], $0x400  }
0x52: {  	[sflag:s10] =	ssyncset.done $0x0  }
0x53: {  	[sflag:s10] =	ssyncadd.s32 $0xFFFFFC00  }
0x54: {  	[spmem:s2] =	stream.indirect.scatter.add.f32 [tilespmem:s9], [sflag:$0x1], $0x8, s25, s13, $0xb8;
	[tilespmem:$0xD000] =	vst v63  }
0x55: {  	_ =	swait.ge [sflag:s10], $0x400  }
0x56: {  	[sflag:s10] =	ssyncset.done $0x0  }
0x57: {  	[sflag:s10] =	ssyncadd.s32 $0xFFFFFC00  }
0x58: {  	[spmem:s2] =	stream.indirect.scatter.add.f32 [tilespmem:s9], [sflag:$0x1], $0x8, s26, s13, $0xb8;
	[tilespmem:$0xD000] =	vst v63  }
0x59: {  	_ =	swait.ge [sflag:s10], $0x400  }
0x5a: {  	[sflag:s10] =	ssyncset.done $0x0  }
0x5b: {  	[sflag:s10] =	ssyncadd.s32 $0xFFFFFC00  }
0x5c: {  	[spmem:s2] =	stream.indirect.scatter.add.f32 [tilespmem:s9], [sflag:$0x1], $0x8, s28, s13, $0xb8;
	[tilespmem:$0xD000] =	vst v63  }
0x5d: {  	_ =	swait.ge [sflag:s10], $0x400  }
0x5e: {  	s30 =	simm.s32 $0x100;
	s31 =	simm.s32 $0x200;
	[sflag:s10] =	ssyncset.done $0x0  }
.LBB2_2:
0x5f: {  	s3 =	sadd.s32 s30, s8  }
0x60: {  	[sflag:s10] =	ssyncadd.s32 $0xFFFFFC00;
	s30 =	smov.u32 s31;
	s0 =	sadd.s32 $0x100, s31  }
0x61: {  	[tilespmem:s4], [sflag:$0x1] =	stream.linear.gather [hbm4b:s3+s4], $0x800, $0x38;
	[tilespmem:$0xD000] =	vst v63  }
0x62: {  	p0 =	sne.s32 s31, $0x6100;
	_ =	swait.ge [sflag:s10], $0x800  }
0x63: {  	[sflag:s10] =	ssyncset.done $0x0  }
0x64: {  	[sflag:s10] =	ssyncadd.s32 $0xFFFFF800  }
0x65: {  	[spmem:s2] =	stream.indirect.scatter.add.f32 [tilespmem:s9], [sflag:$0x1], $0x8, s4, s13, $0xb8;
	[tilespmem:$0xD000] =	vst v63  }
0x66: {  	_ =	swait.ge [sflag:s10], $0x400  }
0x67: {  	[sflag:s10] =	ssyncset.done $0x0  }
0x68: {  	[sflag:s10] =	ssyncadd.s32 $0xFFFFFC00  }
0x69: {  	[spmem:s2] =	stream.indirect.scatter.add.f32 [tilespmem:s9], [sflag:$0x1], $0x8, s13, s13, $0xb8;
	[tilespmem:$0xD000] =	vst v63  }
0x6a: {  	_ =	swait.ge [sflag:s10], $0x400  }
0x6b: {  	[sflag:s10] =	ssyncset.done $0x0  }
0x6c: {  	[sflag:s10] =	ssyncadd.s32 $0xFFFFFC00  }
0x6d: {  	[spmem:s2] =	stream.indirect.scatter.add.f32 [tilespmem:s9], [sflag:$0x1], $0x8, s14, s13, $0xb8;
	[tilespmem:$0xD000] =	vst v63  }
0x6e: {  	_ =	swait.ge [sflag:s10], $0x400  }
0x6f: {  	[sflag:s10] =	ssyncset.done $0x0  }
0x70: {  	[sflag:s10] =	ssyncadd.s32 $0xFFFFFC00  }
0x71: {  	[spmem:s2] =	stream.indirect.scatter.add.f32 [tilespmem:s9], [sflag:$0x1], $0x8, s15, s13, $0xb8;
	[tilespmem:$0xD000] =	vst v63  }
0x72: {  	_ =	swait.ge [sflag:s10], $0x400  }
0x73: {  	[sflag:s10] =	ssyncset.done $0x0  }
0x74: {  	[sflag:s10] =	ssyncadd.s32 $0xFFFFFC00  }
0x75: {  	[spmem:s2] =	stream.indirect.scatter.add.f32 [tilespmem:s9], [sflag:$0x1], $0x8, s16, s13, $0xb8;
	[tilespmem:$0xD000] =	vst v63  }
0x76: {  	_ =	swait.ge [sflag:s10], $0x400  }
0x77: {  	[sflag:s10] =	ssyncset.done $0x0  }
0x78: {  	[sflag:s10] =	ssyncadd.s32 $0xFFFFFC00  }
0x79: {  	[spmem:s2] =	stream.indirect.scatter.add.f32 [tilespmem:s9], [sflag:$0x1], $0x8, s17, s13, $0xb8;
	[tilespmem:$0xD000] =	vst v63  }
0x7a: {  	_ =	swait.ge [sflag:s10], $0x400  }
0x7b: {  	[sflag:s10] =	ssyncset.done $0x0  }
0x7c: {  	[sflag:s10] =	ssyncadd.s32 $0xFFFFFC00  }
0x7d: {  	[spmem:s2] =	stream.indirect.scatter.add.f32 [tilespmem:s9], [sflag:$0x1], $0x8, s18, s13, $0xb8;
	[tilespmem:$0xD000] =	vst v63  }
0x7e: {  	_ =	swait.ge [sflag:s10], $0x400  }
0x7f: {  	[sflag:s10] =	ssyncset.done $0x0  }
0x80: {  	[sflag:s10] =	ssyncadd.s32 $0xFFFFFC00  }
0x81: {  	[spmem:s2] =	stream.indirect.scatter.add.f32 [tilespmem:s9], [sflag:$0x1], $0x8, s19, s13, $0xb8;
	[tilespmem:$0xD000] =	vst v63  }
0x82: {  	_ =	swait.ge [sflag:s10], $0x400  }
0x83: {  	[sflag:s10] =	ssyncset.done $0x0  }
0x84: {  	[sflag:s10] =	ssyncadd.s32 $0xFFFFFC00  }
0x85: {  	[spmem:s2] =	stream.indirect.scatter.add.f32 [tilespmem:s9], [sflag:$0x1], $0x8, s20, s13, $0xb8;
	[tilespmem:$0xD000] =	vst v63  }
0x86: {  	_ =	swait.ge [sflag:s10], $0x400  }
0x87: {  	[sflag:s10] =	ssyncset.done $0x0  }
0x88: {  	[sflag:s10] =	ssyncadd.s32 $0xFFFFFC00  }
0x89: {  	[spmem:s2] =	stream.indirect.scatter.add.f32 [tilespmem:s9], [sflag:$0x1], $0x8, s21, s13, $0xb8;
	[tilespmem:$0xD000] =	vst v63  }
0x8a: {  	_ =	swait.ge [sflag:s10], $0x400  }
0x8b: {  	[sflag:s10] =	ssyncset.done $0x0  }
0x8c: {  	[sflag:s10] =	ssyncadd.s32 $0xFFFFFC00  }
0x8d: {  	[spmem:s2] =	stream.indirect.scatter.add.f32 [tilespmem:s9], [sflag:$0x1], $0x8, s22, s13, $0xb8;
	[tilespmem:$0xD000] =	vst v63  }
0x8e: {  	_ =	swait.ge [sflag:s10], $0x400  }
0x8f: {  	[sflag:s10] =	ssyncset.done $0x0  }
0x90: {  	[sflag:s10] =	ssyncadd.s32 $0xFFFFFC00  }
0x91: {  	[spmem:s2] =	stream.indirect.scatter.add.f32 [tilespmem:s9], [sflag:$0x1], $0x8, s23, s13, $0xb8;
	[tilespmem:$0xD000] =	vst v63  }
0x92: {  	_ =	swait.ge [sflag:s10], $0x400  }
0x93: {  	[sflag:s10] =	ssyncset.done $0x0  }
0x94: {  	[sflag:s10] =	ssyncadd.s32 $0xFFFFFC00  }
0x95: {  	[spmem:s2] =	stream.indirect.scatter.add.f32 [tilespmem:s9], [sflag:$0x1], $0x8, s24, s13, $0xb8;
	[tilespmem:$0xD000] =	vst v63  }
0x96: {  	_ =	swait.ge [sflag:s10], $0x400  }
0x97: {  	[sflag:s10] =	ssyncset.done $0x0  }
0x98: {  	[sflag:s10] =	ssyncadd.s32 $0xFFFFFC00  }
0x99: {  	[spmem:s2] =	stream.indirect.scatter.add.f32 [tilespmem:s9], [sflag:$0x1], $0x8, s25, s13, $0xb8;
	[tilespmem:$0xD000] =	vst v63  }
0x9a: {  	_ =	swait.ge [sflag:s10], $0x400  }
0x9b: {  	[sflag:s10] =	ssyncset.done $0x0  }
0x9c: {  	[sflag:s10] =	ssyncadd.s32 $0xFFFFFC00  }
0x9d: {  	[spmem:s2] =	stream.indirect.scatter.add.f32 [tilespmem:s9], [sflag:$0x1], $0x8, s26, s13, $0xb8;
	[tilespmem:$0xD000] =	vst v63  }
0x9e: {  	_ =	swait.ge [sflag:s10], $0x400  }
.Ltmp0:
0x9f: {  	[sflag:s10] =	ssyncset.done $0x0;
	(pc) =	sbr.rel @p0 .LBB2_2-.Ltmp0, $4  }
0xa0: {  	[sflag:s10] =	ssyncadd.s32 $0xFFFFFC00  }
0xa1: {  	[spmem:s2] =	stream.indirect.scatter.add.f32 [tilespmem:s9], [sflag:$0x1], $0x8, s28, s13, $0xb8;
	[tilespmem:$0xD000] =	vst v63  }
0xa2: {  	_ =	swait.ge [sflag:s10], $0x400  }
0xa3: {  	s31 =	smov.u32 s0;
	[sflag:s10] =	ssyncset.done $0x0  }
0xa4: {  	s0 =	sadd.s32 s30, s8;
	[sflag:s10] =	ssyncadd.s32 $0xFFFFFC00  }
0xa5: {  	[tilespmem:s4], [sflag:$0x1] =	stream.linear.gather [hbm4b:s0+s4], $0x800, $0x38;
	[tilespmem:$0xD000] =	vst v63  }
0xa6: {  	_ =	swait.ge [sflag:s10], $0x800  }
0xa7: {  	[sflag:s10] =	ssyncset.done $0x0  }
0xa8: {  	[sflag:s10] =	ssyncadd.s32 $0xFFFFF800  }
0xa9: {  	[spmem:s2] =	stream.indirect.scatter.add.f32 [tilespmem:s9], [sflag:$0x1], $0x8, s4, s13, $0xb8;
	[tilespmem:$0xD000] =	vst v63  }
0xaa: {  	_ =	swait.ge [sflag:s10], $0x400  }
0xab: {  	[sflag:s10] =	ssyncset.done $0x0  }
0xac: {  	[sflag:s10] =	ssyncadd.s32 $0xFFFFFC00  }
0xad: {  	[spmem:s2] =	stream.indirect.scatter.add.f32 [tilespmem:s9], [sflag:$0x1], $0x8, s13, s13, $0xb8;
	[tilespmem:$0xD000] =	vst v63  }
0xae: {  	_ =	swait.ge [sflag:s10], $0x400  }
0xaf: {  	[sflag:s10] =	ssyncset.done $0x0  }
0xb0: {  	[sflag:s10] =	ssyncadd.s32 $0xFFFFFC00  }
0xb1: {  	[spmem:s2] =	stream.indirect.scatter.add.f32 [tilespmem:s9], [sflag:$0x1], $0x8, s14, s13, $0xb8;
	[tilespmem:$0xD000] =	vst v63  }
0xb2: {  	_ =	swait.ge [sflag:s10], $0x400  }
0xb3: {  	[sflag:s10] =	ssyncset.done $0x0  }
0xb4: {  	[sflag:s10] =	ssyncadd.s32 $0xFFFFFC00  }
0xb5: {  	[spmem:s2] =	stream.indirect.scatter.add.f32 [tilespmem:s9], [sflag:$0x1], $0x8, s15, s13, $0xb8;
	[tilespmem:$0xD000] =	vst v63  }
0xb6: {  	_ =	swait.ge [sflag:s10], $0x400  }
0xb7: {  	[sflag:s10] =	ssyncset.done $0x0  }
0xb8: {  	[sflag:s10] =	ssyncadd.s32 $0xFFFFFC00  }
0xb9: {  	[spmem:s2] =	stream.indirect.scatter.add.f32 [tilespmem:s9], [sflag:$0x1], $0x8, s16, s13, $0xb8;
	[tilespmem:$0xD000] =	vst v63  }
0xba: {  	_ =	swait.ge [sflag:s10], $0x400  }
0xbb: {  	[sflag:s10] =	ssyncset.done $0x0  }
0xbc: {  	[sflag:s10] =	ssyncadd.s32 $0xFFFFFC00  }
0xbd: {  	[spmem:s2] =	stream.indirect.scatter.add.f32 [tilespmem:s9], [sflag:$0x1], $0x8, s17, s13, $0xb8;
	[tilespmem:$0xD000] =	vst v63  }
0xbe: {  	_ =	swait.ge [sflag:s10], $0x400  }
0xbf: {  	[sflag:s10] =	ssyncset.done $0x0  }
0xc0: {  	[sflag:s10] =	ssyncadd.s32 $0xFFFFFC00  }
0xc1: {  	[spmem:s2] =	stream.indirect.scatter.add.f32 [tilespmem:s9], [sflag:$0x1], $0x8, s18, s13, $0xb8;
	[tilespmem:$0xD000] =	vst v63  }
0xc2: {  	_ =	swait.ge [sflag:s10], $0x400  }
0xc3: {  	[sflag:s10] =	ssyncset.done $0x0  }
0xc4: {  	[sflag:s10] =	ssyncadd.s32 $0xFFFFFC00  }
0xc5: {  	[spmem:s2] =	stream.indirect.scatter.add.f32 [tilespmem:s9], [sflag:$0x1], $0x8, s19, s13, $0xb8;
	[tilespmem:$0xD000] =	vst v63  }
0xc6: {  	_ =	swait.ge [sflag:s10], $0x400  }
0xc7: {  	[sflag:s10] =	ssyncset.done $0x0  }
0xc8: {  	[sflag:s10] =	ssyncadd.s32 $0xFFFFFC00  }
0xc9: {  	[spmem:s2] =	stream.indirect.scatter.add.f32 [tilespmem:s9], [sflag:$0x1], $0x8, s20, s13, $0xb8;
	[tilespmem:$0xD000] =	vst v63  }
0xca: {  	_ =	swait.ge [sflag:s10], $0x400  }
0xcb: {  	[sflag:s10] =	ssyncset.done $0x0  }
0xcc: {  	[sflag:s10] =	ssyncadd.s32 $0xFFFFFC00  }
0xcd: {  	[spmem:s2] =	stream.indirect.scatter.add.f32 [tilespmem:s9], [sflag:$0x1], $0x8, s21, s13, $0xb8;
	[tilespmem:$0xD000] =	vst v63  }
0xce: {  	_ =	swait.ge [sflag:s10], $0x400  }
0xcf: {  	[sflag:s10] =	ssyncset.done $0x0  }
0xd0: {  	[sflag:s10] =	ssyncadd.s32 $0xFFFFFC00  }
0xd1: {  	[spmem:s2] =	stream.indirect.scatter.add.f32 [tilespmem:s9], [sflag:$0x1], $0x8, s22, s13, $0xb8;
	[tilespmem:$0xD000] =	vst v63  }
0xd2: {  	_ =	swait.ge [sflag:s10], $0x400  }
0xd3: {  	[sflag:s10] =	ssyncset.done $0x0  }
0xd4: {  	[sflag:s10] =	ssyncadd.s32 $0xFFFFFC00  }
0xd5: {  	[spmem:s2] =	stream.indirect.scatter.add.f32 [tilespmem:s9], [sflag:$0x1], $0x8, s23, s13, $0xb8;
	[tilespmem:$0xD000] =	vst v63  }
0xd6: {  	_ =	swait.ge [sflag:s10], $0x400  }
0xd7: {  	[sflag:s10] =	ssyncset.done $0x0  }
0xd8: {  	[sflag:s10] =	ssyncadd.s32 $0xFFFFFC00  }
0xd9: {  	[spmem:s2] =	stream.indirect.scatter.add.f32 [tilespmem:s9], [sflag:$0x1], $0x8, s24, s13, $0xb8;
	[tilespmem:$0xD000] =	vst v63  }
0xda: {  	_ =	swait.ge [sflag:s10], $0x400  }
0xdb: {  	[sflag:s10] =	ssyncset.done $0x0  }
0xdc: {  	[sflag:s10] =	ssyncadd.s32 $0xFFFFFC00  }
0xdd: {  	[spmem:s2] =	stream.indirect.scatter.add.f32 [tilespmem:s9], [sflag:$0x1], $0x8, s25, s13, $0xb8;
	[tilespmem:$0xD000] =	vst v63  }
0xde: {  	_ =	swait.ge [sflag:s10], $0x400  }
0xdf: {  	[sflag:s10] =	ssyncset.done $0x0  }
0xe0: {  	[sflag:s10] =	ssyncadd.s32 $0xFFFFFC00  }
0xe1: {  	[spmem:s2] =	stream.indirect.scatter.add.f32 [tilespmem:s9], [sflag:$0x1], $0x8, s26, s13, $0xb8;
	[tilespmem:$0xD000] =	vst v63  }
0xe2: {  	_ =	swait.ge [sflag:s10], $0x400  }
0xe3: {  	[sflag:s10] =	ssyncset.done $0x0  }
0xe4: {  	[sflag:s10] =	ssyncadd.s32 $0xFFFFFC00  }
0xe5: {  	[spmem:s2] =	stream.indirect.scatter.add.f32 [tilespmem:s9], [sflag:$0x1], $0x8, s28, s13, $0xb8;
	[tilespmem:$0xD000] =	vst v63  }
0xe6: {  	_ =	swait.ge [sflag:s10], $0x400  }
0xe7: {  	s29 =	sadd.s32 $0x1, s29;
	[sflag:s10] =	ssyncset.done $0x0  }
0xe8: {  	p0 =	sne.s32 s29, s7;
	[sflag:s10] =	ssyncadd.s32 $0xFFFFFC00  }
.Ltmp1:
0xe9: {  	[bflag:$0x0] =	sbarrier.arrive $0xFFFF;
	(pc) =	sbr.rel @p0 .LBB2_1-.Ltmp1, $4  }
0xea: {  	[hbm:s6], [sflag:s11] =	dma.local [spmem:s12], $0x1880  }
0xeb: {  	_ =	swait.ge [sflag:s10], $0x1880  }
0xec: {  	[sflag:s10] =	ssyncset.done $0x0  }
0xed: {  	[sflag:s10] =	ssyncadd.s32 $0xFFFFE780  }
0xee: {  	_ =	sfence.sel $0x180000  }
0xef: {  	[bflag:$0x0] =	sbarrier.arrive $0xFFFF  }
0xf0: {  	_ =	strace $0x9000004A  }
0xf1: {  	s0 =	stileid.u32;
	[bflag:$0x2] =	sbarrier.arrive $0xFFFF  }
0xf2: {  	p0 =	sne.s32 s0, $0x0;
	s0 =	rddreg [dreg:$0x3]  }
0xf3: {  	s0 =	sadd.s32 @!p0 $0x100000, s0  }
0xf4: {  	[sflag:s0] =	ssyncadd.tile.s32 @!p0 $0x1;
	_ =	shalt  }
.Lfunc_end2:
_tile_overlayer_lowered:
.L_overlay_start_2:
0xf5: {  	(tag) =	ssettag $0x2  }
0xf6: {  	s0 =	rddreg [dreg:$0x0];
	s2 =	stileid.u32  }
0xf7: {  	s1 =	rddreg [dreg:$0x1];
	p0 =	sne.s32 s2, $0x0  }
0xf8: {  	s3 =	rddreg [dreg:$0x2];
	[bflag:$0x3] =	sbarrier.arrive $0xFFFF;
	s2 =	simm.s32 @!p0 $0x1C01  }
0xf9: {  	[timem:s3], [sflag:s2] =	dma.local @!p0 [hbm:s0], s1  }
0xfa: {  	s0 =	simm.s32 @!p0 $0x1  }
0xfb: {  	_ =	swait.ge @!p0 [sflag:s0], s1  }
0xfc: {  	s1 =	ssub.s32 @!p0 $0x0, s1;
	[sflag:s0] =	ssyncset.done @!p0 $0x0  }
0xfd: {  	[sflag:s0] =	ssyncadd.s32 @!p0 s1  }
0xfe: {  	[bflag:$0x3] =	sbarrier.arrive $0xFFFF  }
0xff: {  	_ =	shalt  }

// kernel: kernel.17.cloned.1.call-start
scs
__scs_entry_jumppad:
0x0: {  	(pc) =	sbr.rel $0x88, $3  }
0x1: {  	(tag) =	ssettag $0x0;
	lr =	simm.s32 $0x1  }
0x2: {  	[smem:$0x3F8C] =	sst lr;
	_ =	strace $0xD0000000  }
0x3: {  	_ = 	snop  }
0x4: {  	_ = 	snop  }
0x5: {  	_ = 	snop  }
0x6: {  	_ = 	snop  }
0x7: {  	_ = 	snop  }
__scs_overlays_trampoline_lowered:
0x8: {  	[smem:$0x3F9B] =	sst s0  }
0x9: {  	[smem:$0x3F9C] =	sst s1  }
0xa: {  	[smem:$0x3F9D] =	sst s2  }
0xb: {  	[smem:$0x3F9E] =	sst s3  }
0xc: {  	[smem:$0x3F9F] =	sst s4  }
0xd: {  	[smem:$0x3FA0] =	sst s5  }
0xe: {  	[smem:$0x3FA1] =	sst s6  }
0xf: {  	[smem:$0x3FA2] =	sst s7  }
0x10: {  	[smem:$0x3FA3] =	sst s8  }
0x11: {  	[smem:$0x3FA4] =	sst s9;
	s0 =	simm.s32 @!p0 $0x0  }
0x12: {  	s1 =	sld [smem:$0x3F8A];
	s0 =	simm.s32 @p0 $0x1  }
0x13: {  	[smem:$0x3FA5] =	sst s0;
	s0 =	simm.s32 @!p1 $0x0  }
0x14: {  	s2 =	sld [smem:$0x3F89];
	s0 =	simm.s32 @p1 $0x1  }
0x15: {  	[smem:$0x3FA6] =	sst s0;
	s0 =	simm.s32 @!p2 $0x0  }
0x16: {  	s3 =	sld [smem:$0x3FDB];
	s0 =	simm.s32 @p2 $0x1  }
0x17: {  	s4 =	simm.s32 $0x1BF5;
	[smem:$0x3FA8] =	sst s0  }
0x18: {  	s0 =	sld [smem:$0x3F8B];
	_ =	swait.ge [sflag:s4], $0x0  }
0x19: {  	s7 =	sld [smem:$0x3F8C]  }
0x1a: {  	s8 =	sadd.s32 $0xFFFFE003, lr  }
0x1b: {  	s9 =	sadd.s32 $0xFFFFFEF7, lr;
	s5 =	simm.s32 $0xFFFFFFFF;
	p2 =	slt.u32 s8, $0xFFFFF086  }
0x1c: {  	p1 =	slt.u32 s9, $0xF7A;
	s5 =	simm.s32 @!p2 $0x0  }
0x1d: {  	s5 =	simm.s32 @p1 $0x1;
	p0 =	seq.s32 s7, s2  }
0x1e: {  	s7 =	smul.u32 @!p0 $0xF7A, s2;
	p2 =	seq.s32 @!p0 s5, $0x0  }
0x1f: {  	s9 =	smul.u32 $0xF7A, s1;
	s8 =	simm.s32 @!p0 $0x1BF5;
	p2 =	por !p2, p0  }
0x20: {  	[sflag:s8] =	ssyncset.s32 @!p0 $0xFFFFF086;
	s6 =	sadd.s32 @!p0 s3, s7;
	s7 =	simm.s32 @!p0 $0x108  }
0x21: {  	s3 =	sadd.s32 s3, s9;
	s6 =	sadd.s32 @!p0 $0x88, s6;
	s7 =	simm.s32 @p2 $0x1082  }
0x22: {  	[simem:s7], [sflag:s8] =	dma.local @!p0 [hbm:s6], $0xF7A  }
0x23: {  	s9 =	sor.u32 $0xD0000000, s2;
	s6 =	simm.s32 $0x108;
	_ =	swait.ge @!p0 [sflag:s8], $0x0  }
0x24: {  	s3 =	sadd.s32 $0x88, s3;
	s6 =	simm.s32 @!p1 $0x1082;
	[sflag:s4] =	ssyncset.s32 $0xFFFFF086  }
0x25: {  	[simem:s6], [sflag:s4] =	dma.local [hbm:s3], $0xF7A  }
0x26: {  	[smem:$0x3F8C] =	sst s1;
	(tag) =	ssettag s2;
	_ =	strace s9  }
0x27: {  	s1 =	sld [smem:$0x3F9C]  }
0x28: {  	s2 =	sld [smem:$0x3F9D]  }
0x29: {  	s4 =	sld [smem:$0x3F9F]  }
0x2a: {  	p0 =	seq.s32 s5, $0x0;
	s5 =	sld [smem:$0x3FA0]  }
0x2b: {  	s6 =	sld [smem:$0x3FA1]  }
0x2c: {  	s7 =	sld [smem:$0x3FA2]  }
0x2d: {  	s3 =	simm.s32 $0x108;
	s8 =	sld [smem:$0x3FA3]  }
0x2e: {  	s3 =	simm.s32 @!p0 $0x1082;
	s9 =	sld [smem:$0x3FA4]  }
0x2f: {  	lr =	sadd.s32 s0, s3;
	s0 =	sld [smem:$0x3F9B]  }
0x30: {  	s3 =	sld [smem:$0x3F9E]  }
0x31: {  	[smem:$0x3FA7] =	sst s10  }
0x32: {  	s10 =	sld [smem:$0x3FA5];
	_ =	sdelay $0x3  }
0x33: {  	p0 =	seq.s32 s10, $0x1;
	s10 =	sld [smem:$0x3FA7];
	_ =	sdelay $0x3  }
0x34: {  	[smem:$0x3FA7] =	sst s10  }
0x35: {  	s10 =	sld [smem:$0x3FA6];
	_ =	sdelay $0x3  }
0x36: {  	p1 =	seq.s32 s10, $0x1;
	s10 =	sld [smem:$0x3FA7];
	_ =	sdelay $0x3  }
0x37: {  	[smem:$0x3FA7] =	sst s10  }
0x38: {  	s10 =	sld [smem:$0x3FA8]  }
0x39: {  	_ = 	snop;
	(pc) =	sbr.ind lr, $3  }
0x3a: {  	_ = 	snop  }
0x3b: {  	_ = 	snop  }
0x3c: {  	p2 =	seq.s32 s10, $0x1;
	s10 =	sld [smem:$0x3FA7]  }
0x3d: {  	_ =	shalt  }
0x3e: {  	_ =	shalt  }
0x3f: {  	_ =	shalt  }
0x40: {  	_ =	shalt  }
0x41: {  	_ =	shalt  }
0x42: {  	_ =	shalt  }
0x43: {  	_ =	shalt  }
0x44: {  	_ =	shalt  }
0x45: {  	_ =	shalt  }
0x46: {  	_ =	shalt  }
0x47: {  	_ =	shalt  }
0x48: {  	_ =	shalt  }
0x49: {  	_ =	shalt  }
0x4a: {  	_ =	shalt  }
0x4b: {  	_ =	shalt  }
0x4c: {  	_ =	shalt  }
0x4d: {  	_ =	shalt  }
0x4e: {  	_ =	shalt  }
0x4f: {  	_ =	shalt  }
0x50: {  	_ =	shalt  }
0x51: {  	_ =	shalt  }
0x52: {  	_ =	shalt  }
0x53: {  	_ =	shalt  }
0x54: {  	_ =	shalt  }
0x55: {  	_ =	shalt  }
0x56: {  	_ =	shalt  }
0x57: {  	_ =	shalt  }
0x58: {  	_ =	shalt  }
0x59: {  	_ =	shalt  }
0x5a: {  	_ =	shalt  }
0x5b: {  	_ =	shalt  }
0x5c: {  	_ =	shalt  }
0x5d: {  	_ =	shalt  }
0x5e: {  	_ =	shalt  }
0x5f: {  	_ =	shalt  }
0x60: {  	_ =	shalt  }
0x61: {  	_ =	shalt  }
0x62: {  	_ =	shalt  }
0x63: {  	_ =	shalt  }
0x64: {  	_ =	shalt  }
0x65: {  	_ =	shalt  }
0x66: {  	_ =	shalt  }
0x67: {  	_ =	shalt  }
0x68: {  	_ =	shalt  }
0x69: {  	_ =	shalt  }
0x6a: {  	_ =	shalt  }
0x6b: {  	_ =	shalt  }
0x6c: {  	_ =	shalt  }
0x6d: {  	_ =	shalt  }
0x6e: {  	_ =	shalt  }
0x6f: {  	_ =	shalt  }
0x70: {  	_ =	shalt  }
0x71: {  	_ =	shalt  }
0x72: {  	_ =	shalt  }
0x73: {  	_ =	shalt  }
0x74: {  	_ =	shalt  }
0x75: {  	_ =	shalt  }
0x76: {  	_ =	shalt  }
0x77: {  	_ =	shalt  }
0x78: {  	_ =	shalt  }
0x79: {  	_ =	shalt  }
0x7a: {  	_ =	shalt  }
0x7b: {  	_ =	shalt  }
0x7c: {  	_ =	shalt  }
0x7d: {  	_ =	shalt  }
0x7e: {  	_ =	shalt  }
0x7f: {  	_ =	shalt  }
0x80: {  	_ =	shalt  }
0x81: {  	_ =	shalt  }
0x82: {  	_ =	shalt  }
0x83: {  	_ =	shalt  }
0x84: {  	_ =	shalt  }
0x85: {  	_ =	shalt  }
0x86: {  	_ =	shalt  }
0x87: {  	_ =	shalt  }
.Lfunc_end0:
.L_simem_size_0:
called_computation.1_lowered:
.L_overlay_start_0:
0x88: {  	s2 =	sld [smem:$0x3FD9]  }
0x89: {  	s3 =	sld [smem:$0x3FFE];
	_ =	sdelay $0x1  }
0x8a: {  	s1 =	srdreg.scid  }
0x8b: {  	s0 =	sand.u32 $0x1, s1  }
0x8c: {  	s16 =	sshll.u32 s0, $0xA;
	s2 =	sadd.s32 s3, s2  }
0x8d: {  	s2 =	sadd.s32 s2, s16  }
0x8e: {  	[smem:$0x3FB3] =	sst s2  }
0x8f: {  	_ = 	snop  }
0x90: {  	(tm) =	ssettm $0x1  }
0x91: {  	s17 =	sld [smem:$0x3FFB];
	_ =	sdelay $0x3  }
0x92: {  	_ =	strace s17  }
0x93: {  	s2 =	sld [smem:$0x3FFC];
	_ =	sdelay $0x3  }
0x94: {  	_ =	strace s2  }
0x95: {  	s2 =	sld [smem:$0x3FFD];
	_ =	sdelay $0x3  }
0x96: {  	_ =	strace s2  }
0x97: {  	_ =	strace $0x8FFFFFFF  }
0x98: {  	s18 =	sld [smem:$0x3FDB];
	_ =	sdelay $0x1  }
0x99: {  	s19 =	simm.s32 $_scs_section_size  }
0x9a: {  	s4 =	simm.s32 $_size__tile_overlayer_lowered;
	s5 =	simm.s32 $_tile_overlayer_lowered  }
0x9b: {  	s22 =	simm.s32 $0x1BFF;
	s21 =	sshll.u32 s5, $0x1;
	s2 =	sadd.s32 s19, s18  }
0x9c: {  	s6 =	simm.s32 $0x0;
	s20 =	sshll.u32 s4, $0x1;
	s4 =	sadd.s32 s21, s2  }
0x9d: {  	[timem:s6], [sflag:s22] =	dma.local [hbm:s4], s20  }
0x9e: {  	_ =	swait.ge [sflag:s22], s20  }
0x9f: {  	s3 =	ssub.s32 $0x0, s20;
	[sflag:s22] =	ssyncset.done $0x0  }
0xa0: {  	[sflag:s22] =	ssyncadd.s32 s3;
	_ =	sdelay $0x1  }
0xa1: {  	s23 =	simm.s32 $0x1B8B  }
0xa2: {  	_ =	swait.ge [sflag:s23], $0x1  }
0xa3: {  	[sflag:s23] =	ssyncset.done $0x0  }
0xa4: {  	s25 =	simm.s32 $0x1B8E;
	s24 =	sld [smem:$0x3FFE];
	[sflag:s23] =	ssyncadd.s32 $0xFFFFFFFF  }
0xa5: {  	s26 =	simm.s32 $execute0_lowered;
	[smem:$0x3FD2] =	sst s25  }
0xa6: {  	s4 =	sshll.u32 s26, $0x1;
	_ =	strace $0x80000046;
	[dreg:$0x1] =	wrdreg $0xFFFFFFFF  }
0xa7: {  	s28 =	simm.s32 $_size_execute0_lowered;
	s2 =	sadd.s32 s2, s4;
	[dreg:$0x0] =	wrdreg $0x0  }
0xa8: {  	s4 =	sshll.u32 s28, $0x1;
	[dreg:$0x2] =	wrdreg s2  }
0xa9: {  	[dreg:$0x3] =	wrdreg s4  }
0xaa: {  	[dreg:$0x4] =	wrdreg $0xC0  }
0xab: {  	_ =	task [dreg:s6], $0x5FFFF  }
0xac: {  	[dreg:$0x1] =	wrdreg $0xFFFFFFFF  }
0xad: {  	[dreg:$0x0] =	wrdreg $0x60  }
0xae: {  	[dreg:$0x2] =	wrdreg s24  }
0xaf: {  	[dreg:$0x3] =	wrdreg $0x60000  }
0xb0: {  	[dreg:$0x4] =	wrdreg $0xA  }
0xb1: {  	_ =	task.clear_ibuf [dreg:s6], $0x5FFFF;
	_ =	strace $0x90000046  }
0xb2: {  	s29 =	simm.s32 $0xA;
	_ =	strace $0x80000048  }
0xb3: {  	_ =	swait.ge [sflag:s29], $0x1  }
0xb4: {  	[sflag:s29] =	ssyncadd.s32 $0xFFFFFFFF  }
0xb5: {  	_ =	strace $0x90000048  }
0xb6: {  	_ =	sfence  }
0xb7: {  	s30 =	sld [smem:$0x0];
	_ =	sdelay $0x2  }
0xb8: {  	s31 =	sshll.u32 s1, $0xD;
	s1 =	sshrl.u32 s1, $0x2  }
0xb9: {  	s3 =	sand.u32 $0x4000, s31;
	s1 =	sadd.s32 s1, s30  }
0xba: {  	s0 =	sor.u32 s3, s0;
	s1 =	sshll.u32 s1, $0x11  }
0xbb: {  	s0 =	sor.u32 s1, s0  }
0xbc: {  	s0 =	sadd.s32 $0x8F2B, s0  }
0xbd: {  	[sflag:s0] =	ssyncadd.remote.s32 $0x1  }
0xbe: {  	_ =	sfence.sel $0xFFFF  }
0xbf: {  	[dreg:$0x0] =	wrdreg $0xFFFFFFFF;
	(pc) =	sbr.abs _section_cstart, $3  }
0xc0: {  	[dreg:$0x1] =	wrdreg $0xFFFFFFFF  }
0xc1: {  	_ =	task.clear_ibuf [dreg:s6], $0x2FFFF;
	_ =	strace $0x9FFFFFFF  }
0xc2: {  	(tm) =	ssettm $0x7FFFFFFF  }
0xc3: {  	_ =	shalt  }
tec
execute0_lowered:
.L_overlay_start_1:
0x0: {  	(tag) =	ssettag $0x1  }
0x1: {  	s0 =	rddreg [dreg:$0x0]  }
0x2: {  	s2 =	rddreg [dreg:$0x1];
	s3 =	simm.s32 $0x0;
	s1 =	srdreg.scid  }
0x3: {  	s13 =	stileid.u32;
	s18 =	simm.s32 $0x400;
	s19 =	simm.s32 $0xA00  }
0x4: {  	s20 =	simm.s32 $0x600;
	s28 =	simm.s32 $0x4;
	s29 =	simm.s32 $0x1C00  }
0x5: {  	s30 =	simm.s32 $0x1E00;
	s31 =	simm.s32 $0x0;
	s8 =	smul.u32 $0x3100, s13  }
0x6: {  	[smem:$0x7FF] =	sst s3;
	s1 =	sand.u32 $0x1, s1;
	s6 =	smul.u32 $0x62000, s13  }
0x7: {  	s4 =	sadd.s32 $0x5A00, s0;
	s5 =	sadd.s32 $0x55F000, s0;
	s12 =	smul.u32 $0xC40, s13  }
0x8: {  	s7 =	sadd.s32 $0x18C600, s0;
	s14 =	sadd.s32 $0x67A00, s0;
	s15 =	smul.u32 $0xC400, s13  }
0x9: {  	_ =	strace $0x80000047;
	s9 =	smul.u32 $0x31000, s1;
	[dreg:$0xd] =	wrdreg s14  }
0xa: {  	s24 =	sshll.u32 s13, $0x6;
	s11 =	smul.u32 $0xC400, s1;
	[dreg:$0x4] =	wrdreg s18  }
0xb: {  	s10 =	ssub.s32 $0x2, s1;
	s1 =	smul.u32 $0x620000, s1;
	[dreg:$0x5] =	wrdreg s19  }
0xc: {  	[dreg:$0x6] =	wrdreg s20;
	s18 =	simm.s32 $0x800;
	s19 =	simm.s32 $0x200  }
0xd: {  	s20 =	simm.s32 $0x2000;
	s21 =	sshrl.u32 s10, $0x1;
	s23 =	sshrl.u32 s6, $0x2  }
0xe: {  	s17 =	sadd.s32 s15, s7;
	s8 =	sadd.s32 s8, s9;
	s22 =	ssub.s32 s10, s21  }
0xf: {  	s11 =	sadd.s32 s12, s11;
	s25 =	sadd.s32 s23, s2;
	s9 =	sor.u32 $0x1C05, s24  }
0x10: {  	s12 =	sshrl.u32 s6, $0x3;
	s16 =	sadd.s32 s6, s1;
	s1 =	sadd.s32 $0x100, s17  }
0x11: {  	s17 =	simm.s32 $0x5;
	s21 =	simm.s32 $0xC00;
	s23 =	simm.s32 $0x1200  }
0x12: {  	s24 =	simm.s32 $0x1400;
	s0 =	sadd.s32 s8, s0;
	[dreg:$0x7] =	wrdreg s21  }
0x13: {  	s26 =	sshll.u32 s11, $0x7;
	s11 =	sshll.u32 s11, $0x4;
	[dreg:$0x9] =	wrdreg s23  }
0x14: {  	s13 =	smax.u32 s22, $0x1;
	s22 =	simm.s32 $0xE00;
	[dreg:$0xa] =	wrdreg s24  }
0x15: {  	s21 =	simm.s32 $0x1000;
	s23 =	simm.s32 $0x4000;
	[dreg:$0x3] =	wrdreg s26  }
0x16: {  	s24 =	simm.s32 $0x1;
	s10 =	sadd.s32 s5, s11;
	[dreg:$0x8] =	wrdreg s22  }
0x17: {  	s22 =	simm.s32 $0x1800;
	s26 =	simm.s32 $0x1600;
	[dreg:$0xe] =	wrdreg s10  }
0x18: {  	s10 =	sadd.s32 s7, s12;
	s12 =	sadd.s32 $0x6AC00, s0;
	s0 =	sor.u32 $0x800, s16  }
0x19: {  	s16 =	sshrl.u32 s25, $0x3;
	s25 =	simm.s32 $0x1A00;
	[dreg:$0xc] =	wrdreg s26  }
0x1a: {  	s26 =	simm.s32 $0x2;
	[dreg:$0xf] =	wrdreg s10;
	s0 =	sshrl.u32 s0, $0x3  }
0x1b: {  	[dreg:$0xb] =	wrdreg s25;
	s25 =	simm.s32 $0x3;
	s8 =	sadd.s32 s0, s5  }
.LBB2_1:
0x1c: {  	s0 =	rddreg [dreg:$0xd]  }
0x1d: {  	[spmem:s16], [sflag:s9] =	dma.local [hbm:s0], $0x3100  }
0x1e: {  	_ =	swait.ge [sflag:s17], $0x3100  }
0x1f: {  	[sflag:s17] =	ssyncset.done $0x0  }
0x20: {  	[sflag:s17] =	ssyncadd.s32 $0xFFFFCF00  }
0x21: {  	[bflag:$0x0] =	sbarrier.arrive $0xFFFF  }
0x22: {  	s15 =	rddreg [dreg:$0xe]  }
0x23: {  	[tilespmem:s3], [sflag:$0x5] =	stream.linear.gather [hbm4b:s15+s3], $0x800, $0x38;
	[tilespmem:$0x1E800] =	vst v63  }
0x24: {  	_ =	swait.ge [sflag:s17], $0x800  }
0x25: {  	[sflag:s17] =	ssyncset.done $0x0  }
0x26: {  	s10 =	rddreg [dreg:$0xf];
	[sflag:s17] =	ssyncadd.s32 $0xFFFFF800  }
0x27: {  	[tilespmem:s18], [sflag:$0x5] =	stream.linear.gather [hbm4b:s10+s3], $0x800, $0x38;
	[tilespmem:$0x1E800] =	vst v63  }
0x28: {  	_ =	swait.ge [sflag:s17], $0x800  }
0x29: {  	[sflag:s17] =	ssyncset.done $0x0  }
0x2a: {  	[sflag:s17] =	ssyncadd.s32 $0xFFFFF800  }
0x2b: {  	[tilespmem:s20], [sflag:$0x1] =	stream.indirect.gather [hbm4b:s4+s19], $0x10, s3, s19, $0xb8;
	[tilespmem:$0x1E800] =	vst v63  }
0x2c: {  	_ = 	snop  }
0x2d: {  	[tilespmem:s21], [sflag:$0x5] =	stream.linear.gather [hbm4b:s8+s3], $0x800, $0x38;
	[tilespmem:$0x1E800] =	vst v63  }
0x2e: {  	_ =	swait.ge [sflag:s17], $0x800  }
0x2f: {  	[sflag:s17] =	ssyncset.done $0x0  }
0x30: {  	[sflag:s17] =	ssyncadd.s32 $0xFFFFF800  }
0x31: {  	[tilespmem:s22], [sflag:$0x5] =	stream.linear.gather [hbm4b:s1+s3], $0x800, $0x38;
	[tilespmem:$0x1E800] =	vst v63  }
0x32: {  	_ =	swait.ge [sflag:s17], $0x800  }
0x33: {  	[sflag:s17] =	ssyncset.done $0x0  }
0x34: {  	[sflag:s17] =	ssyncadd.s32 $0xFFFFF800  }
0x35: {  	[tilespmem:s23], [sflag:$0x2] =	stream.indirect.gather [hbm4b:s4+s19], $0x10, s19, s19, $0xb8;
	[tilespmem:$0x1E800] =	vst v63  }
0x36: {  	_ =	swait.ge [sflag:s24], $0x2000  }
0x37: {  	[sflag:s24] =	ssyncset.done $0x0  }
0x38: {  	[sflag:s24] =	ssyncadd.s32 $0xFFFFE000  }
0x39: {  	[spmem:s2] =	stream.indirect.scatter.add.f32 [tilespmem:s20], [sflag:$0x3], $0x10, s18, s19, $0xb8;
	[tilespmem:$0x1E800] =	vst v63  }
0x3a: {  	_ =	swait.ge [sflag:s25], $0x2000  }
0x3b: {  	[sflag:s25] =	ssyncset.done $0x0  }
0x3c: {  	s11 =	rddreg [dreg:$0x4];
	[sflag:s25] =	ssyncadd.s32 $0xFFFFE000  }
0x3d: {  	[tilespmem:s20], [sflag:$0x1] =	stream.indirect.gather [hbm4b:s4+s19], $0x10, s11, s19, $0xb8;
	[tilespmem:$0x1E800] =	vst v63  }
0x3e: {  	_ =	swait.ge [sflag:s26], $0x2000  }
0x3f: {  	[sflag:s26] =	ssyncset.done $0x0  }
0x40: {  	s14 =	rddreg [dreg:$0x5];
	[sflag:s26] =	ssyncadd.s32 $0xFFFFE000  }
0x41: {  	[spmem:s2] =	stream.indirect.scatter.add.f32 [tilespmem:s23], [sflag:$0x4], $0x10, s14, s19, $0xb8;
	[tilespmem:$0x1E800] =	vst v63  }
0x42: {  	_ =	swait.ge [sflag:s28], $0x2000  }
0x43: {  	[sflag:s28] =	ssyncset.done $0x0  }
0x44: {  	s15 =	rddreg [dreg:$0x6];
	[sflag:s28] =	ssyncadd.s32 $0xFFFFE000  }
0x45: {  	[tilespmem:s23], [sflag:$0x2] =	stream.indirect.gather [hbm4b:s4+s19], $0x10, s15, s19, $0xb8;
	[tilespmem:$0x1E800] =	vst v63  }
0x46: {  	_ =	swait.ge [sflag:s24], $0x2000  }
0x47: {  	[sflag:s24] =	ssyncset.done $0x0  }
0x48: {  	s10 =	rddreg [dreg:$0x7];
	[sflag:s24] =	ssyncadd.s32 $0xFFFFE000  }
0x49: {  	[spmem:s2] =	stream.indirect.scatter.add.f32 [tilespmem:s20], [sflag:$0x3], $0x10, s10, s19, $0xb8;
	[tilespmem:$0x1E800] =	vst v63  }
0x4a: {  	_ =	swait.ge [sflag:s25], $0x2000  }
0x4b: {  	[sflag:s25] =	ssyncset.done $0x0  }
0x4c: {  	[sflag:s25] =	ssyncadd.s32 $0xFFFFE000  }
0x4d: {  	[tilespmem:s20], [sflag:$0x1] =	stream.indirect.gather [hbm4b:s4+s19], $0x10, s21, s19, $0xb8;
	[tilespmem:$0x1E800] =	vst v63  }
0x4e: {  	_ =	swait.ge [sflag:s26], $0x2000  }
0x4f: {  	[sflag:s26] =	ssyncset.done $0x0  }
0x50: {  	s11 =	rddreg [dreg:$0x8];
	[sflag:s26] =	ssyncadd.s32 $0xFFFFE000  }
0x51: {  	[spmem:s2] =	stream.indirect.scatter.add.f32 [tilespmem:s23], [sflag:$0x4], $0x10, s11, s19, $0xb8;
	[tilespmem:$0x1E800] =	vst v63  }
0x52: {  	s10 =	smin.u32 s3, $0x60800;
	_ =	swait.ge [sflag:s28], $0x2000  }
0x53: {  	s10 =	sadd.s32 $0x1000, s10;
	s14 =	rddreg [dreg:$0x3]  }
0x54: {  	s0 =	sadd.s32 s14, s10  }
0x55: {  	[sflag:s28] =	ssyncset.done $0x0;
	s0 =	sshrl.u32 s0, $0x3  }
0x56: {  	[sflag:s28] =	ssyncadd.s32 $0xFFFFE000;
	s0 =	sadd.s32 s5, s0  }
0x57: {  	[tilespmem:s3], [sflag:$0x5] =	stream.linear.gather [hbm4b:s0+s3], $0x800, $0x38;
	[tilespmem:$0x1E800] =	vst v63  }
0x58: {  	s15 =	sadd.s32 s6, s10;
	_ =	swait.ge [sflag:s17], $0x800  }
0x59: {  	s0 =	sshrl.u32 s15, $0x3;
	[sflag:s17] =	ssyncset.done $0x0  }
0x5a: {  	s0 =	sadd.s32 s7, s0;
	[sflag:s17] =	ssyncadd.s32 $0xFFFFF800  }
0x5b: {  	[tilespmem:s18], [sflag:$0x5] =	stream.linear.gather [hbm4b:s0+s3], $0x800, $0x38;
	[tilespmem:$0x1E800] =	vst v63  }
0x5c: {  	_ =	swait.ge [sflag:s17], $0x800  }
0x5d: {  	[sflag:s17] =	ssyncset.done $0x0  }
0x5e: {  	s10 =	rddreg [dreg:$0x9];
	[sflag:s17] =	ssyncadd.s32 $0xFFFFF800  }
0x5f: {  	[tilespmem:s23], [sflag:$0x2] =	stream.indirect.gather [hbm4b:s4+s19], $0x10, s10, s19, $0xb8;
	[tilespmem:$0x1E800] =	vst v63  }
0x60: {  	_ =	swait.ge [sflag:s24], $0x2000  }
0x61: {  	[sflag:s24] =	ssyncset.done $0x0  }
0x62: {  	[sflag:s24] =	ssyncadd.s32 $0xFFFFE000  }
0x63: {  	[spmem:s2] =	stream.indirect.scatter.add.f32 [tilespmem:s20], [sflag:$0x3], $0x10, s22, s19, $0xb8;
	[tilespmem:$0x1E800] =	vst v63  }
0x64: {  	_ =	swait.ge [sflag:s25], $0x2000  }
0x65: {  	[sflag:s25] =	ssyncset.done $0x0  }
0x66: {  	s11 =	rddreg [dreg:$0xa];
	[sflag:s25] =	ssyncadd.s32 $0xFFFFE000  }
0x67: {  	[tilespmem:s20], [sflag:$0x1] =	stream.indirect.gather [hbm4b:s4+s19], $0x10, s11, s19, $0xb8;
	[tilespmem:$0x1E800] =	vst v63  }
0x68: {  	_ =	swait.ge [sflag:s26], $0x2000  }
0x69: {  	[sflag:s26] =	ssyncset.done $0x0  }
0x6a: {  	s14 =	rddreg [dreg:$0xb];
	[sflag:s26] =	ssyncadd.s32 $0xFFFFE000  }
0x6b: {  	[spmem:s2] =	stream.indirect.scatter.add.f32 [tilespmem:s23], [sflag:$0x4], $0x10, s14, s19, $0xb8;
	[tilespmem:$0x1E800] =	vst v63  }
0x6c: {  	_ =	swait.ge [sflag:s28], $0x2000  }
0x6d: {  	[sflag:s28] =	ssyncset.done $0x0  }
0x6e: {  	s15 =	rddreg [dreg:$0xc];
	[sflag:s28] =	ssyncadd.s32 $0xFFFFE000  }
0x6f: {  	[tilespmem:s23], [sflag:$0x2] =	stream.indirect.gather [hbm4b:s4+s19], $0x10, s15, s19, $0xb8;
	[tilespmem:$0x1E800] =	vst v63  }
0x70: {  	_ =	swait.ge [sflag:s24], $0x2000  }
0x71: {  	[sflag:s24] =	ssyncset.done $0x0  }
0x72: {  	[sflag:s24] =	ssyncadd.s32 $0xFFFFE000  }
0x73: {  	[spmem:s2] =	stream.indirect.scatter.add.f32 [tilespmem:s20], [sflag:$0x3], $0x10, s29, s19, $0xb8;
	[tilespmem:$0x1E800] =	vst v63  }
0x74: {  	_ =	swait.ge [sflag:s25], $0x2000  }
0x75: {  	[sflag:s25] =	ssyncset.done $0x0  }
0x76: {  	[sflag:s25] =	ssyncadd.s32 $0xFFFFE000  }
0x77: {  	_ =	swait.ge [sflag:s26], $0x2000  }
0x78: {  	[sflag:s26] =	ssyncset.done $0x0  }
0x79: {  	[sflag:s26] =	ssyncadd.s32 $0xFFFFE000  }
0x7a: {  	[spmem:s2] =	stream.indirect.scatter.add.f32 [tilespmem:s23], [sflag:$0x4], $0x10, s30, s19, $0xb8;
	[tilespmem:$0x1E800] =	vst v63  }
0x7b: {  	s0 =	simm.s32 $0x1000;
	_ =	swait.ge [sflag:s28], $0x2000  }
0x7c: {  	s14 =	smov.u32 s1;
	s15 =	smov.u32 s8;
	[sflag:s28] =	ssyncset.done $0x0  }
.LBB2_2:
0x7d: {  	[sflag:s28] =	ssyncadd.s32 $0xFFFFE000  }
0x7e: {  	[tilespmem:s20], [sflag:$0x1] =	stream.indirect.gather [hbm4b:s4+s19], $0x10, s3, s19, $0xb8;
	[tilespmem:$0x1E800] =	vst v63  }
0x7f: {  	s15 =	sadd.s32 $0x200, s15  }
0x80: {  	[tilespmem:s21], [sflag:$0x5] =	stream.linear.gather [hbm4b:s15+s3], $0x800, $0x38;
	[tilespmem:$0x1E800] =	vst v63  }
0x81: {  	_ =	swait.ge [sflag:s17], $0x800  }
0x82: {  	[sflag:s17] =	ssyncset.done $0x0  }
0x83: {  	s14 =	sadd.s32 $0x200, s14;
	[sflag:s17] =	ssyncadd.s32 $0xFFFFF800  }
0x84: {  	[tilespmem:s22], [sflag:$0x5] =	stream.linear.gather [hbm4b:s14+s3], $0x800, $0x38;
	[tilespmem:$0x1E800] =	vst v63  }
0x85: {  	_ =	swait.ge [sflag:s17], $0x800  }
0x86: {  	[sflag:s17] =	ssyncset.done $0x0  }
0x87: {  	[sflag:s17] =	ssyncadd.s32 $0xFFFFF800  }
0x88: {  	[tilespmem:s23], [sflag:$0x2] =	stream.indirect.gather [hbm4b:s4+s19], $0x10, s19, s19, $0xb8;
	[tilespmem:$0x1E800] =	vst v63  }
0x89: {  	_ =	swait.ge [sflag:s24], $0x2000  }
0x8a: {  	[sflag:s24] =	ssyncset.done $0x0  }
0x8b: {  	[sflag:s24] =	ssyncadd.s32 $0xFFFFE000  }
0x8c: {  	[spmem:s2] =	stream.indirect.scatter.add.f32 [tilespmem:s20], [sflag:$0x3], $0x10, s18, s19, $0xb8;
	[tilespmem:$0x1E800] =	vst v63  }
0x8d: {  	_ =	swait.ge [sflag:s25], $0x2000  }
0x8e: {  	[sflag:s25] =	ssyncset.done $0x0  }
0x8f: {  	s11 =	rddreg [dreg:$0x4];
	[sflag:s25] =	ssyncadd.s32 $0xFFFFE000  }
0x90: {  	[tilespmem:s20], [sflag:$0x1] =	stream.indirect.gather [hbm4b:s4+s19], $0x10, s11, s19, $0xb8;
	[tilespmem:$0x1E800] =	vst v63  }
0x91: {  	_ =	swait.ge [sflag:s26], $0x2000  }
0x92: {  	[sflag:s26] =	ssyncset.done $0x0  }
0x93: {  	s11 =	rddreg [dreg:$0x5];
	[sflag:s26] =	ssyncadd.s32 $0xFFFFE000  }
0x94: {  	[spmem:s2] =	stream.indirect.scatter.add.f32 [tilespmem:s23], [sflag:$0x4], $0x10, s11, s19, $0xb8;
	[tilespmem:$0x1E800] =	vst v63  }
0x95: {  	_ =	swait.ge [sflag:s28], $0x2000  }
0x96: {  	[sflag:s28] =	ssyncset.done $0x0  }
0x97: {  	s11 =	rddreg [dreg:$0x6];
	[sflag:s28] =	ssyncadd.s32 $0xFFFFE000  }
0x98: {  	[tilespmem:s23], [sflag:$0x2] =	stream.indirect.gather [hbm4b:s4+s19], $0x10, s11, s19, $0xb8;
	[tilespmem:$0x1E800] =	vst v63  }
0x99: {  	_ =	swait.ge [sflag:s24], $0x2000  }
0x9a: {  	[sflag:s24] =	ssyncset.done $0x0  }
0x9b: {  	s11 =	rddreg [dreg:$0x7];
	[sflag:s24] =	ssyncadd.s32 $0xFFFFE000  }
0x9c: {  	[spmem:s2] =	stream.indirect.scatter.add.f32 [tilespmem:s20], [sflag:$0x3], $0x10, s11, s19, $0xb8;
	[tilespmem:$0x1E800] =	vst v63  }
0x9d: {  	_ =	swait.ge [sflag:s25], $0x2000  }
0x9e: {  	[sflag:s25] =	ssyncset.done $0x0  }
0x9f: {  	[sflag:s25] =	ssyncadd.s32 $0xFFFFE000  }
0xa0: {  	[tilespmem:s20], [sflag:$0x1] =	stream.indirect.gather [hbm4b:s4+s19], $0x10, s21, s19, $0xb8;
	[tilespmem:$0x1E800] =	vst v63  }
0xa1: {  	_ =	swait.ge [sflag:s26], $0x2000  }
0xa2: {  	[sflag:s26] =	ssyncset.done $0x0  }
0xa3: {  	s10 =	smov.u32 s0;
	s11 =	rddreg [dreg:$0x8];
	[sflag:s26] =	ssyncadd.s32 $0xFFFFE000  }
0xa4: {  	[spmem:s2] =	stream.indirect.scatter.add.f32 [tilespmem:s23], [sflag:$0x4], $0x10, s11, s19, $0xb8;
	[tilespmem:$0x1E800] =	vst v63  }
0xa5: {  	s10 =	smin.u32 s10, $0x60800;
	_ =	swait.ge [sflag:s28], $0x2000  }
0xa6: {  	s10 =	sadd.s32 $0x1000, s10;
	s11 =	rddreg [dreg:$0x3]  }
0xa7: {  	s11 =	sadd.s32 s11, s10  }
0xa8: {  	[sflag:s28] =	ssyncset.done $0x0;
	s11 =	sshrl.u32 s11, $0x3  }
0xa9: {  	[sflag:s28] =	ssyncadd.s32 $0xFFFFE000;
	s11 =	sadd.s32 s5, s11  }
0xaa: {  	[tilespmem:s3], [sflag:$0x5] =	stream.linear.gather [hbm4b:s11+s3], $0x800, $0x38;
	[tilespmem:$0x1E800] =	vst v63  }
0xab: {  	s10 =	sadd.s32 s6, s10;
	_ =	swait.ge [sflag:s17], $0x800  }
0xac: {  	s10 =	sshrl.u32 s10, $0x3;
	[sflag:s17] =	ssyncset.done $0x0  }
0xad: {  	s10 =	sadd.s32 s7, s10;
	[sflag:s17] =	ssyncadd.s32 $0xFFFFF800  }
0xae: {  	[tilespmem:s18], [sflag:$0x5] =	stream.linear.gather [hbm4b:s10+s3], $0x800, $0x38;
	[tilespmem:$0x1E800] =	vst v63  }
0xaf: {  	_ =	swait.ge [sflag:s17], $0x800  }
0xb0: {  	[sflag:s17] =	ssyncset.done $0x0  }
0xb1: {  	s11 =	rddreg [dreg:$0x9];
	[sflag:s17] =	ssyncadd.s32 $0xFFFFF800  }
0xb2: {  	[tilespmem:s23], [sflag:$0x2] =	stream.indirect.gather [hbm4b:s4+s19], $0x10, s11, s19, $0xb8;
	[tilespmem:$0x1E800] =	vst v63  }
0xb3: {  	_ =	swait.ge [sflag:s24], $0x2000  }
0xb4: {  	[sflag:s24] =	ssyncset.done $0x0  }
0xb5: {  	[sflag:s24] =	ssyncadd.s32 $0xFFFFE000  }
0xb6: {  	[spmem:s2] =	stream.indirect.scatter.add.f32 [tilespmem:s20], [sflag:$0x3], $0x10, s22, s19, $0xb8;
	[tilespmem:$0x1E800] =	vst v63  }
0xb7: {  	_ =	swait.ge [sflag:s25], $0x2000  }
0xb8: {  	[sflag:s25] =	ssyncset.done $0x0  }
0xb9: {  	s11 =	rddreg [dreg:$0xa];
	[sflag:s25] =	ssyncadd.s32 $0xFFFFE000  }
0xba: {  	[tilespmem:s20], [sflag:$0x1] =	stream.indirect.gather [hbm4b:s4+s19], $0x10, s11, s19, $0xb8;
	[tilespmem:$0x1E800] =	vst v63  }
0xbb: {  	_ =	swait.ge [sflag:s26], $0x2000  }
0xbc: {  	[sflag:s26] =	ssyncset.done $0x0  }
0xbd: {  	s11 =	rddreg [dreg:$0xb];
	[sflag:s26] =	ssyncadd.s32 $0xFFFFE000  }
0xbe: {  	[spmem:s2] =	stream.indirect.scatter.add.f32 [tilespmem:s23], [sflag:$0x4], $0x10, s11, s19, $0xb8;
	[tilespmem:$0x1E800] =	vst v63  }
0xbf: {  	_ =	swait.ge [sflag:s28], $0x2000  }
0xc0: {  	[sflag:s28] =	ssyncset.done $0x0  }
0xc1: {  	s11 =	rddreg [dreg:$0xc];
	[sflag:s28] =	ssyncadd.s32 $0xFFFFE000  }
0xc2: {  	[tilespmem:s23], [sflag:$0x2] =	stream.indirect.gather [hbm4b:s4+s19], $0x10, s11, s19, $0xb8;
	[tilespmem:$0x1E800] =	vst v63  }
0xc3: {  	_ =	swait.ge [sflag:s24], $0x2000  }
0xc4: {  	[sflag:s24] =	ssyncset.done $0x0  }
0xc5: {  	[sflag:s24] =	ssyncadd.s32 $0xFFFFE000  }
0xc6: {  	[spmem:s2] =	stream.indirect.scatter.add.f32 [tilespmem:s20], [sflag:$0x3], $0x10, s29, s19, $0xb8;
	[tilespmem:$0x1E800] =	vst v63  }
0xc7: {  	_ =	swait.ge [sflag:s25], $0x2000  }
0xc8: {  	[sflag:s25] =	ssyncset.done $0x0  }
0xc9: {  	[sflag:s25] =	ssyncadd.s32 $0xFFFFE000  }
0xca: {  	p0 =	sne.s32 s0, $0x61000;
	_ =	swait.ge [sflag:s26], $0x2000  }
.Ltmp0:
0xcb: {  	[sflag:s26] =	ssyncset.done $0x0;
	(pc) =	sbr.rel @p0 .LBB2_2-.Ltmp0, $4  }
0xcc: {  	[sflag:s26] =	ssyncadd.s32 $0xFFFFE000  }
0xcd: {  	[spmem:s2] =	stream.indirect.scatter.add.f32 [tilespmem:s23], [sflag:$0x4], $0x10, s30, s19, $0xb8;
	[tilespmem:$0x1E800] =	vst v63  }
0xce: {  	_ =	swait.ge [sflag:s28], $0x2000  }
0xcf: {  	s0 =	sadd.s32 $0x1000, s0;
	[sflag:s28] =	ssyncset.done $0x0  }
0xd0: {  	s31 =	sadd.s32 $0x1, s31  }
0xd1: {  	[sflag:s28] =	ssyncadd.s32 $0xFFFFE000;
	p0 =	sne.s32 s31, s13  }
.Ltmp1:
0xd2: {  	[bflag:$0x0] =	sbarrier.arrive $0xFFFF;
	(pc) =	sbr.rel @p0 .LBB2_1-.Ltmp1, $4  }
0xd3: {  	[hbm:s12], [sflag:s9] =	dma.local [spmem:s16], $0x3100  }
0xd4: {  	_ =	swait.ge [sflag:s17], $0x3100  }
0xd5: {  	[sflag:s17] =	ssyncset.done $0x0  }
0xd6: {  	[sflag:s17] =	ssyncadd.s32 $0xFFFFCF00  }
0xd7: {  	_ =	sfence.sel $0x180000  }
0xd8: {  	[bflag:$0x0] =	sbarrier.arrive $0xFFFF  }
0xd9: {  	_ =	strace $0x90000047  }
0xda: {  	s0 =	stileid.u32;
	[bflag:$0x2] =	sbarrier.arrive $0xFFFF  }
0xdb: {  	p0 =	sne.s32 s0, $0x0;
	s0 =	rddreg [dreg:$0x2]  }
0xdc: {  	s0 =	sadd.s32 @!p0 $0x100000, s0  }
0xdd: {  	[sflag:s0] =	ssyncadd.tile.s32 @!p0 $0x1;
	_ =	shalt  }
.Lfunc_end2:
_tile_overlayer_lowered:
.L_overlay_start_2:
0xde: {  	(tag) =	ssettag $0x2  }
0xdf: {  	s0 =	rddreg [dreg:$0x0];
	s2 =	stileid.u32  }
0xe0: {  	s1 =	rddreg [dreg:$0x1];
	p0 =	sne.s32 s2, $0x0  }
0xe1: {  	s3 =	rddreg [dreg:$0x2];
	[bflag:$0x3] =	sbarrier.arrive $0xFFFF;
	s2 =	simm.s32 @!p0 $0x1C05  }
0xe2: {  	[timem:s3], [sflag:s2] =	dma.local @!p0 [hbm:s0], s1  }
0xe3: {  	s0 =	simm.s32 @!p0 $0x5  }
0xe4: {  	_ =	swait.ge @!p0 [sflag:s0], s1  }
0xe5: {  	s1 =	ssub.s32 @!p0 $0x0, s1;
	[sflag:s0] =	ssyncset.done @!p0 $0x0  }
0xe6: {  	[sflag:s0] =	ssyncadd.s32 @!p0 s1  }
0xe7: {  	[bflag:$0x3] =	sbarrier.arrive $0xFFFF  }
0xe8: {  	_ =	shalt  }

// kernel: kernel.20.cloned.1.call-start
scs
__scs_entry_jumppad:
0x0: {  	(pc) =	sbr.rel $0x88, $3  }
0x1: {  	(tag) =	ssettag $0x0;
	lr =	simm.s32 $0x1  }
0x2: {  	[smem:$0x3F8C] =	sst lr;
	_ =	strace $0xD0000000  }
0x3: {  	_ = 	snop  }
0x4: {  	_ = 	snop  }
0x5: {  	_ = 	snop  }
0x6: {  	_ = 	snop  }
0x7: {  	_ = 	snop  }
__scs_overlays_trampoline_lowered:
0x8: {  	[smem:$0x3F9B] =	sst s0  }
0x9: {  	[smem:$0x3F9C] =	sst s1  }
0xa: {  	[smem:$0x3F9D] =	sst s2  }
0xb: {  	[smem:$0x3F9E] =	sst s3  }
0xc: {  	[smem:$0x3F9F] =	sst s4  }
0xd: {  	[smem:$0x3FA0] =	sst s5  }
0xe: {  	[smem:$0x3FA1] =	sst s6  }
0xf: {  	[smem:$0x3FA2] =	sst s7  }
0x10: {  	[smem:$0x3FA3] =	sst s8  }
0x11: {  	[smem:$0x3FA4] =	sst s9;
	s0 =	simm.s32 @!p0 $0x0  }
0x12: {  	s1 =	sld [smem:$0x3F8A];
	s0 =	simm.s32 @p0 $0x1  }
0x13: {  	[smem:$0x3FA5] =	sst s0;
	s0 =	simm.s32 @!p1 $0x0  }
0x14: {  	s2 =	sld [smem:$0x3F89];
	s0 =	simm.s32 @p1 $0x1  }
0x15: {  	[smem:$0x3FA6] =	sst s0;
	s0 =	simm.s32 @!p2 $0x0  }
0x16: {  	s3 =	sld [smem:$0x3FDB];
	s0 =	simm.s32 @p2 $0x1  }
0x17: {  	s4 =	simm.s32 $0x1BF5;
	[smem:$0x3FA8] =	sst s0  }
0x18: {  	s0 =	sld [smem:$0x3F8B];
	_ =	swait.ge [sflag:s4], $0x0  }
0x19: {  	s7 =	sld [smem:$0x3F8C]  }
0x1a: {  	s8 =	sadd.s32 $0xFFFFE003, lr  }
0x1b: {  	s9 =	sadd.s32 $0xFFFFFEF7, lr;
	s5 =	simm.s32 $0xFFFFFFFF;
	p2 =	slt.u32 s8, $0xFFFFF086  }
0x1c: {  	p1 =	slt.u32 s9, $0xF7A;
	s5 =	simm.s32 @!p2 $0x0  }
0x1d: {  	s5 =	simm.s32 @p1 $0x1;
	p0 =	seq.s32 s7, s2  }
0x1e: {  	s7 =	smul.u32 @!p0 $0xF7A, s2;
	p2 =	seq.s32 @!p0 s5, $0x0  }
0x1f: {  	s9 =	smul.u32 $0xF7A, s1;
	s8 =	simm.s32 @!p0 $0x1BF5;
	p2 =	por !p2, p0  }
0x20: {  	[sflag:s8] =	ssyncset.s32 @!p0 $0xFFFFF086;
	s6 =	sadd.s32 @!p0 s3, s7;
	s7 =	simm.s32 @!p0 $0x108  }
0x21: {  	s3 =	sadd.s32 s3, s9;
	s6 =	sadd.s32 @!p0 $0x88, s6;
	s7 =	simm.s32 @p2 $0x1082  }
0x22: {  	[simem:s7], [sflag:s8] =	dma.local @!p0 [hbm:s6], $0xF7A  }
0x23: {  	s9 =	sor.u32 $0xD0000000, s2;
	s6 =	simm.s32 $0x108;
	_ =	swait.ge @!p0 [sflag:s8], $0x0  }
0x24: {  	s3 =	sadd.s32 $0x88, s3;
	s6 =	simm.s32 @!p1 $0x1082;
	[sflag:s4] =	ssyncset.s32 $0xFFFFF086  }
0x25: {  	[simem:s6], [sflag:s4] =	dma.local [hbm:s3], $0xF7A  }
0x26: {  	[smem:$0x3F8C] =	sst s1;
	(tag) =	ssettag s2;
	_ =	strace s9  }
0x27: {  	s1 =	sld [smem:$0x3F9C]  }
0x28: {  	s2 =	sld [smem:$0x3F9D]  }
0x29: {  	s4 =	sld [smem:$0x3F9F]  }
0x2a: {  	p0 =	seq.s32 s5, $0x0;
	s5 =	sld [smem:$0x3FA0]  }
0x2b: {  	s6 =	sld [smem:$0x3FA1]  }
0x2c: {  	s7 =	sld [smem:$0x3FA2]  }
0x2d: {  	s3 =	simm.s32 $0x108;
	s8 =	sld [smem:$0x3FA3]  }
0x2e: {  	s3 =	simm.s32 @!p0 $0x1082;
	s9 =	sld [smem:$0x3FA4]  }
0x2f: {  	lr =	sadd.s32 s0, s3;
	s0 =	sld [smem:$0x3F9B]  }
0x30: {  	s3 =	sld [smem:$0x3F9E]  }
0x31: {  	[smem:$0x3FA7] =	sst s10  }
0x32: {  	s10 =	sld [smem:$0x3FA5];
	_ =	sdelay $0x3  }
0x33: {  	p0 =	seq.s32 s10, $0x1;
	s10 =	sld [smem:$0x3FA7];
	_ =	sdelay $0x3  }
0x34: {  	[smem:$0x3FA7] =	sst s10  }
0x35: {  	s10 =	sld [smem:$0x3FA6];
	_ =	sdelay $0x3  }
0x36: {  	p1 =	seq.s32 s10, $0x1;
	s10 =	sld [smem:$0x3FA7];
	_ =	sdelay $0x3  }
0x37: {  	[smem:$0x3FA7] =	sst s10  }
0x38: {  	s10 =	sld [smem:$0x3FA8]  }
0x39: {  	_ = 	snop;
	(pc) =	sbr.ind lr, $3  }
0x3a: {  	_ = 	snop  }
0x3b: {  	_ = 	snop  }
0x3c: {  	p2 =	seq.s32 s10, $0x1;
	s10 =	sld [smem:$0x3FA7]  }
0x3d: {  	_ =	shalt  }
0x3e: {  	_ =	shalt  }
0x3f: {  	_ =	shalt  }
0x40: {  	_ =	shalt  }
0x41: {  	_ =	shalt  }
0x42: {  	_ =	shalt  }
0x43: {  	_ =	shalt  }
0x44: {  	_ =	shalt  }
0x45: {  	_ =	shalt  }
0x46: {  	_ =	shalt  }
0x47: {  	_ =	shalt  }
0x48: {  	_ =	shalt  }
0x49: {  	_ =	shalt  }
0x4a: {  	_ =	shalt  }
0x4b: {  	_ =	shalt  }
0x4c: {  	_ =	shalt  }
0x4d: {  	_ =	shalt  }
0x4e: {  	_ =	shalt  }
0x4f: {  	_ =	shalt  }
0x50: {  	_ =	shalt  }
0x51: {  	_ =	shalt  }
0x52: {  	_ =	shalt  }
0x53: {  	_ =	shalt  }
0x54: {  	_ =	shalt  }
0x55: {  	_ =	shalt  }
0x56: {  	_ =	shalt  }
0x57: {  	_ =	shalt  }
0x58: {  	_ =	shalt  }
0x59: {  	_ =	shalt  }
0x5a: {  	_ =	shalt  }
0x5b: {  	_ =	shalt  }
0x5c: {  	_ =	shalt  }
0x5d: {  	_ =	shalt  }
0x5e: {  	_ =	shalt  }
0x5f: {  	_ =	shalt  }
0x60: {  	_ =	shalt  }
0x61: {  	_ =	shalt  }
0x62: {  	_ =	shalt  }
0x63: {  	_ =	shalt  }
0x64: {  	_ =	shalt  }
0x65: {  	_ =	shalt  }
0x66: {  	_ =	shalt  }
0x67: {  	_ =	shalt  }
0x68: {  	_ =	shalt  }
0x69: {  	_ =	shalt  }
0x6a: {  	_ =	shalt  }
0x6b: {  	_ =	shalt  }
0x6c: {  	_ =	shalt  }
0x6d: {  	_ =	shalt  }
0x6e: {  	_ =	shalt  }
0x6f: {  	_ =	shalt  }
0x70: {  	_ =	shalt  }
0x71: {  	_ =	shalt  }
0x72: {  	_ =	shalt  }
0x73: {  	_ =	shalt  }
0x74: {  	_ =	shalt  }
0x75: {  	_ =	shalt  }
0x76: {  	_ =	shalt  }
0x77: {  	_ =	shalt  }
0x78: {  	_ =	shalt  }
0x79: {  	_ =	shalt  }
0x7a: {  	_ =	shalt  }
0x7b: {  	_ =	shalt  }
0x7c: {  	_ =	shalt  }
0x7d: {  	_ =	shalt  }
0x7e: {  	_ =	shalt  }
0x7f: {  	_ =	shalt  }
0x80: {  	_ =	shalt  }
0x81: {  	_ =	shalt  }
0x82: {  	_ =	shalt  }
0x83: {  	_ =	shalt  }
0x84: {  	_ =	shalt  }
0x85: {  	_ =	shalt  }
0x86: {  	_ =	shalt  }
0x87: {  	_ =	shalt  }
.Lfunc_end0:
.L_simem_size_0:
called_computation.2_lowered:
.L_overlay_start_0:
0x88: {  	s2 =	sld [smem:$0x3FD9]  }
0x89: {  	s3 =	sld [smem:$0x3FFE];
	_ =	sdelay $0x1  }
0x8a: {  	s1 =	srdreg.scid  }
0x8b: {  	s0 =	sand.u32 $0x1, s1  }
0x8c: {  	s16 =	sshll.u32 s0, $0xA;
	s2 =	sadd.s32 s3, s2  }
0x8d: {  	s2 =	sadd.s32 s2, s16  }
0x8e: {  	[smem:$0x3FB3] =	sst s2  }
0x8f: {  	_ = 	snop  }
0x90: {  	(tm) =	ssettm $0x1  }
0x91: {  	s17 =	sld [smem:$0x3FFB];
	_ =	sdelay $0x3  }
0x92: {  	_ =	strace s17  }
0x93: {  	s2 =	sld [smem:$0x3FFC];
	_ =	sdelay $0x3  }
0x94: {  	_ =	strace s2  }
0x95: {  	s2 =	sld [smem:$0x3FFD];
	_ =	sdelay $0x3  }
0x96: {  	_ =	strace s2  }
0x97: {  	_ =	strace $0x8FFFFFFF  }
0x98: {  	s18 =	sld [smem:$0x3FDB];
	_ =	sdelay $0x1  }
0x99: {  	s19 =	simm.s32 $_scs_section_size  }
0x9a: {  	s4 =	simm.s32 $_size__tile_overlayer_lowered;
	s5 =	simm.s32 $_tile_overlayer_lowered  }
0x9b: {  	s22 =	simm.s32 $0x1BFF;
	s21 =	sshll.u32 s5, $0x1;
	s2 =	sadd.s32 s19, s18  }
0x9c: {  	s6 =	simm.s32 $0x0;
	s20 =	sshll.u32 s4, $0x1;
	s4 =	sadd.s32 s21, s2  }
0x9d: {  	[timem:s6], [sflag:s22] =	dma.local [hbm:s4], s20  }
0x9e: {  	_ =	swait.ge [sflag:s22], s20  }
0x9f: {  	s3 =	ssub.s32 $0x0, s20;
	[sflag:s22] =	ssyncset.done $0x0  }
0xa0: {  	[sflag:s22] =	ssyncadd.s32 s3;
	_ =	sdelay $0x1  }
0xa1: {  	s23 =	simm.s32 $0x1B8B  }
0xa2: {  	_ =	swait.ge [sflag:s23], $0x1  }
0xa3: {  	[sflag:s23] =	ssyncset.done $0x0  }
0xa4: {  	s25 =	simm.s32 $0x1B8E;
	s24 =	sld [smem:$0x3FFE];
	[sflag:s23] =	ssyncadd.s32 $0xFFFFFFFF  }
0xa5: {  	s26 =	simm.s32 $execute0_lowered;
	[smem:$0x3FD2] =	sst s25  }
0xa6: {  	s4 =	sshll.u32 s26, $0x1;
	_ =	strace $0x8000004C;
	[dreg:$0x1] =	wrdreg $0xFFFFFFFF  }
0xa7: {  	s28 =	simm.s32 $_size_execute0_lowered;
	s2 =	sadd.s32 s2, s4;
	[dreg:$0x0] =	wrdreg $0x0  }
0xa8: {  	s4 =	sshll.u32 s28, $0x1;
	[dreg:$0x2] =	wrdreg s2  }
0xa9: {  	[dreg:$0x3] =	wrdreg s4  }
0xaa: {  	[dreg:$0x4] =	wrdreg $0xC0  }
0xab: {  	_ =	task [dreg:s6], $0x5FFFF  }
0xac: {  	[dreg:$0x1] =	wrdreg $0xFFFFFFFF  }
0xad: {  	[dreg:$0x0] =	wrdreg $0x60  }
0xae: {  	[dreg:$0x2] =	wrdreg s24  }
0xaf: {  	[dreg:$0x3] =	wrdreg $0x60000  }
0xb0: {  	[dreg:$0x4] =	wrdreg $0x9  }
0xb1: {  	_ =	task.clear_ibuf [dreg:s6], $0x5FFFF;
	_ =	strace $0x9000004C  }
0xb2: {  	s29 =	simm.s32 $0x9;
	_ =	strace $0x8000004E  }
0xb3: {  	_ =	swait.ge [sflag:s29], $0x1  }
0xb4: {  	[sflag:s29] =	ssyncadd.s32 $0xFFFFFFFF  }
0xb5: {  	_ =	strace $0x9000004E  }
0xb6: {  	_ =	sfence  }
0xb7: {  	s30 =	sld [smem:$0x0];
	_ =	sdelay $0x2  }
0xb8: {  	s31 =	sshll.u32 s1, $0xD;
	s1 =	sshrl.u32 s1, $0x2  }
0xb9: {  	s3 =	sand.u32 $0x4000, s31;
	s1 =	sadd.s32 s1, s30  }
0xba: {  	s0 =	sor.u32 s3, s0;
	s1 =	sshll.u32 s1, $0x11  }
0xbb: {  	s0 =	sor.u32 s1, s0  }
0xbc: {  	s0 =	sadd.s32 $0x8F2B, s0  }
0xbd: {  	[sflag:s0] =	ssyncadd.remote.s32 $0x1  }
0xbe: {  	_ =	sfence.sel $0xFFFF  }
0xbf: {  	[dreg:$0x0] =	wrdreg $0xFFFFFFFF;
	(pc) =	sbr.abs _section_cstart, $3  }
0xc0: {  	[dreg:$0x1] =	wrdreg $0xFFFFFFFF  }
0xc1: {  	_ =	task.clear_ibuf [dreg:s6], $0x2FFFF;
	_ =	strace $0x9FFFFFFF  }
0xc2: {  	(tm) =	ssettm $0x7FFFFFFF  }
0xc3: {  	_ =	shalt  }
tec
execute0_lowered:
.L_overlay_start_1:
0x0: {  	(tag) =	ssettag $0x1  }
0x1: {  	s0 =	rddreg [dreg:$0x0]  }
0x2: {  	s2 =	rddreg [dreg:$0x1];
	s3 =	simm.s32 $0x0;
	s1 =	srdreg.scid  }
0x3: {  	s13 =	stileid.u32;
	s18 =	simm.s32 $0x400;
	s19 =	simm.s32 $0xA00  }
0x4: {  	s20 =	simm.s32 $0x600;
	s28 =	simm.s32 $0x4;
	s29 =	simm.s32 $0x1C00  }
0x5: {  	s30 =	simm.s32 $0x1E00;
	s31 =	simm.s32 $0x0;
	s8 =	smul.u32 $0x3100, s13  }
0x6: {  	[smem:$0x7FF] =	sst s3;
	s1 =	sand.u32 $0x1, s1;
	s6 =	smul.u32 $0x62000, s13  }
0x7: {  	s4 =	sadd.s32 $0x5A00, s0;
	s5 =	sadd.s32 $0x55F000, s0;
	s12 =	smul.u32 $0xC40, s13  }
0x8: {  	s7 =	sadd.s32 $0x18C600, s0;
	s14 =	sadd.s32 $0x67A00, s0;
	s15 =	smul.u32 $0xC400, s13  }
0x9: {  	_ =	strace $0x8000004D;
	s9 =	smul.u32 $0x31000, s1;
	[dreg:$0xd] =	wrdreg s14  }
0xa: {  	s24 =	sshll.u32 s13, $0x6;
	s11 =	smul.u32 $0xC400, s1;
	[dreg:$0x4] =	wrdreg s18  }
0xb: {  	s10 =	ssub.s32 $0x2, s1;
	s1 =	smul.u32 $0x620000, s1;
	[dreg:$0x5] =	wrdreg s19  }
0xc: {  	[dreg:$0x6] =	wrdreg s20;
	s18 =	simm.s32 $0x800;
	s19 =	simm.s32 $0x200  }
0xd: {  	s20 =	simm.s32 $0x2000;
	s21 =	sshrl.u32 s10, $0x1;
	s23 =	sshrl.u32 s6, $0x2  }
0xe: {  	s17 =	sadd.s32 s15, s7;
	s8 =	sadd.s32 s8, s9;
	s22 =	ssub.s32 s10, s21  }
0xf: {  	s11 =	sadd.s32 s12, s11;
	s25 =	sadd.s32 s23, s2;
	s9 =	sor.u32 $0x1C05, s24  }
0x10: {  	s12 =	sshrl.u32 s6, $0x3;
	s16 =	sadd.s32 s6, s1;
	s1 =	sadd.s32 $0x100, s17  }
0x11: {  	s17 =	simm.s32 $0x5;
	s21 =	simm.s32 $0xC00;
	s23 =	simm.s32 $0x1200  }
0x12: {  	s24 =	simm.s32 $0x1400;
	s0 =	sadd.s32 s8, s0;
	[dreg:$0x7] =	wrdreg s21  }
0x13: {  	s26 =	sshll.u32 s11, $0x7;
	s11 =	sshll.u32 s11, $0x4;
	[dreg:$0x9] =	wrdreg s23  }
0x14: {  	s13 =	smax.u32 s22, $0x1;
	s22 =	simm.s32 $0xE00;
	[dreg:$0xa] =	wrdreg s24  }
0x15: {  	s21 =	simm.s32 $0x1000;
	s23 =	simm.s32 $0x4000;
	[dreg:$0x3] =	wrdreg s26  }
0x16: {  	s24 =	simm.s32 $0x1;
	s10 =	sadd.s32 s5, s11;
	[dreg:$0x8] =	wrdreg s22  }
0x17: {  	s22 =	simm.s32 $0x1800;
	s26 =	simm.s32 $0x1600;
	[dreg:$0xe] =	wrdreg s10  }
0x18: {  	s10 =	sadd.s32 s7, s12;
	s12 =	sadd.s32 $0x6AC00, s0;
	s0 =	sor.u32 $0x800, s16  }
0x19: {  	s16 =	sshrl.u32 s25, $0x3;
	s25 =	simm.s32 $0x1A00;
	[dreg:$0xc] =	wrdreg s26  }
0x1a: {  	s26 =	simm.s32 $0x2;
	[dreg:$0xf] =	wrdreg s10;
	s0 =	sshrl.u32 s0, $0x3  }
0x1b: {  	[dreg:$0xb] =	wrdreg s25;
	s25 =	simm.s32 $0x3;
	s8 =	sadd.s32 s0, s5  }
.LBB2_1:
0x1c: {  	s0 =	rddreg [dreg:$0xd]  }
0x1d: {  	[spmem:s16], [sflag:s9] =	dma.local [hbm:s0], $0x3100  }
0x1e: {  	_ =	swait.ge [sflag:s17], $0x3100  }
0x1f: {  	[sflag:s17] =	ssyncset.done $0x0  }
0x20: {  	[sflag:s17] =	ssyncadd.s32 $0xFFFFCF00  }
0x21: {  	[bflag:$0x0] =	sbarrier.arrive $0xFFFF  }
0x22: {  	s15 =	rddreg [dreg:$0xe]  }
0x23: {  	[tilespmem:s3], [sflag:$0x5] =	stream.linear.gather [hbm4b:s15+s3], $0x800, $0x38;
	[tilespmem:$0x1E800] =	vst v63  }
0x24: {  	_ =	swait.ge [sflag:s17], $0x800  }
0x25: {  	[sflag:s17] =	ssyncset.done $0x0  }
0x26: {  	s10 =	rddreg [dreg:$0xf];
	[sflag:s17] =	ssyncadd.s32 $0xFFFFF800  }
0x27: {  	[tilespmem:s18], [sflag:$0x5] =	stream.linear.gather [hbm4b:s10+s3], $0x800, $0x38;
	[tilespmem:$0x1E800] =	vst v63  }
0x28: {  	_ =	swait.ge [sflag:s17], $0x800  }
0x29: {  	[sflag:s17] =	ssyncset.done $0x0  }
0x2a: {  	[sflag:s17] =	ssyncadd.s32 $0xFFFFF800  }
0x2b: {  	[tilespmem:s20], [sflag:$0x1] =	stream.indirect.gather [hbm4b:s4+s19], $0x10, s3, s19, $0xb8;
	[tilespmem:$0x1E800] =	vst v63  }
0x2c: {  	_ = 	snop  }
0x2d: {  	[tilespmem:s21], [sflag:$0x5] =	stream.linear.gather [hbm4b:s8+s3], $0x800, $0x38;
	[tilespmem:$0x1E800] =	vst v63  }
0x2e: {  	_ =	swait.ge [sflag:s17], $0x800  }
0x2f: {  	[sflag:s17] =	ssyncset.done $0x0  }
0x30: {  	[sflag:s17] =	ssyncadd.s32 $0xFFFFF800  }
0x31: {  	[tilespmem:s22], [sflag:$0x5] =	stream.linear.gather [hbm4b:s1+s3], $0x800, $0x38;
	[tilespmem:$0x1E800] =	vst v63  }
0x32: {  	_ =	swait.ge [sflag:s17], $0x800  }
0x33: {  	[sflag:s17] =	ssyncset.done $0x0  }
0x34: {  	[sflag:s17] =	ssyncadd.s32 $0xFFFFF800  }
0x35: {  	[tilespmem:s23], [sflag:$0x2] =	stream.indirect.gather [hbm4b:s4+s19], $0x10, s19, s19, $0xb8;
	[tilespmem:$0x1E800] =	vst v63  }
0x36: {  	_ =	swait.ge [sflag:s24], $0x2000  }
0x37: {  	[sflag:s24] =	ssyncset.done $0x0  }
0x38: {  	[sflag:s24] =	ssyncadd.s32 $0xFFFFE000  }
0x39: {  	[spmem:s2] =	stream.indirect.scatter.add.f32 [tilespmem:s20], [sflag:$0x3], $0x10, s18, s19, $0xb8;
	[tilespmem:$0x1E800] =	vst v63  }
0x3a: {  	_ =	swait.ge [sflag:s25], $0x2000  }
0x3b: {  	[sflag:s25] =	ssyncset.done $0x0  }
0x3c: {  	s11 =	rddreg [dreg:$0x4];
	[sflag:s25] =	ssyncadd.s32 $0xFFFFE000  }
0x3d: {  	[tilespmem:s20], [sflag:$0x1] =	stream.indirect.gather [hbm4b:s4+s19], $0x10, s11, s19, $0xb8;
	[tilespmem:$0x1E800] =	vst v63  }
0x3e: {  	_ =	swait.ge [sflag:s26], $0x2000  }
0x3f: {  	[sflag:s26] =	ssyncset.done $0x0  }
0x40: {  	s14 =	rddreg [dreg:$0x5];
	[sflag:s26] =	ssyncadd.s32 $0xFFFFE000  }
0x41: {  	[spmem:s2] =	stream.indirect.scatter.add.f32 [tilespmem:s23], [sflag:$0x4], $0x10, s14, s19, $0xb8;
	[tilespmem:$0x1E800] =	vst v63  }
0x42: {  	_ =	swait.ge [sflag:s28], $0x2000  }
0x43: {  	[sflag:s28] =	ssyncset.done $0x0  }
0x44: {  	s15 =	rddreg [dreg:$0x6];
	[sflag:s28] =	ssyncadd.s32 $0xFFFFE000  }
0x45: {  	[tilespmem:s23], [sflag:$0x2] =	stream.indirect.gather [hbm4b:s4+s19], $0x10, s15, s19, $0xb8;
	[tilespmem:$0x1E800] =	vst v63  }
0x46: {  	_ =	swait.ge [sflag:s24], $0x2000  }
0x47: {  	[sflag:s24] =	ssyncset.done $0x0  }
0x48: {  	s10 =	rddreg [dreg:$0x7];
	[sflag:s24] =	ssyncadd.s32 $0xFFFFE000  }
0x49: {  	[spmem:s2] =	stream.indirect.scatter.add.f32 [tilespmem:s20], [sflag:$0x3], $0x10, s10, s19, $0xb8;
	[tilespmem:$0x1E800] =	vst v63  }
0x4a: {  	_ =	swait.ge [sflag:s25], $0x2000  }
0x4b: {  	[sflag:s25] =	ssyncset.done $0x0  }
0x4c: {  	[sflag:s25] =	ssyncadd.s32 $0xFFFFE000  }
0x4d: {  	[tilespmem:s20], [sflag:$0x1] =	stream.indirect.gather [hbm4b:s4+s19], $0x10, s21, s19, $0xb8;
	[tilespmem:$0x1E800] =	vst v63  }
0x4e: {  	_ =	swait.ge [sflag:s26], $0x2000  }
0x4f: {  	[sflag:s26] =	ssyncset.done $0x0  }
0x50: {  	s11 =	rddreg [dreg:$0x8];
	[sflag:s26] =	ssyncadd.s32 $0xFFFFE000  }
0x51: {  	[spmem:s2] =	stream.indirect.scatter.add.f32 [tilespmem:s23], [sflag:$0x4], $0x10, s11, s19, $0xb8;
	[tilespmem:$0x1E800] =	vst v63  }
0x52: {  	s10 =	smin.u32 s3, $0x60800;
	_ =	swait.ge [sflag:s28], $0x2000  }
0x53: {  	s10 =	sadd.s32 $0x1000, s10;
	s14 =	rddreg [dreg:$0x3]  }
0x54: {  	s0 =	sadd.s32 s14, s10  }
0x55: {  	[sflag:s28] =	ssyncset.done $0x0;
	s0 =	sshrl.u32 s0, $0x3  }
0x56: {  	[sflag:s28] =	ssyncadd.s32 $0xFFFFE000;
	s0 =	sadd.s32 s5, s0  }
0x57: {  	[tilespmem:s3], [sflag:$0x5] =	stream.linear.gather [hbm4b:s0+s3], $0x800, $0x38;
	[tilespmem:$0x1E800] =	vst v63  }
0x58: {  	s15 =	sadd.s32 s6, s10;
	_ =	swait.ge [sflag:s17], $0x800  }
0x59: {  	s0 =	sshrl.u32 s15, $0x3;
	[sflag:s17] =	ssyncset.done $0x0  }
0x5a: {  	s0 =	sadd.s32 s7, s0;
	[sflag:s17] =	ssyncadd.s32 $0xFFFFF800  }
0x5b: {  	[tilespmem:s18], [sflag:$0x5] =	stream.linear.gather [hbm4b:s0+s3], $0x800, $0x38;
	[tilespmem:$0x1E800] =	vst v63  }
0x5c: {  	_ =	swait.ge [sflag:s17], $0x800  }
0x5d: {  	[sflag:s17] =	ssyncset.done $0x0  }
0x5e: {  	s10 =	rddreg [dreg:$0x9];
	[sflag:s17] =	ssyncadd.s32 $0xFFFFF800  }
0x5f: {  	[tilespmem:s23], [sflag:$0x2] =	stream.indirect.gather [hbm4b:s4+s19], $0x10, s10, s19, $0xb8;
	[tilespmem:$0x1E800] =	vst v63  }
0x60: {  	_ =	swait.ge [sflag:s24], $0x2000  }
0x61: {  	[sflag:s24] =	ssyncset.done $0x0  }
0x62: {  	[sflag:s24] =	ssyncadd.s32 $0xFFFFE000  }
0x63: {  	[spmem:s2] =	stream.indirect.scatter.add.f32 [tilespmem:s20], [sflag:$0x3], $0x10, s22, s19, $0xb8;
	[tilespmem:$0x1E800] =	vst v63  }
0x64: {  	_ =	swait.ge [sflag:s25], $0x2000  }
0x65: {  	[sflag:s25] =	ssyncset.done $0x0  }
0x66: {  	s11 =	rddreg [dreg:$0xa];
	[sflag:s25] =	ssyncadd.s32 $0xFFFFE000  }
0x67: {  	[tilespmem:s20], [sflag:$0x1] =	stream.indirect.gather [hbm4b:s4+s19], $0x10, s11, s19, $0xb8;
	[tilespmem:$0x1E800] =	vst v63  }
0x68: {  	_ =	swait.ge [sflag:s26], $0x2000  }
0x69: {  	[sflag:s26] =	ssyncset.done $0x0  }
0x6a: {  	s14 =	rddreg [dreg:$0xb];
	[sflag:s26] =	ssyncadd.s32 $0xFFFFE000  }
0x6b: {  	[spmem:s2] =	stream.indirect.scatter.add.f32 [tilespmem:s23], [sflag:$0x4], $0x10, s14, s19, $0xb8;
	[tilespmem:$0x1E800] =	vst v63  }
0x6c: {  	_ =	swait.ge [sflag:s28], $0x2000  }
0x6d: {  	[sflag:s28] =	ssyncset.done $0x0  }
0x6e: {  	s15 =	rddreg [dreg:$0xc];
	[sflag:s28] =	ssyncadd.s32 $0xFFFFE000  }
0x6f: {  	[tilespmem:s23], [sflag:$0x2] =	stream.indirect.gather [hbm4b:s4+s19], $0x10, s15, s19, $0xb8;
	[tilespmem:$0x1E800] =	vst v63  }
0x70: {  	_ =	swait.ge [sflag:s24], $0x2000  }
0x71: {  	[sflag:s24] =	ssyncset.done $0x0  }
0x72: {  	[sflag:s24] =	ssyncadd.s32 $0xFFFFE000  }
0x73: {  	[spmem:s2] =	stream.indirect.scatter.add.f32 [tilespmem:s20], [sflag:$0x3], $0x10, s29, s19, $0xb8;
	[tilespmem:$0x1E800] =	vst v63  }
0x74: {  	_ =	swait.ge [sflag:s25], $0x2000  }
0x75: {  	[sflag:s25] =	ssyncset.done $0x0  }
0x76: {  	[sflag:s25] =	ssyncadd.s32 $0xFFFFE000  }
0x77: {  	_ =	swait.ge [sflag:s26], $0x2000  }
0x78: {  	[sflag:s26] =	ssyncset.done $0x0  }
0x79: {  	[sflag:s26] =	ssyncadd.s32 $0xFFFFE000  }
0x7a: {  	[spmem:s2] =	stream.indirect.scatter.add.f32 [tilespmem:s23], [sflag:$0x4], $0x10, s30, s19, $0xb8;
	[tilespmem:$0x1E800] =	vst v63  }
0x7b: {  	s0 =	simm.s32 $0x1000;
	_ =	swait.ge [sflag:s28], $0x2000  }
0x7c: {  	s14 =	smov.u32 s1;
	s15 =	smov.u32 s8;
	[sflag:s28] =	ssyncset.done $0x0  }
.LBB2_2:
0x7d: {  	[sflag:s28] =	ssyncadd.s32 $0xFFFFE000  }
0x7e: {  	[tilespmem:s20], [sflag:$0x1] =	stream.indirect.gather [hbm4b:s4+s19], $0x10, s3, s19, $0xb8;
	[tilespmem:$0x1E800] =	vst v63  }
0x7f: {  	s15 =	sadd.s32 $0x200, s15  }
0x80: {  	[tilespmem:s21], [sflag:$0x5] =	stream.linear.gather [hbm4b:s15+s3], $0x800, $0x38;
	[tilespmem:$0x1E800] =	vst v63  }
0x81: {  	_ =	swait.ge [sflag:s17], $0x800  }
0x82: {  	[sflag:s17] =	ssyncset.done $0x0  }
0x83: {  	s14 =	sadd.s32 $0x200, s14;
	[sflag:s17] =	ssyncadd.s32 $0xFFFFF800  }
0x84: {  	[tilespmem:s22], [sflag:$0x5] =	stream.linear.gather [hbm4b:s14+s3], $0x800, $0x38;
	[tilespmem:$0x1E800] =	vst v63  }
0x85: {  	_ =	swait.ge [sflag:s17], $0x800  }
0x86: {  	[sflag:s17] =	ssyncset.done $0x0  }
0x87: {  	[sflag:s17] =	ssyncadd.s32 $0xFFFFF800  }
0x88: {  	[tilespmem:s23], [sflag:$0x2] =	stream.indirect.gather [hbm4b:s4+s19], $0x10, s19, s19, $0xb8;
	[tilespmem:$0x1E800] =	vst v63  }
0x89: {  	_ =	swait.ge [sflag:s24], $0x2000  }
0x8a: {  	[sflag:s24] =	ssyncset.done $0x0  }
0x8b: {  	[sflag:s24] =	ssyncadd.s32 $0xFFFFE000  }
0x8c: {  	[spmem:s2] =	stream.indirect.scatter.add.f32 [tilespmem:s20], [sflag:$0x3], $0x10, s18, s19, $0xb8;
	[tilespmem:$0x1E800] =	vst v63  }
0x8d: {  	_ =	swait.ge [sflag:s25], $0x2000  }
0x8e: {  	[sflag:s25] =	ssyncset.done $0x0  }
0x8f: {  	s11 =	rddreg [dreg:$0x4];
	[sflag:s25] =	ssyncadd.s32 $0xFFFFE000  }
0x90: {  	[tilespmem:s20], [sflag:$0x1] =	stream.indirect.gather [hbm4b:s4+s19], $0x10, s11, s19, $0xb8;
	[tilespmem:$0x1E800] =	vst v63  }
0x91: {  	_ =	swait.ge [sflag:s26], $0x2000  }
0x92: {  	[sflag:s26] =	ssyncset.done $0x0  }
0x93: {  	s11 =	rddreg [dreg:$0x5];
	[sflag:s26] =	ssyncadd.s32 $0xFFFFE000  }
0x94: {  	[spmem:s2] =	stream.indirect.scatter.add.f32 [tilespmem:s23], [sflag:$0x4], $0x10, s11, s19, $0xb8;
	[tilespmem:$0x1E800] =	vst v63  }
0x95: {  	_ =	swait.ge [sflag:s28], $0x2000  }
0x96: {  	[sflag:s28] =	ssyncset.done $0x0  }
0x97: {  	s11 =	rddreg [dreg:$0x6];
	[sflag:s28] =	ssyncadd.s32 $0xFFFFE000  }
0x98: {  	[tilespmem:s23], [sflag:$0x2] =	stream.indirect.gather [hbm4b:s4+s19], $0x10, s11, s19, $0xb8;
	[tilespmem:$0x1E800] =	vst v63  }
0x99: {  	_ =	swait.ge [sflag:s24], $0x2000  }
0x9a: {  	[sflag:s24] =	ssyncset.done $0x0  }
0x9b: {  	s11 =	rddreg [dreg:$0x7];
	[sflag:s24] =	ssyncadd.s32 $0xFFFFE000  }
0x9c: {  	[spmem:s2] =	stream.indirect.scatter.add.f32 [tilespmem:s20], [sflag:$0x3], $0x10, s11, s19, $0xb8;
	[tilespmem:$0x1E800] =	vst v63  }
0x9d: {  	_ =	swait.ge [sflag:s25], $0x2000  }
0x9e: {  	[sflag:s25] =	ssyncset.done $0x0  }
0x9f: {  	[sflag:s25] =	ssyncadd.s32 $0xFFFFE000  }
0xa0: {  	[tilespmem:s20], [sflag:$0x1] =	stream.indirect.gather [hbm4b:s4+s19], $0x10, s21, s19, $0xb8;
	[tilespmem:$0x1E800] =	vst v63  }
0xa1: {  	_ =	swait.ge [sflag:s26], $0x2000  }
0xa2: {  	[sflag:s26] =	ssyncset.done $0x0  }
0xa3: {  	s10 =	smov.u32 s0;
	s11 =	rddreg [dreg:$0x8];
	[sflag:s26] =	ssyncadd.s32 $0xFFFFE000  }
0xa4: {  	[spmem:s2] =	stream.indirect.scatter.add.f32 [tilespmem:s23], [sflag:$0x4], $0x10, s11, s19, $0xb8;
	[tilespmem:$0x1E800] =	vst v63  }
0xa5: {  	s10 =	smin.u32 s10, $0x60800;
	_ =	swait.ge [sflag:s28], $0x2000  }
0xa6: {  	s10 =	sadd.s32 $0x1000, s10;
	s11 =	rddreg [dreg:$0x3]  }
0xa7: {  	s11 =	sadd.s32 s11, s10  }
0xa8: {  	[sflag:s28] =	ssyncset.done $0x0;
	s11 =	sshrl.u32 s11, $0x3  }
0xa9: {  	[sflag:s28] =	ssyncadd.s32 $0xFFFFE000;
	s11 =	sadd.s32 s5, s11  }
0xaa: {  	[tilespmem:s3], [sflag:$0x5] =	stream.linear.gather [hbm4b:s11+s3], $0x800, $0x38;
	[tilespmem:$0x1E800] =	vst v63  }
0xab: {  	s10 =	sadd.s32 s6, s10;
	_ =	swait.ge [sflag:s17], $0x800  }
0xac: {  	s10 =	sshrl.u32 s10, $0x3;
	[sflag:s17] =	ssyncset.done $0x0  }
0xad: {  	s10 =	sadd.s32 s7, s10;
	[sflag:s17] =	ssyncadd.s32 $0xFFFFF800  }
0xae: {  	[tilespmem:s18], [sflag:$0x5] =	stream.linear.gather [hbm4b:s10+s3], $0x800, $0x38;
	[tilespmem:$0x1E800] =	vst v63  }
0xaf: {  	_ =	swait.ge [sflag:s17], $0x800  }
0xb0: {  	[sflag:s17] =	ssyncset.done $0x0  }
0xb1: {  	s11 =	rddreg [dreg:$0x9];
	[sflag:s17] =	ssyncadd.s32 $0xFFFFF800  }
0xb2: {  	[tilespmem:s23], [sflag:$0x2] =	stream.indirect.gather [hbm4b:s4+s19], $0x10, s11, s19, $0xb8;
	[tilespmem:$0x1E800] =	vst v63  }
0xb3: {  	_ =	swait.ge [sflag:s24], $0x2000  }
0xb4: {  	[sflag:s24] =	ssyncset.done $0x0  }
0xb5: {  	[sflag:s24] =	ssyncadd.s32 $0xFFFFE000  }
0xb6: {  	[spmem:s2] =	stream.indirect.scatter.add.f32 [tilespmem:s20], [sflag:$0x3], $0x10, s22, s19, $0xb8;
	[tilespmem:$0x1E800] =	vst v63  }
0xb7: {  	_ =	swait.ge [sflag:s25], $0x2000  }
0xb8: {  	[sflag:s25] =	ssyncset.done $0x0  }
0xb9: {  	s11 =	rddreg [dreg:$0xa];
	[sflag:s25] =	ssyncadd.s32 $0xFFFFE000  }
0xba: {  	[tilespmem:s20], [sflag:$0x1] =	stream.indirect.gather [hbm4b:s4+s19], $0x10, s11, s19, $0xb8;
	[tilespmem:$0x1E800] =	vst v63  }
0xbb: {  	_ =	swait.ge [sflag:s26], $0x2000  }
0xbc: {  	[sflag:s26] =	ssyncset.done $0x0  }
0xbd: {  	s11 =	rddreg [dreg:$0xb];
	[sflag:s26] =	ssyncadd.s32 $0xFFFFE000  }
0xbe: {  	[spmem:s2] =	stream.indirect.scatter.add.f32 [tilespmem:s23], [sflag:$0x4], $0x10, s11, s19, $0xb8;
	[tilespmem:$0x1E800] =	vst v63  }
0xbf: {  	_ =	swait.ge [sflag:s28], $0x2000  }
0xc0: {  	[sflag:s28] =	ssyncset.done $0x0  }
0xc1: {  	s11 =	rddreg [dreg:$0xc];
	[sflag:s28] =	ssyncadd.s32 $0xFFFFE000  }
0xc2: {  	[tilespmem:s23], [sflag:$0x2] =	stream.indirect.gather [hbm4b:s4+s19], $0x10, s11, s19, $0xb8;
	[tilespmem:$0x1E800] =	vst v63  }
0xc3: {  	_ =	swait.ge [sflag:s24], $0x2000  }
0xc4: {  	[sflag:s24] =	ssyncset.done $0x0  }
0xc5: {  	[sflag:s24] =	ssyncadd.s32 $0xFFFFE000  }
0xc6: {  	[spmem:s2] =	stream.indirect.scatter.add.f32 [tilespmem:s20], [sflag:$0x3], $0x10, s29, s19, $0xb8;
	[tilespmem:$0x1E800] =	vst v63  }
0xc7: {  	_ =	swait.ge [sflag:s25], $0x2000  }
0xc8: {  	[sflag:s25] =	ssyncset.done $0x0  }
0xc9: {  	[sflag:s25] =	ssyncadd.s32 $0xFFFFE000  }
0xca: {  	p0 =	sne.s32 s0, $0x61000;
	_ =	swait.ge [sflag:s26], $0x2000  }
.Ltmp0:
0xcb: {  	[sflag:s26] =	ssyncset.done $0x0;
	(pc) =	sbr.rel @p0 .LBB2_2-.Ltmp0, $4  }
0xcc: {  	[sflag:s26] =	ssyncadd.s32 $0xFFFFE000  }
0xcd: {  	[spmem:s2] =	stream.indirect.scatter.add.f32 [tilespmem:s23], [sflag:$0x4], $0x10, s30, s19, $0xb8;
	[tilespmem:$0x1E800] =	vst v63  }
0xce: {  	_ =	swait.ge [sflag:s28], $0x2000  }
0xcf: {  	s0 =	sadd.s32 $0x1000, s0;
	[sflag:s28] =	ssyncset.done $0x0  }
0xd0: {  	s31 =	sadd.s32 $0x1, s31  }
0xd1: {  	[sflag:s28] =	ssyncadd.s32 $0xFFFFE000;
	p0 =	sne.s32 s31, s13  }
.Ltmp1:
0xd2: {  	[bflag:$0x0] =	sbarrier.arrive $0xFFFF;
	(pc) =	sbr.rel @p0 .LBB2_1-.Ltmp1, $4  }
0xd3: {  	[hbm:s12], [sflag:s9] =	dma.local [spmem:s16], $0x3100  }
0xd4: {  	_ =	swait.ge [sflag:s17], $0x3100  }
0xd5: {  	[sflag:s17] =	ssyncset.done $0x0  }
0xd6: {  	[sflag:s17] =	ssyncadd.s32 $0xFFFFCF00  }
0xd7: {  	_ =	sfence.sel $0x180000  }
0xd8: {  	[bflag:$0x0] =	sbarrier.arrive $0xFFFF  }
0xd9: {  	_ =	strace $0x9000004D  }
0xda: {  	s0 =	stileid.u32;
	[bflag:$0x2] =	sbarrier.arrive $0xFFFF  }
0xdb: {  	p0 =	sne.s32 s0, $0x0;
	s0 =	rddreg [dreg:$0x2]  }
0xdc: {  	s0 =	sadd.s32 @!p0 $0x100000, s0  }
0xdd: {  	[sflag:s0] =	ssyncadd.tile.s32 @!p0 $0x1;
	_ =	shalt  }
.Lfunc_end2:
_tile_overlayer_lowered:
.L_overlay_start_2:
0xde: {  	(tag) =	ssettag $0x2  }
0xdf: {  	s0 =	rddreg [dreg:$0x0];
	s2 =	stileid.u32  }
0xe0: {  	s1 =	rddreg [dreg:$0x1];
	p0 =	sne.s32 s2, $0x0  }
0xe1: {  	s3 =	rddreg [dreg:$0x2];
	[bflag:$0x3] =	sbarrier.arrive $0xFFFF;
	s2 =	simm.s32 @!p0 $0x1C05  }
0xe2: {  	[timem:s3], [sflag:s2] =	dma.local @!p0 [hbm:s0], s1  }
0xe3: {  	s0 =	simm.s32 @!p0 $0x5  }
0xe4: {  	_ =	swait.ge @!p0 [sflag:s0], s1  }
0xe5: {  	s1 =	ssub.s32 @!p0 $0x0, s1;
	[sflag:s0] =	ssyncset.done @!p0 $0x0  }
0xe6: {  	[sflag:s0] =	ssyncadd.s32 @!p0 s1  }
0xe7: {  	[bflag:$0x3] =	sbarrier.arrive $0xFFFF  }
0xe8: {  	_ =	shalt  }

// kernel: kernel.23.cloned.1.call-start
scs
__scs_entry_jumppad:
0x0: {  	(pc) =	sbr.rel $0x88, $3  }
0x1: {  	(tag) =	ssettag $0x0;
	lr =	simm.s32 $0x1  }
0x2: {  	[smem:$0x3F8C] =	sst lr;
	_ =	strace $0xD0000000  }
0x3: {  	_ = 	snop  }
0x4: {  	_ = 	snop  }
0x5: {  	_ = 	snop  }
0x6: {  	_ = 	snop  }
0x7: {  	_ = 	snop  }
__scs_overlays_trampoline_lowered:
0x8: {  	[smem:$0x3F9B] =	sst s0  }
0x9: {  	[smem:$0x3F9C] =	sst s1  }
0xa: {  	[smem:$0x3F9D] =	sst s2  }
0xb: {  	[smem:$0x3F9E] =	sst s3  }
0xc: {  	[smem:$0x3F9F] =	sst s4  }
0xd: {  	[smem:$0x3FA0] =	sst s5  }
0xe: {  	[smem:$0x3FA1] =	sst s6  }
0xf: {  	[smem:$0x3FA2] =	sst s7  }
0x10: {  	[smem:$0x3FA3] =	sst s8  }
0x11: {  	[smem:$0x3FA4] =	sst s9;
	s0 =	simm.s32 @!p0 $0x0  }
0x12: {  	s1 =	sld [smem:$0x3F8A];
	s0 =	simm.s32 @p0 $0x1  }
0x13: {  	[smem:$0x3FA5] =	sst s0;
	s0 =	simm.s32 @!p1 $0x0  }
0x14: {  	s2 =	sld [smem:$0x3F89];
	s0 =	simm.s32 @p1 $0x1  }
0x15: {  	[smem:$0x3FA6] =	sst s0;
	s0 =	simm.s32 @!p2 $0x0  }
0x16: {  	s3 =	sld [smem:$0x3FDB];
	s0 =	simm.s32 @p2 $0x1  }
0x17: {  	s4 =	simm.s32 $0x1BF5;
	[smem:$0x3FA8] =	sst s0  }
0x18: {  	s0 =	sld [smem:$0x3F8B];
	_ =	swait.ge [sflag:s4], $0x0  }
0x19: {  	s7 =	sld [smem:$0x3F8C]  }
0x1a: {  	s8 =	sadd.s32 $0xFFFFE003, lr  }
0x1b: {  	s9 =	sadd.s32 $0xFFFFFEF7, lr;
	s5 =	simm.s32 $0xFFFFFFFF;
	p2 =	slt.u32 s8, $0xFFFFF086  }
0x1c: {  	p1 =	slt.u32 s9, $0xF7A;
	s5 =	simm.s32 @!p2 $0x0  }
0x1d: {  	s5 =	simm.s32 @p1 $0x1;
	p0 =	seq.s32 s7, s2  }
0x1e: {  	s7 =	smul.u32 @!p0 $0xF7A, s2;
	p2 =	seq.s32 @!p0 s5, $0x0  }
0x1f: {  	s9 =	smul.u32 $0xF7A, s1;
	s8 =	simm.s32 @!p0 $0x1BF5;
	p2 =	por !p2, p0  }
0x20: {  	[sflag:s8] =	ssyncset.s32 @!p0 $0xFFFFF086;
	s6 =	sadd.s32 @!p0 s3, s7;
	s7 =	simm.s32 @!p0 $0x108  }
0x21: {  	s3 =	sadd.s32 s3, s9;
	s6 =	sadd.s32 @!p0 $0x88, s6;
	s7 =	simm.s32 @p2 $0x1082  }
0x22: {  	[simem:s7], [sflag:s8] =	dma.local @!p0 [hbm:s6], $0xF7A  }
0x23: {  	s9 =	sor.u32 $0xD0000000, s2;
	s6 =	simm.s32 $0x108;
	_ =	swait.ge @!p0 [sflag:s8], $0x0  }
0x24: {  	s3 =	sadd.s32 $0x88, s3;
	s6 =	simm.s32 @!p1 $0x1082;
	[sflag:s4] =	ssyncset.s32 $0xFFFFF086  }
0x25: {  	[simem:s6], [sflag:s4] =	dma.local [hbm:s3], $0xF7A  }
0x26: {  	[smem:$0x3F8C] =	sst s1;
	(tag) =	ssettag s2;
	_ =	strace s9  }
0x27: {  	s1 =	sld [smem:$0x3F9C]  }
0x28: {  	s2 =	sld [smem:$0x3F9D]  }
0x29: {  	s4 =	sld [smem:$0x3F9F]  }
0x2a: {  	p0 =	seq.s32 s5, $0x0;
	s5 =	sld [smem:$0x3FA0]  }
0x2b: {  	s6 =	sld [smem:$0x3FA1]  }
0x2c: {  	s7 =	sld [smem:$0x3FA2]  }
0x2d: {  	s3 =	simm.s32 $0x108;
	s8 =	sld [smem:$0x3FA3]  }
0x2e: {  	s3 =	simm.s32 @!p0 $0x1082;
	s9 =	sld [smem:$0x3FA4]  }
0x2f: {  	lr =	sadd.s32 s0, s3;
	s0 =	sld [smem:$0x3F9B]  }
0x30: {  	s3 =	sld [smem:$0x3F9E]  }
0x31: {  	[smem:$0x3FA7] =	sst s10  }
0x32: {  	s10 =	sld [smem:$0x3FA5];
	_ =	sdelay $0x3  }
0x33: {  	p0 =	seq.s32 s10, $0x1;
	s10 =	sld [smem:$0x3FA7];
	_ =	sdelay $0x3  }
0x34: {  	[smem:$0x3FA7] =	sst s10  }
0x35: {  	s10 =	sld [smem:$0x3FA6];
	_ =	sdelay $0x3  }
0x36: {  	p1 =	seq.s32 s10, $0x1;
	s10 =	sld [smem:$0x3FA7];
	_ =	sdelay $0x3  }
0x37: {  	[smem:$0x3FA7] =	sst s10  }
0x38: {  	s10 =	sld [smem:$0x3FA8]  }
0x39: {  	_ = 	snop;
	(pc) =	sbr.ind lr, $3  }
0x3a: {  	_ = 	snop  }
0x3b: {  	_ = 	snop  }
0x3c: {  	p2 =	seq.s32 s10, $0x1;
	s10 =	sld [smem:$0x3FA7]  }
0x3d: {  	_ =	shalt  }
0x3e: {  	_ =	shalt  }
0x3f: {  	_ =	shalt  }
0x40: {  	_ =	shalt  }
0x41: {  	_ =	shalt  }
0x42: {  	_ =	shalt  }
0x43: {  	_ =	shalt  }
0x44: {  	_ =	shalt  }
0x45: {  	_ =	shalt  }
0x46: {  	_ =	shalt  }
0x47: {  	_ =	shalt  }
0x48: {  	_ =	shalt  }
0x49: {  	_ =	shalt  }
0x4a: {  	_ =	shalt  }
0x4b: {  	_ =	shalt  }
0x4c: {  	_ =	shalt  }
0x4d: {  	_ =	shalt  }
0x4e: {  	_ =	shalt  }
0x4f: {  	_ =	shalt  }
0x50: {  	_ =	shalt  }
0x51: {  	_ =	shalt  }
0x52: {  	_ =	shalt  }
0x53: {  	_ =	shalt  }
0x54: {  	_ =	shalt  }
0x55: {  	_ =	shalt  }
0x56: {  	_ =	shalt  }
0x57: {  	_ =	shalt  }
0x58: {  	_ =	shalt  }
0x59: {  	_ =	shalt  }
0x5a: {  	_ =	shalt  }
0x5b: {  	_ =	shalt  }
0x5c: {  	_ =	shalt  }
0x5d: {  	_ =	shalt  }
0x5e: {  	_ =	shalt  }
0x5f: {  	_ =	shalt  }
0x60: {  	_ =	shalt  }
0x61: {  	_ =	shalt  }
0x62: {  	_ =	shalt  }
0x63: {  	_ =	shalt  }
0x64: {  	_ =	shalt  }
0x65: {  	_ =	shalt  }
0x66: {  	_ =	shalt  }
0x67: {  	_ =	shalt  }
0x68: {  	_ =	shalt  }
0x69: {  	_ =	shalt  }
0x6a: {  	_ =	shalt  }
0x6b: {  	_ =	shalt  }
0x6c: {  	_ =	shalt  }
0x6d: {  	_ =	shalt  }
0x6e: {  	_ =	shalt  }
0x6f: {  	_ =	shalt  }
0x70: {  	_ =	shalt  }
0x71: {  	_ =	shalt  }
0x72: {  	_ =	shalt  }
0x73: {  	_ =	shalt  }
0x74: {  	_ =	shalt  }
0x75: {  	_ =	shalt  }
0x76: {  	_ =	shalt  }
0x77: {  	_ =	shalt  }
0x78: {  	_ =	shalt  }
0x79: {  	_ =	shalt  }
0x7a: {  	_ =	shalt  }
0x7b: {  	_ =	shalt  }
0x7c: {  	_ =	shalt  }
0x7d: {  	_ =	shalt  }
0x7e: {  	_ =	shalt  }
0x7f: {  	_ =	shalt  }
0x80: {  	_ =	shalt  }
0x81: {  	_ =	shalt  }
0x82: {  	_ =	shalt  }
0x83: {  	_ =	shalt  }
0x84: {  	_ =	shalt  }
0x85: {  	_ =	shalt  }
0x86: {  	_ =	shalt  }
0x87: {  	_ =	shalt  }
.Lfunc_end0:
.L_simem_size_0:
called_computation.3_lowered:
.L_overlay_start_0:
0x88: {  	s2 =	sld [smem:$0x3FD9]  }
0x89: {  	s3 =	sld [smem:$0x3FFE];
	_ =	sdelay $0x1  }
0x8a: {  	s1 =	srdreg.scid  }
0x8b: {  	s0 =	sand.u32 $0x1, s1  }
0x8c: {  	s16 =	sshll.u32 s0, $0xA;
	s2 =	sadd.s32 s3, s2  }
0x8d: {  	s2 =	sadd.s32 s2, s16  }
0x8e: {  	[smem:$0x3FB3] =	sst s2  }
0x8f: {  	_ = 	snop  }
0x90: {  	(tm) =	ssettm $0x1  }
0x91: {  	s17 =	sld [smem:$0x3FFB];
	_ =	sdelay $0x3  }
0x92: {  	_ =	strace s17  }
0x93: {  	s2 =	sld [smem:$0x3FFC];
	_ =	sdelay $0x3  }
0x94: {  	_ =	strace s2  }
0x95: {  	s2 =	sld [smem:$0x3FFD];
	_ =	sdelay $0x3  }
0x96: {  	_ =	strace s2  }
0x97: {  	_ =	strace $0x8FFFFFFF  }
0x98: {  	s18 =	sld [smem:$0x3FDB];
	_ =	sdelay $0x1  }
0x99: {  	s19 =	simm.s32 $_scs_section_size  }
0x9a: {  	s4 =	simm.s32 $_size__tile_overlayer_lowered;
	s5 =	simm.s32 $_tile_overlayer_lowered  }
0x9b: {  	s22 =	simm.s32 $0x1BFF;
	s21 =	sshll.u32 s5, $0x1;
	s2 =	sadd.s32 s19, s18  }
0x9c: {  	s6 =	simm.s32 $0x0;
	s20 =	sshll.u32 s4, $0x1;
	s4 =	sadd.s32 s21, s2  }
0x9d: {  	[timem:s6], [sflag:s22] =	dma.local [hbm:s4], s20  }
0x9e: {  	_ =	swait.ge [sflag:s22], s20  }
0x9f: {  	s3 =	ssub.s32 $0x0, s20;
	[sflag:s22] =	ssyncset.done $0x0  }
0xa0: {  	[sflag:s22] =	ssyncadd.s32 s3;
	_ =	sdelay $0x1  }
0xa1: {  	s23 =	simm.s32 $0x1B8B  }
0xa2: {  	_ =	swait.ge [sflag:s23], $0x1  }
0xa3: {  	[sflag:s23] =	ssyncset.done $0x0  }
0xa4: {  	s25 =	simm.s32 $0x1B8E;
	s24 =	sld [smem:$0x3FFE];
	[sflag:s23] =	ssyncadd.s32 $0xFFFFFFFF  }
0xa5: {  	s26 =	simm.s32 $execute0_lowered;
	[smem:$0x3FD2] =	sst s25  }
0xa6: {  	s4 =	sshll.u32 s26, $0x1;
	_ =	strace $0x8000004F;
	[dreg:$0x1] =	wrdreg $0xFFFFFFFF  }
0xa7: {  	s28 =	simm.s32 $_size_execute0_lowered;
	s2 =	sadd.s32 s2, s4;
	[dreg:$0x0] =	wrdreg $0x0  }
0xa8: {  	s4 =	sshll.u32 s28, $0x1;
	[dreg:$0x2] =	wrdreg s2  }
0xa9: {  	[dreg:$0x3] =	wrdreg s4  }
0xaa: {  	[dreg:$0x4] =	wrdreg $0xC0  }
0xab: {  	_ =	task [dreg:s6], $0x5FFFF  }
0xac: {  	[dreg:$0x1] =	wrdreg $0xFFFFFFFF  }
0xad: {  	[dreg:$0x0] =	wrdreg $0x60  }
0xae: {  	[dreg:$0x2] =	wrdreg s24  }
0xaf: {  	[dreg:$0x3] =	wrdreg $0x60000  }
0xb0: {  	[dreg:$0x4] =	wrdreg $0x9  }
0xb1: {  	_ =	task.clear_ibuf [dreg:s6], $0x5FFFF;
	_ =	strace $0x9000004F  }
0xb2: {  	s29 =	simm.s32 $0x9;
	_ =	strace $0x80000051  }
0xb3: {  	_ =	swait.ge [sflag:s29], $0x1  }
0xb4: {  	[sflag:s29] =	ssyncadd.s32 $0xFFFFFFFF  }
0xb5: {  	_ =	strace $0x90000051  }
0xb6: {  	_ =	sfence  }
0xb7: {  	s30 =	sld [smem:$0x0];
	_ =	sdelay $0x2  }
0xb8: {  	s31 =	sshll.u32 s1, $0xD;
	s1 =	sshrl.u32 s1, $0x2  }
0xb9: {  	s3 =	sand.u32 $0x4000, s31;
	s1 =	sadd.s32 s1, s30  }
0xba: {  	s0 =	sor.u32 s3, s0;
	s1 =	sshll.u32 s1, $0x11  }
0xbb: {  	s0 =	sor.u32 s1, s0  }
0xbc: {  	s0 =	sadd.s32 $0x8F2B, s0  }
0xbd: {  	[sflag:s0] =	ssyncadd.remote.s32 $0x1  }
0xbe: {  	_ =	sfence.sel $0xFFFF  }
0xbf: {  	[dreg:$0x0] =	wrdreg $0xFFFFFFFF;
	(pc) =	sbr.abs _section_cstart, $3  }
0xc0: {  	[dreg:$0x1] =	wrdreg $0xFFFFFFFF  }
0xc1: {  	_ =	task.clear_ibuf [dreg:s6], $0x2FFFF;
	_ =	strace $0x9FFFFFFF  }
0xc2: {  	(tm) =	ssettm $0x7FFFFFFF  }
0xc3: {  	_ =	shalt  }
tec
execute0_lowered:
.L_overlay_start_1:
0x0: {  	(tag) =	ssettag $0x1  }
0x1: {  	s0 =	rddreg [dreg:$0x0]  }
0x2: {  	s2 =	rddreg [dreg:$0x1];
	s3 =	simm.s32 $0x0;
	s1 =	srdreg.scid  }
0x3: {  	s13 =	stileid.u32;
	s18 =	simm.s32 $0x400;
	s19 =	simm.s32 $0xA00  }
0x4: {  	s20 =	simm.s32 $0x600;
	s28 =	simm.s32 $0x4;
	s29 =	simm.s32 $0x1C00  }
0x5: {  	s30 =	simm.s32 $0x1E00;
	s31 =	simm.s32 $0x0;
	s8 =	smul.u32 $0x3100, s13  }
0x6: {  	[smem:$0x7FF] =	sst s3;
	s1 =	sand.u32 $0x1, s1;
	s6 =	smul.u32 $0x62000, s13  }
0x7: {  	s4 =	sadd.s32 $0x5A00, s0;
	s5 =	sadd.s32 $0x55F000, s0;
	s12 =	smul.u32 $0xC40, s13  }
0x8: {  	s7 =	sadd.s32 $0x18C600, s0;
	s14 =	sadd.s32 $0x67A00, s0;
	s15 =	smul.u32 $0xC400, s13  }
0x9: {  	_ =	strace $0x80000050;
	s9 =	smul.u32 $0x31000, s1;
	[dreg:$0xd] =	wrdreg s14  }
0xa: {  	s24 =	sshll.u32 s13, $0x6;
	s11 =	smul.u32 $0xC400, s1;
	[dreg:$0x4] =	wrdreg s18  }
0xb: {  	s10 =	ssub.s32 $0x2, s1;
	s1 =	smul.u32 $0x620000, s1;
	[dreg:$0x5] =	wrdreg s19  }
0xc: {  	[dreg:$0x6] =	wrdreg s20;
	s18 =	simm.s32 $0x800;
	s19 =	simm.s32 $0x200  }
0xd: {  	s20 =	simm.s32 $0x2000;
	s21 =	sshrl.u32 s10, $0x1;
	s23 =	sshrl.u32 s6, $0x2  }
0xe: {  	s17 =	sadd.s32 s15, s7;
	s8 =	sadd.s32 s8, s9;
	s22 =	ssub.s32 s10, s21  }
0xf: {  	s11 =	sadd.s32 s12, s11;
	s25 =	sadd.s32 s23, s2;
	s9 =	sor.u32 $0x1C05, s24  }
0x10: {  	s12 =	sshrl.u32 s6, $0x3;
	s16 =	sadd.s32 s6, s1;
	s1 =	sadd.s32 $0x100, s17  }
0x11: {  	s17 =	simm.s32 $0x5;
	s21 =	simm.s32 $0xC00;
	s23 =	simm.s32 $0x1200  }
0x12: {  	s24 =	simm.s32 $0x1400;
	s0 =	sadd.s32 s8, s0;
	[dreg:$0x7] =	wrdreg s21  }
0x13: {  	s26 =	sshll.u32 s11, $0x7;
	s11 =	sshll.u32 s11, $0x4;
	[dreg:$0x9] =	wrdreg s23  }
0x14: {  	s13 =	smax.u32 s22, $0x1;
	s22 =	simm.s32 $0xE00;
	[dreg:$0xa] =	wrdreg s24  }
0x15: {  	s21 =	simm.s32 $0x1000;
	s23 =	simm.s32 $0x4000;
	[dreg:$0x3] =	wrdreg s26  }
0x16: {  	s24 =	simm.s32 $0x1;
	s10 =	sadd.s32 s5, s11;
	[dreg:$0x8] =	wrdreg s22  }
0x17: {  	s22 =	simm.s32 $0x1800;
	s26 =	simm.s32 $0x1600;
	[dreg:$0xe] =	wrdreg s10  }
0x18: {  	s10 =	sadd.s32 s7, s12;
	s12 =	sadd.s32 $0x6AC00, s0;
	s0 =	sor.u32 $0x800, s16  }
0x19: {  	s16 =	sshrl.u32 s25, $0x3;
	s25 =	simm.s32 $0x1A00;
	[dreg:$0xc] =	wrdreg s26  }
0x1a: {  	s26 =	simm.s32 $0x2;
	[dreg:$0xf] =	wrdreg s10;
	s0 =	sshrl.u32 s0, $0x3  }
0x1b: {  	[dreg:$0xb] =	wrdreg s25;
	s25 =	simm.s32 $0x3;
	s8 =	sadd.s32 s0, s5  }
.LBB2_1:
0x1c: {  	s0 =	rddreg [dreg:$0xd]  }
0x1d: {  	[spmem:s16], [sflag:s9] =	dma.local [hbm:s0], $0x3100  }
0x1e: {  	_ =	swait.ge [sflag:s17], $0x3100  }
0x1f: {  	[sflag:s17] =	ssyncset.done $0x0  }
0x20: {  	[sflag:s17] =	ssyncadd.s32 $0xFFFFCF00  }
0x21: {  	[bflag:$0x0] =	sbarrier.arrive $0xFFFF  }
0x22: {  	s15 =	rddreg [dreg:$0xe]  }
0x23: {  	[tilespmem:s3], [sflag:$0x5] =	stream.linear.gather [hbm4b:s15+s3], $0x800, $0x38;
	[tilespmem:$0x1E800] =	vst v63  }
0x24: {  	_ =	swait.ge [sflag:s17], $0x800  }
0x25: {  	[sflag:s17] =	ssyncset.done $0x0  }
0x26: {  	s10 =	rddreg [dreg:$0xf];
	[sflag:s17] =	ssyncadd.s32 $0xFFFFF800  }
0x27: {  	[tilespmem:s18], [sflag:$0x5] =	stream.linear.gather [hbm4b:s10+s3], $0x800, $0x38;
	[tilespmem:$0x1E800] =	vst v63  }
0x28: {  	_ =	swait.ge [sflag:s17], $0x800  }
0x29: {  	[sflag:s17] =	ssyncset.done $0x0  }
0x2a: {  	[sflag:s17] =	ssyncadd.s32 $0xFFFFF800  }
0x2b: {  	[tilespmem:s20], [sflag:$0x1] =	stream.indirect.gather [hbm4b:s4+s19], $0x10, s3, s19, $0xb8;
	[tilespmem:$0x1E800] =	vst v63  }
0x2c: {  	_ = 	snop  }
0x2d: {  	[tilespmem:s21], [sflag:$0x5] =	stream.linear.gather [hbm4b:s8+s3], $0x800, $0x38;
	[tilespmem:$0x1E800] =	vst v63  }
0x2e: {  	_ =	swait.ge [sflag:s17], $0x800  }
0x2f: {  	[sflag:s17] =	ssyncset.done $0x0  }
0x30: {  	[sflag:s17] =	ssyncadd.s32 $0xFFFFF800  }
0x31: {  	[tilespmem:s22], [sflag:$0x5] =	stream.linear.gather [hbm4b:s1+s3], $0x800, $0x38;
	[tilespmem:$0x1E800] =	vst v63  }
0x32: {  	_ =	swait.ge [sflag:s17], $0x800  }
0x33: {  	[sflag:s17] =	ssyncset.done $0x0  }
0x34: {  	[sflag:s17] =	ssyncadd.s32 $0xFFFFF800  }
0x35: {  	[tilespmem:s23], [sflag:$0x2] =	stream.indirect.gather [hbm4b:s4+s19], $0x10, s19, s19, $0xb8;
	[tilespmem:$0x1E800] =	vst v63  }
0x36: {  	_ =	swait.ge [sflag:s24], $0x2000  }
0x37: {  	[sflag:s24] =	ssyncset.done $0x0  }
0x38: {  	[sflag:s24] =	ssyncadd.s32 $0xFFFFE000  }
0x39: {  	[spmem:s2] =	stream.indirect.scatter.add.f32 [tilespmem:s20], [sflag:$0x3], $0x10, s18, s19, $0xb8;
	[tilespmem:$0x1E800] =	vst v63  }
0x3a: {  	_ =	swait.ge [sflag:s25], $0x2000  }
0x3b: {  	[sflag:s25] =	ssyncset.done $0x0  }
0x3c: {  	s11 =	rddreg [dreg:$0x4];
	[sflag:s25] =	ssyncadd.s32 $0xFFFFE000  }
0x3d: {  	[tilespmem:s20], [sflag:$0x1] =	stream.indirect.gather [hbm4b:s4+s19], $0x10, s11, s19, $0xb8;
	[tilespmem:$0x1E800] =	vst v63  }
0x3e: {  	_ =	swait.ge [sflag:s26], $0x2000  }
0x3f: {  	[sflag:s26] =	ssyncset.done $0x0  }
0x40: {  	s14 =	rddreg [dreg:$0x5];
	[sflag:s26] =	ssyncadd.s32 $0xFFFFE000  }
0x41: {  	[spmem:s2] =	stream.indirect.scatter.add.f32 [tilespmem:s23], [sflag:$0x4], $0x10, s14, s19, $0xb8;
	[tilespmem:$0x1E800] =	vst v63  }
0x42: {  	_ =	swait.ge [sflag:s28], $0x2000  }
0x43: {  	[sflag:s28] =	ssyncset.done $0x0  }
0x44: {  	s15 =	rddreg [dreg:$0x6];
	[sflag:s28] =	ssyncadd.s32 $0xFFFFE000  }
0x45: {  	[tilespmem:s23], [sflag:$0x2] =	stream.indirect.gather [hbm4b:s4+s19], $0x10, s15, s19, $0xb8;
	[tilespmem:$0x1E800] =	vst v63  }
0x46: {  	_ =	swait.ge [sflag:s24], $0x2000  }
0x47: {  	[sflag:s24] =	ssyncset.done $0x0  }
0x48: {  	s10 =	rddreg [dreg:$0x7];
	[sflag:s24] =	ssyncadd.s32 $0xFFFFE000  }
0x49: {  	[spmem:s2] =	stream.indirect.scatter.add.f32 [tilespmem:s20], [sflag:$0x3], $0x10, s10, s19, $0xb8;
	[tilespmem:$0x1E800] =	vst v63  }
0x4a: {  	_ =	swait.ge [sflag:s25], $0x2000  }
0x4b: {  	[sflag:s25] =	ssyncset.done $0x0  }
0x4c: {  	[sflag:s25] =	ssyncadd.s32 $0xFFFFE000  }
0x4d: {  	[tilespmem:s20], [sflag:$0x1] =	stream.indirect.gather [hbm4b:s4+s19], $0x10, s21, s19, $0xb8;
	[tilespmem:$0x1E800] =	vst v63  }
0x4e: {  	_ =	swait.ge [sflag:s26], $0x2000  }
0x4f: {  	[sflag:s26] =	ssyncset.done $0x0  }
0x50: {  	s11 =	rddreg [dreg:$0x8];
	[sflag:s26] =	ssyncadd.s32 $0xFFFFE000  }
0x51: {  	[spmem:s2] =	stream.indirect.scatter.add.f32 [tilespmem:s23], [sflag:$0x4], $0x10, s11, s19, $0xb8;
	[tilespmem:$0x1E800] =	vst v63  }
0x52: {  	s10 =	smin.u32 s3, $0x60800;
	_ =	swait.ge [sflag:s28], $0x2000  }
0x53: {  	s10 =	sadd.s32 $0x1000, s10;
	s14 =	rddreg [dreg:$0x3]  }
0x54: {  	s0 =	sadd.s32 s14, s10  }
0x55: {  	[sflag:s28] =	ssyncset.done $0x0;
	s0 =	sshrl.u32 s0, $0x3  }
0x56: {  	[sflag:s28] =	ssyncadd.s32 $0xFFFFE000;
	s0 =	sadd.s32 s5, s0  }
0x57: {  	[tilespmem:s3], [sflag:$0x5] =	stream.linear.gather [hbm4b:s0+s3], $0x800, $0x38;
	[tilespmem:$0x1E800] =	vst v63  }
0x58: {  	s15 =	sadd.s32 s6, s10;
	_ =	swait.ge [sflag:s17], $0x800  }
0x59: {  	s0 =	sshrl.u32 s15, $0x3;
	[sflag:s17] =	ssyncset.done $0x0  }
0x5a: {  	s0 =	sadd.s32 s7, s0;
	[sflag:s17] =	ssyncadd.s32 $0xFFFFF800  }
0x5b: {  	[tilespmem:s18], [sflag:$0x5] =	stream.linear.gather [hbm4b:s0+s3], $0x800, $0x38;
	[tilespmem:$0x1E800] =	vst v63  }
0x5c: {  	_ =	swait.ge [sflag:s17], $0x800  }
0x5d: {  	[sflag:s17] =	ssyncset.done $0x0  }
0x5e: {  	s10 =	rddreg [dreg:$0x9];
	[sflag:s17] =	ssyncadd.s32 $0xFFFFF800  }
0x5f: {  	[tilespmem:s23], [sflag:$0x2] =	stream.indirect.gather [hbm4b:s4+s19], $0x10, s10, s19, $0xb8;
	[tilespmem:$0x1E800] =	vst v63  }
0x60: {  	_ =	swait.ge [sflag:s24], $0x2000  }
0x61: {  	[sflag:s24] =	ssyncset.done $0x0  }
0x62: {  	[sflag:s24] =	ssyncadd.s32 $0xFFFFE000  }
0x63: {  	[spmem:s2] =	stream.indirect.scatter.add.f32 [tilespmem:s20], [sflag:$0x3], $0x10, s22, s19, $0xb8;
	[tilespmem:$0x1E800] =	vst v63  }
0x64: {  	_ =	swait.ge [sflag:s25], $0x2000  }
0x65: {  	[sflag:s25] =	ssyncset.done $0x0  }
0x66: {  	s11 =	rddreg [dreg:$0xa];
	[sflag:s25] =	ssyncadd.s32 $0xFFFFE000  }
0x67: {  	[tilespmem:s20], [sflag:$0x1] =	stream.indirect.gather [hbm4b:s4+s19], $0x10, s11, s19, $0xb8;
	[tilespmem:$0x1E800] =	vst v63  }
0x68: {  	_ =	swait.ge [sflag:s26], $0x2000  }
0x69: {  	[sflag:s26] =	ssyncset.done $0x0  }
0x6a: {  	s14 =	rddreg [dreg:$0xb];
	[sflag:s26] =	ssyncadd.s32 $0xFFFFE000  }
0x6b: {  	[spmem:s2] =	stream.indirect.scatter.add.f32 [tilespmem:s23], [sflag:$0x4], $0x10, s14, s19, $0xb8;
	[tilespmem:$0x1E800] =	vst v63  }
0x6c: {  	_ =	swait.ge [sflag:s28], $0x2000  }
0x6d: {  	[sflag:s28] =	ssyncset.done $0x0  }
0x6e: {  	s15 =	rddreg [dreg:$0xc];
	[sflag:s28] =	ssyncadd.s32 $0xFFFFE000  }
0x6f: {  	[tilespmem:s23], [sflag:$0x2] =	stream.indirect.gather [hbm4b:s4+s19], $0x10, s15, s19, $0xb8;
	[tilespmem:$0x1E800] =	vst v63  }
0x70: {  	_ =	swait.ge [sflag:s24], $0x2000  }
0x71: {  	[sflag:s24] =	ssyncset.done $0x0  }
0x72: {  	[sflag:s24] =	ssyncadd.s32 $0xFFFFE000  }
0x73: {  	[spmem:s2] =	stream.indirect.scatter.add.f32 [tilespmem:s20], [sflag:$0x3], $0x10, s29, s19, $0xb8;
	[tilespmem:$0x1E800] =	vst v63  }
0x74: {  	_ =	swait.ge [sflag:s25], $0x2000  }
0x75: {  	[sflag:s25] =	ssyncset.done $0x0  }
0x76: {  	[sflag:s25] =	ssyncadd.s32 $0xFFFFE000  }
0x77: {  	_ =	swait.ge [sflag:s26], $0x2000  }
0x78: {  	[sflag:s26] =	ssyncset.done $0x0  }
0x79: {  	[sflag:s26] =	ssyncadd.s32 $0xFFFFE000  }
0x7a: {  	[spmem:s2] =	stream.indirect.scatter.add.f32 [tilespmem:s23], [sflag:$0x4], $0x10, s30, s19, $0xb8;
	[tilespmem:$0x1E800] =	vst v63  }
0x7b: {  	s0 =	simm.s32 $0x1000;
	_ =	swait.ge [sflag:s28], $0x2000  }
0x7c: {  	s14 =	smov.u32 s1;
	s15 =	smov.u32 s8;
	[sflag:s28] =	ssyncset.done $0x0  }
.LBB2_2:
0x7d: {  	[sflag:s28] =	ssyncadd.s32 $0xFFFFE000  }
0x7e: {  	[tilespmem:s20], [sflag:$0x1] =	stream.indirect.gather [hbm4b:s4+s19], $0x10, s3, s19, $0xb8;
	[tilespmem:$0x1E800] =	vst v63  }
0x7f: {  	s15 =	sadd.s32 $0x200, s15  }
0x80: {  	[tilespmem:s21], [sflag:$0x5] =	stream.linear.gather [hbm4b:s15+s3], $0x800, $0x38;
	[tilespmem:$0x1E800] =	vst v63  }
0x81: {  	_ =	swait.ge [sflag:s17], $0x800  }
0x82: {  	[sflag:s17] =	ssyncset.done $0x0  }
0x83: {  	s14 =	sadd.s32 $0x200, s14;
	[sflag:s17] =	ssyncadd.s32 $0xFFFFF800  }
0x84: {  	[tilespmem:s22], [sflag:$0x5] =	stream.linear.gather [hbm4b:s14+s3], $0x800, $0x38;
	[tilespmem:$0x1E800] =	vst v63  }
0x85: {  	_ =	swait.ge [sflag:s17], $0x800  }
0x86: {  	[sflag:s17] =	ssyncset.done $0x0  }
0x87: {  	[sflag:s17] =	ssyncadd.s32 $0xFFFFF800  }
0x88: {  	[tilespmem:s23], [sflag:$0x2] =	stream.indirect.gather [hbm4b:s4+s19], $0x10, s19, s19, $0xb8;
	[tilespmem:$0x1E800] =	vst v63  }
0x89: {  	_ =	swait.ge [sflag:s24], $0x2000  }
0x8a: {  	[sflag:s24] =	ssyncset.done $0x0  }
0x8b: {  	[sflag:s24] =	ssyncadd.s32 $0xFFFFE000  }
0x8c: {  	[spmem:s2] =	stream.indirect.scatter.add.f32 [tilespmem:s20], [sflag:$0x3], $0x10, s18, s19, $0xb8;
	[tilespmem:$0x1E800] =	vst v63  }
0x8d: {  	_ =	swait.ge [sflag:s25], $0x2000  }
0x8e: {  	[sflag:s25] =	ssyncset.done $0x0  }
0x8f: {  	s11 =	rddreg [dreg:$0x4];
	[sflag:s25] =	ssyncadd.s32 $0xFFFFE000  }
0x90: {  	[tilespmem:s20], [sflag:$0x1] =	stream.indirect.gather [hbm4b:s4+s19], $0x10, s11, s19, $0xb8;
	[tilespmem:$0x1E800] =	vst v63  }
0x91: {  	_ =	swait.ge [sflag:s26], $0x2000  }
0x92: {  	[sflag:s26] =	ssyncset.done $0x0  }
0x93: {  	s11 =	rddreg [dreg:$0x5];
	[sflag:s26] =	ssyncadd.s32 $0xFFFFE000  }
0x94: {  	[spmem:s2] =	stream.indirect.scatter.add.f32 [tilespmem:s23], [sflag:$0x4], $0x10, s11, s19, $0xb8;
	[tilespmem:$0x1E800] =	vst v63  }
0x95: {  	_ =	swait.ge [sflag:s28], $0x2000  }
0x96: {  	[sflag:s28] =	ssyncset.done $0x0  }
0x97: {  	s11 =	rddreg [dreg:$0x6];
	[sflag:s28] =	ssyncadd.s32 $0xFFFFE000  }
0x98: {  	[tilespmem:s23], [sflag:$0x2] =	stream.indirect.gather [hbm4b:s4+s19], $0x10, s11, s19, $0xb8;
	[tilespmem:$0x1E800] =	vst v63  }
0x99: {  	_ =	swait.ge [sflag:s24], $0x2000  }
0x9a: {  	[sflag:s24] =	ssyncset.done $0x0  }
0x9b: {  	s11 =	rddreg [dreg:$0x7];
	[sflag:s24] =	ssyncadd.s32 $0xFFFFE000  }
0x9c: {  	[spmem:s2] =	stream.indirect.scatter.add.f32 [tilespmem:s20], [sflag:$0x3], $0x10, s11, s19, $0xb8;
	[tilespmem:$0x1E800] =	vst v63  }
0x9d: {  	_ =	swait.ge [sflag:s25], $0x2000  }
0x9e: {  	[sflag:s25] =	ssyncset.done $0x0  }
0x9f: {  	[sflag:s25] =	ssyncadd.s32 $0xFFFFE000  }
0xa0: {  	[tilespmem:s20], [sflag:$0x1] =	stream.indirect.gather [hbm4b:s4+s19], $0x10, s21, s19, $0xb8;
	[tilespmem:$0x1E800] =	vst v63  }
0xa1: {  	_ =	swait.ge [sflag:s26], $0x2000  }
0xa2: {  	[sflag:s26] =	ssyncset.done $0x0  }
0xa3: {  	s10 =	smov.u32 s0;
	s11 =	rddreg [dreg:$0x8];
	[sflag:s26] =	ssyncadd.s32 $0xFFFFE000  }
0xa4: {  	[spmem:s2] =	stream.indirect.scatter.add.f32 [tilespmem:s23], [sflag:$0x4], $0x10, s11, s19, $0xb8;
	[tilespmem:$0x1E800] =	vst v63  }
0xa5: {  	s10 =	smin.u32 s10, $0x60800;
	_ =	swait.ge [sflag:s28], $0x2000  }
0xa6: {  	s10 =	sadd.s32 $0x1000, s10;
	s11 =	rddreg [dreg:$0x3]  }
0xa7: {  	s11 =	sadd.s32 s11, s10  }
0xa8: {  	[sflag:s28] =	ssyncset.done $0x0;
	s11 =	sshrl.u32 s11, $0x3  }
0xa9: {  	[sflag:s28] =	ssyncadd.s32 $0xFFFFE000;
	s11 =	sadd.s32 s5, s11  }
0xaa: {  	[tilespmem:s3], [sflag:$0x5] =	stream.linear.gather [hbm4b:s11+s3], $0x800, $0x38;
	[tilespmem:$0x1E800] =	vst v63  }
0xab: {  	s10 =	sadd.s32 s6, s10;
	_ =	swait.ge [sflag:s17], $0x800  }
0xac: {  	s10 =	sshrl.u32 s10, $0x3;
	[sflag:s17] =	ssyncset.done $0x0  }
0xad: {  	s10 =	sadd.s32 s7, s10;
	[sflag:s17] =	ssyncadd.s32 $0xFFFFF800  }
0xae: {  	[tilespmem:s18], [sflag:$0x5] =	stream.linear.gather [hbm4b:s10+s3], $0x800, $0x38;
	[tilespmem:$0x1E800] =	vst v63  }
0xaf: {  	_ =	swait.ge [sflag:s17], $0x800  }
0xb0: {  	[sflag:s17] =	ssyncset.done $0x0  }
0xb1: {  	s11 =	rddreg [dreg:$0x9];
	[sflag:s17] =	ssyncadd.s32 $0xFFFFF800  }
0xb2: {  	[tilespmem:s23], [sflag:$0x2] =	stream.indirect.gather [hbm4b:s4+s19], $0x10, s11, s19, $0xb8;
	[tilespmem:$0x1E800] =	vst v63  }
0xb3: {  	_ =	swait.ge [sflag:s24], $0x2000  }
0xb4: {  	[sflag:s24] =	ssyncset.done $0x0  }
0xb5: {  	[sflag:s24] =	ssyncadd.s32 $0xFFFFE000  }
0xb6: {  	[spmem:s2] =	stream.indirect.scatter.add.f32 [tilespmem:s20], [sflag:$0x3], $0x10, s22, s19, $0xb8;
	[tilespmem:$0x1E800] =	vst v63  }
0xb7: {  	_ =	swait.ge [sflag:s25], $0x2000  }
0xb8: {  	[sflag:s25] =	ssyncset.done $0x0  }
0xb9: {  	s11 =	rddreg [dreg:$0xa];
	[sflag:s25] =	ssyncadd.s32 $0xFFFFE000  }
0xba: {  	[tilespmem:s20], [sflag:$0x1] =	stream.indirect.gather [hbm4b:s4+s19], $0x10, s11, s19, $0xb8;
	[tilespmem:$0x1E800] =	vst v63  }
0xbb: {  	_ =	swait.ge [sflag:s26], $0x2000  }
0xbc: {  	[sflag:s26] =	ssyncset.done $0x0  }
0xbd: {  	s11 =	rddreg [dreg:$0xb];
	[sflag:s26] =	ssyncadd.s32 $0xFFFFE000  }
0xbe: {  	[spmem:s2] =	stream.indirect.scatter.add.f32 [tilespmem:s23], [sflag:$0x4], $0x10, s11, s19, $0xb8;
	[tilespmem:$0x1E800] =	vst v63  }
0xbf: {  	_ =	swait.ge [sflag:s28], $0x2000  }
0xc0: {  	[sflag:s28] =	ssyncset.done $0x0  }
0xc1: {  	s11 =	rddreg [dreg:$0xc];
	[sflag:s28] =	ssyncadd.s32 $0xFFFFE000  }
0xc2: {  	[tilespmem:s23], [sflag:$0x2] =	stream.indirect.gather [hbm4b:s4+s19], $0x10, s11, s19, $0xb8;
	[tilespmem:$0x1E800] =	vst v63  }
0xc3: {  	_ =	swait.ge [sflag:s24], $0x2000  }
0xc4: {  	[sflag:s24] =	ssyncset.done $0x0  }
0xc5: {  	[sflag:s24] =	ssyncadd.s32 $0xFFFFE000  }
0xc6: {  	[spmem:s2] =	stream.indirect.scatter.add.f32 [tilespmem:s20], [sflag:$0x3], $0x10, s29, s19, $0xb8;
	[tilespmem:$0x1E800] =	vst v63  }
0xc7: {  	_ =	swait.ge [sflag:s25], $0x2000  }
0xc8: {  	[sflag:s25] =	ssyncset.done $0x0  }
0xc9: {  	[sflag:s25] =	ssyncadd.s32 $0xFFFFE000  }
0xca: {  	p0 =	sne.s32 s0, $0x61000;
	_ =	swait.ge [sflag:s26], $0x2000  }
.Ltmp0:
0xcb: {  	[sflag:s26] =	ssyncset.done $0x0;
	(pc) =	sbr.rel @p0 .LBB2_2-.Ltmp0, $4  }
0xcc: {  	[sflag:s26] =	ssyncadd.s32 $0xFFFFE000  }
0xcd: {  	[spmem:s2] =	stream.indirect.scatter.add.f32 [tilespmem:s23], [sflag:$0x4], $0x10, s30, s19, $0xb8;
	[tilespmem:$0x1E800] =	vst v63  }
0xce: {  	_ =	swait.ge [sflag:s28], $0x2000  }
0xcf: {  	s0 =	sadd.s32 $0x1000, s0;
	[sflag:s28] =	ssyncset.done $0x0  }
0xd0: {  	s31 =	sadd.s32 $0x1, s31  }
0xd1: {  	[sflag:s28] =	ssyncadd.s32 $0xFFFFE000;
	p0 =	sne.s32 s31, s13  }
.Ltmp1:
0xd2: {  	[bflag:$0x0] =	sbarrier.arrive $0xFFFF;
	(pc) =	sbr.rel @p0 .LBB2_1-.Ltmp1, $4  }
0xd3: {  	[hbm:s12], [sflag:s9] =	dma.local [spmem:s16], $0x3100  }
0xd4: {  	_ =	swait.ge [sflag:s17], $0x3100  }
0xd5: {  	[sflag:s17] =	ssyncset.done $0x0  }
0xd6: {  	[sflag:s17] =	ssyncadd.s32 $0xFFFFCF00  }
0xd7: {  	_ =	sfence.sel $0x180000  }
0xd8: {  	[bflag:$0x0] =	sbarrier.arrive $0xFFFF  }
0xd9: {  	_ =	strace $0x90000050  }
0xda: {  	s0 =	stileid.u32;
	[bflag:$0x2] =	sbarrier.arrive $0xFFFF  }
0xdb: {  	p0 =	sne.s32 s0, $0x0;
	s0 =	rddreg [dreg:$0x2]  }
0xdc: {  	s0 =	sadd.s32 @!p0 $0x100000, s0  }
0xdd: {  	[sflag:s0] =	ssyncadd.tile.s32 @!p0 $0x1;
	_ =	shalt  }
.Lfunc_end2:
_tile_overlayer_lowered:
.L_overlay_start_2:
0xde: {  	(tag) =	ssettag $0x2  }
0xdf: {  	s0 =	rddreg [dreg:$0x0];
	s2 =	stileid.u32  }
0xe0: {  	s1 =	rddreg [dreg:$0x1];
	p0 =	sne.s32 s2, $0x0  }
0xe1: {  	s3 =	rddreg [dreg:$0x2];
	[bflag:$0x3] =	sbarrier.arrive $0xFFFF;
	s2 =	simm.s32 @!p0 $0x1C05  }
0xe2: {  	[timem:s3], [sflag:s2] =	dma.local @!p0 [hbm:s0], s1  }
0xe3: {  	s0 =	simm.s32 @!p0 $0x5  }
0xe4: {  	_ =	swait.ge @!p0 [sflag:s0], s1  }
0xe5: {  	s1 =	ssub.s32 @!p0 $0x0, s1;
	[sflag:s0] =	ssyncset.done @!p0 $0x0  }
0xe6: {  	[sflag:s0] =	ssyncadd.s32 @!p0 s1  }
0xe7: {  	[bflag:$0x3] =	sbarrier.arrive $0xFFFF  }
0xe8: {  	_ =	shalt  }

// kernel: kernel.26.cloned.1.call-start
scs
__scs_entry_jumppad:
0x0: {  	(pc) =	sbr.rel $0x88, $3  }
0x1: {  	(tag) =	ssettag $0x0;
	lr =	simm.s32 $0x1  }
0x2: {  	[smem:$0x3F8C] =	sst lr;
	_ =	strace $0xD0000000  }
0x3: {  	_ = 	snop  }
0x4: {  	_ = 	snop  }
0x5: {  	_ = 	snop  }
0x6: {  	_ = 	snop  }
0x7: {  	_ = 	snop  }
__scs_overlays_trampoline_lowered:
0x8: {  	[smem:$0x3F9B] =	sst s0  }
0x9: {  	[smem:$0x3F9C] =	sst s1  }
0xa: {  	[smem:$0x3F9D] =	sst s2  }
0xb: {  	[smem:$0x3F9E] =	sst s3  }
0xc: {  	[smem:$0x3F9F] =	sst s4  }
0xd: {  	[smem:$0x3FA0] =	sst s5  }
0xe: {  	[smem:$0x3FA1] =	sst s6  }
0xf: {  	[smem:$0x3FA2] =	sst s7  }
0x10: {  	[smem:$0x3FA3] =	sst s8  }
0x11: {  	[smem:$0x3FA4] =	sst s9;
	s0 =	simm.s32 @!p0 $0x0  }
0x12: {  	s1 =	sld [smem:$0x3F8A];
	s0 =	simm.s32 @p0 $0x1  }
0x13: {  	[smem:$0x3FA5] =	sst s0;
	s0 =	simm.s32 @!p1 $0x0  }
0x14: {  	s2 =	sld [smem:$0x3F89];
	s0 =	simm.s32 @p1 $0x1  }
0x15: {  	[smem:$0x3FA6] =	sst s0;
	s0 =	simm.s32 @!p2 $0x0  }
0x16: {  	s3 =	sld [smem:$0x3FDB];
	s0 =	simm.s32 @p2 $0x1  }
0x17: {  	s4 =	simm.s32 $0x1BF5;
	[smem:$0x3FA8] =	sst s0  }
0x18: {  	s0 =	sld [smem:$0x3F8B];
	_ =	swait.ge [sflag:s4], $0x0  }
0x19: {  	s7 =	sld [smem:$0x3F8C]  }
0x1a: {  	s8 =	sadd.s32 $0xFFFFE003, lr  }
0x1b: {  	s9 =	sadd.s32 $0xFFFFFEF7, lr;
	s5 =	simm.s32 $0xFFFFFFFF;
	p2 =	slt.u32 s8, $0xFFFFF086  }
0x1c: {  	p1 =	slt.u32 s9, $0xF7A;
	s5 =	simm.s32 @!p2 $0x0  }
0x1d: {  	s5 =	simm.s32 @p1 $0x1;
	p0 =	seq.s32 s7, s2  }
0x1e: {  	s7 =	smul.u32 @!p0 $0xF7A, s2;
	p2 =	seq.s32 @!p0 s5, $0x0  }
0x1f: {  	s9 =	smul.u32 $0xF7A, s1;
	s8 =	simm.s32 @!p0 $0x1BF5;
	p2 =	por !p2, p0  }
0x20: {  	[sflag:s8] =	ssyncset.s32 @!p0 $0xFFFFF086;
	s6 =	sadd.s32 @!p0 s3, s7;
	s7 =	simm.s32 @!p0 $0x108  }
0x21: {  	s3 =	sadd.s32 s3, s9;
	s6 =	sadd.s32 @!p0 $0x88, s6;
	s7 =	simm.s32 @p2 $0x1082  }
0x22: {  	[simem:s7], [sflag:s8] =	dma.local @!p0 [hbm:s6], $0xF7A  }
0x23: {  	s9 =	sor.u32 $0xD0000000, s2;
	s6 =	simm.s32 $0x108;
	_ =	swait.ge @!p0 [sflag:s8], $0x0  }
0x24: {  	s3 =	sadd.s32 $0x88, s3;
	s6 =	simm.s32 @!p1 $0x1082;
	[sflag:s4] =	ssyncset.s32 $0xFFFFF086  }
0x25: {  	[simem:s6], [sflag:s4] =	dma.local [hbm:s3], $0xF7A  }
0x26: {  	[smem:$0x3F8C] =	sst s1;
	(tag) =	ssettag s2;
	_ =	strace s9  }
0x27: {  	s1 =	sld [smem:$0x3F9C]  }
0x28: {  	s2 =	sld [smem:$0x3F9D]  }
0x29: {  	s4 =	sld [smem:$0x3F9F]  }
0x2a: {  	p0 =	seq.s32 s5, $0x0;
	s5 =	sld [smem:$0x3FA0]  }
0x2b: {  	s6 =	sld [smem:$0x3FA1]  }
0x2c: {  	s7 =	sld [smem:$0x3FA2]  }
0x2d: {  	s3 =	simm.s32 $0x108;
	s8 =	sld [smem:$0x3FA3]  }
0x2e: {  	s3 =	simm.s32 @!p0 $0x1082;
	s9 =	sld [smem:$0x3FA4]  }
0x2f: {  	lr =	sadd.s32 s0, s3;
	s0 =	sld [smem:$0x3F9B]  }
0x30: {  	s3 =	sld [smem:$0x3F9E]  }
0x31: {  	[smem:$0x3FA7] =	sst s10  }
0x32: {  	s10 =	sld [smem:$0x3FA5];
	_ =	sdelay $0x3  }
0x33: {  	p0 =	seq.s32 s10, $0x1;
	s10 =	sld [smem:$0x3FA7];
	_ =	sdelay $0x3  }
0x34: {  	[smem:$0x3FA7] =	sst s10  }
0x35: {  	s10 =	sld [smem:$0x3FA6];
	_ =	sdelay $0x3  }
0x36: {  	p1 =	seq.s32 s10, $0x1;
	s10 =	sld [smem:$0x3FA7];
	_ =	sdelay $0x3  }
0x37: {  	[smem:$0x3FA7] =	sst s10  }
0x38: {  	s10 =	sld [smem:$0x3FA8]  }
0x39: {  	_ = 	snop;
	(pc) =	sbr.ind lr, $3  }
0x3a: {  	_ = 	snop  }
0x3b: {  	_ = 	snop  }
0x3c: {  	p2 =	seq.s32 s10, $0x1;
	s10 =	sld [smem:$0x3FA7]  }
0x3d: {  	_ =	shalt  }
0x3e: {  	_ =	shalt  }
0x3f: {  	_ =	shalt  }
0x40: {  	_ =	shalt  }
0x41: {  	_ =	shalt  }
0x42: {  	_ =	shalt  }
0x43: {  	_ =	shalt  }
0x44: {  	_ =	shalt  }
0x45: {  	_ =	shalt  }
0x46: {  	_ =	shalt  }
0x47: {  	_ =	shalt  }
0x48: {  	_ =	shalt  }
0x49: {  	_ =	shalt  }
0x4a: {  	_ =	shalt  }
0x4b: {  	_ =	shalt  }
0x4c: {  	_ =	shalt  }
0x4d: {  	_ =	shalt  }
0x4e: {  	_ =	shalt  }
0x4f: {  	_ =	shalt  }
0x50: {  	_ =	shalt  }
0x51: {  	_ =	shalt  }
0x52: {  	_ =	shalt  }
0x53: {  	_ =	shalt  }
0x54: {  	_ =	shalt  }
0x55: {  	_ =	shalt  }
0x56: {  	_ =	shalt  }
0x57: {  	_ =	shalt  }
0x58: {  	_ =	shalt  }
0x59: {  	_ =	shalt  }
0x5a: {  	_ =	shalt  }
0x5b: {  	_ =	shalt  }
0x5c: {  	_ =	shalt  }
0x5d: {  	_ =	shalt  }
0x5e: {  	_ =	shalt  }
0x5f: {  	_ =	shalt  }
0x60: {  	_ =	shalt  }
0x61: {  	_ =	shalt  }
0x62: {  	_ =	shalt  }
0x63: {  	_ =	shalt  }
0x64: {  	_ =	shalt  }
0x65: {  	_ =	shalt  }
0x66: {  	_ =	shalt  }
0x67: {  	_ =	shalt  }
0x68: {  	_ =	shalt  }
0x69: {  	_ =	shalt  }
0x6a: {  	_ =	shalt  }
0x6b: {  	_ =	shalt  }
0x6c: {  	_ =	shalt  }
0x6d: {  	_ =	shalt  }
0x6e: {  	_ =	shalt  }
0x6f: {  	_ =	shalt  }
0x70: {  	_ =	shalt  }
0x71: {  	_ =	shalt  }
0x72: {  	_ =	shalt  }
0x73: {  	_ =	shalt  }
0x74: {  	_ =	shalt  }
0x75: {  	_ =	shalt  }
0x76: {  	_ =	shalt  }
0x77: {  	_ =	shalt  }
0x78: {  	_ =	shalt  }
0x79: {  	_ =	shalt  }
0x7a: {  	_ =	shalt  }
0x7b: {  	_ =	shalt  }
0x7c: {  	_ =	shalt  }
0x7d: {  	_ =	shalt  }
0x7e: {  	_ =	shalt  }
0x7f: {  	_ =	shalt  }
0x80: {  	_ =	shalt  }
0x81: {  	_ =	shalt  }
0x82: {  	_ =	shalt  }
0x83: {  	_ =	shalt  }
0x84: {  	_ =	shalt  }
0x85: {  	_ =	shalt  }
0x86: {  	_ =	shalt  }
0x87: {  	_ =	shalt  }
.Lfunc_end0:
.L_simem_size_0:
called_computation.4_lowered:
.L_overlay_start_0:
0x88: {  	s2 =	sld [smem:$0x3FD9]  }
0x89: {  	s3 =	sld [smem:$0x3FFE];
	_ =	sdelay $0x1  }
0x8a: {  	s1 =	srdreg.scid  }
0x8b: {  	s0 =	sand.u32 $0x1, s1  }
0x8c: {  	s16 =	sshll.u32 s0, $0xA;
	s2 =	sadd.s32 s3, s2  }
0x8d: {  	s2 =	sadd.s32 s2, s16  }
0x8e: {  	[smem:$0x3FB3] =	sst s2  }
0x8f: {  	_ = 	snop  }
0x90: {  	(tm) =	ssettm $0x1  }
0x91: {  	s17 =	sld [smem:$0x3FFB];
	_ =	sdelay $0x3  }
0x92: {  	_ =	strace s17  }
0x93: {  	s2 =	sld [smem:$0x3FFC];
	_ =	sdelay $0x3  }
0x94: {  	_ =	strace s2  }
0x95: {  	s2 =	sld [smem:$0x3FFD];
	_ =	sdelay $0x3  }
0x96: {  	_ =	strace s2  }
0x97: {  	_ =	strace $0x8FFFFFFF  }
0x98: {  	s18 =	sld [smem:$0x3FDB];
	_ =	sdelay $0x1  }
0x99: {  	s19 =	simm.s32 $_scs_section_size  }
0x9a: {  	s4 =	simm.s32 $_size__tile_overlayer_lowered;
	s5 =	simm.s32 $_tile_overlayer_lowered  }
0x9b: {  	s22 =	simm.s32 $0x1BFF;
	s21 =	sshll.u32 s5, $0x1;
	s2 =	sadd.s32 s19, s18  }
0x9c: {  	s6 =	simm.s32 $0x0;
	s20 =	sshll.u32 s4, $0x1;
	s4 =	sadd.s32 s21, s2  }
0x9d: {  	[timem:s6], [sflag:s22] =	dma.local [hbm:s4], s20  }
0x9e: {  	_ =	swait.ge [sflag:s22], s20  }
0x9f: {  	s3 =	ssub.s32 $0x0, s20;
	[sflag:s22] =	ssyncset.done $0x0  }
0xa0: {  	[sflag:s22] =	ssyncadd.s32 s3;
	_ =	sdelay $0x1  }
0xa1: {  	s23 =	simm.s32 $0x1B8B  }
0xa2: {  	_ =	swait.ge [sflag:s23], $0x1  }
0xa3: {  	[sflag:s23] =	ssyncset.done $0x0  }
0xa4: {  	s25 =	simm.s32 $0x1B8E;
	s24 =	sld [smem:$0x3FFE];
	[sflag:s23] =	ssyncadd.s32 $0xFFFFFFFF  }
0xa5: {  	s26 =	simm.s32 $execute0_lowered;
	[smem:$0x3FD2] =	sst s25  }
0xa6: {  	s4 =	sshll.u32 s26, $0x1;
	_ =	strace $0x80000052;
	[dreg:$0x1] =	wrdreg $0xFFFFFFFF  }
0xa7: {  	s28 =	simm.s32 $_size_execute0_lowered;
	s2 =	sadd.s32 s2, s4;
	[dreg:$0x0] =	wrdreg $0x0  }
0xa8: {  	s4 =	sshll.u32 s28, $0x1;
	[dreg:$0x2] =	wrdreg s2  }
0xa9: {  	[dreg:$0x3] =	wrdreg s4  }
0xaa: {  	[dreg:$0x4] =	wrdreg $0xC0  }
0xab: {  	_ =	task [dreg:s6], $0x5FFFF  }
0xac: {  	[dreg:$0x1] =	wrdreg $0xFFFFFFFF  }
0xad: {  	[dreg:$0x0] =	wrdreg $0x60  }
0xae: {  	[dreg:$0x2] =	wrdreg s24  }
0xaf: {  	[dreg:$0x3] =	wrdreg $0x60000  }
0xb0: {  	[dreg:$0x4] =	wrdreg $0x9  }
0xb1: {  	_ =	task.clear_ibuf [dreg:s6], $0x5FFFF;
	_ =	strace $0x90000052  }
0xb2: {  	s29 =	simm.s32 $0x9;
	_ =	strace $0x80000054  }
0xb3: {  	_ =	swait.ge [sflag:s29], $0x1  }
0xb4: {  	[sflag:s29] =	ssyncadd.s32 $0xFFFFFFFF  }
0xb5: {  	_ =	strace $0x90000054  }
0xb6: {  	_ =	sfence  }
0xb7: {  	s30 =	sld [smem:$0x0];
	_ =	sdelay $0x2  }
0xb8: {  	s31 =	sshll.u32 s1, $0xD;
	s1 =	sshrl.u32 s1, $0x2  }
0xb9: {  	s3 =	sand.u32 $0x4000, s31;
	s1 =	sadd.s32 s1, s30  }
0xba: {  	s0 =	sor.u32 s3, s0;
	s1 =	sshll.u32 s1, $0x11  }
0xbb: {  	s0 =	sor.u32 s1, s0  }
0xbc: {  	s0 =	sadd.s32 $0x8F2B, s0  }
0xbd: {  	[sflag:s0] =	ssyncadd.remote.s32 $0x1  }
0xbe: {  	_ =	sfence.sel $0xFFFF  }
0xbf: {  	[dreg:$0x0] =	wrdreg $0xFFFFFFFF;
	(pc) =	sbr.abs _section_cstart, $3  }
0xc0: {  	[dreg:$0x1] =	wrdreg $0xFFFFFFFF  }
0xc1: {  	_ =	task.clear_ibuf [dreg:s6], $0x2FFFF;
	_ =	strace $0x9FFFFFFF  }
0xc2: {  	(tm) =	ssettm $0x7FFFFFFF  }
0xc3: {  	_ =	shalt  }
tec
execute0_lowered:
.L_overlay_start_1:
0x0: {  	(tag) =	ssettag $0x1  }
0x1: {  	s0 =	rddreg [dreg:$0x0]  }
0x2: {  	s2 =	rddreg [dreg:$0x1];
	s3 =	simm.s32 $0x0;
	s1 =	srdreg.scid  }
0x3: {  	s13 =	stileid.u32;
	s18 =	simm.s32 $0x400;
	s19 =	simm.s32 $0xA00  }
0x4: {  	s20 =	simm.s32 $0x600;
	s28 =	simm.s32 $0x4;
	s29 =	simm.s32 $0x1C00  }
0x5: {  	s30 =	simm.s32 $0x1E00;
	s31 =	simm.s32 $0x0;
	s8 =	smul.u32 $0x3100, s13  }
0x6: {  	[smem:$0x7FF] =	sst s3;
	s1 =	sand.u32 $0x1, s1;
	s6 =	smul.u32 $0x62000, s13  }
0x7: {  	s4 =	sadd.s32 $0x5A00, s0;
	s5 =	sadd.s32 $0x55F000, s0;
	s12 =	smul.u32 $0xC40, s13  }
0x8: {  	s7 =	sadd.s32 $0x18C600, s0;
	s14 =	sadd.s32 $0x67A00, s0;
	s15 =	smul.u32 $0xC400, s13  }
0x9: {  	_ =	strace $0x80000053;
	s9 =	smul.u32 $0x31000, s1;
	[dreg:$0xd] =	wrdreg s14  }
0xa: {  	s24 =	sshll.u32 s13, $0x6;
	s11 =	smul.u32 $0xC400, s1;
	[dreg:$0x4] =	wrdreg s18  }
0xb: {  	s10 =	ssub.s32 $0x2, s1;
	s1 =	smul.u32 $0x620000, s1;
	[dreg:$0x5] =	wrdreg s19  }
0xc: {  	[dreg:$0x6] =	wrdreg s20;
	s18 =	simm.s32 $0x800;
	s19 =	simm.s32 $0x200  }
0xd: {  	s20 =	simm.s32 $0x2000;
	s21 =	sshrl.u32 s10, $0x1;
	s23 =	sshrl.u32 s6, $0x2  }
0xe: {  	s17 =	sadd.s32 s15, s7;
	s8 =	sadd.s32 s8, s9;
	s22 =	ssub.s32 s10, s21  }
0xf: {  	s11 =	sadd.s32 s12, s11;
	s25 =	sadd.s32 s23, s2;
	s9 =	sor.u32 $0x1C05, s24  }
0x10: {  	s12 =	sshrl.u32 s6, $0x3;
	s16 =	sadd.s32 s6, s1;
	s1 =	sadd.s32 $0x100, s17  }
0x11: {  	s17 =	simm.s32 $0x5;
	s21 =	simm.s32 $0xC00;
	s23 =	simm.s32 $0x1200  }
0x12: {  	s24 =	simm.s32 $0x1400;
	s0 =	sadd.s32 s8, s0;
	[dreg:$0x7] =	wrdreg s21  }
0x13: {  	s26 =	sshll.u32 s11, $0x7;
	s11 =	sshll.u32 s11, $0x4;
	[dreg:$0x9] =	wrdreg s23  }
0x14: {  	s13 =	smax.u32 s22, $0x1;
	s22 =	simm.s32 $0xE00;
	[dreg:$0xa] =	wrdreg s24  }
0x15: {  	s21 =	simm.s32 $0x1000;
	s23 =	simm.s32 $0x4000;
	[dreg:$0x3] =	wrdreg s26  }
0x16: {  	s24 =	simm.s32 $0x1;
	s10 =	sadd.s32 s5, s11;
	[dreg:$0x8] =	wrdreg s22  }
0x17: {  	s22 =	simm.s32 $0x1800;
	s26 =	simm.s32 $0x1600;
	[dreg:$0xe] =	wrdreg s10  }
0x18: {  	s10 =	sadd.s32 s7, s12;
	s12 =	sadd.s32 $0x6AC00, s0;
	s0 =	sor.u32 $0x800, s16  }
0x19: {  	s16 =	sshrl.u32 s25, $0x3;
	s25 =	simm.s32 $0x1A00;
	[dreg:$0xc] =	wrdreg s26  }
0x1a: {  	s26 =	simm.s32 $0x2;
	[dreg:$0xf] =	wrdreg s10;
	s0 =	sshrl.u32 s0, $0x3  }
0x1b: {  	[dreg:$0xb] =	wrdreg s25;
	s25 =	simm.s32 $0x3;
	s8 =	sadd.s32 s0, s5  }
.LBB2_1:
0x1c: {  	s0 =	rddreg [dreg:$0xd]  }
0x1d: {  	[spmem:s16], [sflag:s9] =	dma.local [hbm:s0], $0x3100  }
0x1e: {  	_ =	swait.ge [sflag:s17], $0x3100  }
0x1f: {  	[sflag:s17] =	ssyncset.done $0x0  }
0x20: {  	[sflag:s17] =	ssyncadd.s32 $0xFFFFCF00  }
0x21: {  	[bflag:$0x0] =	sbarrier.arrive $0xFFFF  }
0x22: {  	s15 =	rddreg [dreg:$0xe]  }
0x23: {  	[tilespmem:s3], [sflag:$0x5] =	stream.linear.gather [hbm4b:s15+s3], $0x800, $0x38;
	[tilespmem:$0x1E800] =	vst v63  }
0x24: {  	_ =	swait.ge [sflag:s17], $0x800  }
0x25: {  	[sflag:s17] =	ssyncset.done $0x0  }
0x26: {  	s10 =	rddreg [dreg:$0xf];
	[sflag:s17] =	ssyncadd.s32 $0xFFFFF800  }
0x27: {  	[tilespmem:s18], [sflag:$0x5] =	stream.linear.gather [hbm4b:s10+s3], $0x800, $0x38;
	[tilespmem:$0x1E800] =	vst v63  }
0x28: {  	_ =	swait.ge [sflag:s17], $0x800  }
0x29: {  	[sflag:s17] =	ssyncset.done $0x0  }
0x2a: {  	[sflag:s17] =	ssyncadd.s32 $0xFFFFF800  }
0x2b: {  	[tilespmem:s20], [sflag:$0x1] =	stream.indirect.gather [hbm4b:s4+s19], $0x10, s3, s19, $0xb8;
	[tilespmem:$0x1E800] =	vst v63  }
0x2c: {  	_ = 	snop  }
0x2d: {  	[tilespmem:s21], [sflag:$0x5] =	stream.linear.gather [hbm4b:s8+s3], $0x800, $0x38;
	[tilespmem:$0x1E800] =	vst v63  }
0x2e: {  	_ =	swait.ge [sflag:s17], $0x800  }
0x2f: {  	[sflag:s17] =	ssyncset.done $0x0  }
0x30: {  	[sflag:s17] =	ssyncadd.s32 $0xFFFFF800  }
0x31: {  	[tilespmem:s22], [sflag:$0x5] =	stream.linear.gather [hbm4b:s1+s3], $0x800, $0x38;
	[tilespmem:$0x1E800] =	vst v63  }
0x32: {  	_ =	swait.ge [sflag:s17], $0x800  }
0x33: {  	[sflag:s17] =	ssyncset.done $0x0  }
0x34: {  	[sflag:s17] =	ssyncadd.s32 $0xFFFFF800  }
0x35: {  	[tilespmem:s23], [sflag:$0x2] =	stream.indirect.gather [hbm4b:s4+s19], $0x10, s19, s19, $0xb8;
	[tilespmem:$0x1E800] =	vst v63  }
0x36: {  	_ =	swait.ge [sflag:s24], $0x2000  }
0x37: {  	[sflag:s24] =	ssyncset.done $0x0  }
0x38: {  	[sflag:s24] =	ssyncadd.s32 $0xFFFFE000  }
0x39: {  	[spmem:s2] =	stream.indirect.scatter.add.f32 [tilespmem:s20], [sflag:$0x3], $0x10, s18, s19, $0xb8;
	[tilespmem:$0x1E800] =	vst v63  }
0x3a: {  	_ =	swait.ge [sflag:s25], $0x2000  }
0x3b: {  	[sflag:s25] =	ssyncset.done $0x0  }
0x3c: {  	s11 =	rddreg [dreg:$0x4];
	[sflag:s25] =	ssyncadd.s32 $0xFFFFE000  }
0x3d: {  	[tilespmem:s20], [sflag:$0x1] =	stream.indirect.gather [hbm4b:s4+s19], $0x10, s11, s19, $0xb8;
	[tilespmem:$0x1E800] =	vst v63  }
0x3e: {  	_ =	swait.ge [sflag:s26], $0x2000  }
0x3f: {  	[sflag:s26] =	ssyncset.done $0x0  }
0x40: {  	s14 =	rddreg [dreg:$0x5];
	[sflag:s26] =	ssyncadd.s32 $0xFFFFE000  }
0x41: {  	[spmem:s2] =	stream.indirect.scatter.add.f32 [tilespmem:s23], [sflag:$0x4], $0x10, s14, s19, $0xb8;
	[tilespmem:$0x1E800] =	vst v63  }
0x42: {  	_ =	swait.ge [sflag:s28], $0x2000  }
0x43: {  	[sflag:s28] =	ssyncset.done $0x0  }
0x44: {  	s15 =	rddreg [dreg:$0x6];
	[sflag:s28] =	ssyncadd.s32 $0xFFFFE000  }
0x45: {  	[tilespmem:s23], [sflag:$0x2] =	stream.indirect.gather [hbm4b:s4+s19], $0x10, s15, s19, $0xb8;
	[tilespmem:$0x1E800] =	vst v63  }
0x46: {  	_ =	swait.ge [sflag:s24], $0x2000  }
0x47: {  	[sflag:s24] =	ssyncset.done $0x0  }
0x48: {  	s10 =	rddreg [dreg:$0x7];
	[sflag:s24] =	ssyncadd.s32 $0xFFFFE000  }
0x49: {  	[spmem:s2] =	stream.indirect.scatter.add.f32 [tilespmem:s20], [sflag:$0x3], $0x10, s10, s19, $0xb8;
	[tilespmem:$0x1E800] =	vst v63  }
0x4a: {  	_ =	swait.ge [sflag:s25], $0x2000  }
0x4b: {  	[sflag:s25] =	ssyncset.done $0x0  }
0x4c: {  	[sflag:s25] =	ssyncadd.s32 $0xFFFFE000  }
0x4d: {  	[tilespmem:s20], [sflag:$0x1] =	stream.indirect.gather [hbm4b:s4+s19], $0x10, s21, s19, $0xb8;
	[tilespmem:$0x1E800] =	vst v63  }
0x4e: {  	_ =	swait.ge [sflag:s26], $0x2000  }
0x4f: {  	[sflag:s26] =	ssyncset.done $0x0  }
0x50: {  	s11 =	rddreg [dreg:$0x8];
	[sflag:s26] =	ssyncadd.s32 $0xFFFFE000  }
0x51: {  	[spmem:s2] =	stream.indirect.scatter.add.f32 [tilespmem:s23], [sflag:$0x4], $0x10, s11, s19, $0xb8;
	[tilespmem:$0x1E800] =	vst v63  }
0x52: {  	s10 =	smin.u32 s3, $0x60800;
	_ =	swait.ge [sflag:s28], $0x2000  }
0x53: {  	s10 =	sadd.s32 $0x1000, s10;
	s14 =	rddreg [dreg:$0x3]  }
0x54: {  	s0 =	sadd.s32 s14, s10  }
0x55: {  	[sflag:s28] =	ssyncset.done $0x0;
	s0 =	sshrl.u32 s0, $0x3  }
0x56: {  	[sflag:s28] =	ssyncadd.s32 $0xFFFFE000;
	s0 =	sadd.s32 s5, s0  }
0x57: {  	[tilespmem:s3], [sflag:$0x5] =	stream.linear.gather [hbm4b:s0+s3], $0x800, $0x38;
	[tilespmem:$0x1E800] =	vst v63  }
0x58: {  	s15 =	sadd.s32 s6, s10;
	_ =	swait.ge [sflag:s17], $0x800  }
0x59: {  	s0 =	sshrl.u32 s15, $0x3;
	[sflag:s17] =	ssyncset.done $0x0  }
0x5a: {  	s0 =	sadd.s32 s7, s0;
	[sflag:s17] =	ssyncadd.s32 $0xFFFFF800  }
0x5b: {  	[tilespmem:s18], [sflag:$0x5] =	stream.linear.gather [hbm4b:s0+s3], $0x800, $0x38;
	[tilespmem:$0x1E800] =	vst v63  }
0x5c: {  	_ =	swait.ge [sflag:s17], $0x800  }
0x5d: {  	[sflag:s17] =	ssyncset.done $0x0  }
0x5e: {  	s10 =	rddreg [dreg:$0x9];
	[sflag:s17] =	ssyncadd.s32 $0xFFFFF800  }
0x5f: {  	[tilespmem:s23], [sflag:$0x2] =	stream.indirect.gather [hbm4b:s4+s19], $0x10, s10, s19, $0xb8;
	[tilespmem:$0x1E800] =	vst v63  }
0x60: {  	_ =	swait.ge [sflag:s24], $0x2000  }
0x61: {  	[sflag:s24] =	ssyncset.done $0x0  }
0x62: {  	[sflag:s24] =	ssyncadd.s32 $0xFFFFE000  }
0x63: {  	[spmem:s2] =	stream.indirect.scatter.add.f32 [tilespmem:s20], [sflag:$0x3], $0x10, s22, s19, $0xb8;
	[tilespmem:$0x1E800] =	vst v63  }
0x64: {  	_ =	swait.ge [sflag:s25], $0x2000  }
0x65: {  	[sflag:s25] =	ssyncset.done $0x0  }
0x66: {  	s11 =	rddreg [dreg:$0xa];
	[sflag:s25] =	ssyncadd.s32 $0xFFFFE000  }
0x67: {  	[tilespmem:s20], [sflag:$0x1] =	stream.indirect.gather [hbm4b:s4+s19], $0x10, s11, s19, $0xb8;
	[tilespmem:$0x1E800] =	vst v63  }
0x68: {  	_ =	swait.ge [sflag:s26], $0x2000  }
0x69: {  	[sflag:s26] =	ssyncset.done $0x0  }
0x6a: {  	s14 =	rddreg [dreg:$0xb];
	[sflag:s26] =	ssyncadd.s32 $0xFFFFE000  }
0x6b: {  	[spmem:s2] =	stream.indirect.scatter.add.f32 [tilespmem:s23], [sflag:$0x4], $0x10, s14, s19, $0xb8;
	[tilespmem:$0x1E800] =	vst v63  }
0x6c: {  	_ =	swait.ge [sflag:s28], $0x2000  }
0x6d: {  	[sflag:s28] =	ssyncset.done $0x0  }
0x6e: {  	s15 =	rddreg [dreg:$0xc];
	[sflag:s28] =	ssyncadd.s32 $0xFFFFE000  }
0x6f: {  	[tilespmem:s23], [sflag:$0x2] =	stream.indirect.gather [hbm4b:s4+s19], $0x10, s15, s19, $0xb8;
	[tilespmem:$0x1E800] =	vst v63  }
0x70: {  	_ =	swait.ge [sflag:s24], $0x2000  }
0x71: {  	[sflag:s24] =	ssyncset.done $0x0  }
0x72: {  	[sflag:s24] =	ssyncadd.s32 $0xFFFFE000  }
0x73: {  	[spmem:s2] =	stream.indirect.scatter.add.f32 [tilespmem:s20], [sflag:$0x3], $0x10, s29, s19, $0xb8;
	[tilespmem:$0x1E800] =	vst v63  }
0x74: {  	_ =	swait.ge [sflag:s25], $0x2000  }
0x75: {  	[sflag:s25] =	ssyncset.done $0x0  }
0x76: {  	[sflag:s25] =	ssyncadd.s32 $0xFFFFE000  }
0x77: {  	_ =	swait.ge [sflag:s26], $0x2000  }
0x78: {  	[sflag:s26] =	ssyncset.done $0x0  }
0x79: {  	[sflag:s26] =	ssyncadd.s32 $0xFFFFE000  }
0x7a: {  	[spmem:s2] =	stream.indirect.scatter.add.f32 [tilespmem:s23], [sflag:$0x4], $0x10, s30, s19, $0xb8;
	[tilespmem:$0x1E800] =	vst v63  }
0x7b: {  	s0 =	simm.s32 $0x1000;
	_ =	swait.ge [sflag:s28], $0x2000  }
0x7c: {  	s14 =	smov.u32 s1;
	s15 =	smov.u32 s8;
	[sflag:s28] =	ssyncset.done $0x0  }
.LBB2_2:
0x7d: {  	[sflag:s28] =	ssyncadd.s32 $0xFFFFE000  }
0x7e: {  	[tilespmem:s20], [sflag:$0x1] =	stream.indirect.gather [hbm4b:s4+s19], $0x10, s3, s19, $0xb8;
	[tilespmem:$0x1E800] =	vst v63  }
0x7f: {  	s15 =	sadd.s32 $0x200, s15  }
0x80: {  	[tilespmem:s21], [sflag:$0x5] =	stream.linear.gather [hbm4b:s15+s3], $0x800, $0x38;
	[tilespmem:$0x1E800] =	vst v63  }
0x81: {  	_ =	swait.ge [sflag:s17], $0x800  }
0x82: {  	[sflag:s17] =	ssyncset.done $0x0  }
0x83: {  	s14 =	sadd.s32 $0x200, s14;
	[sflag:s17] =	ssyncadd.s32 $0xFFFFF800  }
0x84: {  	[tilespmem:s22], [sflag:$0x5] =	stream.linear.gather [hbm4b:s14+s3], $0x800, $0x38;
	[tilespmem:$0x1E800] =	vst v63  }
0x85: {  	_ =	swait.ge [sflag:s17], $0x800  }
0x86: {  	[sflag:s17] =	ssyncset.done $0x0  }
0x87: {  	[sflag:s17] =	ssyncadd.s32 $0xFFFFF800  }
0x88: {  	[tilespmem:s23], [sflag:$0x2] =	stream.indirect.gather [hbm4b:s4+s19], $0x10, s19, s19, $0xb8;
	[tilespmem:$0x1E800] =	vst v63  }
0x89: {  	_ =	swait.ge [sflag:s24], $0x2000  }
0x8a: {  	[sflag:s24] =	ssyncset.done $0x0  }
0x8b: {  	[sflag:s24] =	ssyncadd.s32 $0xFFFFE000  }
0x8c: {  	[spmem:s2] =	stream.indirect.scatter.add.f32 [tilespmem:s20], [sflag:$0x3], $0x10, s18, s19, $0xb8;
	[tilespmem:$0x1E800] =	vst v63  }
0x8d: {  	_ =	swait.ge [sflag:s25], $0x2000  }
0x8e: {  	[sflag:s25] =	ssyncset.done $0x0  }
0x8f: {  	s11 =	rddreg [dreg:$0x4];
	[sflag:s25] =	ssyncadd.s32 $0xFFFFE000  }
0x90: {  	[tilespmem:s20], [sflag:$0x1] =	stream.indirect.gather [hbm4b:s4+s19], $0x10, s11, s19, $0xb8;
	[tilespmem:$0x1E800] =	vst v63  }
0x91: {  	_ =	swait.ge [sflag:s26], $0x2000  }
0x92: {  	[sflag:s26] =	ssyncset.done $0x0  }
0x93: {  	s11 =	rddreg [dreg:$0x5];
	[sflag:s26] =	ssyncadd.s32 $0xFFFFE000  }
0x94: {  	[spmem:s2] =	stream.indirect.scatter.add.f32 [tilespmem:s23], [sflag:$0x4], $0x10, s11, s19, $0xb8;
	[tilespmem:$0x1E800] =	vst v63  }
0x95: {  	_ =	swait.ge [sflag:s28], $0x2000  }
0x96: {  	[sflag:s28] =	ssyncset.done $0x0  }
0x97: {  	s11 =	rddreg [dreg:$0x6];
	[sflag:s28] =	ssyncadd.s32 $0xFFFFE000  }
0x98: {  	[tilespmem:s23], [sflag:$0x2] =	stream.indirect.gather [hbm4b:s4+s19], $0x10, s11, s19, $0xb8;
	[tilespmem:$0x1E800] =	vst v63  }
0x99: {  	_ =	swait.ge [sflag:s24], $0x2000  }
0x9a: {  	[sflag:s24] =	ssyncset.done $0x0  }
0x9b: {  	s11 =	rddreg [dreg:$0x7];
	[sflag:s24] =	ssyncadd.s32 $0xFFFFE000  }
0x9c: {  	[spmem:s2] =	stream.indirect.scatter.add.f32 [tilespmem:s20], [sflag:$0x3], $0x10, s11, s19, $0xb8;
	[tilespmem:$0x1E800] =	vst v63  }
0x9d: {  	_ =	swait.ge [sflag:s25], $0x2000  }
0x9e: {  	[sflag:s25] =	ssyncset.done $0x0  }
0x9f: {  	[sflag:s25] =	ssyncadd.s32 $0xFFFFE000  }
0xa0: {  	[tilespmem:s20], [sflag:$0x1] =	stream.indirect.gather [hbm4b:s4+s19], $0x10, s21, s19, $0xb8;
	[tilespmem:$0x1E800] =	vst v63  }
0xa1: {  	_ =	swait.ge [sflag:s26], $0x2000  }
0xa2: {  	[sflag:s26] =	ssyncset.done $0x0  }
0xa3: {  	s10 =	smov.u32 s0;
	s11 =	rddreg [dreg:$0x8];
	[sflag:s26] =	ssyncadd.s32 $0xFFFFE000  }
0xa4: {  	[spmem:s2] =	stream.indirect.scatter.add.f32 [tilespmem:s23], [sflag:$0x4], $0x10, s11, s19, $0xb8;
	[tilespmem:$0x1E800] =	vst v63  }
0xa5: {  	s10 =	smin.u32 s10, $0x60800;
	_ =	swait.ge [sflag:s28], $0x2000  }
0xa6: {  	s10 =	sadd.s32 $0x1000, s10;
	s11 =	rddreg [dreg:$0x3]  }
0xa7: {  	s11 =	sadd.s32 s11, s10  }
0xa8: {  	[sflag:s28] =	ssyncset.done $0x0;
	s11 =	sshrl.u32 s11, $0x3  }
0xa9: {  	[sflag:s28] =	ssyncadd.s32 $0xFFFFE000;
	s11 =	sadd.s32 s5, s11  }
0xaa: {  	[tilespmem:s3], [sflag:$0x5] =	stream.linear.gather [hbm4b:s11+s3], $0x800, $0x38;
	[tilespmem:$0x1E800] =	vst v63  }
0xab: {  	s10 =	sadd.s32 s6, s10;
	_ =	swait.ge [sflag:s17], $0x800  }
0xac: {  	s10 =	sshrl.u32 s10, $0x3;
	[sflag:s17] =	ssyncset.done $0x0  }
0xad: {  	s10 =	sadd.s32 s7, s10;
	[sflag:s17] =	ssyncadd.s32 $0xFFFFF800  }
0xae: {  	[tilespmem:s18], [sflag:$0x5] =	stream.linear.gather [hbm4b:s10+s3], $0x800, $0x38;
	[tilespmem:$0x1E800] =	vst v63  }
0xaf: {  	_ =	swait.ge [sflag:s17], $0x800  }
0xb0: {  	[sflag:s17] =	ssyncset.done $0x0  }
0xb1: {  	s11 =	rddreg [dreg:$0x9];
	[sflag:s17] =	ssyncadd.s32 $0xFFFFF800  }
0xb2: {  	[tilespmem:s23], [sflag:$0x2] =	stream.indirect.gather [hbm4b:s4+s19], $0x10, s11, s19, $0xb8;
	[tilespmem:$0x1E800] =	vst v63  }
0xb3: {  	_ =	swait.ge [sflag:s24], $0x2000  }
0xb4: {  	[sflag:s24] =	ssyncset.done $0x0  }
0xb5: {  	[sflag:s24] =	ssyncadd.s32 $0xFFFFE000  }
0xb6: {  	[spmem:s2] =	stream.indirect.scatter.add.f32 [tilespmem:s20], [sflag:$0x3], $0x10, s22, s19, $0xb8;
	[tilespmem:$0x1E800] =	vst v63  }
0xb7: {  	_ =	swait.ge [sflag:s25], $0x2000  }
0xb8: {  	[sflag:s25] =	ssyncset.done $0x0  }
0xb9: {  	s11 =	rddreg [dreg:$0xa];
	[sflag:s25] =	ssyncadd.s32 $0xFFFFE000  }
0xba: {  	[tilespmem:s20], [sflag:$0x1] =	stream.indirect.gather [hbm4b:s4+s19], $0x10, s11, s19, $0xb8;
	[tilespmem:$0x1E800] =	vst v63  }
0xbb: {  	_ =	swait.ge [sflag:s26], $0x2000  }
0xbc: {  	[sflag:s26] =	ssyncset.done $0x0  }
0xbd: {  	s11 =	rddreg [dreg:$0xb];
	[sflag:s26] =	ssyncadd.s32 $0xFFFFE000  }
0xbe: {  	[spmem:s2] =	stream.indirect.scatter.add.f32 [tilespmem:s23], [sflag:$0x4], $0x10, s11, s19, $0xb8;
	[tilespmem:$0x1E800] =	vst v63  }
0xbf: {  	_ =	swait.ge [sflag:s28], $0x2000  }
0xc0: {  	[sflag:s28] =	ssyncset.done $0x0  }
0xc1: {  	s11 =	rddreg [dreg:$0xc];
	[sflag:s28] =	ssyncadd.s32 $0xFFFFE000  }
0xc2: {  	[tilespmem:s23], [sflag:$0x2] =	stream.indirect.gather [hbm4b:s4+s19], $0x10, s11, s19, $0xb8;
	[tilespmem:$0x1E800] =	vst v63  }
0xc3: {  	_ =	swait.ge [sflag:s24], $0x2000  }
0xc4: {  	[sflag:s24] =	ssyncset.done $0x0  }
0xc5: {  	[sflag:s24] =	ssyncadd.s32 $0xFFFFE000  }
0xc6: {  	[spmem:s2] =	stream.indirect.scatter.add.f32 [tilespmem:s20], [sflag:$0x3], $0x10, s29, s19, $0xb8;
	[tilespmem:$0x1E800] =	vst v63  }
0xc7: {  	_ =	swait.ge [sflag:s25], $0x2000  }
0xc8: {  	[sflag:s25] =	ssyncset.done $0x0  }
0xc9: {  	[sflag:s25] =	ssyncadd.s32 $0xFFFFE000  }
0xca: {  	p0 =	sne.s32 s0, $0x61000;
	_ =	swait.ge [sflag:s26], $0x2000  }
.Ltmp0:
0xcb: {  	[sflag:s26] =	ssyncset.done $0x0;
	(pc) =	sbr.rel @p0 .LBB2_2-.Ltmp0, $4  }
0xcc: {  	[sflag:s26] =	ssyncadd.s32 $0xFFFFE000  }
0xcd: {  	[spmem:s2] =	stream.indirect.scatter.add.f32 [tilespmem:s23], [sflag:$0x4], $0x10, s30, s19, $0xb8;
	[tilespmem:$0x1E800] =	vst v63  }
0xce: {  	_ =	swait.ge [sflag:s28], $0x2000  }
0xcf: {  	s0 =	sadd.s32 $0x1000, s0;
	[sflag:s28] =	ssyncset.done $0x0  }
0xd0: {  	s31 =	sadd.s32 $0x1, s31  }
0xd1: {  	[sflag:s28] =	ssyncadd.s32 $0xFFFFE000;
	p0 =	sne.s32 s31, s13  }
.Ltmp1:
0xd2: {  	[bflag:$0x0] =	sbarrier.arrive $0xFFFF;
	(pc) =	sbr.rel @p0 .LBB2_1-.Ltmp1, $4  }
0xd3: {  	[hbm:s12], [sflag:s9] =	dma.local [spmem:s16], $0x3100  }
0xd4: {  	_ =	swait.ge [sflag:s17], $0x3100  }
0xd5: {  	[sflag:s17] =	ssyncset.done $0x0  }
0xd6: {  	[sflag:s17] =	ssyncadd.s32 $0xFFFFCF00  }
0xd7: {  	_ =	sfence.sel $0x180000  }
0xd8: {  	[bflag:$0x0] =	sbarrier.arrive $0xFFFF  }
0xd9: {  	_ =	strace $0x90000053  }
0xda: {  	s0 =	stileid.u32;
	[bflag:$0x2] =	sbarrier.arrive $0xFFFF  }
0xdb: {  	p0 =	sne.s32 s0, $0x0;
	s0 =	rddreg [dreg:$0x2]  }
0xdc: {  	s0 =	sadd.s32 @!p0 $0x100000, s0  }
0xdd: {  	[sflag:s0] =	ssyncadd.tile.s32 @!p0 $0x1;
	_ =	shalt  }
.Lfunc_end2:
_tile_overlayer_lowered:
.L_overlay_start_2:
0xde: {  	(tag) =	ssettag $0x2  }
0xdf: {  	s0 =	rddreg [dreg:$0x0];
	s2 =	stileid.u32  }
0xe0: {  	s1 =	rddreg [dreg:$0x1];
	p0 =	sne.s32 s2, $0x0  }
0xe1: {  	s3 =	rddreg [dreg:$0x2];
	[bflag:$0x3] =	sbarrier.arrive $0xFFFF;
	s2 =	simm.s32 @!p0 $0x1C05  }
0xe2: {  	[timem:s3], [sflag:s2] =	dma.local @!p0 [hbm:s0], s1  }
0xe3: {  	s0 =	simm.s32 @!p0 $0x5  }
0xe4: {  	_ =	swait.ge @!p0 [sflag:s0], s1  }
0xe5: {  	s1 =	ssub.s32 @!p0 $0x0, s1;
	[sflag:s0] =	ssyncset.done @!p0 $0x0  }
0xe6: {  	[sflag:s0] =	ssyncadd.s32 @!p0 s1  }
0xe7: {  	[bflag:$0x3] =	sbarrier.arrive $0xFFFF  }
0xe8: {  	_ =	shalt  }

// kernel: kernel.29.cloned.1.call-start
scs
__scs_entry_jumppad:
0x0: {  	(pc) =	sbr.rel $0x88, $3  }
0x1: {  	(tag) =	ssettag $0x0;
	lr =	simm.s32 $0x1  }
0x2: {  	[smem:$0x3F8C] =	sst lr;
	_ =	strace $0xD0000000  }
0x3: {  	_ = 	snop  }
0x4: {  	_ = 	snop  }
0x5: {  	_ = 	snop  }
0x6: {  	_ = 	snop  }
0x7: {  	_ = 	snop  }
__scs_overlays_trampoline_lowered:
0x8: {  	[smem:$0x3F9B] =	sst s0  }
0x9: {  	[smem:$0x3F9C] =	sst s1  }
0xa: {  	[smem:$0x3F9D] =	sst s2  }
0xb: {  	[smem:$0x3F9E] =	sst s3  }
0xc: {  	[smem:$0x3F9F] =	sst s4  }
0xd: {  	[smem:$0x3FA0] =	sst s5  }
0xe: {  	[smem:$0x3FA1] =	sst s6  }
0xf: {  	[smem:$0x3FA2] =	sst s7  }
0x10: {  	[smem:$0x3FA3] =	sst s8  }
0x11: {  	[smem:$0x3FA4] =	sst s9;
	s0 =	simm.s32 @!p0 $0x0  }
0x12: {  	s1 =	sld [smem:$0x3F8A];
	s0 =	simm.s32 @p0 $0x1  }
0x13: {  	[smem:$0x3FA5] =	sst s0;
	s0 =	simm.s32 @!p1 $0x0  }
0x14: {  	s2 =	sld [smem:$0x3F89];
	s0 =	simm.s32 @p1 $0x1  }
0x15: {  	[smem:$0x3FA6] =	sst s0;
	s0 =	simm.s32 @!p2 $0x0  }
0x16: {  	s3 =	sld [smem:$0x3FDB];
	s0 =	simm.s32 @p2 $0x1  }
0x17: {  	s4 =	simm.s32 $0x1BF5;
	[smem:$0x3FA8] =	sst s0  }
0x18: {  	s0 =	sld [smem:$0x3F8B];
	_ =	swait.ge [sflag:s4], $0x0  }
0x19: {  	s7 =	sld [smem:$0x3F8C]  }
0x1a: {  	s8 =	sadd.s32 $0xFFFFE003, lr  }
0x1b: {  	s9 =	sadd.s32 $0xFFFFFEF7, lr;
	s5 =	simm.s32 $0xFFFFFFFF;
	p2 =	slt.u32 s8, $0xFFFFF086  }
0x1c: {  	p1 =	slt.u32 s9, $0xF7A;
	s5 =	simm.s32 @!p2 $0x0  }
0x1d: {  	s5 =	simm.s32 @p1 $0x1;
	p0 =	seq.s32 s7, s2  }
0x1e: {  	s7 =	smul.u32 @!p0 $0xF7A, s2;
	p2 =	seq.s32 @!p0 s5, $0x0  }
0x1f: {  	s9 =	smul.u32 $0xF7A, s1;
	s8 =	simm.s32 @!p0 $0x1BF5;
	p2 =	por !p2, p0  }
0x20: {  	[sflag:s8] =	ssyncset.s32 @!p0 $0xFFFFF086;
	s6 =	sadd.s32 @!p0 s3, s7;
	s7 =	simm.s32 @!p0 $0x108  }
0x21: {  	s3 =	sadd.s32 s3, s9;
	s6 =	sadd.s32 @!p0 $0x88, s6;
	s7 =	simm.s32 @p2 $0x1082  }
0x22: {  	[simem:s7], [sflag:s8] =	dma.local @!p0 [hbm:s6], $0xF7A  }
0x23: {  	s9 =	sor.u32 $0xD0000000, s2;
	s6 =	simm.s32 $0x108;
	_ =	swait.ge @!p0 [sflag:s8], $0x0  }
0x24: {  	s3 =	sadd.s32 $0x88, s3;
	s6 =	simm.s32 @!p1 $0x1082;
	[sflag:s4] =	ssyncset.s32 $0xFFFFF086  }
0x25: {  	[simem:s6], [sflag:s4] =	dma.local [hbm:s3], $0xF7A  }
0x26: {  	[smem:$0x3F8C] =	sst s1;
	(tag) =	ssettag s2;
	_ =	strace s9  }
0x27: {  	s1 =	sld [smem:$0x3F9C]  }
0x28: {  	s2 =	sld [smem:$0x3F9D]  }
0x29: {  	s4 =	sld [smem:$0x3F9F]  }
0x2a: {  	p0 =	seq.s32 s5, $0x0;
	s5 =	sld [smem:$0x3FA0]  }
0x2b: {  	s6 =	sld [smem:$0x3FA1]  }
0x2c: {  	s7 =	sld [smem:$0x3FA2]  }
0x2d: {  	s3 =	simm.s32 $0x108;
	s8 =	sld [smem:$0x3FA3]  }
0x2e: {  	s3 =	simm.s32 @!p0 $0x1082;
	s9 =	sld [smem:$0x3FA4]  }
0x2f: {  	lr =	sadd.s32 s0, s3;
	s0 =	sld [smem:$0x3F9B]  }
0x30: {  	s3 =	sld [smem:$0x3F9E]  }
0x31: {  	[smem:$0x3FA7] =	sst s10  }
0x32: {  	s10 =	sld [smem:$0x3FA5];
	_ =	sdelay $0x3  }
0x33: {  	p0 =	seq.s32 s10, $0x1;
	s10 =	sld [smem:$0x3FA7];
	_ =	sdelay $0x3  }
0x34: {  	[smem:$0x3FA7] =	sst s10  }
0x35: {  	s10 =	sld [smem:$0x3FA6];
	_ =	sdelay $0x3  }
0x36: {  	p1 =	seq.s32 s10, $0x1;
	s10 =	sld [smem:$0x3FA7];
	_ =	sdelay $0x3  }
0x37: {  	[smem:$0x3FA7] =	sst s10  }
0x38: {  	s10 =	sld [smem:$0x3FA8]  }
0x39: {  	_ = 	snop;
	(pc) =	sbr.ind lr, $3  }
0x3a: {  	_ = 	snop  }
0x3b: {  	_ = 	snop  }
0x3c: {  	p2 =	seq.s32 s10, $0x1;
	s10 =	sld [smem:$0x3FA7]  }
0x3d: {  	_ =	shalt  }
0x3e: {  	_ =	shalt  }
0x3f: {  	_ =	shalt  }
0x40: {  	_ =	shalt  }
0x41: {  	_ =	shalt  }
0x42: {  	_ =	shalt  }
0x43: {  	_ =	shalt  }
0x44: {  	_ =	shalt  }
0x45: {  	_ =	shalt  }
0x46: {  	_ =	shalt  }
0x47: {  	_ =	shalt  }
0x48: {  	_ =	shalt  }
0x49: {  	_ =	shalt  }
0x4a: {  	_ =	shalt  }
0x4b: {  	_ =	shalt  }
0x4c: {  	_ =	shalt  }
0x4d: {  	_ =	shalt  }
0x4e: {  	_ =	shalt  }
0x4f: {  	_ =	shalt  }
0x50: {  	_ =	shalt  }
0x51: {  	_ =	shalt  }
0x52: {  	_ =	shalt  }
0x53: {  	_ =	shalt  }
0x54: {  	_ =	shalt  }
0x55: {  	_ =	shalt  }
0x56: {  	_ =	shalt  }
0x57: {  	_ =	shalt  }
0x58: {  	_ =	shalt  }
0x59: {  	_ =	shalt  }
0x5a: {  	_ =	shalt  }
0x5b: {  	_ =	shalt  }
0x5c: {  	_ =	shalt  }
0x5d: {  	_ =	shalt  }
0x5e: {  	_ =	shalt  }
0x5f: {  	_ =	shalt  }
0x60: {  	_ =	shalt  }
0x61: {  	_ =	shalt  }
0x62: {  	_ =	shalt  }
0x63: {  	_ =	shalt  }
0x64: {  	_ =	shalt  }
0x65: {  	_ =	shalt  }
0x66: {  	_ =	shalt  }
0x67: {  	_ =	shalt  }
0x68: {  	_ =	shalt  }
0x69: {  	_ =	shalt  }
0x6a: {  	_ =	shalt  }
0x6b: {  	_ =	shalt  }
0x6c: {  	_ =	shalt  }
0x6d: {  	_ =	shalt  }
0x6e: {  	_ =	shalt  }
0x6f: {  	_ =	shalt  }
0x70: {  	_ =	shalt  }
0x71: {  	_ =	shalt  }
0x72: {  	_ =	shalt  }
0x73: {  	_ =	shalt  }
0x74: {  	_ =	shalt  }
0x75: {  	_ =	shalt  }
0x76: {  	_ =	shalt  }
0x77: {  	_ =	shalt  }
0x78: {  	_ =	shalt  }
0x79: {  	_ =	shalt  }
0x7a: {  	_ =	shalt  }
0x7b: {  	_ =	shalt  }
0x7c: {  	_ =	shalt  }
0x7d: {  	_ =	shalt  }
0x7e: {  	_ =	shalt  }
0x7f: {  	_ =	shalt  }
0x80: {  	_ =	shalt  }
0x81: {  	_ =	shalt  }
0x82: {  	_ =	shalt  }
0x83: {  	_ =	shalt  }
0x84: {  	_ =	shalt  }
0x85: {  	_ =	shalt  }
0x86: {  	_ =	shalt  }
0x87: {  	_ =	shalt  }
.Lfunc_end0:
.L_simem_size_0:
called_computation.5_lowered:
.L_overlay_start_0:
0x88: {  	s2 =	sld [smem:$0x3FD9]  }
0x89: {  	s3 =	sld [smem:$0x3FFE];
	_ =	sdelay $0x1  }
0x8a: {  	s1 =	srdreg.scid  }
0x8b: {  	s0 =	sand.u32 $0x1, s1  }
0x8c: {  	s16 =	sshll.u32 s0, $0xA;
	s2 =	sadd.s32 s3, s2  }
0x8d: {  	s2 =	sadd.s32 s2, s16  }
0x8e: {  	[smem:$0x3FB3] =	sst s2  }
0x8f: {  	_ = 	snop  }
0x90: {  	(tm) =	ssettm $0x1  }
0x91: {  	s17 =	sld [smem:$0x3FFB];
	_ =	sdelay $0x3  }
0x92: {  	_ =	strace s17  }
0x93: {  	s2 =	sld [smem:$0x3FFC];
	_ =	sdelay $0x3  }
0x94: {  	_ =	strace s2  }
0x95: {  	s2 =	sld [smem:$0x3FFD];
	_ =	sdelay $0x3  }
0x96: {  	_ =	strace s2  }
0x97: {  	_ =	strace $0x8FFFFFFF  }
0x98: {  	s18 =	sld [smem:$0x3FDB];
	_ =	sdelay $0x1  }
0x99: {  	s19 =	simm.s32 $_scs_section_size  }
0x9a: {  	s4 =	simm.s32 $_size__tile_overlayer_lowered;
	s5 =	simm.s32 $_tile_overlayer_lowered  }
0x9b: {  	s22 =	simm.s32 $0x1BFF;
	s21 =	sshll.u32 s5, $0x1;
	s2 =	sadd.s32 s19, s18  }
0x9c: {  	s6 =	simm.s32 $0x0;
	s20 =	sshll.u32 s4, $0x1;
	s4 =	sadd.s32 s21, s2  }
0x9d: {  	[timem:s6], [sflag:s22] =	dma.local [hbm:s4], s20  }
0x9e: {  	_ =	swait.ge [sflag:s22], s20  }
0x9f: {  	s3 =	ssub.s32 $0x0, s20;
	[sflag:s22] =	ssyncset.done $0x0  }
0xa0: {  	[sflag:s22] =	ssyncadd.s32 s3;
	_ =	sdelay $0x1  }
0xa1: {  	s23 =	simm.s32 $0x1B8B  }
0xa2: {  	_ =	swait.ge [sflag:s23], $0x1  }
0xa3: {  	[sflag:s23] =	ssyncset.done $0x0  }
0xa4: {  	s25 =	simm.s32 $0x1B8E;
	s24 =	sld [smem:$0x3FFE];
	[sflag:s23] =	ssyncadd.s32 $0xFFFFFFFF  }
0xa5: {  	s26 =	simm.s32 $execute0_lowered;
	[smem:$0x3FD2] =	sst s25  }
0xa6: {  	s4 =	sshll.u32 s26, $0x1;
	_ =	strace $0x80000055;
	[dreg:$0x1] =	wrdreg $0xFFFFFFFF  }
0xa7: {  	s28 =	simm.s32 $_size_execute0_lowered;
	s2 =	sadd.s32 s2, s4;
	[dreg:$0x0] =	wrdreg $0x0  }
0xa8: {  	s4 =	sshll.u32 s28, $0x1;
	[dreg:$0x2] =	wrdreg s2  }
0xa9: {  	[dreg:$0x3] =	wrdreg s4  }
0xaa: {  	[dreg:$0x4] =	wrdreg $0xC0  }
0xab: {  	_ =	task [dreg:s6], $0x5FFFF  }
0xac: {  	[dreg:$0x1] =	wrdreg $0xFFFFFFFF  }
0xad: {  	[dreg:$0x0] =	wrdreg $0x60  }
0xae: {  	[dreg:$0x2] =	wrdreg s24  }
0xaf: {  	[dreg:$0x3] =	wrdreg $0x60000  }
0xb0: {  	[dreg:$0x4] =	wrdreg $0x9  }
0xb1: {  	_ =	task.clear_ibuf [dreg:s6], $0x5FFFF;
	_ =	strace $0x90000055  }
0xb2: {  	s29 =	simm.s32 $0x9;
	_ =	strace $0x80000057  }
0xb3: {  	_ =	swait.ge [sflag:s29], $0x1  }
0xb4: {  	[sflag:s29] =	ssyncadd.s32 $0xFFFFFFFF  }
0xb5: {  	_ =	strace $0x90000057  }
0xb6: {  	_ =	sfence  }
0xb7: {  	s30 =	sld [smem:$0x0];
	_ =	sdelay $0x2  }
0xb8: {  	s31 =	sshll.u32 s1, $0xD;
	s1 =	sshrl.u32 s1, $0x2  }
0xb9: {  	s3 =	sand.u32 $0x4000, s31;
	s1 =	sadd.s32 s1, s30  }
0xba: {  	s0 =	sor.u32 s3, s0;
	s1 =	sshll.u32 s1, $0x11  }
0xbb: {  	s0 =	sor.u32 s1, s0  }
0xbc: {  	s0 =	sadd.s32 $0x8F2B, s0  }
0xbd: {  	[sflag:s0] =	ssyncadd.remote.s32 $0x1  }
0xbe: {  	_ =	sfence.sel $0xFFFF  }
0xbf: {  	[dreg:$0x0] =	wrdreg $0xFFFFFFFF;
	(pc) =	sbr.abs _section_cstart, $3  }
0xc0: {  	[dreg:$0x1] =	wrdreg $0xFFFFFFFF  }
0xc1: {  	_ =	task.clear_ibuf [dreg:s6], $0x2FFFF;
	_ =	strace $0x9FFFFFFF  }
0xc2: {  	(tm) =	ssettm $0x7FFFFFFF  }
0xc3: {  	_ =	shalt  }
tec
execute0_lowered:
.L_overlay_start_1:
0x0: {  	(tag) =	ssettag $0x1  }
0x1: {  	s0 =	rddreg [dreg:$0x0]  }
0x2: {  	s2 =	rddreg [dreg:$0x1];
	s3 =	simm.s32 $0x0;
	s1 =	srdreg.scid  }
0x3: {  	s13 =	stileid.u32;
	s18 =	simm.s32 $0x400;
	s19 =	simm.s32 $0xA00  }
0x4: {  	s20 =	simm.s32 $0x600;
	s28 =	simm.s32 $0x4;
	s29 =	simm.s32 $0x1C00  }
0x5: {  	s30 =	simm.s32 $0x1E00;
	s31 =	simm.s32 $0x0;
	s8 =	smul.u32 $0x3100, s13  }
0x6: {  	[smem:$0x7FF] =	sst s3;
	s1 =	sand.u32 $0x1, s1;
	s6 =	smul.u32 $0x62000, s13  }
0x7: {  	s4 =	sadd.s32 $0x5A00, s0;
	s5 =	sadd.s32 $0x55F000, s0;
	s12 =	smul.u32 $0xC40, s13  }
0x8: {  	s7 =	sadd.s32 $0x18C600, s0;
	s14 =	sadd.s32 $0x67A00, s0;
	s15 =	smul.u32 $0xC400, s13  }
0x9: {  	_ =	strace $0x80000056;
	s9 =	smul.u32 $0x31000, s1;
	[dreg:$0xd] =	wrdreg s14  }
0xa: {  	s24 =	sshll.u32 s13, $0x6;
	s11 =	smul.u32 $0xC400, s1;
	[dreg:$0x4] =	wrdreg s18  }
0xb: {  	s10 =	ssub.s32 $0x2, s1;
	s1 =	smul.u32 $0x620000, s1;
	[dreg:$0x5] =	wrdreg s19  }
0xc: {  	[dreg:$0x6] =	wrdreg s20;
	s18 =	simm.s32 $0x800;
	s19 =	simm.s32 $0x200  }
0xd: {  	s20 =	simm.s32 $0x2000;
	s21 =	sshrl.u32 s10, $0x1;
	s23 =	sshrl.u32 s6, $0x2  }
0xe: {  	s17 =	sadd.s32 s15, s7;
	s8 =	sadd.s32 s8, s9;
	s22 =	ssub.s32 s10, s21  }
0xf: {  	s11 =	sadd.s32 s12, s11;
	s25 =	sadd.s32 s23, s2;
	s9 =	sor.u32 $0x1C05, s24  }
0x10: {  	s12 =	sshrl.u32 s6, $0x3;
	s16 =	sadd.s32 s6, s1;
	s1 =	sadd.s32 $0x100, s17  }
0x11: {  	s17 =	simm.s32 $0x5;
	s21 =	simm.s32 $0xC00;
	s23 =	simm.s32 $0x1200  }
0x12: {  	s24 =	simm.s32 $0x1400;
	s0 =	sadd.s32 s8, s0;
	[dreg:$0x7] =	wrdreg s21  }
0x13: {  	s26 =	sshll.u32 s11, $0x7;
	s11 =	sshll.u32 s11, $0x4;
	[dreg:$0x9] =	wrdreg s23  }
0x14: {  	s13 =	smax.u32 s22, $0x1;
	s22 =	simm.s32 $0xE00;
	[dreg:$0xa] =	wrdreg s24  }
0x15: {  	s21 =	simm.s32 $0x1000;
	s23 =	simm.s32 $0x4000;
	[dreg:$0x3] =	wrdreg s26  }
0x16: {  	s24 =	simm.s32 $0x1;
	s10 =	sadd.s32 s5, s11;
	[dreg:$0x8] =	wrdreg s22  }
0x17: {  	s22 =	simm.s32 $0x1800;
	s26 =	simm.s32 $0x1600;
	[dreg:$0xe] =	wrdreg s10  }
0x18: {  	s10 =	sadd.s32 s7, s12;
	s12 =	sadd.s32 $0x6AC00, s0;
	s0 =	sor.u32 $0x800, s16  }
0x19: {  	s16 =	sshrl.u32 s25, $0x3;
	s25 =	simm.s32 $0x1A00;
	[dreg:$0xc] =	wrdreg s26  }
0x1a: {  	s26 =	simm.s32 $0x2;
	[dreg:$0xf] =	wrdreg s10;
	s0 =	sshrl.u32 s0, $0x3  }
0x1b: {  	[dreg:$0xb] =	wrdreg s25;
	s25 =	simm.s32 $0x3;
	s8 =	sadd.s32 s0, s5  }
.LBB2_1:
0x1c: {  	s0 =	rddreg [dreg:$0xd]  }
0x1d: {  	[spmem:s16], [sflag:s9] =	dma.local [hbm:s0], $0x3100  }
0x1e: {  	_ =	swait.ge [sflag:s17], $0x3100  }
0x1f: {  	[sflag:s17] =	ssyncset.done $0x0  }
0x20: {  	[sflag:s17] =	ssyncadd.s32 $0xFFFFCF00  }
0x21: {  	[bflag:$0x0] =	sbarrier.arrive $0xFFFF  }
0x22: {  	s15 =	rddreg [dreg:$0xe]  }
0x23: {  	[tilespmem:s3], [sflag:$0x5] =	stream.linear.gather [hbm4b:s15+s3], $0x800, $0x38;
	[tilespmem:$0x1E800] =	vst v63  }
0x24: {  	_ =	swait.ge [sflag:s17], $0x800  }
0x25: {  	[sflag:s17] =	ssyncset.done $0x0  }
0x26: {  	s10 =	rddreg [dreg:$0xf];
	[sflag:s17] =	ssyncadd.s32 $0xFFFFF800  }
0x27: {  	[tilespmem:s18], [sflag:$0x5] =	stream.linear.gather [hbm4b:s10+s3], $0x800, $0x38;
	[tilespmem:$0x1E800] =	vst v63  }
0x28: {  	_ =	swait.ge [sflag:s17], $0x800  }
0x29: {  	[sflag:s17] =	ssyncset.done $0x0  }
0x2a: {  	[sflag:s17] =	ssyncadd.s32 $0xFFFFF800  }
0x2b: {  	[tilespmem:s20], [sflag:$0x1] =	stream.indirect.gather [hbm4b:s4+s19], $0x10, s3, s19, $0xb8;
	[tilespmem:$0x1E800] =	vst v63  }
0x2c: {  	_ = 	snop  }
0x2d: {  	[tilespmem:s21], [sflag:$0x5] =	stream.linear.gather [hbm4b:s8+s3], $0x800, $0x38;
	[tilespmem:$0x1E800] =	vst v63  }
0x2e: {  	_ =	swait.ge [sflag:s17], $0x800  }
0x2f: {  	[sflag:s17] =	ssyncset.done $0x0  }
0x30: {  	[sflag:s17] =	ssyncadd.s32 $0xFFFFF800  }
0x31: {  	[tilespmem:s22], [sflag:$0x5] =	stream.linear.gather [hbm4b:s1+s3], $0x800, $0x38;
	[tilespmem:$0x1E800] =	vst v63  }
0x32: {  	_ =	swait.ge [sflag:s17], $0x800  }
0x33: {  	[sflag:s17] =	ssyncset.done $0x0  }
0x34: {  	[sflag:s17] =	ssyncadd.s32 $0xFFFFF800  }
0x35: {  	[tilespmem:s23], [sflag:$0x2] =	stream.indirect.gather [hbm4b:s4+s19], $0x10, s19, s19, $0xb8;
	[tilespmem:$0x1E800] =	vst v63  }
0x36: {  	_ =	swait.ge [sflag:s24], $0x2000  }
0x37: {  	[sflag:s24] =	ssyncset.done $0x0  }
0x38: {  	[sflag:s24] =	ssyncadd.s32 $0xFFFFE000  }
0x39: {  	[spmem:s2] =	stream.indirect.scatter.add.f32 [tilespmem:s20], [sflag:$0x3], $0x10, s18, s19, $0xb8;
	[tilespmem:$0x1E800] =	vst v63  }
0x3a: {  	_ =	swait.ge [sflag:s25], $0x2000  }
0x3b: {  	[sflag:s25] =	ssyncset.done $0x0  }
0x3c: {  	s11 =	rddreg [dreg:$0x4];
	[sflag:s25] =	ssyncadd.s32 $0xFFFFE000  }
0x3d: {  	[tilespmem:s20], [sflag:$0x1] =	stream.indirect.gather [hbm4b:s4+s19], $0x10, s11, s19, $0xb8;
	[tilespmem:$0x1E800] =	vst v63  }
0x3e: {  	_ =	swait.ge [sflag:s26], $0x2000  }
0x3f: {  	[sflag:s26] =	ssyncset.done $0x0  }
0x40: {  	s14 =	rddreg [dreg:$0x5];
	[sflag:s26] =	ssyncadd.s32 $0xFFFFE000  }
0x41: {  	[spmem:s2] =	stream.indirect.scatter.add.f32 [tilespmem:s23], [sflag:$0x4], $0x10, s14, s19, $0xb8;
	[tilespmem:$0x1E800] =	vst v63  }
0x42: {  	_ =	swait.ge [sflag:s28], $0x2000  }
0x43: {  	[sflag:s28] =	ssyncset.done $0x0  }
0x44: {  	s15 =	rddreg [dreg:$0x6];
	[sflag:s28] =	ssyncadd.s32 $0xFFFFE000  }
0x45: {  	[tilespmem:s23], [sflag:$0x2] =	stream.indirect.gather [hbm4b:s4+s19], $0x10, s15, s19, $0xb8;
	[tilespmem:$0x1E800] =	vst v63  }
0x46: {  	_ =	swait.ge [sflag:s24], $0x2000  }
0x47: {  	[sflag:s24] =	ssyncset.done $0x0  }
0x48: {  	s10 =	rddreg [dreg:$0x7];
	[sflag:s24] =	ssyncadd.s32 $0xFFFFE000  }
0x49: {  	[spmem:s2] =	stream.indirect.scatter.add.f32 [tilespmem:s20], [sflag:$0x3], $0x10, s10, s19, $0xb8;
	[tilespmem:$0x1E800] =	vst v63  }
0x4a: {  	_ =	swait.ge [sflag:s25], $0x2000  }
0x4b: {  	[sflag:s25] =	ssyncset.done $0x0  }
0x4c: {  	[sflag:s25] =	ssyncadd.s32 $0xFFFFE000  }
0x4d: {  	[tilespmem:s20], [sflag:$0x1] =	stream.indirect.gather [hbm4b:s4+s19], $0x10, s21, s19, $0xb8;
	[tilespmem:$0x1E800] =	vst v63  }
0x4e: {  	_ =	swait.ge [sflag:s26], $0x2000  }
0x4f: {  	[sflag:s26] =	ssyncset.done $0x0  }
0x50: {  	s11 =	rddreg [dreg:$0x8];
	[sflag:s26] =	ssyncadd.s32 $0xFFFFE000  }
0x51: {  	[spmem:s2] =	stream.indirect.scatter.add.f32 [tilespmem:s23], [sflag:$0x4], $0x10, s11, s19, $0xb8;
	[tilespmem:$0x1E800] =	vst v63  }
0x52: {  	s10 =	smin.u32 s3, $0x60800;
	_ =	swait.ge [sflag:s28], $0x2000  }
0x53: {  	s10 =	sadd.s32 $0x1000, s10;
	s14 =	rddreg [dreg:$0x3]  }
0x54: {  	s0 =	sadd.s32 s14, s10  }
0x55: {  	[sflag:s28] =	ssyncset.done $0x0;
	s0 =	sshrl.u32 s0, $0x3  }
0x56: {  	[sflag:s28] =	ssyncadd.s32 $0xFFFFE000;
	s0 =	sadd.s32 s5, s0  }
0x57: {  	[tilespmem:s3], [sflag:$0x5] =	stream.linear.gather [hbm4b:s0+s3], $0x800, $0x38;
	[tilespmem:$0x1E800] =	vst v63  }
0x58: {  	s15 =	sadd.s32 s6, s10;
	_ =	swait.ge [sflag:s17], $0x800  }
0x59: {  	s0 =	sshrl.u32 s15, $0x3;
	[sflag:s17] =	ssyncset.done $0x0  }
0x5a: {  	s0 =	sadd.s32 s7, s0;
	[sflag:s17] =	ssyncadd.s32 $0xFFFFF800  }
0x5b: {  	[tilespmem:s18], [sflag:$0x5] =	stream.linear.gather [hbm4b:s0+s3], $0x800, $0x38;
	[tilespmem:$0x1E800] =	vst v63  }
0x5c: {  	_ =	swait.ge [sflag:s17], $0x800  }
0x5d: {  	[sflag:s17] =	ssyncset.done $0x0  }
0x5e: {  	s10 =	rddreg [dreg:$0x9];
	[sflag:s17] =	ssyncadd.s32 $0xFFFFF800  }
0x5f: {  	[tilespmem:s23], [sflag:$0x2] =	stream.indirect.gather [hbm4b:s4+s19], $0x10, s10, s19, $0xb8;
	[tilespmem:$0x1E800] =	vst v63  }
0x60: {  	_ =	swait.ge [sflag:s24], $0x2000  }
0x61: {  	[sflag:s24] =	ssyncset.done $0x0  }
0x62: {  	[sflag:s24] =	ssyncadd.s32 $0xFFFFE000  }
0x63: {  	[spmem:s2] =	stream.indirect.scatter.add.f32 [tilespmem:s20], [sflag:$0x3], $0x10, s22, s19, $0xb8;
	[tilespmem:$0x1E800] =	vst v63  }
0x64: {  	_ =	swait.ge [sflag:s25], $0x2000  }
0x65: {  	[sflag:s25] =	ssyncset.done $0x0  }
0x66: {  	s11 =	rddreg [dreg:$0xa];
	[sflag:s25] =	ssyncadd.s32 $0xFFFFE000  }
0x67: {  	[tilespmem:s20], [sflag:$0x1] =	stream.indirect.gather [hbm4b:s4+s19], $0x10, s11, s19, $0xb8;
	[tilespmem:$0x1E800] =	vst v63  }
0x68: {  	_ =	swait.ge [sflag:s26], $0x2000  }
0x69: {  	[sflag:s26] =	ssyncset.done $0x0  }
0x6a: {  	s14 =	rddreg [dreg:$0xb];
	[sflag:s26] =	ssyncadd.s32 $0xFFFFE000  }
0x6b: {  	[spmem:s2] =	stream.indirect.scatter.add.f32 [tilespmem:s23], [sflag:$0x4], $0x10, s14, s19, $0xb8;
	[tilespmem:$0x1E800] =	vst v63  }
0x6c: {  	_ =	swait.ge [sflag:s28], $0x2000  }
0x6d: {  	[sflag:s28] =	ssyncset.done $0x0  }
0x6e: {  	s15 =	rddreg [dreg:$0xc];
	[sflag:s28] =	ssyncadd.s32 $0xFFFFE000  }
0x6f: {  	[tilespmem:s23], [sflag:$0x2] =	stream.indirect.gather [hbm4b:s4+s19], $0x10, s15, s19, $0xb8;
	[tilespmem:$0x1E800] =	vst v63  }
0x70: {  	_ =	swait.ge [sflag:s24], $0x2000  }
0x71: {  	[sflag:s24] =	ssyncset.done $0x0  }
0x72: {  	[sflag:s24] =	ssyncadd.s32 $0xFFFFE000  }
0x73: {  	[spmem:s2] =	stream.indirect.scatter.add.f32 [tilespmem:s20], [sflag:$0x3], $0x10, s29, s19, $0xb8;
	[tilespmem:$0x1E800] =	vst v63  }
0x74: {  	_ =	swait.ge [sflag:s25], $0x2000  }
0x75: {  	[sflag:s25] =	ssyncset.done $0x0  }
0x76: {  	[sflag:s25] =	ssyncadd.s32 $0xFFFFE000  }
0x77: {  	_ =	swait.ge [sflag:s26], $0x2000  }
0x78: {  	[sflag:s26] =	ssyncset.done $0x0  }
0x79: {  	[sflag:s26] =	ssyncadd.s32 $0xFFFFE000  }
0x7a: {  	[spmem:s2] =	stream.indirect.scatter.add.f32 [tilespmem:s23], [sflag:$0x4], $0x10, s30, s19, $0xb8;
	[tilespmem:$0x1E800] =	vst v63  }
0x7b: {  	s0 =	simm.s32 $0x1000;
	_ =	swait.ge [sflag:s28], $0x2000  }
0x7c: {  	s14 =	smov.u32 s1;
	s15 =	smov.u32 s8;
	[sflag:s28] =	ssyncset.done $0x0  }
.LBB2_2:
0x7d: {  	[sflag:s28] =	ssyncadd.s32 $0xFFFFE000  }
0x7e: {  	[tilespmem:s20], [sflag:$0x1] =	stream.indirect.gather [hbm4b:s4+s19], $0x10, s3, s19, $0xb8;
	[tilespmem:$0x1E800] =	vst v63  }
0x7f: {  	s15 =	sadd.s32 $0x200, s15  }
0x80: {  	[tilespmem:s21], [sflag:$0x5] =	stream.linear.gather [hbm4b:s15+s3], $0x800, $0x38;
	[tilespmem:$0x1E800] =	vst v63  }
0x81: {  	_ =	swait.ge [sflag:s17], $0x800  }
0x82: {  	[sflag:s17] =	ssyncset.done $0x0  }
0x83: {  	s14 =	sadd.s32 $0x200, s14;
	[sflag:s17] =	ssyncadd.s32 $0xFFFFF800  }
0x84: {  	[tilespmem:s22], [sflag:$0x5] =	stream.linear.gather [hbm4b:s14+s3], $0x800, $0x38;
	[tilespmem:$0x1E800] =	vst v63  }
0x85: {  	_ =	swait.ge [sflag:s17], $0x800  }
0x86: {  	[sflag:s17] =	ssyncset.done $0x0  }
0x87: {  	[sflag:s17] =	ssyncadd.s32 $0xFFFFF800  }
0x88: {  	[tilespmem:s23], [sflag:$0x2] =	stream.indirect.gather [hbm4b:s4+s19], $0x10, s19, s19, $0xb8;
	[tilespmem:$0x1E800] =	vst v63  }
0x89: {  	_ =	swait.ge [sflag:s24], $0x2000  }
0x8a: {  	[sflag:s24] =	ssyncset.done $0x0  }
0x8b: {  	[sflag:s24] =	ssyncadd.s32 $0xFFFFE000  }
0x8c: {  	[spmem:s2] =	stream.indirect.scatter.add.f32 [tilespmem:s20], [sflag:$0x3], $0x10, s18, s19, $0xb8;
	[tilespmem:$0x1E800] =	vst v63  }
0x8d: {  	_ =	swait.ge [sflag:s25], $0x2000  }
0x8e: {  	[sflag:s25] =	ssyncset.done $0x0  }
0x8f: {  	s11 =	rddreg [dreg:$0x4];
	[sflag:s25] =	ssyncadd.s32 $0xFFFFE000  }
0x90: {  	[tilespmem:s20], [sflag:$0x1] =	stream.indirect.gather [hbm4b:s4+s19], $0x10, s11, s19, $0xb8;
	[tilespmem:$0x1E800] =	vst v63  }
0x91: {  	_ =	swait.ge [sflag:s26], $0x2000  }
0x92: {  	[sflag:s26] =	ssyncset.done $0x0  }
0x93: {  	s11 =	rddreg [dreg:$0x5];
	[sflag:s26] =	ssyncadd.s32 $0xFFFFE000  }
0x94: {  	[spmem:s2] =	stream.indirect.scatter.add.f32 [tilespmem:s23], [sflag:$0x4], $0x10, s11, s19, $0xb8;
	[tilespmem:$0x1E800] =	vst v63  }
0x95: {  	_ =	swait.ge [sflag:s28], $0x2000  }
0x96: {  	[sflag:s28] =	ssyncset.done $0x0  }
0x97: {  	s11 =	rddreg [dreg:$0x6];
	[sflag:s28] =	ssyncadd.s32 $0xFFFFE000  }
0x98: {  	[tilespmem:s23], [sflag:$0x2] =	stream.indirect.gather [hbm4b:s4+s19], $0x10, s11, s19, $0xb8;
	[tilespmem:$0x1E800] =	vst v63  }
0x99: {  	_ =	swait.ge [sflag:s24], $0x2000  }
0x9a: {  	[sflag:s24] =	ssyncset.done $0x0  }
0x9b: {  	s11 =	rddreg [dreg:$0x7];
	[sflag:s24] =	ssyncadd.s32 $0xFFFFE000  }
0x9c: {  	[spmem:s2] =	stream.indirect.scatter.add.f32 [tilespmem:s20], [sflag:$0x3], $0x10, s11, s19, $0xb8;
	[tilespmem:$0x1E800] =	vst v63  }
0x9d: {  	_ =	swait.ge [sflag:s25], $0x2000  }
0x9e: {  	[sflag:s25] =	ssyncset.done $0x0  }
0x9f: {  	[sflag:s25] =	ssyncadd.s32 $0xFFFFE000  }
0xa0: {  	[tilespmem:s20], [sflag:$0x1] =	stream.indirect.gather [hbm4b:s4+s19], $0x10, s21, s19, $0xb8;
	[tilespmem:$0x1E800] =	vst v63  }
0xa1: {  	_ =	swait.ge [sflag:s26], $0x2000  }
0xa2: {  	[sflag:s26] =	ssyncset.done $0x0  }
0xa3: {  	s10 =	smov.u32 s0;
	s11 =	rddreg [dreg:$0x8];
	[sflag:s26] =	ssyncadd.s32 $0xFFFFE000  }
0xa4: {  	[spmem:s2] =	stream.indirect.scatter.add.f32 [tilespmem:s23], [sflag:$0x4], $0x10, s11, s19, $0xb8;
	[tilespmem:$0x1E800] =	vst v63  }
0xa5: {  	s10 =	smin.u32 s10, $0x60800;
	_ =	swait.ge [sflag:s28], $0x2000  }
0xa6: {  	s10 =	sadd.s32 $0x1000, s10;
	s11 =	rddreg [dreg:$0x3]  }
0xa7: {  	s11 =	sadd.s32 s11, s10  }
0xa8: {  	[sflag:s28] =	ssyncset.done $0x0;
	s11 =	sshrl.u32 s11, $0x3  }
0xa9: {  	[sflag:s28] =	ssyncadd.s32 $0xFFFFE000;
	s11 =	sadd.s32 s5, s11  }
0xaa: {  	[tilespmem:s3], [sflag:$0x5] =	stream.linear.gather [hbm4b:s11+s3], $0x800, $0x38;
	[tilespmem:$0x1E800] =	vst v63  }
0xab: {  	s10 =	sadd.s32 s6, s10;
	_ =	swait.ge [sflag:s17], $0x800  }
0xac: {  	s10 =	sshrl.u32 s10, $0x3;
	[sflag:s17] =	ssyncset.done $0x0  }
0xad: {  	s10 =	sadd.s32 s7, s10;
	[sflag:s17] =	ssyncadd.s32 $0xFFFFF800  }
0xae: {  	[tilespmem:s18], [sflag:$0x5] =	stream.linear.gather [hbm4b:s10+s3], $0x800, $0x38;
	[tilespmem:$0x1E800] =	vst v63  }
0xaf: {  	_ =	swait.ge [sflag:s17], $0x800  }
0xb0: {  	[sflag:s17] =	ssyncset.done $0x0  }
0xb1: {  	s11 =	rddreg [dreg:$0x9];
	[sflag:s17] =	ssyncadd.s32 $0xFFFFF800  }
0xb2: {  	[tilespmem:s23], [sflag:$0x2] =	stream.indirect.gather [hbm4b:s4+s19], $0x10, s11, s19, $0xb8;
	[tilespmem:$0x1E800] =	vst v63  }
0xb3: {  	_ =	swait.ge [sflag:s24], $0x2000  }
0xb4: {  	[sflag:s24] =	ssyncset.done $0x0  }
0xb5: {  	[sflag:s24] =	ssyncadd.s32 $0xFFFFE000  }
0xb6: {  	[spmem:s2] =	stream.indirect.scatter.add.f32 [tilespmem:s20], [sflag:$0x3], $0x10, s22, s19, $0xb8;
	[tilespmem:$0x1E800] =	vst v63  }
0xb7: {  	_ =	swait.ge [sflag:s25], $0x2000  }
0xb8: {  	[sflag:s25] =	ssyncset.done $0x0  }
0xb9: {  	s11 =	rddreg [dreg:$0xa];
	[sflag:s25] =	ssyncadd.s32 $0xFFFFE000  }
0xba: {  	[tilespmem:s20], [sflag:$0x1] =	stream.indirect.gather [hbm4b:s4+s19], $0x10, s11, s19, $0xb8;
	[tilespmem:$0x1E800] =	vst v63  }
0xbb: {  	_ =	swait.ge [sflag:s26], $0x2000  }
0xbc: {  	[sflag:s26] =	ssyncset.done $0x0  }
0xbd: {  	s11 =	rddreg [dreg:$0xb];
	[sflag:s26] =	ssyncadd.s32 $0xFFFFE000  }
0xbe: {  	[spmem:s2] =	stream.indirect.scatter.add.f32 [tilespmem:s23], [sflag:$0x4], $0x10, s11, s19, $0xb8;
	[tilespmem:$0x1E800] =	vst v63  }
0xbf: {  	_ =	swait.ge [sflag:s28], $0x2000  }
0xc0: {  	[sflag:s28] =	ssyncset.done $0x0  }
0xc1: {  	s11 =	rddreg [dreg:$0xc];
	[sflag:s28] =	ssyncadd.s32 $0xFFFFE000  }
0xc2: {  	[tilespmem:s23], [sflag:$0x2] =	stream.indirect.gather [hbm4b:s4+s19], $0x10, s11, s19, $0xb8;
	[tilespmem:$0x1E800] =	vst v63  }
0xc3: {  	_ =	swait.ge [sflag:s24], $0x2000  }
0xc4: {  	[sflag:s24] =	ssyncset.done $0x0  }
0xc5: {  	[sflag:s24] =	ssyncadd.s32 $0xFFFFE000  }
0xc6: {  	[spmem:s2] =	stream.indirect.scatter.add.f32 [tilespmem:s20], [sflag:$0x3], $0x10, s29, s19, $0xb8;
	[tilespmem:$0x1E800] =	vst v63  }
0xc7: {  	_ =	swait.ge [sflag:s25], $0x2000  }
0xc8: {  	[sflag:s25] =	ssyncset.done $0x0  }
0xc9: {  	[sflag:s25] =	ssyncadd.s32 $0xFFFFE000  }
0xca: {  	p0 =	sne.s32 s0, $0x61000;
	_ =	swait.ge [sflag:s26], $0x2000  }
.Ltmp0:
0xcb: {  	[sflag:s26] =	ssyncset.done $0x0;
	(pc) =	sbr.rel @p0 .LBB2_2-.Ltmp0, $4  }
0xcc: {  	[sflag:s26] =	ssyncadd.s32 $0xFFFFE000  }
0xcd: {  	[spmem:s2] =	stream.indirect.scatter.add.f32 [tilespmem:s23], [sflag:$0x4], $0x10, s30, s19, $0xb8;
	[tilespmem:$0x1E800] =	vst v63  }
0xce: {  	_ =	swait.ge [sflag:s28], $0x2000  }
0xcf: {  	s0 =	sadd.s32 $0x1000, s0;
	[sflag:s28] =	ssyncset.done $0x0  }
0xd0: {  	s31 =	sadd.s32 $0x1, s31  }
0xd1: {  	[sflag:s28] =	ssyncadd.s32 $0xFFFFE000;
	p0 =	sne.s32 s31, s13  }
.Ltmp1:
0xd2: {  	[bflag:$0x0] =	sbarrier.arrive $0xFFFF;
	(pc) =	sbr.rel @p0 .LBB2_1-.Ltmp1, $4  }
0xd3: {  	[hbm:s12], [sflag:s9] =	dma.local [spmem:s16], $0x3100  }
0xd4: {  	_ =	swait.ge [sflag:s17], $0x3100  }
0xd5: {  	[sflag:s17] =	ssyncset.done $0x0  }
0xd6: {  	[sflag:s17] =	ssyncadd.s32 $0xFFFFCF00  }
0xd7: {  	_ =	sfence.sel $0x180000  }
0xd8: {  	[bflag:$0x0] =	sbarrier.arrive $0xFFFF  }
0xd9: {  	_ =	strace $0x90000056  }
0xda: {  	s0 =	stileid.u32;
	[bflag:$0x2] =	sbarrier.arrive $0xFFFF  }
0xdb: {  	p0 =	sne.s32 s0, $0x0;
	s0 =	rddreg [dreg:$0x2]  }
0xdc: {  	s0 =	sadd.s32 @!p0 $0x100000, s0  }
0xdd: {  	[sflag:s0] =	ssyncadd.tile.s32 @!p0 $0x1;
	_ =	shalt  }
.Lfunc_end2:
_tile_overlayer_lowered:
.L_overlay_start_2:
0xde: {  	(tag) =	ssettag $0x2  }
0xdf: {  	s0 =	rddreg [dreg:$0x0];
	s2 =	stileid.u32  }
0xe0: {  	s1 =	rddreg [dreg:$0x1];
	p0 =	sne.s32 s2, $0x0  }
0xe1: {  	s3 =	rddreg [dreg:$0x2];
	[bflag:$0x3] =	sbarrier.arrive $0xFFFF;
	s2 =	simm.s32 @!p0 $0x1C05  }
0xe2: {  	[timem:s3], [sflag:s2] =	dma.local @!p0 [hbm:s0], s1  }
0xe3: {  	s0 =	simm.s32 @!p0 $0x5  }
0xe4: {  	_ =	swait.ge @!p0 [sflag:s0], s1  }
0xe5: {  	s1 =	ssub.s32 @!p0 $0x0, s1;
	[sflag:s0] =	ssyncset.done @!p0 $0x0  }
0xe6: {  	[sflag:s0] =	ssyncadd.s32 @!p0 s1  }
0xe7: {  	[bflag:$0x3] =	sbarrier.arrive $0xFFFF  }
0xe8: {  	_ =	shalt  }

</sc_bundles>
